<compile_context>
chip_gen: v7x
topology: tpu7x:2x2x1
jax: 0.10.2.dev20260603
libtpu: 0.0.44.dev20260713+nightly
codegen_flags: <defaults>
</compile_context>

<pallas_src>
import jax
import jax.numpy as jnp
from jax import lax
from jax.experimental import pallas as pl
from jax.experimental.pallas import tpu as pltpu
from jax.experimental.pallas import tpu_sc as plsc

N = 10000
NP = 10240
E = 320000
D = 128
DEGW = 128

NC = 2
NS = 16
NW = NC * NS
CHUNK = 128
NCHUNK = E // CHUNK
NFULL = NCHUNK // NW
NEXTRA = NCHUNK - NFULL * NW
SEG = NP // NS

BLK = 1280
GRID = NP // BLK

_mesh = plsc.VectorSubcoreMesh(core_axis_name="c", subcore_axis_name="s")



_deg_scratch = [
    pltpu.VMEM((CHUNK,), jnp.int32),
    pltpu.VMEM((CHUNK,), jnp.int32),
    pltpu.VMEM((CHUNK, DEGW), jnp.float32),
    pltpu.SemaphoreType.DMA,
    pltpu.SemaphoreType.DMA,
    pltpu.VMEM_SHARED((NP, DEGW), jnp.float32),
]


def _deg_body(dst_hbm, ones_hbm, zeros_hbm, out_hbm,
              di0, di1, ones_v, smi0, smi1, acc_sh):
    c = lax.axis_index("c")
    s = lax.axis_index("s")
    wid = c * NS + s
    di = (di0, di1)
    smi = (smi0, smi1)

    pltpu.sync_copy(zeros_hbm, acc_sh.at[pl.ds(s * SEG, SEG)])
    pltpu.sync_copy(ones_hbm, ones_v)
    plsc.subcore_barrier()

    def issue_idx(k, slot):
        off = pl.multiple_of((wid + NW * k) * CHUNK, CHUNK)
        pltpu.async_copy(dst_hbm.at[pl.ds(off, CHUNK)], di[slot], smi[slot])

    def wait_idx(slot):
        pltpu.make_async_copy(dst_hbm.at[pl.ds(0, CHUNK)], di[slot],
                              smi[slot]).wait()

    def scatter(slot):
        pltpu.sync_copy(ones_v, acc_sh.at[di[slot]], add=True)

    issue_idx(0, 0)
    issue_idx(1, 1)

    def body(j, carry):
        for t in range(2):
            k = 2 * j + t
            wait_idx(t)
            scatter(t)
            issue_idx(k + 2, t)
        return carry

    lax.fori_loop(0, NFULL // 2 - 1, body, 0)
    for k in (NFULL - 2, NFULL - 1):
        wait_idx(k % 2)
        scatter(k % 2)

    @pl.when(wid < NEXTRA)
    def _():
        offx = pl.multiple_of((wid + NW * NFULL) * CHUNK, CHUNK)
        pltpu.sync_copy(dst_hbm.at[pl.ds(offx, CHUNK)], di0)
        scatter(0)

    plsc.subcore_barrier()
    pltpu.sync_copy(acc_sh.at[pl.ds(s * SEG, SEG)],
                    out_hbm.at[c, pl.ds(s * SEG, SEG)])


_msg_scratch = [
    pltpu.VMEM((CHUNK,), jnp.int32),
    pltpu.VMEM((CHUNK,), jnp.int32),
    pltpu.VMEM((CHUNK,), jnp.int32),
    pltpu.VMEM((CHUNK,), jnp.int32),
    pltpu.VMEM((CHUNK,), jnp.int32),
    pltpu.VMEM((CHUNK,), jnp.int32),
    pltpu.VMEM((CHUNK,), jnp.int32),
    pltpu.VMEM((CHUNK,), jnp.int32),
    pltpu.VMEM((CHUNK, D), jnp.float32),
    pltpu.VMEM((CHUNK, D), jnp.float32),
    pltpu.SemaphoreType.DMA,
    pltpu.SemaphoreType.DMA,
    pltpu.SemaphoreType.DMA,
    pltpu.SemaphoreType.DMA,
    pltpu.SemaphoreType.DMA,
    pltpu.SemaphoreType.DMA,
    pltpu.VMEM_SHARED((NP, D), jnp.float32),
]


def _msg_body(g_hbm, src_hbm, dst_hbm, zeros_hbm, out_hbm,
              si0, si1, si2, si3, di0, di1, di2, di3, rows0, rows1,
              smi0, smi1, smi2, smi3, smg0, smg1, acc_sh):
    c = lax.axis_index("c")
    s = lax.axis_index("s")
    wid = c * NS + s
    si = (si0, si1, si2, si3)
    di = (di0, di1, di2, di3)
    smi = (smi0, smi1, smi2, smi3)
    rows = (rows0, rows1)
    smg = (smg0, smg1)

    pltpu.sync_copy(zeros_hbm, acc_sh.at[pl.ds(s * SEG, SEG)])
    plsc.subcore_barrier()

    def issue_idx(k, slot):
        off = pl.multiple_of((wid + NW * k) * CHUNK, CHUNK)
        pltpu.async_copy(src_hbm.at[pl.ds(off, CHUNK)], si[slot], smi[slot])
        pltpu.async_copy(dst_hbm.at[pl.ds(off, CHUNK)], di[slot], smi[slot])

    def wait_idx(slot):
        pltpu.make_async_copy(src_hbm.at[pl.ds(0, CHUNK)], si[slot],
                              smi[slot]).wait()
        pltpu.make_async_copy(src_hbm.at[pl.ds(0, CHUNK)], di[slot],
                              smi[slot]).wait()

    def issue_gather(islot, rslot):
        pltpu.async_copy(g_hbm.at[si[islot]], rows[rslot], smg[rslot])

    def wait_gather(islot, rslot):
        pltpu.make_async_copy(g_hbm.at[si[islot]], rows[rslot],
                              smg[rslot]).wait()

    def scatter(islot, rslot):
        pltpu.sync_copy(rows[rslot], acc_sh.at[di[islot]], add=True)

    for k in range(4):
        issue_idx(k, k)
    wait_idx(0)
    issue_gather(0, 0)

    def step(k, ks, issue_next_gather, issue_next_idx):
        if issue_next_gather:
            wait_idx((ks + 1) % 4)
            issue_gather((ks + 1) % 4, (ks + 1) % 2)
        wait_gather(ks % 4, ks % 2)
        scatter(ks % 4, ks % 2)
        if issue_next_idx:
            issue_idx(k + 4, ks % 4)

    def body(j, carry):
        for t in range(4):
            step(4 * j + t, t, True, True)
        return carry

    lax.fori_loop(0, NFULL // 4 - 2, body, 0)
    for k in range(4 * (NFULL // 4 - 2), NFULL):
        step(k, k % 4, k + 1 < NFULL, k + 4 < NFULL)

    @pl.when(wid < NEXTRA)
    def _():
        offx = pl.multiple_of((wid + NW * NFULL) * CHUNK, CHUNK)
        pltpu.sync_copy(src_hbm.at[pl.ds(offx, CHUNK)], si0)
        pltpu.sync_copy(dst_hbm.at[pl.ds(offx, CHUNK)], di0)
        pltpu.async_copy(g_hbm.at[si0], rows0, smg0).wait()
        pltpu.sync_copy(rows0, acc_sh.at[di0], add=True)

    plsc.subcore_barrier()
    pltpu.sync_copy(acc_sh.at[pl.ds(s * SEG, SEG)],
                    out_hbm.at[c, pl.ds(s * SEG, SEG)])


_deg_kernel = pl.kernel(
    _deg_body,
    out_type=jax.ShapeDtypeStruct((NC, NP, DEGW), jnp.float32),
    mesh=_mesh,
    scratch_types=_deg_scratch,
)

_msg_kernel = pl.kernel(
    _msg_body,
    out_type=jax.ShapeDtypeStruct((NC, NP, D), jnp.float32),
    mesh=_mesh,
    scratch_types=_msg_scratch,
)



def _dinv_block(deg_blk):
    d = (deg_blk[0] + deg_blk[1])[:, 0:1]
    return jnp.where(d > 0.0, lax.rsqrt(d), 0.0)


def _k0_body(deg_ref, x_ref, we_ref, w0_ref, h_ref, g_ref):
    h = jnp.dot(x_ref[...], we_ref[...], preferred_element_type=jnp.float32)
    dinv = _dinv_block(deg_ref[...])
    g_ref[...] = jnp.dot(h, w0_ref[...],
                         preferred_element_type=jnp.float32) * dinv
    h_ref[...] = h


def _kmid_body(deg_ref, p_ref, hp_ref, b_ref, w_ref, h_ref, g_ref):
    dinv = _dinv_block(deg_ref[...])
    p = p_ref[0] + p_ref[1]
    conv = p * dinv + b_ref[...]
    h = hp_ref[...] + jnp.maximum(conv, 0.0)
    g_ref[...] = jnp.dot(h, w_ref[...],
                         preferred_element_type=jnp.float32) * dinv
    h_ref[...] = h


def _kfin_body(deg_ref, p_ref, hp_ref, b_ref, h_ref):
    dinv = _dinv_block(deg_ref[...])
    p = p_ref[0] + p_ref[1]
    conv = p * dinv + b_ref[...]
    h_ref[...] = hp_ref[...] + jnp.maximum(conv, 0.0)


_spec_deg = pl.BlockSpec((NC, BLK, DEGW), lambda i: (0, i, 0))
_spec_node = pl.BlockSpec((BLK, D), lambda i: (i, 0))
_spec_w = pl.BlockSpec((D, D), lambda i: (0, 0))
_spec_p = pl.BlockSpec((NC, BLK, D), lambda i: (0, i, 0))
_spec_b = pl.BlockSpec((1, D), lambda i: (0, 0))

_node_out = jax.ShapeDtypeStruct((NP, D), jnp.float32)

_k0 = pl.pallas_call(
    _k0_body,
    grid=(GRID,),
    in_specs=[_spec_deg, _spec_node, _spec_w, _spec_w],
    out_specs=[_spec_node, _spec_node],
    out_shape=[_node_out, _node_out],
)

_kmid = pl.pallas_call(
    _kmid_body,
    grid=(GRID,),
    in_specs=[_spec_deg, _spec_p, _spec_node, _spec_b, _spec_w],
    out_specs=[_spec_node, _spec_node],
    out_shape=[_node_out, _node_out],
)

_kfin = pl.pallas_call(
    _kfin_body,
    grid=(GRID,),
    in_specs=[_spec_deg, _spec_p, _spec_node, _spec_b],
    out_specs=_spec_node,
    out_shape=_node_out,
)


def kernel(x, edge_index, W_enc, W0, b0, W1, b1, W2, b2):
    src = edge_index[0]
    dst = edge_index[1]
    xp = jnp.pad(x, ((0, NP - N), (0, 0)))
    ones_deg = jnp.ones((CHUNK, DEGW), jnp.float32)
    zeros_deg = jnp.zeros((SEG, DEGW), jnp.float32)
    zeros_msg = jnp.zeros((SEG, D), jnp.float32)

    deg = _deg_kernel(dst, ones_deg, zeros_deg)
    h, g = _k0(deg, xp, W_enc, W0)
    p = _msg_kernel(g, src, dst, zeros_msg)
    h, g = _kmid(deg, p, h, b0.reshape(1, D), W1)
    p = _msg_kernel(g, src, dst, zeros_msg)
    h, g = _kmid(deg, p, h, b1.reshape(1, D), W2)
    p = _msg_kernel(g, src, dst, zeros_msg)
    h = _kfin(deg, p, h, b2.reshape(1, D))
    return h[:N]

# --- scband reference (transcript-rebuilt; emitter-appended) ---
"""Pipeline reference for scband-gnn-lp-9792525434963 (READ-ONLY COPY).

The authoritative reference and input builder live on the scoring server;
editing this copy changes nothing except your own understanding.
"""

import jax, jax.numpy as jnp
import numpy as np

N = 10000
E = 320000
D = 128


def _glorot(key, fan_in, fan_out):
    # PyG GCNConv uses glorot init; exact values don't matter for the kernel shape
    limit = float(np.sqrt(6.0 / (fan_in + fan_out)))
    return jax.random.uniform(key, (fan_in, fan_out), jnp.float32, -limit, limit)


def setup_inputs(seed: int = 0) -> dict:
    key = jax.random.key(seed)
    ks = jax.random.split(key, 10)
    x = jax.random.normal(ks[0], (N, D), dtype=jnp.float32)
    edge_index = jax.random.randint(ks[1], (2, E), 0, N, dtype=jnp.int32)
    W_enc = _glorot(ks[2], D, D)
    W0 = _glorot(ks[3], D, D)
    b0 = jnp.zeros((D,), jnp.float32)
    W1 = _glorot(ks[4], D, D)
    b1 = jnp.zeros((D,), jnp.float32)
    W2 = _glorot(ks[5], D, D)
    b2 = jnp.zeros((D,), jnp.float32)
    return {"x": x, "edge_index": edge_index, "W_enc": W_enc,
            "W0": W0, "b0": b0, "W1": W1, "b1": b1, "W2": W2, "b2": b2}


def _gcn_conv(h, edge_index, W, b):
    # GCNConv with normalize=True, add_self_loops=False, bias=True
    src = edge_index[0]
    dst = edge_index[1]
    h = h @ W
    ones = jnp.ones(src.shape[0], dtype=jnp.float32)
    deg = jax.ops.segment_sum(ones, dst, num_segments=N)
    dinv = jnp.where(deg > 0, jax.lax.rsqrt(deg), 0.0)
    norm = dinv[src] * dinv[dst]
    msg = h[src] * norm[:, None]
    out = jax.ops.segment_sum(msg, dst, num_segments=N)
    return out + b


def reference(x, edge_index, W_enc, W0, b0, W1, b1, W2, b2):
    h = x @ W_enc  # Linear(num_features, hidden_dim, bias=False)
    for W, b in ((W0, b0), (W1, b1), (W2, b2)):
        h = h + jax.nn.relu(_gcn_conv(h, edge_index, W, b))
    return h

if __name__ == "__main__":
    import jax
    _d = setup_inputs()
    print(jax.jit(kernel)(*tuple(_d.values())))

</pallas_src>

<mosaic_0001>
#map = affine_map<(d0, d1) -> (0, 0)>
#map1 = affine_map<(d0, d1) -> (0)>
#map2 = affine_map<(d0, d1) -> (0, 0, 0)>
module attributes {stable_mosaic.version = 14 : i64} {
  func.func @_msg_body(%arg0: i32, %arg1: i32, %arg2: memref<10240x128xf32, #tpu.memory_space<hbm>>, %arg3: memref<320000xi32, #tpu.memory_space<hbm>>, %arg4: memref<320000xi32, #tpu.memory_space<hbm>>, %arg5: memref<640x128xf32, #tpu.memory_space<hbm>>, %arg6: memref<2x10240x128xf32, #tpu.memory_space<hbm>>, %arg7: memref<128xi32, #tpu.memory_space<vmem>>, %arg8: memref<128xi32, #tpu.memory_space<vmem>>, %arg9: memref<128xi32, #tpu.memory_space<vmem>>, %arg10: memref<128xi32, #tpu.memory_space<vmem>>, %arg11: memref<128xi32, #tpu.memory_space<vmem>>, %arg12: memref<128xi32, #tpu.memory_space<vmem>>, %arg13: memref<128xi32, #tpu.memory_space<vmem>>, %arg14: memref<128xi32, #tpu.memory_space<vmem>>, %arg15: memref<128x128xf32, #tpu.memory_space<vmem>>, %arg16: memref<128x128xf32, #tpu.memory_space<vmem>>, %arg17: memref<!tpu.dma_semaphore, #tpu.memory_space<semaphore_mem>>, %arg18: memref<!tpu.dma_semaphore, #tpu.memory_space<semaphore_mem>>, %arg19: memref<!tpu.dma_semaphore, #tpu.memory_space<semaphore_mem>>, %arg20: memref<!tpu.dma_semaphore, #tpu.memory_space<semaphore_mem>>, %arg21: memref<!tpu.dma_semaphore, #tpu.memory_space<semaphore_mem>>, %arg22: memref<!tpu.dma_semaphore, #tpu.memory_space<semaphore_mem>>, %arg23: memref<10240x128xf32, #tpu.memory_space<vmem_shared>>) attributes {dimension_semantics = [#tpu.dimension_semantics<core_parallel>, #tpu.dimension_semantics<subcore_parallel>], iteration_bounds = array<i64: 2, 16>, scalar_prefetch = 0 : i64, scratch_operands = 17 : i64, tpu.core_type = #tpu.core_type<sc_vector_subcore>, window_params = [{transform_indices = #map}, {transform_indices = #map1}, {transform_indices = #map1}, {transform_indices = #map}, {transform_indices = #map2}]} {
    %mul3A = arith.constant 16 : i32
    %mul3A_0 = arith.muli %arg0, %mul3A : i32
    %add3A = arith.addi %mul3A_0, %arg1 : i32
    %mul3A_1 = arith.constant 640 : i32
    %mul3A_2 = arith.muli %arg1, %mul3A_1 : i32
    "tpu.region"() ({
      %run_scoped3A = tpu.sem_alloc : memref<!tpu.dma_semaphore, #tpu.memory_space<semaphore_mem>>
      %dma_start3A_242 = arith.constant 0 : i32
      %dma_start3A_243 = tpu.memref_slice %arg23[%mul3A_2, %dma_start3A_242] : memref<10240x128xf32, #tpu.memory_space<vmem_shared>> -> memref<640x128xf32, #tpu.memory_space<vmem_shared>>
      tpu.enqueue_dma source(%arg5 : memref<640x128xf32, #tpu.memory_space<hbm>>) target(%dma_start3A_243 : memref<640x128xf32, #tpu.memory_space<vmem_shared>>) target_semaphore(%run_scoped3A : memref<!tpu.dma_semaphore, #tpu.memory_space<semaphore_mem>>)
      %dma_wait3A_244 = arith.constant 0 : i32
      %dma_wait3A_245 = tpu.memref_slice %arg23[%mul3A_2, %dma_wait3A_244] : memref<10240x128xf32, #tpu.memory_space<vmem_shared>> -> memref<640x128xf32, #tpu.memory_space<vmem_shared>>
      tpu.wait_dma2 semaphore(%run_scoped3A : memref<!tpu.dma_semaphore, #tpu.memory_space<semaphore_mem>>) src(%arg5 : memref<640x128xf32, #tpu.memory_space<hbm>>) dst(%dma_wait3A_245 : memref<640x128xf32, #tpu.memory_space<vmem_shared>>)
      tpu.yield
    }) : () -> ()
    %barrier3A = arith.constant 0 : index
    tpu.barrier barrier_id(%barrier3A)
    %add3A_3 = arith.constant 0 : i32
    %add3A_4 = arith.addi %add3A, %add3A_3 : i32
    %mul3A_5 = arith.constant 128 : i32
    %mul3A_6 = arith.muli %add3A_4, %mul3A_5 : i32
    %multiple_of3A = tpu.assume_multiple %mul3A_6, 128 : i32
    %dma_start3A = tpu.memref_slice %arg3[%multiple_of3A] : memref<320000xi32, #tpu.memory_space<hbm>> -> memref<128xi32, #tpu.memory_space<hbm>>
    %dma_start3A_7 = tpu.memref_slice %arg3[%multiple_of3A] : memref<320000xi32, #tpu.memory_space<hbm>> -> memref<128xi32, #tpu.memory_space<hbm>>
    tpu.enqueue_dma source(%dma_start3A_7 : memref<128xi32, #tpu.memory_space<hbm>>) target(%arg7 : memref<128xi32, #tpu.memory_space<vmem>>) target_semaphore(%arg17 : memref<!tpu.dma_semaphore, #tpu.memory_space<semaphore_mem>>)
    %dma_start3A_8 = tpu.memref_slice %arg4[%multiple_of3A] : memref<320000xi32, #tpu.memory_space<hbm>> -> memref<128xi32, #tpu.memory_space<hbm>>
    %dma_start3A_9 = tpu.memref_slice %arg4[%multiple_of3A] : memref<320000xi32, #tpu.memory_space<hbm>> -> memref<128xi32, #tpu.memory_space<hbm>>
    tpu.enqueue_dma source(%dma_start3A_9 : memref<128xi32, #tpu.memory_space<hbm>>) target(%arg11 : memref<128xi32, #tpu.memory_space<vmem>>) target_semaphore(%arg17 : memref<!tpu.dma_semaphore, #tpu.memory_space<semaphore_mem>>)
    %add3A_10 = arith.constant 32 : i32
    %add3A_11 = arith.addi %add3A, %add3A_10 : i32
    %mul3A_12 = arith.constant 128 : i32
    %mul3A_13 = arith.muli %add3A_11, %mul3A_12 : i32
    %multiple_of3A_14 = tpu.assume_multiple %mul3A_13, 128 : i32
    %dma_start3A_15 = tpu.memref_slice %arg3[%multiple_of3A_14] : memref<320000xi32, #tpu.memory_space<hbm>> -> memref<128xi32, #tpu.memory_space<hbm>>
    %dma_start3A_16 = tpu.memref_slice %arg3[%multiple_of3A_14] : memref<320000xi32, #tpu.memory_space<hbm>> -> memref<128xi32, #tpu.memory_space<hbm>>
    tpu.enqueue_dma source(%dma_start3A_16 : memref<128xi32, #tpu.memory_space<hbm>>) target(%arg8 : memref<128xi32, #tpu.memory_space<vmem>>) target_semaphore(%arg18 : memref<!tpu.dma_semaphore, #tpu.memory_space<semaphore_mem>>)
    %dma_start3A_17 = tpu.memref_slice %arg4[%multiple_of3A_14] : memref<320000xi32, #tpu.memory_space<hbm>> -> memref<128xi32, #tpu.memory_space<hbm>>
    %dma_start3A_18 = tpu.memref_slice %arg4[%multiple_of3A_14] : memref<320000xi32, #tpu.memory_space<hbm>> -> memref<128xi32, #tpu.memory_space<hbm>>
    tpu.enqueue_dma source(%dma_start3A_18 : memref<128xi32, #tpu.memory_space<hbm>>) target(%arg12 : memref<128xi32, #tpu.memory_space<vmem>>) target_semaphore(%arg18 : memref<!tpu.dma_semaphore, #tpu.memory_space<semaphore_mem>>)
    %add3A_19 = arith.constant 64 : i32
    %add3A_20 = arith.addi %add3A, %add3A_19 : i32
    %mul3A_21 = arith.constant 128 : i32
    %mul3A_22 = arith.muli %add3A_20, %mul3A_21 : i32
    %multiple_of3A_23 = tpu.assume_multiple %mul3A_22, 128 : i32
    %dma_start3A_24 = tpu.memref_slice %arg3[%multiple_of3A_23] : memref<320000xi32, #tpu.memory_space<hbm>> -> memref<128xi32, #tpu.memory_space<hbm>>
    %dma_start3A_25 = tpu.memref_slice %arg3[%multiple_of3A_23] : memref<320000xi32, #tpu.memory_space<hbm>> -> memref<128xi32, #tpu.memory_space<hbm>>
    tpu.enqueue_dma source(%dma_start3A_25 : memref<128xi32, #tpu.memory_space<hbm>>) target(%arg9 : memref<128xi32, #tpu.memory_space<vmem>>) target_semaphore(%arg19 : memref<!tpu.dma_semaphore, #tpu.memory_space<semaphore_mem>>)
    %dma_start3A_26 = tpu.memref_slice %arg4[%multiple_of3A_23] : memref<320000xi32, #tpu.memory_space<hbm>> -> memref<128xi32, #tpu.memory_space<hbm>>
    %dma_start3A_27 = tpu.memref_slice %arg4[%multiple_of3A_23] : memref<320000xi32, #tpu.memory_space<hbm>> -> memref<128xi32, #tpu.memory_space<hbm>>
    tpu.enqueue_dma source(%dma_start3A_27 : memref<128xi32, #tpu.memory_space<hbm>>) target(%arg13 : memref<128xi32, #tpu.memory_space<vmem>>) target_semaphore(%arg19 : memref<!tpu.dma_semaphore, #tpu.memory_space<semaphore_mem>>)
    %add3A_28 = arith.constant 96 : i32
    %add3A_29 = arith.addi %add3A, %add3A_28 : i32
    %mul3A_30 = arith.constant 128 : i32
    %mul3A_31 = arith.muli %add3A_29, %mul3A_30 : i32
    %multiple_of3A_32 = tpu.assume_multiple %mul3A_31, 128 : i32
    %dma_start3A_33 = tpu.memref_slice %arg3[%multiple_of3A_32] : memref<320000xi32, #tpu.memory_space<hbm>> -> memref<128xi32, #tpu.memory_space<hbm>>
    %dma_start3A_34 = tpu.memref_slice %arg3[%multiple_of3A_32] : memref<320000xi32, #tpu.memory_space<hbm>> -> memref<128xi32, #tpu.memory_space<hbm>>
    tpu.enqueue_dma source(%dma_start3A_34 : memref<128xi32, #tpu.memory_space<hbm>>) target(%arg10 : memref<128xi32, #tpu.memory_space<vmem>>) target_semaphore(%arg20 : memref<!tpu.dma_semaphore, #tpu.memory_space<semaphore_mem>>)
    %dma_start3A_35 = tpu.memref_slice %arg4[%multiple_of3A_32] : memref<320000xi32, #tpu.memory_space<hbm>> -> memref<128xi32, #tpu.memory_space<hbm>>
    %dma_start3A_36 = tpu.memref_slice %arg4[%multiple_of3A_32] : memref<320000xi32, #tpu.memory_space<hbm>> -> memref<128xi32, #tpu.memory_space<hbm>>
    tpu.enqueue_dma source(%dma_start3A_36 : memref<128xi32, #tpu.memory_space<hbm>>) target(%arg14 : memref<128xi32, #tpu.memory_space<vmem>>) target_semaphore(%arg20 : memref<!tpu.dma_semaphore, #tpu.memory_space<semaphore_mem>>)
    %dma_wait3A = arith.constant 0 : i32
    %dma_wait3A_37 = tpu.memref_slice %arg3[%dma_wait3A] : memref<320000xi32, #tpu.memory_space<hbm>> -> memref<128xi32, #tpu.memory_space<hbm>>
    %dma_wait3A_38 = arith.constant 0 : i32
    %dma_wait3A_39 = tpu.memref_slice %arg3[%dma_wait3A_38] : memref<320000xi32, #tpu.memory_space<hbm>> -> memref<128xi32, #tpu.memory_space<hbm>>
    tpu.wait_dma2 semaphore(%arg17 : memref<!tpu.dma_semaphore, #tpu.memory_space<semaphore_mem>>) src(%dma_wait3A_39 : memref<128xi32, #tpu.memory_space<hbm>>) dst(%arg7 : memref<128xi32, #tpu.memory_space<vmem>>)
    %dma_wait3A_40 = arith.constant 0 : i32
    %dma_wait3A_41 = tpu.memref_slice %arg3[%dma_wait3A_40] : memref<320000xi32, #tpu.memory_space<hbm>> -> memref<128xi32, #tpu.memory_space<hbm>>
    %dma_wait3A_42 = arith.constant 0 : i32
    %dma_wait3A_43 = tpu.memref_slice %arg3[%dma_wait3A_42] : memref<320000xi32, #tpu.memory_space<hbm>> -> memref<128xi32, #tpu.memory_space<hbm>>
    tpu.wait_dma2 semaphore(%arg17 : memref<!tpu.dma_semaphore, #tpu.memory_space<semaphore_mem>>) src(%dma_wait3A_43 : memref<128xi32, #tpu.memory_space<hbm>>) dst(%arg11 : memref<128xi32, #tpu.memory_space<vmem>>)
    %dma_start3A_44 = arith.constant 0 : i32
    %dma_start3A_45 = arith.constant 0 : i32
    %dma_start3A_46 = tpu.memref_slice %arg2[%dma_start3A_44, %dma_start3A_45] : memref<10240x128xf32, #tpu.memory_space<hbm>> -> memref<10240x128xf32, #tpu.memory_space<hbm>>
    tpu.enqueue_indirect_dma source(%dma_start3A_46 : memref<10240x128xf32, #tpu.memory_space<hbm>>) target(%arg15 : memref<128x128xf32, #tpu.memory_space<vmem>>) offsets(%arg7 : memref<128xi32, #tpu.memory_space<vmem>>) semaphore(%arg21 : memref<!tpu.dma_semaphore, #tpu.memory_space<semaphore_mem>>)
    %scan3A = arith.constant 0 : i32
    %scan3A_47 = arith.constant 0 : i32
    %scan3A_48 = arith.constant 17 : i32
    %scan3A_49 = arith.addi %scan3A_47, %scan3A_48 : i32
    %scan3A_50 = arith.constant 1 : i32
    scf.for %scan3A_242 = %scan3A_47 to %scan3A_49 step %scan3A_50  : i32 {
      %mul3A_243 = arith.constant 4 : i32
      %mul3A_244 = arith.muli %mul3A_243, %scan3A_242 : i32
      %add3A_245 = arith.constant 0 : i32
      %add3A_246 = arith.addi %mul3A_244, %add3A_245 : i32
      %dma_wait3A_247 = arith.constant 0 : i32
      %dma_wait3A_248 = tpu.memref_slice %arg3[%dma_wait3A_247] : memref<320000xi32, #tpu.memory_space<hbm>> -> memref<128xi32, #tpu.memory_space<hbm>>
      %dma_wait3A_249 = arith.constant 0 : i32
      %dma_wait3A_250 = tpu.memref_slice %arg3[%dma_wait3A_249] : memref<320000xi32, #tpu.memory_space<hbm>> -> memref<128xi32, #tpu.memory_space<hbm>>
      tpu.wait_dma2 semaphore(%arg18 : memref<!tpu.dma_semaphore, #tpu.memory_space<semaphore_mem>>) src(%dma_wait3A_250 : memref<128xi32, #tpu.memory_space<hbm>>) dst(%arg8 : memref<128xi32, #tpu.memory_space<vmem>>)
      %dma_wait3A_251 = arith.constant 0 : i32
      %dma_wait3A_252 = tpu.memref_slice %arg3[%dma_wait3A_251] : memref<320000xi32, #tpu.memory_space<hbm>> -> memref<128xi32, #tpu.memory_space<hbm>>
      %dma_wait3A_253 = arith.constant 0 : i32
      %dma_wait3A_254 = tpu.memref_slice %arg3[%dma_wait3A_253] : memref<320000xi32, #tpu.memory_space<hbm>> -> memref<128xi32, #tpu.memory_space<hbm>>
      tpu.wait_dma2 semaphore(%arg18 : memref<!tpu.dma_semaphore, #tpu.memory_space<semaphore_mem>>) src(%dma_wait3A_254 : memref<128xi32, #tpu.memory_space<hbm>>) dst(%arg12 : memref<128xi32, #tpu.memory_space<vmem>>)
      %dma_start3A_255 = arith.constant 0 : i32
      %dma_start3A_256 = arith.constant 0 : i32
      %dma_start3A_257 = tpu.memref_slice %arg2[%dma_start3A_255, %dma_start3A_256] : memref<10240x128xf32, #tpu.memory_space<hbm>> -> memref<10240x128xf32, #tpu.memory_space<hbm>>
      tpu.enqueue_indirect_dma source(%dma_start3A_257 : memref<10240x128xf32, #tpu.memory_space<hbm>>) target(%arg16 : memref<128x128xf32, #tpu.memory_space<vmem>>) offsets(%arg8 : memref<128xi32, #tpu.memory_space<vmem>>) semaphore(%arg22 : memref<!tpu.dma_semaphore, #tpu.memory_space<semaphore_mem>>)
      %dma_wait3A_258 = arith.constant 0 : i32
      %dma_wait3A_259 = arith.constant 0 : i32
      %dma_wait3A_260 = tpu.memref_slice %arg2[%dma_wait3A_258, %dma_wait3A_259] : memref<10240x128xf32, #tpu.memory_space<hbm>> -> memref<10240x128xf32, #tpu.memory_space<hbm>>
      tpu.wait_indirect_dma semaphore(%arg21 : memref<!tpu.dma_semaphore, #tpu.memory_space<semaphore_mem>>) src(%dma_wait3A_260 : memref<10240x128xf32, #tpu.memory_space<hbm>>) dst(%arg15 : memref<128x128xf32, #tpu.memory_space<vmem>>)
      "tpu.region"() ({
        %run_scoped3A = tpu.sem_alloc : memref<!tpu.dma_semaphore, #tpu.memory_space<semaphore_mem>>
        %dma_start3A_363 = arith.constant 0 : i32
        %dma_start3A_364 = arith.constant 0 : i32
        %dma_start3A_365 = tpu.memref_slice %arg23[%dma_start3A_363, %dma_start3A_364] : memref<10240x128xf32, #tpu.memory_space<vmem_shared>> -> memref<10240x128xf32, #tpu.memory_space<vmem_shared>>
        tpu.enqueue_indirect_dma source(%arg15 : memref<128x128xf32, #tpu.memory_space<vmem>>) target(%dma_start3A_365 : memref<10240x128xf32, #tpu.memory_space<vmem_shared>>) offsets(%arg11 : memref<128xi32, #tpu.memory_space<vmem>>) semaphore(%run_scoped3A : memref<!tpu.dma_semaphore, #tpu.memory_space<semaphore_mem>>) {add = true}
        %dma_wait3A_366 = arith.constant 0 : i32
        %dma_wait3A_367 = arith.constant 0 : i32
        %dma_wait3A_368 = tpu.memref_slice %arg23[%dma_wait3A_366, %dma_wait3A_367] : memref<10240x128xf32, #tpu.memory_space<vmem_shared>> -> memref<10240x128xf32, #tpu.memory_space<vmem_shared>>
        tpu.wait_indirect_dma semaphore(%run_scoped3A : memref<!tpu.dma_semaphore, #tpu.memory_space<semaphore_mem>>) src(%arg15 : memref<128x128xf32, #tpu.memory_space<vmem>>) dst(%dma_wait3A_368 : memref<10240x128xf32, #tpu.memory_space<vmem_shared>>)
        tpu.yield
      }) : () -> ()
      %add3A_261 = arith.constant 4 : i32
      %add3A_262 = arith.addi %add3A_246, %add3A_261 : i32
      %mul3A_263 = arith.constant 32 : i32
      %mul3A_264 = arith.muli %mul3A_263, %add3A_262 : i32
      %add3A_265 = arith.addi %add3A, %mul3A_264 : i32
      %mul3A_266 = arith.constant 128 : i32
      %mul3A_267 = arith.muli %add3A_265, %mul3A_266 : i32
      %multiple_of3A_268 = tpu.assume_multiple %mul3A_267, 128 : i32
      %dma_start3A_269 = tpu.memref_slice %arg3[%multiple_of3A_268] : memref<320000xi32, #tpu.memory_space<hbm>> -> memref<128xi32, #tpu.memory_space<hbm>>
      %dma_start3A_270 = tpu.memref_slice %arg3[%multiple_of3A_268] : memref<320000xi32, #tpu.memory_space<hbm>> -> memref<128xi32, #tpu.memory_space<hbm>>
      tpu.enqueue_dma source(%dma_start3A_270 : memref<128xi32, #tpu.memory_space<hbm>>) target(%arg7 : memref<128xi32, #tpu.memory_space<vmem>>) target_semaphore(%arg17 : memref<!tpu.dma_semaphore, #tpu.memory_space<semaphore_mem>>)
      %dma_start3A_271 = tpu.memref_slice %arg4[%multiple_of3A_268] : memref<320000xi32, #tpu.memory_space<hbm>> -> memref<128xi32, #tpu.memory_space<hbm>>
      %dma_start3A_272 = tpu.memref_slice %arg4[%multiple_of3A_268] : memref<320000xi32, #tpu.memory_space<hbm>> -> memref<128xi32, #tpu.memory_space<hbm>>
      tpu.enqueue_dma source(%dma_start3A_272 : memref<128xi32, #tpu.memory_space<hbm>>) target(%arg11 : memref<128xi32, #tpu.memory_space<vmem>>) target_semaphore(%arg17 : memref<!tpu.dma_semaphore, #tpu.memory_space<semaphore_mem>>)
      %mul3A_273 = arith.constant 4 : i32
      %mul3A_274 = arith.muli %mul3A_273, %scan3A_242 : i32
      %add3A_275 = arith.constant 1 : i32
      %add3A_276 = arith.addi %mul3A_274, %add3A_275 : i32
      %dma_wait3A_277 = arith.constant 0 : i32
      %dma_wait3A_278 = tpu.memref_slice %arg3[%dma_wait3A_277] : memref<320000xi32, #tpu.memory_space<hbm>> -> memref<128xi32, #tpu.memory_space<hbm>>
      %dma_wait3A_279 = arith.constant 0 : i32
      %dma_wait3A_280 = tpu.memref_slice %arg3[%dma_wait3A_279] : memref<320000xi32, #tpu.memory_space<hbm>> -> memref<128xi32, #tpu.memory_space<hbm>>
      tpu.wait_dma2 semaphore(%arg19 : memref<!tpu.dma_semaphore, #tpu.memory_space<semaphore_mem>>) src(%dma_wait3A_280 : memref<128xi32, #tpu.memory_space<hbm>>) dst(%arg9 : memref<128xi32, #tpu.memory_space<vmem>>)
      %dma_wait3A_281 = arith.constant 0 : i32
      %dma_wait3A_282 = tpu.memref_slice %arg3[%dma_wait3A_281] : memref<320000xi32, #tpu.memory_space<hbm>> -> memref<128xi32, #tpu.memory_space<hbm>>
      %dma_wait3A_283 = arith.constant 0 : i32
      %dma_wait3A_284 = tpu.memref_slice %arg3[%dma_wait3A_283] : memref<320000xi32, #tpu.memory_space<hbm>> -> memref<128xi32, #tpu.memory_space<hbm>>
      tpu.wait_dma2 semaphore(%arg19 : memref<!tpu.dma_semaphore, #tpu.memory_space<semaphore_mem>>) src(%dma_wait3A_284 : memref<128xi32, #tpu.memory_space<hbm>>) dst(%arg13 : memref<128xi32, #tpu.memory_space<vmem>>)
      %dma_start3A_285 = arith.constant 0 : i32
      %dma_start3A_286 = arith.constant 0 : i32
      %dma_start3A_287 = tpu.memref_slice %arg2[%dma_start3A_285, %dma_start3A_286] : memref<10240x128xf32, #tpu.memory_space<hbm>> -> memref<10240x128xf32, #tpu.memory_space<hbm>>
      tpu.enqueue_indirect_dma source(%dma_start3A_287 : memref<10240x128xf32, #tpu.memory_space<hbm>>) target(%arg15 : memref<128x128xf32, #tpu.memory_space<vmem>>) offsets(%arg9 : memref<128xi32, #tpu.memory_space<vmem>>) semaphore(%arg21 : memref<!tpu.dma_semaphore, #tpu.memory_space<semaphore_mem>>)
      %dma_wait3A_288 = arith.constant 0 : i32
      %dma_wait3A_289 = arith.constant 0 : i32
      %dma_wait3A_290 = tpu.memref_slice %arg2[%dma_wait3A_288, %dma_wait3A_289] : memref<10240x128xf32, #tpu.memory_space<hbm>> -> memref<10240x128xf32, #tpu.memory_space<hbm>>
      tpu.wait_indirect_dma semaphore(%arg22 : memref<!tpu.dma_semaphore, #tpu.memory_space<semaphore_mem>>) src(%dma_wait3A_290 : memref<10240x128xf32, #tpu.memory_space<hbm>>) dst(%arg16 : memref<128x128xf32, #tpu.memory_space<vmem>>)
      "tpu.region"() ({
        %run_scoped3A = tpu.sem_alloc : memref<!tpu.dma_semaphore, #tpu.memory_space<semaphore_mem>>
        %dma_start3A_363 = arith.constant 0 : i32
        %dma_start3A_364 = arith.constant 0 : i32
        %dma_start3A_365 = tpu.memref_slice %arg23[%dma_start3A_363, %dma_start3A_364] : memref<10240x128xf32, #tpu.memory_space<vmem_shared>> -> memref<10240x128xf32, #tpu.memory_space<vmem_shared>>
        tpu.enqueue_indirect_dma source(%arg16 : memref<128x128xf32, #tpu.memory_space<vmem>>) target(%dma_start3A_365 : memref<10240x128xf32, #tpu.memory_space<vmem_shared>>) offsets(%arg12 : memref<128xi32, #tpu.memory_space<vmem>>) semaphore(%run_scoped3A : memref<!tpu.dma_semaphore, #tpu.memory_space<semaphore_mem>>) {add = true}
        %dma_wait3A_366 = arith.constant 0 : i32
        %dma_wait3A_367 = arith.constant 0 : i32
        %dma_wait3A_368 = tpu.memref_slice %arg23[%dma_wait3A_366, %dma_wait3A_367] : memref<10240x128xf32, #tpu.memory_space<vmem_shared>> -> memref<10240x128xf32, #tpu.memory_space<vmem_shared>>
        tpu.wait_indirect_dma semaphore(%run_scoped3A : memref<!tpu.dma_semaphore, #tpu.memory_space<semaphore_mem>>) src(%arg16 : memref<128x128xf32, #tpu.memory_space<vmem>>) dst(%dma_wait3A_368 : memref<10240x128xf32, #tpu.memory_space<vmem_shared>>)
        tpu.yield
      }) : () -> ()
      %add3A_291 = arith.constant 4 : i32
      %add3A_292 = arith.addi %add3A_276, %add3A_291 : i32
      %mul3A_293 = arith.constant 32 : i32
      %mul3A_294 = arith.muli %mul3A_293, %add3A_292 : i32
      %add3A_295 = arith.addi %add3A, %mul3A_294 : i32
      %mul3A_296 = arith.constant 128 : i32
      %mul3A_297 = arith.muli %add3A_295, %mul3A_296 : i32
      %multiple_of3A_298 = tpu.assume_multiple %mul3A_297, 128 : i32
      %dma_start3A_299 = tpu.memref_slice %arg3[%multiple_of3A_298] : memref<320000xi32, #tpu.memory_space<hbm>> -> memref<128xi32, #tpu.memory_space<hbm>>
      %dma_start3A_300 = tpu.memref_slice %arg3[%multiple_of3A_298] : memref<320000xi32, #tpu.memory_space<hbm>> -> memref<128xi32, #tpu.memory_space<hbm>>
      tpu.enqueue_dma source(%dma_start3A_300 : memref<128xi32, #tpu.memory_space<hbm>>) target(%arg8 : memref<128xi32, #tpu.memory_space<vmem>>) target_semaphore(%arg18 : memref<!tpu.dma_semaphore, #tpu.memory_space<semaphore_mem>>)
      %dma_start3A_301 = tpu.memref_slice %arg4[%multiple_of3A_298] : memref<320000xi32, #tpu.memory_space<hbm>> -> memref<128xi32, #tpu.memory_space<hbm>>
      %dma_start3A_302 = tpu.memref_slice %arg4[%multiple_of3A_298] : memref<320000xi32, #tpu.memory_space<hbm>> -> memref<128xi32, #tpu.memory_space<hbm>>
      tpu.enqueue_dma source(%dma_start3A_302 : memref<128xi32, #tpu.memory_space<hbm>>) target(%arg12 : memref<128xi32, #tpu.memory_space<vmem>>) target_semaphore(%arg18 : memref<!tpu.dma_semaphore, #tpu.memory_space<semaphore_mem>>)
      %mul3A_303 = arith.constant 4 : i32
      %mul3A_304 = arith.muli %mul3A_303, %scan3A_242 : i32
      %add3A_305 = arith.constant 2 : i32
      %add3A_306 = arith.addi %mul3A_304, %add3A_305 : i32
      %dma_wait3A_307 = arith.constant 0 : i32
      %dma_wait3A_308 = tpu.memref_slice %arg3[%dma_wait3A_307] : memref<320000xi32, #tpu.memory_space<hbm>> -> memref<128xi32, #tpu.memory_space<hbm>>
      %dma_wait3A_309 = arith.constant 0 : i32
      %dma_wait3A_310 = tpu.memref_slice %arg3[%dma_wait3A_309] : memref<320000xi32, #tpu.memory_space<hbm>> -> memref<128xi32, #tpu.memory_space<hbm>>
      tpu.wait_dma2 semaphore(%arg20 : memref<!tpu.dma_semaphore, #tpu.memory_space<semaphore_mem>>) src(%dma_wait3A_310 : memref<128xi32, #tpu.memory_space<hbm>>) dst(%arg10 : memref<128xi32, #tpu.memory_space<vmem>>)
      %dma_wait3A_311 = arith.constant 0 : i32
      %dma_wait3A_312 = tpu.memref_slice %arg3[%dma_wait3A_311] : memref<320000xi32, #tpu.memory_space<hbm>> -> memref<128xi32, #tpu.memory_space<hbm>>
      %dma_wait3A_313 = arith.constant 0 : i32
      %dma_wait3A_314 = tpu.memref_slice %arg3[%dma_wait3A_313] : memref<320000xi32, #tpu.memory_space<hbm>> -> memref<128xi32, #tpu.memory_space<hbm>>
      tpu.wait_dma2 semaphore(%arg20 : memref<!tpu.dma_semaphore, #tpu.memory_space<semaphore_mem>>) src(%dma_wait3A_314 : memref<128xi32, #tpu.memory_space<hbm>>) dst(%arg14 : memref<128xi32, #tpu.memory_space<vmem>>)
      %dma_start3A_315 = arith.constant 0 : i32
      %dma_start3A_316 = arith.constant 0 : i32
      %dma_start3A_317 = tpu.memref_slice %arg2[%dma_start3A_315, %dma_start3A_316] : memref<10240x128xf32, #tpu.memory_space<hbm>> -> memref<10240x128xf32, #tpu.memory_space<hbm>>
      tpu.enqueue_indirect_dma source(%dma_start3A_317 : memref<10240x128xf32, #tpu.memory_space<hbm>>) target(%arg16 : memref<128x128xf32, #tpu.memory_space<vmem>>) offsets(%arg10 : memref<128xi32, #tpu.memory_space<vmem>>) semaphore(%arg22 : memref<!tpu.dma_semaphore, #tpu.memory_space<semaphore_mem>>)
      %dma_wait3A_318 = arith.constant 0 : i32
      %dma_wait3A_319 = arith.constant 0 : i32
      %dma_wait3A_320 = tpu.memref_slice %arg2[%dma_wait3A_318, %dma_wait3A_319] : memref<10240x128xf32, #tpu.memory_space<hbm>> -> memref<10240x128xf32, #tpu.memory_space<hbm>>
      tpu.wait_indirect_dma semaphore(%arg21 : memref<!tpu.dma_semaphore, #tpu.memory_space<semaphore_mem>>) src(%dma_wait3A_320 : memref<10240x128xf32, #tpu.memory_space<hbm>>) dst(%arg15 : memref<128x128xf32, #tpu.memory_space<vmem>>)
      "tpu.region"() ({
        %run_scoped3A = tpu.sem_alloc : memref<!tpu.dma_semaphore, #tpu.memory_space<semaphore_mem>>
        %dma_start3A_363 = arith.constant 0 : i32
        %dma_start3A_364 = arith.constant 0 : i32
        %dma_start3A_365 = tpu.memref_slice %arg23[%dma_start3A_363, %dma_start3A_364] : memref<10240x128xf32, #tpu.memory_space<vmem_shared>> -> memref<10240x128xf32, #tpu.memory_space<vmem_shared>>
        tpu.enqueue_indirect_dma source(%arg15 : memref<128x128xf32, #tpu.memory_space<vmem>>) target(%dma_start3A_365 : memref<10240x128xf32, #tpu.memory_space<vmem_shared>>) offsets(%arg13 : memref<128xi32, #tpu.memory_space<vmem>>) semaphore(%run_scoped3A : memref<!tpu.dma_semaphore, #tpu.memory_space<semaphore_mem>>) {add = true}
        %dma_wait3A_366 = arith.constant 0 : i32
        %dma_wait3A_367 = arith.constant 0 : i32
        %dma_wait3A_368 = tpu.memref_slice %arg23[%dma_wait3A_366, %dma_wait3A_367] : memref<10240x128xf32, #tpu.memory_space<vmem_shared>> -> memref<10240x128xf32, #tpu.memory_space<vmem_shared>>
        tpu.wait_indirect_dma semaphore(%run_scoped3A : memref<!tpu.dma_semaphore, #tpu.memory_space<semaphore_mem>>) src(%arg15 : memref<128x128xf32, #tpu.memory_space<vmem>>) dst(%dma_wait3A_368 : memref<10240x128xf32, #tpu.memory_space<vmem_shared>>)
        tpu.yield
      }) : () -> ()
      %add3A_321 = arith.constant 4 : i32
      %add3A_322 = arith.addi %add3A_306, %add3A_321 : i32
      %mul3A_323 = arith.constant 32 : i32
      %mul3A_324 = arith.muli %mul3A_323, %add3A_322 : i32
      %add3A_325 = arith.addi %add3A, %mul3A_324 : i32
      %mul3A_326 = arith.constant 128 : i32
      %mul3A_327 = arith.muli %add3A_325, %mul3A_326 : i32
      %multiple_of3A_328 = tpu.assume_multiple %mul3A_327, 128 : i32
      %dma_start3A_329 = tpu.memref_slice %arg3[%multiple_of3A_328] : memref<320000xi32, #tpu.memory_space<hbm>> -> memref<128xi32, #tpu.memory_space<hbm>>
      %dma_start3A_330 = tpu.memref_slice %arg3[%multiple_of3A_328] : memref<320000xi32, #tpu.memory_space<hbm>> -> memref<128xi32, #tpu.memory_space<hbm>>
      tpu.enqueue_dma source(%dma_start3A_330 : memref<128xi32, #tpu.memory_space<hbm>>) target(%arg9 : memref<128xi32, #tpu.memory_space<vmem>>) target_semaphore(%arg19 : memref<!tpu.dma_semaphore, #tpu.memory_space<semaphore_mem>>)
      %dma_start3A_331 = tpu.memref_slice %arg4[%multiple_of3A_328] : memref<320000xi32, #tpu.memory_space<hbm>> -> memref<128xi32, #tpu.memory_space<hbm>>
      %dma_start3A_332 = tpu.memref_slice %arg4[%multiple_of3A_328] : memref<320000xi32, #tpu.memory_space<hbm>> -> memref<128xi32, #tpu.memory_space<hbm>>
      tpu.enqueue_dma source(%dma_start3A_332 : memref<128xi32, #tpu.memory_space<hbm>>) target(%arg13 : memref<128xi32, #tpu.memory_space<vmem>>) target_semaphore(%arg19 : memref<!tpu.dma_semaphore, #tpu.memory_space<semaphore_mem>>)
      %mul3A_333 = arith.constant 4 : i32
      %mul3A_334 = arith.muli %mul3A_333, %scan3A_242 : i32
      %add3A_335 = arith.constant 3 : i32
      %add3A_336 = arith.addi %mul3A_334, %add3A_335 : i32
      %dma_wait3A_337 = arith.constant 0 : i32
      %dma_wait3A_338 = tpu.memref_slice %arg3[%dma_wait3A_337] : memref<320000xi32, #tpu.memory_space<hbm>> -> memref<128xi32, #tpu.memory_space<hbm>>
      %dma_wait3A_339 = arith.constant 0 : i32
      %dma_wait3A_340 = tpu.memref_slice %arg3[%dma_wait3A_339] : memref<320000xi32, #tpu.memory_space<hbm>> -> memref<128xi32, #tpu.memory_space<hbm>>
      tpu.wait_dma2 semaphore(%arg17 : memref<!tpu.dma_semaphore, #tpu.memory_space<semaphore_mem>>) src(%dma_wait3A_340 : memref<128xi32, #tpu.memory_space<hbm>>) dst(%arg7 : memref<128xi32, #tpu.memory_space<vmem>>)
      %dma_wait3A_341 = arith.constant 0 : i32
      %dma_wait3A_342 = tpu.memref_slice %arg3[%dma_wait3A_341] : memref<320000xi32, #tpu.memory_space<hbm>> -> memref<128xi32, #tpu.memory_space<hbm>>
      %dma_wait3A_343 = arith.constant 0 : i32
      %dma_wait3A_344 = tpu.memref_slice %arg3[%dma_wait3A_343] : memref<320000xi32, #tpu.memory_space<hbm>> -> memref<128xi32, #tpu.memory_space<hbm>>
      tpu.wait_dma2 semaphore(%arg17 : memref<!tpu.dma_semaphore, #tpu.memory_space<semaphore_mem>>) src(%dma_wait3A_344 : memref<128xi32, #tpu.memory_space<hbm>>) dst(%arg11 : memref<128xi32, #tpu.memory_space<vmem>>)
      %dma_start3A_345 = arith.constant 0 : i32
      %dma_start3A_346 = arith.constant 0 : i32
      %dma_start3A_347 = tpu.memref_slice %arg2[%dma_start3A_345, %dma_start3A_346] : memref<10240x128xf32, #tpu.memory_space<hbm>> -> memref<10240x128xf32, #tpu.memory_space<hbm>>
      tpu.enqueue_indirect_dma source(%dma_start3A_347 : memref<10240x128xf32, #tpu.memory_space<hbm>>) target(%arg15 : memref<128x128xf32, #tpu.memory_space<vmem>>) offsets(%arg7 : memref<128xi32, #tpu.memory_space<vmem>>) semaphore(%arg21 : memref<!tpu.dma_semaphore, #tpu.memory_space<semaphore_mem>>)
      %dma_wait3A_348 = arith.constant 0 : i32
      %dma_wait3A_349 = arith.constant 0 : i32
      %dma_wait3A_350 = tpu.memref_slice %arg2[%dma_wait3A_348, %dma_wait3A_349] : memref<10240x128xf32, #tpu.memory_space<hbm>> -> memref<10240x128xf32, #tpu.memory_space<hbm>>
      tpu.wait_indirect_dma semaphore(%arg22 : memref<!tpu.dma_semaphore, #tpu.memory_space<semaphore_mem>>) src(%dma_wait3A_350 : memref<10240x128xf32, #tpu.memory_space<hbm>>) dst(%arg16 : memref<128x128xf32, #tpu.memory_space<vmem>>)
      "tpu.region"() ({
        %run_scoped3A = tpu.sem_alloc : memref<!tpu.dma_semaphore, #tpu.memory_space<semaphore_mem>>
        %dma_start3A_363 = arith.constant 0 : i32
        %dma_start3A_364 = arith.constant 0 : i32
        %dma_start3A_365 = tpu.memref_slice %arg23[%dma_start3A_363, %dma_start3A_364] : memref<10240x128xf32, #tpu.memory_space<vmem_shared>> -> memref<10240x128xf32, #tpu.memory_space<vmem_shared>>
        tpu.enqueue_indirect_dma source(%arg16 : memref<128x128xf32, #tpu.memory_space<vmem>>) target(%dma_start3A_365 : memref<10240x128xf32, #tpu.memory_space<vmem_shared>>) offsets(%arg14 : memref<128xi32, #tpu.memory_space<vmem>>) semaphore(%run_scoped3A : memref<!tpu.dma_semaphore, #tpu.memory_space<semaphore_mem>>) {add = true}
        %dma_wait3A_366 = arith.constant 0 : i32
        %dma_wait3A_367 = arith.constant 0 : i32
        %dma_wait3A_368 = tpu.memref_slice %arg23[%dma_wait3A_366, %dma_wait3A_367] : memref<10240x128xf32, #tpu.memory_space<vmem_shared>> -> memref<10240x128xf32, #tpu.memory_space<vmem_shared>>
        tpu.wait_indirect_dma semaphore(%run_scoped3A : memref<!tpu.dma_semaphore, #tpu.memory_space<semaphore_mem>>) src(%arg16 : memref<128x128xf32, #tpu.memory_space<vmem>>) dst(%dma_wait3A_368 : memref<10240x128xf32, #tpu.memory_space<vmem_shared>>)
        tpu.yield
      }) : () -> ()
      %add3A_351 = arith.constant 4 : i32
      %add3A_352 = arith.addi %add3A_336, %add3A_351 : i32
      %mul3A_353 = arith.constant 32 : i32
      %mul3A_354 = arith.muli %mul3A_353, %add3A_352 : i32
      %add3A_355 = arith.addi %add3A, %mul3A_354 : i32
      %mul3A_356 = arith.constant 128 : i32
      %mul3A_357 = arith.muli %add3A_355, %mul3A_356 : i32
      %multiple_of3A_358 = tpu.assume_multiple %mul3A_357, 128 : i32
      %dma_start3A_359 = tpu.memref_slice %arg3[%multiple_of3A_358] : memref<320000xi32, #tpu.memory_space<hbm>> -> memref<128xi32, #tpu.memory_space<hbm>>
      %dma_start3A_360 = tpu.memref_slice %arg3[%multiple_of3A_358] : memref<320000xi32, #tpu.memory_space<hbm>> -> memref<128xi32, #tpu.memory_space<hbm>>
      tpu.enqueue_dma source(%dma_start3A_360 : memref<128xi32, #tpu.memory_space<hbm>>) target(%arg10 : memref<128xi32, #tpu.memory_space<vmem>>) target_semaphore(%arg20 : memref<!tpu.dma_semaphore, #tpu.memory_space<semaphore_mem>>)
      %dma_start3A_361 = tpu.memref_slice %arg4[%multiple_of3A_358] : memref<320000xi32, #tpu.memory_space<hbm>> -> memref<128xi32, #tpu.memory_space<hbm>>
      %dma_start3A_362 = tpu.memref_slice %arg4[%multiple_of3A_358] : memref<320000xi32, #tpu.memory_space<hbm>> -> memref<128xi32, #tpu.memory_space<hbm>>
      tpu.enqueue_dma source(%dma_start3A_362 : memref<128xi32, #tpu.memory_space<hbm>>) target(%arg14 : memref<128xi32, #tpu.memory_space<vmem>>) target_semaphore(%arg20 : memref<!tpu.dma_semaphore, #tpu.memory_space<semaphore_mem>>)
    }
    %scan3A_51 = arith.constant 17 : i32
    %dma_wait3A_52 = arith.constant 0 : i32
    %dma_wait3A_53 = tpu.memref_slice %arg3[%dma_wait3A_52] : memref<320000xi32, #tpu.memory_space<hbm>> -> memref<128xi32, #tpu.memory_space<hbm>>
    %dma_wait3A_54 = arith.constant 0 : i32
    %dma_wait3A_55 = tpu.memref_slice %arg3[%dma_wait3A_54] : memref<320000xi32, #tpu.memory_space<hbm>> -> memref<128xi32, #tpu.memory_space<hbm>>
    tpu.wait_dma2 semaphore(%arg18 : memref<!tpu.dma_semaphore, #tpu.memory_space<semaphore_mem>>) src(%dma_wait3A_55 : memref<128xi32, #tpu.memory_space<hbm>>) dst(%arg8 : memref<128xi32, #tpu.memory_space<vmem>>)
    %dma_wait3A_56 = arith.constant 0 : i32
    %dma_wait3A_57 = tpu.memref_slice %arg3[%dma_wait3A_56] : memref<320000xi32, #tpu.memory_space<hbm>> -> memref<128xi32, #tpu.memory_space<hbm>>
    %dma_wait3A_58 = arith.constant 0 : i32
    %dma_wait3A_59 = tpu.memref_slice %arg3[%dma_wait3A_58] : memref<320000xi32, #tpu.memory_space<hbm>> -> memref<128xi32, #tpu.memory_space<hbm>>
    tpu.wait_dma2 semaphore(%arg18 : memref<!tpu.dma_semaphore, #tpu.memory_space<semaphore_mem>>) src(%dma_wait3A_59 : memref<128xi32, #tpu.memory_space<hbm>>) dst(%arg12 : memref<128xi32, #tpu.memory_space<vmem>>)
    %dma_start3A_60 = arith.constant 0 : i32
    %dma_start3A_61 = arith.constant 0 : i32
    %dma_start3A_62 = tpu.memref_slice %arg2[%dma_start3A_60, %dma_start3A_61] : memref<10240x128xf32, #tpu.memory_space<hbm>> -> memref<10240x128xf32, #tpu.memory_space<hbm>>
    tpu.enqueue_indirect_dma source(%dma_start3A_62 : memref<10240x128xf32, #tpu.memory_space<hbm>>) target(%arg16 : memref<128x128xf32, #tpu.memory_space<vmem>>) offsets(%arg8 : memref<128xi32, #tpu.memory_space<vmem>>) semaphore(%arg22 : memref<!tpu.dma_semaphore, #tpu.memory_space<semaphore_mem>>)
    %dma_wait3A_63 = arith.constant 0 : i32
    %dma_wait3A_64 = arith.constant 0 : i32
    %dma_wait3A_65 = tpu.memref_slice %arg2[%dma_wait3A_63, %dma_wait3A_64] : memref<10240x128xf32, #tpu.memory_space<hbm>> -> memref<10240x128xf32, #tpu.memory_space<hbm>>
    tpu.wait_indirect_dma semaphore(%arg21 : memref<!tpu.dma_semaphore, #tpu.memory_space<semaphore_mem>>) src(%dma_wait3A_65 : memref<10240x128xf32, #tpu.memory_space<hbm>>) dst(%arg15 : memref<128x128xf32, #tpu.memory_space<vmem>>)
    "tpu.region"() ({
      %run_scoped3A = tpu.sem_alloc : memref<!tpu.dma_semaphore, #tpu.memory_space<semaphore_mem>>
      %dma_start3A_242 = arith.constant 0 : i32
      %dma_start3A_243 = arith.constant 0 : i32
      %dma_start3A_244 = tpu.memref_slice %arg23[%dma_start3A_242, %dma_start3A_243] : memref<10240x128xf32, #tpu.memory_space<vmem_shared>> -> memref<10240x128xf32, #tpu.memory_space<vmem_shared>>
      tpu.enqueue_indirect_dma source(%arg15 : memref<128x128xf32, #tpu.memory_space<vmem>>) target(%dma_start3A_244 : memref<10240x128xf32, #tpu.memory_space<vmem_shared>>) offsets(%arg11 : memref<128xi32, #tpu.memory_space<vmem>>) semaphore(%run_scoped3A : memref<!tpu.dma_semaphore, #tpu.memory_space<semaphore_mem>>) {add = true}
      %dma_wait3A_245 = arith.constant 0 : i32
      %dma_wait3A_246 = arith.constant 0 : i32
      %dma_wait3A_247 = tpu.memref_slice %arg23[%dma_wait3A_245, %dma_wait3A_246] : memref<10240x128xf32, #tpu.memory_space<vmem_shared>> -> memref<10240x128xf32, #tpu.memory_space<vmem_shared>>
      tpu.wait_indirect_dma semaphore(%run_scoped3A : memref<!tpu.dma_semaphore, #tpu.memory_space<semaphore_mem>>) src(%arg15 : memref<128x128xf32, #tpu.memory_space<vmem>>) dst(%dma_wait3A_247 : memref<10240x128xf32, #tpu.memory_space<vmem_shared>>)
      tpu.yield
    }) : () -> ()
    %add3A_66 = arith.constant 2304 : i32
    %add3A_67 = arith.addi %add3A, %add3A_66 : i32
    %mul3A_68 = arith.constant 128 : i32
    %mul3A_69 = arith.muli %add3A_67, %mul3A_68 : i32
    %multiple_of3A_70 = tpu.assume_multiple %mul3A_69, 128 : i32
    %dma_start3A_71 = tpu.memref_slice %arg3[%multiple_of3A_70] : memref<320000xi32, #tpu.memory_space<hbm>> -> memref<128xi32, #tpu.memory_space<hbm>>
    %dma_start3A_72 = tpu.memref_slice %arg3[%multiple_of3A_70] : memref<320000xi32, #tpu.memory_space<hbm>> -> memref<128xi32, #tpu.memory_space<hbm>>
    tpu.enqueue_dma source(%dma_start3A_72 : memref<128xi32, #tpu.memory_space<hbm>>) target(%arg7 : memref<128xi32, #tpu.memory_space<vmem>>) target_semaphore(%arg17 : memref<!tpu.dma_semaphore, #tpu.memory_space<semaphore_mem>>)
    %dma_start3A_73 = tpu.memref_slice %arg4[%multiple_of3A_70] : memref<320000xi32, #tpu.memory_space<hbm>> -> memref<128xi32, #tpu.memory_space<hbm>>
    %dma_start3A_74 = tpu.memref_slice %arg4[%multiple_of3A_70] : memref<320000xi32, #tpu.memory_space<hbm>> -> memref<128xi32, #tpu.memory_space<hbm>>
    tpu.enqueue_dma source(%dma_start3A_74 : memref<128xi32, #tpu.memory_space<hbm>>) target(%arg11 : memref<128xi32, #tpu.memory_space<vmem>>) target_semaphore(%arg17 : memref<!tpu.dma_semaphore, #tpu.memory_space<semaphore_mem>>)
    %dma_wait3A_75 = arith.constant 0 : i32
    %dma_wait3A_76 = tpu.memref_slice %arg3[%dma_wait3A_75] : memref<320000xi32, #tpu.memory_space<hbm>> -> memref<128xi32, #tpu.memory_space<hbm>>
    %dma_wait3A_77 = arith.constant 0 : i32
    %dma_wait3A_78 = tpu.memref_slice %arg3[%dma_wait3A_77] : memref<320000xi32, #tpu.memory_space<hbm>> -> memref<128xi32, #tpu.memory_space<hbm>>
    tpu.wait_dma2 semaphore(%arg19 : memref<!tpu.dma_semaphore, #tpu.memory_space<semaphore_mem>>) src(%dma_wait3A_78 : memref<128xi32, #tpu.memory_space<hbm>>) dst(%arg9 : memref<128xi32, #tpu.memory_space<vmem>>)
    %dma_wait3A_79 = arith.constant 0 : i32
    %dma_wait3A_80 = tpu.memref_slice %arg3[%dma_wait3A_79] : memref<320000xi32, #tpu.memory_space<hbm>> -> memref<128xi32, #tpu.memory_space<hbm>>
    %dma_wait3A_81 = arith.constant 0 : i32
    %dma_wait3A_82 = tpu.memref_slice %arg3[%dma_wait3A_81] : memref<320000xi32, #tpu.memory_space<hbm>> -> memref<128xi32, #tpu.memory_space<hbm>>
    tpu.wait_dma2 semaphore(%arg19 : memref<!tpu.dma_semaphore, #tpu.memory_space<semaphore_mem>>) src(%dma_wait3A_82 : memref<128xi32, #tpu.memory_space<hbm>>) dst(%arg13 : memref<128xi32, #tpu.memory_space<vmem>>)
    %dma_start3A_83 = arith.constant 0 : i32
    %dma_start3A_84 = arith.constant 0 : i32
    %dma_start3A_85 = tpu.memref_slice %arg2[%dma_start3A_83, %dma_start3A_84] : memref<10240x128xf32, #tpu.memory_space<hbm>> -> memref<10240x128xf32, #tpu.memory_space<hbm>>
    tpu.enqueue_indirect_dma source(%dma_start3A_85 : memref<10240x128xf32, #tpu.memory_space<hbm>>) target(%arg15 : memref<128x128xf32, #tpu.memory_space<vmem>>) offsets(%arg9 : memref<128xi32, #tpu.memory_space<vmem>>) semaphore(%arg21 : memref<!tpu.dma_semaphore, #tpu.memory_space<semaphore_mem>>)
    %dma_wait3A_86 = arith.constant 0 : i32
    %dma_wait3A_87 = arith.constant 0 : i32
    %dma_wait3A_88 = tpu.memref_slice %arg2[%dma_wait3A_86, %dma_wait3A_87] : memref<10240x128xf32, #tpu.memory_space<hbm>> -> memref<10240x128xf32, #tpu.memory_space<hbm>>
    tpu.wait_indirect_dma semaphore(%arg22 : memref<!tpu.dma_semaphore, #tpu.memory_space<semaphore_mem>>) src(%dma_wait3A_88 : memref<10240x128xf32, #tpu.memory_space<hbm>>) dst(%arg16 : memref<128x128xf32, #tpu.memory_space<vmem>>)
    "tpu.region"() ({
      %run_scoped3A = tpu.sem_alloc : memref<!tpu.dma_semaphore, #tpu.memory_space<semaphore_mem>>
      %dma_start3A_242 = arith.constant 0 : i32
      %dma_start3A_243 = arith.constant 0 : i32
      %dma_start3A_244 = tpu.memref_slice %arg23[%dma_start3A_242, %dma_start3A_243] : memref<10240x128xf32, #tpu.memory_space<vmem_shared>> -> memref<10240x128xf32, #tpu.memory_space<vmem_shared>>
      tpu.enqueue_indirect_dma source(%arg16 : memref<128x128xf32, #tpu.memory_space<vmem>>) target(%dma_start3A_244 : memref<10240x128xf32, #tpu.memory_space<vmem_shared>>) offsets(%arg12 : memref<128xi32, #tpu.memory_space<vmem>>) semaphore(%run_scoped3A : memref<!tpu.dma_semaphore, #tpu.memory_space<semaphore_mem>>) {add = true}
      %dma_wait3A_245 = arith.constant 0 : i32
      %dma_wait3A_246 = arith.constant 0 : i32
      %dma_wait3A_247 = tpu.memref_slice %arg23[%dma_wait3A_245, %dma_wait3A_246] : memref<10240x128xf32, #tpu.memory_space<vmem_shared>> -> memref<10240x128xf32, #tpu.memory_space<vmem_shared>>
      tpu.wait_indirect_dma semaphore(%run_scoped3A : memref<!tpu.dma_semaphore, #tpu.memory_space<semaphore_mem>>) src(%arg16 : memref<128x128xf32, #tpu.memory_space<vmem>>) dst(%dma_wait3A_247 : memref<10240x128xf32, #tpu.memory_space<vmem_shared>>)
      tpu.yield
    }) : () -> ()
    %add3A_89 = arith.constant 2336 : i32
    %add3A_90 = arith.addi %add3A, %add3A_89 : i32
    %mul3A_91 = arith.constant 128 : i32
    %mul3A_92 = arith.muli %add3A_90, %mul3A_91 : i32
    %multiple_of3A_93 = tpu.assume_multiple %mul3A_92, 128 : i32
    %dma_start3A_94 = tpu.memref_slice %arg3[%multiple_of3A_93] : memref<320000xi32, #tpu.memory_space<hbm>> -> memref<128xi32, #tpu.memory_space<hbm>>
    %dma_start3A_95 = tpu.memref_slice %arg3[%multiple_of3A_93] : memref<320000xi32, #tpu.memory_space<hbm>> -> memref<128xi32, #tpu.memory_space<hbm>>
    tpu.enqueue_dma source(%dma_start3A_95 : memref<128xi32, #tpu.memory_space<hbm>>) target(%arg8 : memref<128xi32, #tpu.memory_space<vmem>>) target_semaphore(%arg18 : memref<!tpu.dma_semaphore, #tpu.memory_space<semaphore_mem>>)
    %dma_start3A_96 = tpu.memref_slice %arg4[%multiple_of3A_93] : memref<320000xi32, #tpu.memory_space<hbm>> -> memref<128xi32, #tpu.memory_space<hbm>>
    %dma_start3A_97 = tpu.memref_slice %arg4[%multiple_of3A_93] : memref<320000xi32, #tpu.memory_space<hbm>> -> memref<128xi32, #tpu.memory_space<hbm>>
    tpu.enqueue_dma source(%dma_start3A_97 : memref<128xi32, #tpu.memory_space<hbm>>) target(%arg12 : memref<128xi32, #tpu.memory_space<vmem>>) target_semaphore(%arg18 : memref<!tpu.dma_semaphore, #tpu.memory_space<semaphore_mem>>)
    %dma_wait3A_98 = arith.constant 0 : i32
    %dma_wait3A_99 = tpu.memref_slice %arg3[%dma_wait3A_98] : memref<320000xi32, #tpu.memory_space<hbm>> -> memref<128xi32, #tpu.memory_space<hbm>>
    %dma_wait3A_100 = arith.constant 0 : i32
    %dma_wait3A_101 = tpu.memref_slice %arg3[%dma_wait3A_100] : memref<320000xi32, #tpu.memory_space<hbm>> -> memref<128xi32, #tpu.memory_space<hbm>>
    tpu.wait_dma2 semaphore(%arg20 : memref<!tpu.dma_semaphore, #tpu.memory_space<semaphore_mem>>) src(%dma_wait3A_101 : memref<128xi32, #tpu.memory_space<hbm>>) dst(%arg10 : memref<128xi32, #tpu.memory_space<vmem>>)
    %dma_wait3A_102 = arith.constant 0 : i32
    %dma_wait3A_103 = tpu.memref_slice %arg3[%dma_wait3A_102] : memref<320000xi32, #tpu.memory_space<hbm>> -> memref<128xi32, #tpu.memory_space<hbm>>
    %dma_wait3A_104 = arith.constant 0 : i32
    %dma_wait3A_105 = tpu.memref_slice %arg3[%dma_wait3A_104] : memref<320000xi32, #tpu.memory_space<hbm>> -> memref<128xi32, #tpu.memory_space<hbm>>
    tpu.wait_dma2 semaphore(%arg20 : memref<!tpu.dma_semaphore, #tpu.memory_space<semaphore_mem>>) src(%dma_wait3A_105 : memref<128xi32, #tpu.memory_space<hbm>>) dst(%arg14 : memref<128xi32, #tpu.memory_space<vmem>>)
    %dma_start3A_106 = arith.constant 0 : i32
    %dma_start3A_107 = arith.constant 0 : i32
    %dma_start3A_108 = tpu.memref_slice %arg2[%dma_start3A_106, %dma_start3A_107] : memref<10240x128xf32, #tpu.memory_space<hbm>> -> memref<10240x128xf32, #tpu.memory_space<hbm>>
    tpu.enqueue_indirect_dma source(%dma_start3A_108 : memref<10240x128xf32, #tpu.memory_space<hbm>>) target(%arg16 : memref<128x128xf32, #tpu.memory_space<vmem>>) offsets(%arg10 : memref<128xi32, #tpu.memory_space<vmem>>) semaphore(%arg22 : memref<!tpu.dma_semaphore, #tpu.memory_space<semaphore_mem>>)
    %dma_wait3A_109 = arith.constant 0 : i32
    %dma_wait3A_110 = arith.constant 0 : i32
    %dma_wait3A_111 = tpu.memref_slice %arg2[%dma_wait3A_109, %dma_wait3A_110] : memref<10240x128xf32, #tpu.memory_space<hbm>> -> memref<10240x128xf32, #tpu.memory_space<hbm>>
    tpu.wait_indirect_dma semaphore(%arg21 : memref<!tpu.dma_semaphore, #tpu.memory_space<semaphore_mem>>) src(%dma_wait3A_111 : memref<10240x128xf32, #tpu.memory_space<hbm>>) dst(%arg15 : memref<128x128xf32, #tpu.memory_space<vmem>>)
    "tpu.region"() ({
      %run_scoped3A = tpu.sem_alloc : memref<!tpu.dma_semaphore, #tpu.memory_space<semaphore_mem>>
      %dma_start3A_242 = arith.constant 0 : i32
      %dma_start3A_243 = arith.constant 0 : i32
      %dma_start3A_244 = tpu.memref_slice %arg23[%dma_start3A_242, %dma_start3A_243] : memref<10240x128xf32, #tpu.memory_space<vmem_shared>> -> memref<10240x128xf32, #tpu.memory_space<vmem_shared>>
      tpu.enqueue_indirect_dma source(%arg15 : memref<128x128xf32, #tpu.memory_space<vmem>>) target(%dma_start3A_244 : memref<10240x128xf32, #tpu.memory_space<vmem_shared>>) offsets(%arg13 : memref<128xi32, #tpu.memory_space<vmem>>) semaphore(%run_scoped3A : memref<!tpu.dma_semaphore, #tpu.memory_space<semaphore_mem>>) {add = true}
      %dma_wait3A_245 = arith.constant 0 : i32
      %dma_wait3A_246 = arith.constant 0 : i32
      %dma_wait3A_247 = tpu.memref_slice %arg23[%dma_wait3A_245, %dma_wait3A_246] : memref<10240x128xf32, #tpu.memory_space<vmem_shared>> -> memref<10240x128xf32, #tpu.memory_space<vmem_shared>>
      tpu.wait_indirect_dma semaphore(%run_scoped3A : memref<!tpu.dma_semaphore, #tpu.memory_space<semaphore_mem>>) src(%arg15 : memref<128x128xf32, #tpu.memory_space<vmem>>) dst(%dma_wait3A_247 : memref<10240x128xf32, #tpu.memory_space<vmem_shared>>)
      tpu.yield
    }) : () -> ()
    %add3A_112 = arith.constant 2368 : i32
    %add3A_113 = arith.addi %add3A, %add3A_112 : i32
    %mul3A_114 = arith.constant 128 : i32
    %mul3A_115 = arith.muli %add3A_113, %mul3A_114 : i32
    %multiple_of3A_116 = tpu.assume_multiple %mul3A_115, 128 : i32
    %dma_start3A_117 = tpu.memref_slice %arg3[%multiple_of3A_116] : memref<320000xi32, #tpu.memory_space<hbm>> -> memref<128xi32, #tpu.memory_space<hbm>>
    %dma_start3A_118 = tpu.memref_slice %arg3[%multiple_of3A_116] : memref<320000xi32, #tpu.memory_space<hbm>> -> memref<128xi32, #tpu.memory_space<hbm>>
    tpu.enqueue_dma source(%dma_start3A_118 : memref<128xi32, #tpu.memory_space<hbm>>) target(%arg9 : memref<128xi32, #tpu.memory_space<vmem>>) target_semaphore(%arg19 : memref<!tpu.dma_semaphore, #tpu.memory_space<semaphore_mem>>)
    %dma_start3A_119 = tpu.memref_slice %arg4[%multiple_of3A_116] : memref<320000xi32, #tpu.memory_space<hbm>> -> memref<128xi32, #tpu.memory_space<hbm>>
    %dma_start3A_120 = tpu.memref_slice %arg4[%multiple_of3A_116] : memref<320000xi32, #tpu.memory_space<hbm>> -> memref<128xi32, #tpu.memory_space<hbm>>
    tpu.enqueue_dma source(%dma_start3A_120 : memref<128xi32, #tpu.memory_space<hbm>>) target(%arg13 : memref<128xi32, #tpu.memory_space<vmem>>) target_semaphore(%arg19 : memref<!tpu.dma_semaphore, #tpu.memory_space<semaphore_mem>>)
    %dma_wait3A_121 = arith.constant 0 : i32
    %dma_wait3A_122 = tpu.memref_slice %arg3[%dma_wait3A_121] : memref<320000xi32, #tpu.memory_space<hbm>> -> memref<128xi32, #tpu.memory_space<hbm>>
    %dma_wait3A_123 = arith.constant 0 : i32
    %dma_wait3A_124 = tpu.memref_slice %arg3[%dma_wait3A_123] : memref<320000xi32, #tpu.memory_space<hbm>> -> memref<128xi32, #tpu.memory_space<hbm>>
    tpu.wait_dma2 semaphore(%arg17 : memref<!tpu.dma_semaphore, #tpu.memory_space<semaphore_mem>>) src(%dma_wait3A_124 : memref<128xi32, #tpu.memory_space<hbm>>) dst(%arg7 : memref<128xi32, #tpu.memory_space<vmem>>)
    %dma_wait3A_125 = arith.constant 0 : i32
    %dma_wait3A_126 = tpu.memref_slice %arg3[%dma_wait3A_125] : memref<320000xi32, #tpu.memory_space<hbm>> -> memref<128xi32, #tpu.memory_space<hbm>>
    %dma_wait3A_127 = arith.constant 0 : i32
    %dma_wait3A_128 = tpu.memref_slice %arg3[%dma_wait3A_127] : memref<320000xi32, #tpu.memory_space<hbm>> -> memref<128xi32, #tpu.memory_space<hbm>>
    tpu.wait_dma2 semaphore(%arg17 : memref<!tpu.dma_semaphore, #tpu.memory_space<semaphore_mem>>) src(%dma_wait3A_128 : memref<128xi32, #tpu.memory_space<hbm>>) dst(%arg11 : memref<128xi32, #tpu.memory_space<vmem>>)
    %dma_start3A_129 = arith.constant 0 : i32
    %dma_start3A_130 = arith.constant 0 : i32
    %dma_start3A_131 = tpu.memref_slice %arg2[%dma_start3A_129, %dma_start3A_130] : memref<10240x128xf32, #tpu.memory_space<hbm>> -> memref<10240x128xf32, #tpu.memory_space<hbm>>
    tpu.enqueue_indirect_dma source(%dma_start3A_131 : memref<10240x128xf32, #tpu.memory_space<hbm>>) target(%arg15 : memref<128x128xf32, #tpu.memory_space<vmem>>) offsets(%arg7 : memref<128xi32, #tpu.memory_space<vmem>>) semaphore(%arg21 : memref<!tpu.dma_semaphore, #tpu.memory_space<semaphore_mem>>)
    %dma_wait3A_132 = arith.constant 0 : i32
    %dma_wait3A_133 = arith.constant 0 : i32
    %dma_wait3A_134 = tpu.memref_slice %arg2[%dma_wait3A_132, %dma_wait3A_133] : memref<10240x128xf32, #tpu.memory_space<hbm>> -> memref<10240x128xf32, #tpu.memory_space<hbm>>
    tpu.wait_indirect_dma semaphore(%arg22 : memref<!tpu.dma_semaphore, #tpu.memory_space<semaphore_mem>>) src(%dma_wait3A_134 : memref<10240x128xf32, #tpu.memory_space<hbm>>) dst(%arg16 : memref<128x128xf32, #tpu.memory_space<vmem>>)
    "tpu.region"() ({
      %run_scoped3A = tpu.sem_alloc : memref<!tpu.dma_semaphore, #tpu.memory_space<semaphore_mem>>
      %dma_start3A_242 = arith.constant 0 : i32
      %dma_start3A_243 = arith.constant 0 : i32
      %dma_start3A_244 = tpu.memref_slice %arg23[%dma_start3A_242, %dma_start3A_243] : memref<10240x128xf32, #tpu.memory_space<vmem_shared>> -> memref<10240x128xf32, #tpu.memory_space<vmem_shared>>
      tpu.enqueue_indirect_dma source(%arg16 : memref<128x128xf32, #tpu.memory_space<vmem>>) target(%dma_start3A_244 : memref<10240x128xf32, #tpu.memory_space<vmem_shared>>) offsets(%arg14 : memref<128xi32, #tpu.memory_space<vmem>>) semaphore(%run_scoped3A : memref<!tpu.dma_semaphore, #tpu.memory_space<semaphore_mem>>) {add = true}
      %dma_wait3A_245 = arith.constant 0 : i32
      %dma_wait3A_246 = arith.constant 0 : i32
      %dma_wait3A_247 = tpu.memref_slice %arg23[%dma_wait3A_245, %dma_wait3A_246] : memref<10240x128xf32, #tpu.memory_space<vmem_shared>> -> memref<10240x128xf32, #tpu.memory_space<vmem_shared>>
      tpu.wait_indirect_dma semaphore(%run_scoped3A : memref<!tpu.dma_semaphore, #tpu.memory_space<semaphore_mem>>) src(%arg16 : memref<128x128xf32, #tpu.memory_space<vmem>>) dst(%dma_wait3A_247 : memref<10240x128xf32, #tpu.memory_space<vmem_shared>>)
      tpu.yield
    }) : () -> ()
    %add3A_135 = arith.constant 2400 : i32
    %add3A_136 = arith.addi %add3A, %add3A_135 : i32
    %mul3A_137 = arith.constant 128 : i32
    %mul3A_138 = arith.muli %add3A_136, %mul3A_137 : i32
    %multiple_of3A_139 = tpu.assume_multiple %mul3A_138, 128 : i32
    %dma_start3A_140 = tpu.memref_slice %arg3[%multiple_of3A_139] : memref<320000xi32, #tpu.memory_space<hbm>> -> memref<128xi32, #tpu.memory_space<hbm>>
    %dma_start3A_141 = tpu.memref_slice %arg3[%multiple_of3A_139] : memref<320000xi32, #tpu.memory_space<hbm>> -> memref<128xi32, #tpu.memory_space<hbm>>
    tpu.enqueue_dma source(%dma_start3A_141 : memref<128xi32, #tpu.memory_space<hbm>>) target(%arg10 : memref<128xi32, #tpu.memory_space<vmem>>) target_semaphore(%arg20 : memref<!tpu.dma_semaphore, #tpu.memory_space<semaphore_mem>>)
    %dma_start3A_142 = tpu.memref_slice %arg4[%multiple_of3A_139] : memref<320000xi32, #tpu.memory_space<hbm>> -> memref<128xi32, #tpu.memory_space<hbm>>
    %dma_start3A_143 = tpu.memref_slice %arg4[%multiple_of3A_139] : memref<320000xi32, #tpu.memory_space<hbm>> -> memref<128xi32, #tpu.memory_space<hbm>>
    tpu.enqueue_dma source(%dma_start3A_143 : memref<128xi32, #tpu.memory_space<hbm>>) target(%arg14 : memref<128xi32, #tpu.memory_space<vmem>>) target_semaphore(%arg20 : memref<!tpu.dma_semaphore, #tpu.memory_space<semaphore_mem>>)
    %dma_wait3A_144 = arith.constant 0 : i32
    %dma_wait3A_145 = tpu.memref_slice %arg3[%dma_wait3A_144] : memref<320000xi32, #tpu.memory_space<hbm>> -> memref<128xi32, #tpu.memory_space<hbm>>
    %dma_wait3A_146 = arith.constant 0 : i32
    %dma_wait3A_147 = tpu.memref_slice %arg3[%dma_wait3A_146] : memref<320000xi32, #tpu.memory_space<hbm>> -> memref<128xi32, #tpu.memory_space<hbm>>
    tpu.wait_dma2 semaphore(%arg18 : memref<!tpu.dma_semaphore, #tpu.memory_space<semaphore_mem>>) src(%dma_wait3A_147 : memref<128xi32, #tpu.memory_space<hbm>>) dst(%arg8 : memref<128xi32, #tpu.memory_space<vmem>>)
    %dma_wait3A_148 = arith.constant 0 : i32
    %dma_wait3A_149 = tpu.memref_slice %arg3[%dma_wait3A_148] : memref<320000xi32, #tpu.memory_space<hbm>> -> memref<128xi32, #tpu.memory_space<hbm>>
    %dma_wait3A_150 = arith.constant 0 : i32
    %dma_wait3A_151 = tpu.memref_slice %arg3[%dma_wait3A_150] : memref<320000xi32, #tpu.memory_space<hbm>> -> memref<128xi32, #tpu.memory_space<hbm>>
    tpu.wait_dma2 semaphore(%arg18 : memref<!tpu.dma_semaphore, #tpu.memory_space<semaphore_mem>>) src(%dma_wait3A_151 : memref<128xi32, #tpu.memory_space<hbm>>) dst(%arg12 : memref<128xi32, #tpu.memory_space<vmem>>)
    %dma_start3A_152 = arith.constant 0 : i32
    %dma_start3A_153 = arith.constant 0 : i32
    %dma_start3A_154 = tpu.memref_slice %arg2[%dma_start3A_152, %dma_start3A_153] : memref<10240x128xf32, #tpu.memory_space<hbm>> -> memref<10240x128xf32, #tpu.memory_space<hbm>>
    tpu.enqueue_indirect_dma source(%dma_start3A_154 : memref<10240x128xf32, #tpu.memory_space<hbm>>) target(%arg16 : memref<128x128xf32, #tpu.memory_space<vmem>>) offsets(%arg8 : memref<128xi32, #tpu.memory_space<vmem>>) semaphore(%arg22 : memref<!tpu.dma_semaphore, #tpu.memory_space<semaphore_mem>>)
    %dma_wait3A_155 = arith.constant 0 : i32
    %dma_wait3A_156 = arith.constant 0 : i32
    %dma_wait3A_157 = tpu.memref_slice %arg2[%dma_wait3A_155, %dma_wait3A_156] : memref<10240x128xf32, #tpu.memory_space<hbm>> -> memref<10240x128xf32, #tpu.memory_space<hbm>>
    tpu.wait_indirect_dma semaphore(%arg21 : memref<!tpu.dma_semaphore, #tpu.memory_space<semaphore_mem>>) src(%dma_wait3A_157 : memref<10240x128xf32, #tpu.memory_space<hbm>>) dst(%arg15 : memref<128x128xf32, #tpu.memory_space<vmem>>)
    "tpu.region"() ({
      %run_scoped3A = tpu.sem_alloc : memref<!tpu.dma_semaphore, #tpu.memory_space<semaphore_mem>>
      %dma_start3A_242 = arith.constant 0 : i32
      %dma_start3A_243 = arith.constant 0 : i32
      %dma_start3A_244 = tpu.memref_slice %arg23[%dma_start3A_242, %dma_start3A_243] : memref<10240x128xf32, #tpu.memory_space<vmem_shared>> -> memref<10240x128xf32, #tpu.memory_space<vmem_shared>>
      tpu.enqueue_indirect_dma source(%arg15 : memref<128x128xf32, #tpu.memory_space<vmem>>) target(%dma_start3A_244 : memref<10240x128xf32, #tpu.memory_space<vmem_shared>>) offsets(%arg11 : memref<128xi32, #tpu.memory_space<vmem>>) semaphore(%run_scoped3A : memref<!tpu.dma_semaphore, #tpu.memory_space<semaphore_mem>>) {add = true}
      %dma_wait3A_245 = arith.constant 0 : i32
      %dma_wait3A_246 = arith.constant 0 : i32
      %dma_wait3A_247 = tpu.memref_slice %arg23[%dma_wait3A_245, %dma_wait3A_246] : memref<10240x128xf32, #tpu.memory_space<vmem_shared>> -> memref<10240x128xf32, #tpu.memory_space<vmem_shared>>
      tpu.wait_indirect_dma semaphore(%run_scoped3A : memref<!tpu.dma_semaphore, #tpu.memory_space<semaphore_mem>>) src(%arg15 : memref<128x128xf32, #tpu.memory_space<vmem>>) dst(%dma_wait3A_247 : memref<10240x128xf32, #tpu.memory_space<vmem_shared>>)
      tpu.yield
    }) : () -> ()
    %add3A_158 = arith.constant 2432 : i32
    %add3A_159 = arith.addi %add3A, %add3A_158 : i32
    %mul3A_160 = arith.constant 128 : i32
    %mul3A_161 = arith.muli %add3A_159, %mul3A_160 : i32
    %multiple_of3A_162 = tpu.assume_multiple %mul3A_161, 128 : i32
    %dma_start3A_163 = tpu.memref_slice %arg3[%multiple_of3A_162] : memref<320000xi32, #tpu.memory_space<hbm>> -> memref<128xi32, #tpu.memory_space<hbm>>
    %dma_start3A_164 = tpu.memref_slice %arg3[%multiple_of3A_162] : memref<320000xi32, #tpu.memory_space<hbm>> -> memref<128xi32, #tpu.memory_space<hbm>>
    tpu.enqueue_dma source(%dma_start3A_164 : memref<128xi32, #tpu.memory_space<hbm>>) target(%arg7 : memref<128xi32, #tpu.memory_space<vmem>>) target_semaphore(%arg17 : memref<!tpu.dma_semaphore, #tpu.memory_space<semaphore_mem>>)
    %dma_start3A_165 = tpu.memref_slice %arg4[%multiple_of3A_162] : memref<320000xi32, #tpu.memory_space<hbm>> -> memref<128xi32, #tpu.memory_space<hbm>>
    %dma_start3A_166 = tpu.memref_slice %arg4[%multiple_of3A_162] : memref<320000xi32, #tpu.memory_space<hbm>> -> memref<128xi32, #tpu.memory_space<hbm>>
    tpu.enqueue_dma source(%dma_start3A_166 : memref<128xi32, #tpu.memory_space<hbm>>) target(%arg11 : memref<128xi32, #tpu.memory_space<vmem>>) target_semaphore(%arg17 : memref<!tpu.dma_semaphore, #tpu.memory_space<semaphore_mem>>)
    %dma_wait3A_167 = arith.constant 0 : i32
    %dma_wait3A_168 = tpu.memref_slice %arg3[%dma_wait3A_167] : memref<320000xi32, #tpu.memory_space<hbm>> -> memref<128xi32, #tpu.memory_space<hbm>>
    %dma_wait3A_169 = arith.constant 0 : i32
    %dma_wait3A_170 = tpu.memref_slice %arg3[%dma_wait3A_169] : memref<320000xi32, #tpu.memory_space<hbm>> -> memref<128xi32, #tpu.memory_space<hbm>>
    tpu.wait_dma2 semaphore(%arg19 : memref<!tpu.dma_semaphore, #tpu.memory_space<semaphore_mem>>) src(%dma_wait3A_170 : memref<128xi32, #tpu.memory_space<hbm>>) dst(%arg9 : memref<128xi32, #tpu.memory_space<vmem>>)
    %dma_wait3A_171 = arith.constant 0 : i32
    %dma_wait3A_172 = tpu.memref_slice %arg3[%dma_wait3A_171] : memref<320000xi32, #tpu.memory_space<hbm>> -> memref<128xi32, #tpu.memory_space<hbm>>
    %dma_wait3A_173 = arith.constant 0 : i32
    %dma_wait3A_174 = tpu.memref_slice %arg3[%dma_wait3A_173] : memref<320000xi32, #tpu.memory_space<hbm>> -> memref<128xi32, #tpu.memory_space<hbm>>
    tpu.wait_dma2 semaphore(%arg19 : memref<!tpu.dma_semaphore, #tpu.memory_space<semaphore_mem>>) src(%dma_wait3A_174 : memref<128xi32, #tpu.memory_space<hbm>>) dst(%arg13 : memref<128xi32, #tpu.memory_space<vmem>>)
    %dma_start3A_175 = arith.constant 0 : i32
    %dma_start3A_176 = arith.constant 0 : i32
    %dma_start3A_177 = tpu.memref_slice %arg2[%dma_start3A_175, %dma_start3A_176] : memref<10240x128xf32, #tpu.memory_space<hbm>> -> memref<10240x128xf32, #tpu.memory_space<hbm>>
    tpu.enqueue_indirect_dma source(%dma_start3A_177 : memref<10240x128xf32, #tpu.memory_space<hbm>>) target(%arg15 : memref<128x128xf32, #tpu.memory_space<vmem>>) offsets(%arg9 : memref<128xi32, #tpu.memory_space<vmem>>) semaphore(%arg21 : memref<!tpu.dma_semaphore, #tpu.memory_space<semaphore_mem>>)
    %dma_wait3A_178 = arith.constant 0 : i32
    %dma_wait3A_179 = arith.constant 0 : i32
    %dma_wait3A_180 = tpu.memref_slice %arg2[%dma_wait3A_178, %dma_wait3A_179] : memref<10240x128xf32, #tpu.memory_space<hbm>> -> memref<10240x128xf32, #tpu.memory_space<hbm>>
    tpu.wait_indirect_dma semaphore(%arg22 : memref<!tpu.dma_semaphore, #tpu.memory_space<semaphore_mem>>) src(%dma_wait3A_180 : memref<10240x128xf32, #tpu.memory_space<hbm>>) dst(%arg16 : memref<128x128xf32, #tpu.memory_space<vmem>>)
    "tpu.region"() ({
      %run_scoped3A = tpu.sem_alloc : memref<!tpu.dma_semaphore, #tpu.memory_space<semaphore_mem>>
      %dma_start3A_242 = arith.constant 0 : i32
      %dma_start3A_243 = arith.constant 0 : i32
      %dma_start3A_244 = tpu.memref_slice %arg23[%dma_start3A_242, %dma_start3A_243] : memref<10240x128xf32, #tpu.memory_space<vmem_shared>> -> memref<10240x128xf32, #tpu.memory_space<vmem_shared>>
      tpu.enqueue_indirect_dma source(%arg16 : memref<128x128xf32, #tpu.memory_space<vmem>>) target(%dma_start3A_244 : memref<10240x128xf32, #tpu.memory_space<vmem_shared>>) offsets(%arg12 : memref<128xi32, #tpu.memory_space<vmem>>) semaphore(%run_scoped3A : memref<!tpu.dma_semaphore, #tpu.memory_space<semaphore_mem>>) {add = true}
      %dma_wait3A_245 = arith.constant 0 : i32
      %dma_wait3A_246 = arith.constant 0 : i32
      %dma_wait3A_247 = tpu.memref_slice %arg23[%dma_wait3A_245, %dma_wait3A_246] : memref<10240x128xf32, #tpu.memory_space<vmem_shared>> -> memref<10240x128xf32, #tpu.memory_space<vmem_shared>>
      tpu.wait_indirect_dma semaphore(%run_scoped3A : memref<!tpu.dma_semaphore, #tpu.memory_space<semaphore_mem>>) src(%arg16 : memref<128x128xf32, #tpu.memory_space<vmem>>) dst(%dma_wait3A_247 : memref<10240x128xf32, #tpu.memory_space<vmem_shared>>)
      tpu.yield
    }) : () -> ()
    %add3A_181 = arith.constant 2464 : i32
    %add3A_182 = arith.addi %add3A, %add3A_181 : i32
    %mul3A_183 = arith.constant 128 : i32
    %mul3A_184 = arith.muli %add3A_182, %mul3A_183 : i32
    %multiple_of3A_185 = tpu.assume_multiple %mul3A_184, 128 : i32
    %dma_start3A_186 = tpu.memref_slice %arg3[%multiple_of3A_185] : memref<320000xi32, #tpu.memory_space<hbm>> -> memref<128xi32, #tpu.memory_space<hbm>>
    %dma_start3A_187 = tpu.memref_slice %arg3[%multiple_of3A_185] : memref<320000xi32, #tpu.memory_space<hbm>> -> memref<128xi32, #tpu.memory_space<hbm>>
    tpu.enqueue_dma source(%dma_start3A_187 : memref<128xi32, #tpu.memory_space<hbm>>) target(%arg8 : memref<128xi32, #tpu.memory_space<vmem>>) target_semaphore(%arg18 : memref<!tpu.dma_semaphore, #tpu.memory_space<semaphore_mem>>)
    %dma_start3A_188 = tpu.memref_slice %arg4[%multiple_of3A_185] : memref<320000xi32, #tpu.memory_space<hbm>> -> memref<128xi32, #tpu.memory_space<hbm>>
    %dma_start3A_189 = tpu.memref_slice %arg4[%multiple_of3A_185] : memref<320000xi32, #tpu.memory_space<hbm>> -> memref<128xi32, #tpu.memory_space<hbm>>
    tpu.enqueue_dma source(%dma_start3A_189 : memref<128xi32, #tpu.memory_space<hbm>>) target(%arg12 : memref<128xi32, #tpu.memory_space<vmem>>) target_semaphore(%arg18 : memref<!tpu.dma_semaphore, #tpu.memory_space<semaphore_mem>>)
    %dma_wait3A_190 = arith.constant 0 : i32
    %dma_wait3A_191 = tpu.memref_slice %arg3[%dma_wait3A_190] : memref<320000xi32, #tpu.memory_space<hbm>> -> memref<128xi32, #tpu.memory_space<hbm>>
    %dma_wait3A_192 = arith.constant 0 : i32
    %dma_wait3A_193 = tpu.memref_slice %arg3[%dma_wait3A_192] : memref<320000xi32, #tpu.memory_space<hbm>> -> memref<128xi32, #tpu.memory_space<hbm>>
    tpu.wait_dma2 semaphore(%arg20 : memref<!tpu.dma_semaphore, #tpu.memory_space<semaphore_mem>>) src(%dma_wait3A_193 : memref<128xi32, #tpu.memory_space<hbm>>) dst(%arg10 : memref<128xi32, #tpu.memory_space<vmem>>)
    %dma_wait3A_194 = arith.constant 0 : i32
    %dma_wait3A_195 = tpu.memref_slice %arg3[%dma_wait3A_194] : memref<320000xi32, #tpu.memory_space<hbm>> -> memref<128xi32, #tpu.memory_space<hbm>>
    %dma_wait3A_196 = arith.constant 0 : i32
    %dma_wait3A_197 = tpu.memref_slice %arg3[%dma_wait3A_196] : memref<320000xi32, #tpu.memory_space<hbm>> -> memref<128xi32, #tpu.memory_space<hbm>>
    tpu.wait_dma2 semaphore(%arg20 : memref<!tpu.dma_semaphore, #tpu.memory_space<semaphore_mem>>) src(%dma_wait3A_197 : memref<128xi32, #tpu.memory_space<hbm>>) dst(%arg14 : memref<128xi32, #tpu.memory_space<vmem>>)
    %dma_start3A_198 = arith.constant 0 : i32
    %dma_start3A_199 = arith.constant 0 : i32
    %dma_start3A_200 = tpu.memref_slice %arg2[%dma_start3A_198, %dma_start3A_199] : memref<10240x128xf32, #tpu.memory_space<hbm>> -> memref<10240x128xf32, #tpu.memory_space<hbm>>
    tpu.enqueue_indirect_dma source(%dma_start3A_200 : memref<10240x128xf32, #tpu.memory_space<hbm>>) target(%arg16 : memref<128x128xf32, #tpu.memory_space<vmem>>) offsets(%arg10 : memref<128xi32, #tpu.memory_space<vmem>>) semaphore(%arg22 : memref<!tpu.dma_semaphore, #tpu.memory_space<semaphore_mem>>)
    %dma_wait3A_201 = arith.constant 0 : i32
    %dma_wait3A_202 = arith.constant 0 : i32
    %dma_wait3A_203 = tpu.memref_slice %arg2[%dma_wait3A_201, %dma_wait3A_202] : memref<10240x128xf32, #tpu.memory_space<hbm>> -> memref<10240x128xf32, #tpu.memory_space<hbm>>
    tpu.wait_indirect_dma semaphore(%arg21 : memref<!tpu.dma_semaphore, #tpu.memory_space<semaphore_mem>>) src(%dma_wait3A_203 : memref<10240x128xf32, #tpu.memory_space<hbm>>) dst(%arg15 : memref<128x128xf32, #tpu.memory_space<vmem>>)
    "tpu.region"() ({
      %run_scoped3A = tpu.sem_alloc : memref<!tpu.dma_semaphore, #tpu.memory_space<semaphore_mem>>
      %dma_start3A_242 = arith.constant 0 : i32
      %dma_start3A_243 = arith.constant 0 : i32
      %dma_start3A_244 = tpu.memref_slice %arg23[%dma_start3A_242, %dma_start3A_243] : memref<10240x128xf32, #tpu.memory_space<vmem_shared>> -> memref<10240x128xf32, #tpu.memory_space<vmem_shared>>
      tpu.enqueue_indirect_dma source(%arg15 : memref<128x128xf32, #tpu.memory_space<vmem>>) target(%dma_start3A_244 : memref<10240x128xf32, #tpu.memory_space<vmem_shared>>) offsets(%arg13 : memref<128xi32, #tpu.memory_space<vmem>>) semaphore(%run_scoped3A : memref<!tpu.dma_semaphore, #tpu.memory_space<semaphore_mem>>) {add = true}
      %dma_wait3A_245 = arith.constant 0 : i32
      %dma_wait3A_246 = arith.constant 0 : i32
      %dma_wait3A_247 = tpu.memref_slice %arg23[%dma_wait3A_245, %dma_wait3A_246] : memref<10240x128xf32, #tpu.memory_space<vmem_shared>> -> memref<10240x128xf32, #tpu.memory_space<vmem_shared>>
      tpu.wait_indirect_dma semaphore(%run_scoped3A : memref<!tpu.dma_semaphore, #tpu.memory_space<semaphore_mem>>) src(%arg15 : memref<128x128xf32, #tpu.memory_space<vmem>>) dst(%dma_wait3A_247 : memref<10240x128xf32, #tpu.memory_space<vmem_shared>>)
      tpu.yield
    }) : () -> ()
    %dma_wait3A_204 = arith.constant 0 : i32
    %dma_wait3A_205 = tpu.memref_slice %arg3[%dma_wait3A_204] : memref<320000xi32, #tpu.memory_space<hbm>> -> memref<128xi32, #tpu.memory_space<hbm>>
    %dma_wait3A_206 = arith.constant 0 : i32
    %dma_wait3A_207 = tpu.memref_slice %arg3[%dma_wait3A_206] : memref<320000xi32, #tpu.memory_space<hbm>> -> memref<128xi32, #tpu.memory_space<hbm>>
    tpu.wait_dma2 semaphore(%arg17 : memref<!tpu.dma_semaphore, #tpu.memory_space<semaphore_mem>>) src(%dma_wait3A_207 : memref<128xi32, #tpu.memory_space<hbm>>) dst(%arg7 : memref<128xi32, #tpu.memory_space<vmem>>)
    %dma_wait3A_208 = arith.constant 0 : i32
    %dma_wait3A_209 = tpu.memref_slice %arg3[%dma_wait3A_208] : memref<320000xi32, #tpu.memory_space<hbm>> -> memref<128xi32, #tpu.memory_space<hbm>>
    %dma_wait3A_210 = arith.constant 0 : i32
    %dma_wait3A_211 = tpu.memref_slice %arg3[%dma_wait3A_210] : memref<320000xi32, #tpu.memory_space<hbm>> -> memref<128xi32, #tpu.memory_space<hbm>>
    tpu.wait_dma2 semaphore(%arg17 : memref<!tpu.dma_semaphore, #tpu.memory_space<semaphore_mem>>) src(%dma_wait3A_211 : memref<128xi32, #tpu.memory_space<hbm>>) dst(%arg11 : memref<128xi32, #tpu.memory_space<vmem>>)
    %dma_start3A_212 = arith.constant 0 : i32
    %dma_start3A_213 = arith.constant 0 : i32
    %dma_start3A_214 = tpu.memref_slice %arg2[%dma_start3A_212, %dma_start3A_213] : memref<10240x128xf32, #tpu.memory_space<hbm>> -> memref<10240x128xf32, #tpu.memory_space<hbm>>
    tpu.enqueue_indirect_dma source(%dma_start3A_214 : memref<10240x128xf32, #tpu.memory_space<hbm>>) target(%arg15 : memref<128x128xf32, #tpu.memory_space<vmem>>) offsets(%arg7 : memref<128xi32, #tpu.memory_space<vmem>>) semaphore(%arg21 : memref<!tpu.dma_semaphore, #tpu.memory_space<semaphore_mem>>)
    %dma_wait3A_215 = arith.constant 0 : i32
    %dma_wait3A_216 = arith.constant 0 : i32
    %dma_wait3A_217 = tpu.memref_slice %arg2[%dma_wait3A_215, %dma_wait3A_216] : memref<10240x128xf32, #tpu.memory_space<hbm>> -> memref<10240x128xf32, #tpu.memory_space<hbm>>
    tpu.wait_indirect_dma semaphore(%arg22 : memref<!tpu.dma_semaphore, #tpu.memory_space<semaphore_mem>>) src(%dma_wait3A_217 : memref<10240x128xf32, #tpu.memory_space<hbm>>) dst(%arg16 : memref<128x128xf32, #tpu.memory_space<vmem>>)
    "tpu.region"() ({
      %run_scoped3A = tpu.sem_alloc : memref<!tpu.dma_semaphore, #tpu.memory_space<semaphore_mem>>
      %dma_start3A_242 = arith.constant 0 : i32
      %dma_start3A_243 = arith.constant 0 : i32
      %dma_start3A_244 = tpu.memref_slice %arg23[%dma_start3A_242, %dma_start3A_243] : memref<10240x128xf32, #tpu.memory_space<vmem_shared>> -> memref<10240x128xf32, #tpu.memory_space<vmem_shared>>
      tpu.enqueue_indirect_dma source(%arg16 : memref<128x128xf32, #tpu.memory_space<vmem>>) target(%dma_start3A_244 : memref<10240x128xf32, #tpu.memory_space<vmem_shared>>) offsets(%arg14 : memref<128xi32, #tpu.memory_space<vmem>>) semaphore(%run_scoped3A : memref<!tpu.dma_semaphore, #tpu.memory_space<semaphore_mem>>) {add = true}
      %dma_wait3A_245 = arith.constant 0 : i32
      %dma_wait3A_246 = arith.constant 0 : i32
      %dma_wait3A_247 = tpu.memref_slice %arg23[%dma_wait3A_245, %dma_wait3A_246] : memref<10240x128xf32, #tpu.memory_space<vmem_shared>> -> memref<10240x128xf32, #tpu.memory_space<vmem_shared>>
      tpu.wait_indirect_dma semaphore(%run_scoped3A : memref<!tpu.dma_semaphore, #tpu.memory_space<semaphore_mem>>) src(%arg16 : memref<128x128xf32, #tpu.memory_space<vmem>>) dst(%dma_wait3A_247 : memref<10240x128xf32, #tpu.memory_space<vmem_shared>>)
      tpu.yield
    }) : () -> ()
    %dma_wait3A_218 = arith.constant 0 : i32
    %dma_wait3A_219 = tpu.memref_slice %arg3[%dma_wait3A_218] : memref<320000xi32, #tpu.memory_space<hbm>> -> memref<128xi32, #tpu.memory_space<hbm>>
    %dma_wait3A_220 = arith.constant 0 : i32
    %dma_wait3A_221 = tpu.memref_slice %arg3[%dma_wait3A_220] : memref<320000xi32, #tpu.memory_space<hbm>> -> memref<128xi32, #tpu.memory_space<hbm>>
    tpu.wait_dma2 semaphore(%arg18 : memref<!tpu.dma_semaphore, #tpu.memory_space<semaphore_mem>>) src(%dma_wait3A_221 : memref<128xi32, #tpu.memory_space<hbm>>) dst(%arg8 : memref<128xi32, #tpu.memory_space<vmem>>)
    %dma_wait3A_222 = arith.constant 0 : i32
    %dma_wait3A_223 = tpu.memref_slice %arg3[%dma_wait3A_222] : memref<320000xi32, #tpu.memory_space<hbm>> -> memref<128xi32, #tpu.memory_space<hbm>>
    %dma_wait3A_224 = arith.constant 0 : i32
    %dma_wait3A_225 = tpu.memref_slice %arg3[%dma_wait3A_224] : memref<320000xi32, #tpu.memory_space<hbm>> -> memref<128xi32, #tpu.memory_space<hbm>>
    tpu.wait_dma2 semaphore(%arg18 : memref<!tpu.dma_semaphore, #tpu.memory_space<semaphore_mem>>) src(%dma_wait3A_225 : memref<128xi32, #tpu.memory_space<hbm>>) dst(%arg12 : memref<128xi32, #tpu.memory_space<vmem>>)
    %dma_start3A_226 = arith.constant 0 : i32
    %dma_start3A_227 = arith.constant 0 : i32
    %dma_start3A_228 = tpu.memref_slice %arg2[%dma_start3A_226, %dma_start3A_227] : memref<10240x128xf32, #tpu.memory_space<hbm>> -> memref<10240x128xf32, #tpu.memory_space<hbm>>
    tpu.enqueue_indirect_dma source(%dma_start3A_228 : memref<10240x128xf32, #tpu.memory_space<hbm>>) target(%arg16 : memref<128x128xf32, #tpu.memory_space<vmem>>) offsets(%arg8 : memref<128xi32, #tpu.memory_space<vmem>>) semaphore(%arg22 : memref<!tpu.dma_semaphore, #tpu.memory_space<semaphore_mem>>)
    %dma_wait3A_229 = arith.constant 0 : i32
    %dma_wait3A_230 = arith.constant 0 : i32
    %dma_wait3A_231 = tpu.memref_slice %arg2[%dma_wait3A_229, %dma_wait3A_230] : memref<10240x128xf32, #tpu.memory_space<hbm>> -> memref<10240x128xf32, #tpu.memory_space<hbm>>
    tpu.wait_indirect_dma semaphore(%arg21 : memref<!tpu.dma_semaphore, #tpu.memory_space<semaphore_mem>>) src(%dma_wait3A_231 : memref<10240x128xf32, #tpu.memory_space<hbm>>) dst(%arg15 : memref<128x128xf32, #tpu.memory_space<vmem>>)
    "tpu.region"() ({
      %run_scoped3A = tpu.sem_alloc : memref<!tpu.dma_semaphore, #tpu.memory_space<semaphore_mem>>
      %dma_start3A_242 = arith.constant 0 : i32
      %dma_start3A_243 = arith.constant 0 : i32
      %dma_start3A_244 = tpu.memref_slice %arg23[%dma_start3A_242, %dma_start3A_243] : memref<10240x128xf32, #tpu.memory_space<vmem_shared>> -> memref<10240x128xf32, #tpu.memory_space<vmem_shared>>
      tpu.enqueue_indirect_dma source(%arg15 : memref<128x128xf32, #tpu.memory_space<vmem>>) target(%dma_start3A_244 : memref<10240x128xf32, #tpu.memory_space<vmem_shared>>) offsets(%arg11 : memref<128xi32, #tpu.memory_space<vmem>>) semaphore(%run_scoped3A : memref<!tpu.dma_semaphore, #tpu.memory_space<semaphore_mem>>) {add = true}
      %dma_wait3A_245 = arith.constant 0 : i32
      %dma_wait3A_246 = arith.constant 0 : i32
      %dma_wait3A_247 = tpu.memref_slice %arg23[%dma_wait3A_245, %dma_wait3A_246] : memref<10240x128xf32, #tpu.memory_space<vmem_shared>> -> memref<10240x128xf32, #tpu.memory_space<vmem_shared>>
      tpu.wait_indirect_dma semaphore(%run_scoped3A : memref<!tpu.dma_semaphore, #tpu.memory_space<semaphore_mem>>) src(%arg15 : memref<128x128xf32, #tpu.memory_space<vmem>>) dst(%dma_wait3A_247 : memref<10240x128xf32, #tpu.memory_space<vmem_shared>>)
      tpu.yield
    }) : () -> ()
    %dma_wait3A_232 = arith.constant 0 : i32
    %dma_wait3A_233 = arith.constant 0 : i32
    %dma_wait3A_234 = tpu.memref_slice %arg2[%dma_wait3A_232, %dma_wait3A_233] : memref<10240x128xf32, #tpu.memory_space<hbm>> -> memref<10240x128xf32, #tpu.memory_space<hbm>>
    tpu.wait_indirect_dma semaphore(%arg22 : memref<!tpu.dma_semaphore, #tpu.memory_space<semaphore_mem>>) src(%dma_wait3A_234 : memref<10240x128xf32, #tpu.memory_space<hbm>>) dst(%arg16 : memref<128x128xf32, #tpu.memory_space<vmem>>)
    "tpu.region"() ({
      %run_scoped3A = tpu.sem_alloc : memref<!tpu.dma_semaphore, #tpu.memory_space<semaphore_mem>>
      %dma_start3A_242 = arith.constant 0 : i32
      %dma_start3A_243 = arith.constant 0 : i32
      %dma_start3A_244 = tpu.memref_slice %arg23[%dma_start3A_242, %dma_start3A_243] : memref<10240x128xf32, #tpu.memory_space<vmem_shared>> -> memref<10240x128xf32, #tpu.memory_space<vmem_shared>>
      tpu.enqueue_indirect_dma source(%arg16 : memref<128x128xf32, #tpu.memory_space<vmem>>) target(%dma_start3A_244 : memref<10240x128xf32, #tpu.memory_space<vmem_shared>>) offsets(%arg12 : memref<128xi32, #tpu.memory_space<vmem>>) semaphore(%run_scoped3A : memref<!tpu.dma_semaphore, #tpu.memory_space<semaphore_mem>>) {add = true}
      %dma_wait3A_245 = arith.constant 0 : i32
      %dma_wait3A_246 = arith.constant 0 : i32
      %dma_wait3A_247 = tpu.memref_slice %arg23[%dma_wait3A_245, %dma_wait3A_246] : memref<10240x128xf32, #tpu.memory_space<vmem_shared>> -> memref<10240x128xf32, #tpu.memory_space<vmem_shared>>
      tpu.wait_indirect_dma semaphore(%run_scoped3A : memref<!tpu.dma_semaphore, #tpu.memory_space<semaphore_mem>>) src(%arg16 : memref<128x128xf32, #tpu.memory_space<vmem>>) dst(%dma_wait3A_247 : memref<10240x128xf32, #tpu.memory_space<vmem_shared>>)
      tpu.yield
    }) : () -> ()
    %lt3A = arith.constant 4 : i32
    %lt3A_235 = arith.cmpi slt, %add3A, %lt3A : i32
    %convert_element_type3A = arith.extui %lt3A_235 : i1 to i32
    %cond3A = arith.constant 0 : i32
    %cond3A_236 = arith.cmpi ne, %convert_element_type3A, %cond3A : i32
    scf.if %cond3A_236 {
      %add3A_242 = arith.constant 2496 : i32
      %add3A_243 = arith.addi %add3A, %add3A_242 : i32
      %mul3A_244 = arith.constant 128 : i32
      %mul3A_245 = arith.muli %add3A_243, %mul3A_244 : i32
      %multiple_of3A_246 = tpu.assume_multiple %mul3A_245, 128 : i32
      "tpu.region"() ({
        %run_scoped3A = tpu.sem_alloc : memref<!tpu.dma_semaphore, #tpu.memory_space<semaphore_mem>>
        %dma_start3A_253 = tpu.memref_slice %arg3[%multiple_of3A_246] : memref<320000xi32, #tpu.memory_space<hbm>> -> memref<128xi32, #tpu.memory_space<hbm>>
        %dma_start3A_254 = tpu.memref_slice %arg3[%multiple_of3A_246] : memref<320000xi32, #tpu.memory_space<hbm>> -> memref<128xi32, #tpu.memory_space<hbm>>
        tpu.enqueue_dma source(%dma_start3A_254 : memref<128xi32, #tpu.memory_space<hbm>>) target(%arg7 : memref<128xi32, #tpu.memory_space<vmem>>) target_semaphore(%run_scoped3A : memref<!tpu.dma_semaphore, #tpu.memory_space<semaphore_mem>>)
        %dma_wait3A_255 = tpu.memref_slice %arg3[%multiple_of3A_246] : memref<320000xi32, #tpu.memory_space<hbm>> -> memref<128xi32, #tpu.memory_space<hbm>>
        %dma_wait3A_256 = tpu.memref_slice %arg3[%multiple_of3A_246] : memref<320000xi32, #tpu.memory_space<hbm>> -> memref<128xi32, #tpu.memory_space<hbm>>
        tpu.wait_dma2 semaphore(%run_scoped3A : memref<!tpu.dma_semaphore, #tpu.memory_space<semaphore_mem>>) src(%dma_wait3A_256 : memref<128xi32, #tpu.memory_space<hbm>>) dst(%arg7 : memref<128xi32, #tpu.memory_space<vmem>>)
        tpu.yield
      }) : () -> ()
      "tpu.region"() ({
        %run_scoped3A = tpu.sem_alloc : memref<!tpu.dma_semaphore, #tpu.memory_space<semaphore_mem>>
        %dma_start3A_253 = tpu.memref_slice %arg4[%multiple_of3A_246] : memref<320000xi32, #tpu.memory_space<hbm>> -> memref<128xi32, #tpu.memory_space<hbm>>
        %dma_start3A_254 = tpu.memref_slice %arg4[%multiple_of3A_246] : memref<320000xi32, #tpu.memory_space<hbm>> -> memref<128xi32, #tpu.memory_space<hbm>>
        tpu.enqueue_dma source(%dma_start3A_254 : memref<128xi32, #tpu.memory_space<hbm>>) target(%arg11 : memref<128xi32, #tpu.memory_space<vmem>>) target_semaphore(%run_scoped3A : memref<!tpu.dma_semaphore, #tpu.memory_space<semaphore_mem>>)
        %dma_wait3A_255 = tpu.memref_slice %arg4[%multiple_of3A_246] : memref<320000xi32, #tpu.memory_space<hbm>> -> memref<128xi32, #tpu.memory_space<hbm>>
        %dma_wait3A_256 = tpu.memref_slice %arg4[%multiple_of3A_246] : memref<320000xi32, #tpu.memory_space<hbm>> -> memref<128xi32, #tpu.memory_space<hbm>>
        tpu.wait_dma2 semaphore(%run_scoped3A : memref<!tpu.dma_semaphore, #tpu.memory_space<semaphore_mem>>) src(%dma_wait3A_256 : memref<128xi32, #tpu.memory_space<hbm>>) dst(%arg11 : memref<128xi32, #tpu.memory_space<vmem>>)
        tpu.yield
      }) : () -> ()
      %dma_start3A_247 = arith.constant 0 : i32
      %dma_start3A_248 = arith.constant 0 : i32
      %dma_start3A_249 = tpu.memref_slice %arg2[%dma_start3A_247, %dma_start3A_248] : memref<10240x128xf32, #tpu.memory_space<hbm>> -> memref<10240x128xf32, #tpu.memory_space<hbm>>
      tpu.enqueue_indirect_dma source(%dma_start3A_249 : memref<10240x128xf32, #tpu.memory_space<hbm>>) target(%arg15 : memref<128x128xf32, #tpu.memory_space<vmem>>) offsets(%arg7 : memref<128xi32, #tpu.memory_space<vmem>>) semaphore(%arg21 : memref<!tpu.dma_semaphore, #tpu.memory_space<semaphore_mem>>)
      %dma_wait3A_250 = arith.constant 0 : i32
      %dma_wait3A_251 = arith.constant 0 : i32
      %dma_wait3A_252 = tpu.memref_slice %arg2[%dma_wait3A_250, %dma_wait3A_251] : memref<10240x128xf32, #tpu.memory_space<hbm>> -> memref<10240x128xf32, #tpu.memory_space<hbm>>
      tpu.wait_indirect_dma semaphore(%arg21 : memref<!tpu.dma_semaphore, #tpu.memory_space<semaphore_mem>>) src(%dma_wait3A_252 : memref<10240x128xf32, #tpu.memory_space<hbm>>) dst(%arg15 : memref<128x128xf32, #tpu.memory_space<vmem>>)
      "tpu.region"() ({
        %run_scoped3A = tpu.sem_alloc : memref<!tpu.dma_semaphore, #tpu.memory_space<semaphore_mem>>
        %dma_start3A_253 = arith.constant 0 : i32
        %dma_start3A_254 = arith.constant 0 : i32
        %dma_start3A_255 = tpu.memref_slice %arg23[%dma_start3A_253, %dma_start3A_254] : memref<10240x128xf32, #tpu.memory_space<vmem_shared>> -> memref<10240x128xf32, #tpu.memory_space<vmem_shared>>
        tpu.enqueue_indirect_dma source(%arg15 : memref<128x128xf32, #tpu.memory_space<vmem>>) target(%dma_start3A_255 : memref<10240x128xf32, #tpu.memory_space<vmem_shared>>) offsets(%arg11 : memref<128xi32, #tpu.memory_space<vmem>>) semaphore(%run_scoped3A : memref<!tpu.dma_semaphore, #tpu.memory_space<semaphore_mem>>) {add = true}
        %dma_wait3A_256 = arith.constant 0 : i32
        %dma_wait3A_257 = arith.constant 0 : i32
        %dma_wait3A_258 = tpu.memref_slice %arg23[%dma_wait3A_256, %dma_wait3A_257] : memref<10240x128xf32, #tpu.memory_space<vmem_shared>> -> memref<10240x128xf32, #tpu.memory_space<vmem_shared>>
        tpu.wait_indirect_dma semaphore(%run_scoped3A : memref<!tpu.dma_semaphore, #tpu.memory_space<semaphore_mem>>) src(%arg15 : memref<128x128xf32, #tpu.memory_space<vmem>>) dst(%dma_wait3A_258 : memref<10240x128xf32, #tpu.memory_space<vmem_shared>>)
        tpu.yield
      }) : () -> ()
    } else {
    }
    %barrier3A_237 = arith.constant 0 : index
    tpu.barrier barrier_id(%barrier3A_237)
    %mul3A_238 = arith.constant 640 : i32
    %mul3A_239 = arith.muli %arg1, %mul3A_238 : i32
    %mul3A_240 = arith.constant 640 : i32
    %mul3A_241 = arith.muli %arg1, %mul3A_240 : i32
    "tpu.region"() ({
      %run_scoped3A = tpu.sem_alloc : memref<!tpu.dma_semaphore, #tpu.memory_space<semaphore_mem>>
      %dma_start3A_242 = arith.constant 0 : i32
      %dma_start3A_243 = tpu.memref_slice %arg6[%arg0, %mul3A_241, %dma_start3A_242] : memref<2x10240x128xf32, #tpu.memory_space<hbm>> -> memref<1x640x128xf32, #tpu.memory_space<hbm>>
      %dma_start3A_244 = tpu.memref_squeeze %dma_start3A_243 : memref<1x640x128xf32, #tpu.memory_space<hbm>> -> memref<640x128xf32, #tpu.memory_space<hbm>>
      %dma_start3A_245 = arith.constant 0 : i32
      %dma_start3A_246 = tpu.memref_slice %arg23[%mul3A_239, %dma_start3A_245] : memref<10240x128xf32, #tpu.memory_space<vmem_shared>> -> memref<640x128xf32, #tpu.memory_space<vmem_shared>>
      tpu.enqueue_dma source(%dma_start3A_246 : memref<640x128xf32, #tpu.memory_space<vmem_shared>>) target(%dma_start3A_244 : memref<640x128xf32, #tpu.memory_space<hbm>>) target_semaphore(%run_scoped3A : memref<!tpu.dma_semaphore, #tpu.memory_space<semaphore_mem>>)
      %dma_wait3A_247 = arith.constant 0 : i32
      %dma_wait3A_248 = tpu.memref_slice %arg6[%arg0, %mul3A_241, %dma_wait3A_247] : memref<2x10240x128xf32, #tpu.memory_space<hbm>> -> memref<1x640x128xf32, #tpu.memory_space<hbm>>
      %dma_wait3A_249 = tpu.memref_squeeze %dma_wait3A_248 : memref<1x640x128xf32, #tpu.memory_space<hbm>> -> memref<640x128xf32, #tpu.memory_space<hbm>>
      %dma_wait3A_250 = arith.constant 0 : i32
      %dma_wait3A_251 = tpu.memref_slice %arg23[%mul3A_239, %dma_wait3A_250] : memref<10240x128xf32, #tpu.memory_space<vmem_shared>> -> memref<640x128xf32, #tpu.memory_space<vmem_shared>>
      tpu.wait_dma2 semaphore(%run_scoped3A : memref<!tpu.dma_semaphore, #tpu.memory_space<semaphore_mem>>) src(%dma_wait3A_251 : memref<640x128xf32, #tpu.memory_space<vmem_shared>>) dst(%dma_wait3A_249 : memref<640x128xf32, #tpu.memory_space<hbm>>)
      tpu.yield
    }) : () -> ()
    return
  }
}

#map = affine_map<(d0, d1) -> (0, 0)>
#map1 = affine_map<(d0, d1) -> (0)>
#map2 = affine_map<(d0, d1) -> (0, 0, 0)>
module attributes {stable_mosaic.version = 14 : i64} {
  func.func @_msg_body(%arg0: i32, %arg1: i32, %arg2: memref<10240x128xf32, #tpu.memory_space<hbm>>, %arg3: memref<320000xi32, #tpu.memory_space<hbm>>, %arg4: memref<320000xi32, #tpu.memory_space<hbm>>, %arg5: memref<640x128xf32, #tpu.memory_space<hbm>>, %arg6: memref<2x10240x128xf32, #tpu.memory_space<hbm>>, %arg7: memref<128xi32, #tpu.memory_space<vmem>>, %arg8: memref<128xi32, #tpu.memory_space<vmem>>, %arg9: memref<128xi32, #tpu.memory_space<vmem>>, %arg10: memref<128xi32, #tpu.memory_space<vmem>>, %arg11: memref<128xi32, #tpu.memory_space<vmem>>, %arg12: memref<128xi32, #tpu.memory_space<vmem>>, %arg13: memref<128xi32, #tpu.memory_space<vmem>>, %arg14: memref<128xi32, #tpu.memory_space<vmem>>, %arg15: memref<128x128xf32, #tpu.memory_space<vmem>>, %arg16: memref<128x128xf32, #tpu.memory_space<vmem>>, %arg17: memref<!tpu.dma_semaphore, #tpu.memory_space<semaphore_mem>>, %arg18: memref<!tpu.dma_semaphore, #tpu.memory_space<semaphore_mem>>, %arg19: memref<!tpu.dma_semaphore, #tpu.memory_space<semaphore_mem>>, %arg20: memref<!tpu.dma_semaphore, #tpu.memory_space<semaphore_mem>>, %arg21: memref<!tpu.dma_semaphore, #tpu.memory_space<semaphore_mem>>, %arg22: memref<!tpu.dma_semaphore, #tpu.memory_space<semaphore_mem>>, %arg23: memref<10240x128xf32, #tpu.memory_space<vmem_shared>>) attributes {dimension_semantics = [#tpu.dimension_semantics<core_parallel>, #tpu.dimension_semantics<subcore_parallel>], iteration_bounds = array<i64: 2, 16>, scalar_prefetch = 0 : i64, scratch_operands = 17 : i64, tpu.core_type = #tpu.core_type<sc_vector_subcore>, window_params = [{transform_indices = #map}, {transform_indices = #map1}, {transform_indices = #map1}, {transform_indices = #map}, {transform_indices = #map2}]} {
    %mul3A = arith.constant 16 : i32
    %mul3A_0 = arith.muli %arg0, %mul3A : i32
    %add3A = arith.addi %mul3A_0, %arg1 : i32
    %mul3A_1 = arith.constant 640 : i32
    %mul3A_2 = arith.muli %arg1, %mul3A_1 : i32
    "tpu.region"() ({
      %run_scoped3A = tpu.sem_alloc : memref<!tpu.dma_semaphore, #tpu.memory_space<semaphore_mem>>
      %dma_start3A_242 = arith.constant 0 : i32
      %dma_start3A_243 = tpu.memref_slice %arg23[%mul3A_2, %dma_start3A_242] : memref<10240x128xf32, #tpu.memory_space<vmem_shared>> -> memref<640x128xf32, #tpu.memory_space<vmem_shared>>
      tpu.enqueue_dma source(%arg5 : memref<640x128xf32, #tpu.memory_space<hbm>>) target(%dma_start3A_243 : memref<640x128xf32, #tpu.memory_space<vmem_shared>>) target_semaphore(%run_scoped3A : memref<!tpu.dma_semaphore, #tpu.memory_space<semaphore_mem>>)
      %dma_wait3A_244 = arith.constant 0 : i32
      %dma_wait3A_245 = tpu.memref_slice %arg23[%mul3A_2, %dma_wait3A_244] : memref<10240x128xf32, #tpu.memory_space<vmem_shared>> -> memref<640x128xf32, #tpu.memory_space<vmem_shared>>
      tpu.wait_dma2 semaphore(%run_scoped3A : memref<!tpu.dma_semaphore, #tpu.memory_space<semaphore_mem>>) src(%arg5 : memref<640x128xf32, #tpu.memory_space<hbm>>) dst(%dma_wait3A_245 : memref<640x128xf32, #tpu.memory_space<vmem_shared>>)
      tpu.yield
    }) : () -> ()
    %barrier3A = arith.constant 0 : index
    tpu.barrier barrier_id(%barrier3A)
    %add3A_3 = arith.constant 0 : i32
    %add3A_4 = arith.addi %add3A, %add3A_3 : i32
    %mul3A_5 = arith.constant 128 : i32
    %mul3A_6 = arith.muli %add3A_4, %mul3A_5 : i32
    %multiple_of3A = tpu.assume_multiple %mul3A_6, 128 : i32
    %dma_start3A = tpu.memref_slice %arg3[%multiple_of3A] : memref<320000xi32, #tpu.memory_space<hbm>> -> memref<128xi32, #tpu.memory_space<hbm>>
    %dma_start3A_7 = tpu.memref_slice %arg3[%multiple_of3A] : memref<320000xi32, #tpu.memory_space<hbm>> -> memref<128xi32, #tpu.memory_space<hbm>>
    tpu.enqueue_dma source(%dma_start3A_7 : memref<128xi32, #tpu.memory_space<hbm>>) target(%arg7 : memref<128xi32, #tpu.memory_space<vmem>>) target_semaphore(%arg17 : memref<!tpu.dma_semaphore, #tpu.memory_space<semaphore_mem>>)
    %dma_start3A_8 = tpu.memref_slice %arg4[%multiple_of3A] : memref<320000xi32, #tpu.memory_space<hbm>> -> memref<128xi32, #tpu.memory_space<hbm>>
    %dma_start3A_9 = tpu.memref_slice %arg4[%multiple_of3A] : memref<320000xi32, #tpu.memory_space<hbm>> -> memref<128xi32, #tpu.memory_space<hbm>>
    tpu.enqueue_dma source(%dma_start3A_9 : memref<128xi32, #tpu.memory_space<hbm>>) target(%arg11 : memref<128xi32, #tpu.memory_space<vmem>>) target_semaphore(%arg17 : memref<!tpu.dma_semaphore, #tpu.memory_space<semaphore_mem>>)
    %add3A_10 = arith.constant 32 : i32
    %add3A_11 = arith.addi %add3A, %add3A_10 : i32
    %mul3A_12 = arith.constant 128 : i32
    %mul3A_13 = arith.muli %add3A_11, %mul3A_12 : i32
    %multiple_of3A_14 = tpu.assume_multiple %mul3A_13, 128 : i32
    %dma_start3A_15 = tpu.memref_slice %arg3[%multiple_of3A_14] : memref<320000xi32, #tpu.memory_space<hbm>> -> memref<128xi32, #tpu.memory_space<hbm>>
    %dma_start3A_16 = tpu.memref_slice %arg3[%multiple_of3A_14] : memref<320000xi32, #tpu.memory_space<hbm>> -> memref<128xi32, #tpu.memory_space<hbm>>
    tpu.enqueue_dma source(%dma_start3A_16 : memref<128xi32, #tpu.memory_space<hbm>>) target(%arg8 : memref<128xi32, #tpu.memory_space<vmem>>) target_semaphore(%arg18 : memref<!tpu.dma_semaphore, #tpu.memory_space<semaphore_mem>>)
    %dma_start3A_17 = tpu.memref_slice %arg4[%multiple_of3A_14] : memref<320000xi32, #tpu.memory_space<hbm>> -> memref<128xi32, #tpu.memory_space<hbm>>
    %dma_start3A_18 = tpu.memref_slice %arg4[%multiple_of3A_14] : memref<320000xi32, #tpu.memory_space<hbm>> -> memref<128xi32, #tpu.memory_space<hbm>>
    tpu.enqueue_dma source(%dma_start3A_18 : memref<128xi32, #tpu.memory_space<hbm>>) target(%arg12 : memref<128xi32, #tpu.memory_space<vmem>>) target_semaphore(%arg18 : memref<!tpu.dma_semaphore, #tpu.memory_space<semaphore_mem>>)
    %add3A_19 = arith.constant 64 : i32
    %add3A_20 = arith.addi %add3A, %add3A_19 : i32
    %mul3A_21 = arith.constant 128 : i32
    %mul3A_22 = arith.muli %add3A_20, %mul3A_21 : i32
    %multiple_of3A_23 = tpu.assume_multiple %mul3A_22, 128 : i32
    %dma_start3A_24 = tpu.memref_slice %arg3[%multiple_of3A_23] : memref<320000xi32, #tpu.memory_space<hbm>> -> memref<128xi32, #tpu.memory_space<hbm>>
    %dma_start3A_25 = tpu.memref_slice %arg3[%multiple_of3A_23] : memref<320000xi32, #tpu.memory_space<hbm>> -> memref<128xi32, #tpu.memory_space<hbm>>
    tpu.enqueue_dma source(%dma_start3A_25 : memref<128xi32, #tpu.memory_space<hbm>>) target(%arg9 : memref<128xi32, #tpu.memory_space<vmem>>) target_semaphore(%arg19 : memref<!tpu.dma_semaphore, #tpu.memory_space<semaphore_mem>>)
    %dma_start3A_26 = tpu.memref_slice %arg4[%multiple_of3A_23] : memref<320000xi32, #tpu.memory_space<hbm>> -> memref<128xi32, #tpu.memory_space<hbm>>
    %dma_start3A_27 = tpu.memref_slice %arg4[%multiple_of3A_23] : memref<320000xi32, #tpu.memory_space<hbm>> -> memref<128xi32, #tpu.memory_space<hbm>>
    tpu.enqueue_dma source(%dma_start3A_27 : memref<128xi32, #tpu.memory_space<hbm>>) target(%arg13 : memref<128xi32, #tpu.memory_space<vmem>>) target_semaphore(%arg19 : memref<!tpu.dma_semaphore, #tpu.memory_space<semaphore_mem>>)
    %add3A_28 = arith.constant 96 : i32
    %add3A_29 = arith.addi %add3A, %add3A_28 : i32
    %mul3A_30 = arith.constant 128 : i32
    %mul3A_31 = arith.muli %add3A_29, %mul3A_30 : i32
    %multiple_of3A_32 = tpu.assume_multiple %mul3A_31, 128 : i32
    %dma_start3A_33 = tpu.memref_slice %arg3[%multiple_of3A_32] : memref<320000xi32, #tpu.memory_space<hbm>> -> memref<128xi32, #tpu.memory_space<hbm>>
    %dma_start3A_34 = tpu.memref_slice %arg3[%multiple_of3A_32] : memref<320000xi32, #tpu.memory_space<hbm>> -> memref<128xi32, #tpu.memory_space<hbm>>
    tpu.enqueue_dma source(%dma_start3A_34 : memref<128xi32, #tpu.memory_space<hbm>>) target(%arg10 : memref<128xi32, #tpu.memory_space<vmem>>) target_semaphore(%arg20 : memref<!tpu.dma_semaphore, #tpu.memory_space<semaphore_mem>>)
    %dma_start3A_35 = tpu.memref_slice %arg4[%multiple_of3A_32] : memref<320000xi32, #tpu.memory_space<hbm>> -> memref<128xi32, #tpu.memory_space<hbm>>
    %dma_start3A_36 = tpu.memref_slice %arg4[%multiple_of3A_32] : memref<320000xi32, #tpu.memory_space<hbm>> -> memref<128xi32, #tpu.memory_space<hbm>>
    tpu.enqueue_dma source(%dma_start3A_36 : memref<128xi32, #tpu.memory_space<hbm>>) target(%arg14 : memref<128xi32, #tpu.memory_space<vmem>>) target_semaphore(%arg20 : memref<!tpu.dma_semaphore, #tpu.memory_space<semaphore_mem>>)
    %dma_wait3A = arith.constant 0 : i32
    %dma_wait3A_37 = tpu.memref_slice %arg3[%dma_wait3A] : memref<320000xi32, #tpu.memory_space<hbm>> -> memref<128xi32, #tpu.memory_space<hbm>>
    %dma_wait3A_38 = arith.constant 0 : i32
    %dma_wait3A_39 = tpu.memref_slice %arg3[%dma_wait3A_38] : memref<320000xi32, #tpu.memory_space<hbm>> -> memref<128xi32, #tpu.memory_space<hbm>>
    tpu.wait_dma2 semaphore(%arg17 : memref<!tpu.dma_semaphore, #tpu.memory_space<semaphore_mem>>) src(%dma_wait3A_39 : memref<128xi32, #tpu.memory_space<hbm>>) dst(%arg7 : memref<128xi32, #tpu.memory_space<vmem>>)
    %dma_wait3A_40 = arith.constant 0 : i32
    %dma_wait3A_41 = tpu.memref_slice %arg3[%dma_wait3A_40] : memref<320000xi32, #tpu.memory_space<hbm>> -> memref<128xi32, #tpu.memory_space<hbm>>
    %dma_wait3A_42 = arith.constant 0 : i32
    %dma_wait3A_43 = tpu.memref_slice %arg3[%dma_wait3A_42] : memref<320000xi32, #tpu.memory_space<hbm>> -> memref<128xi32, #tpu.memory_space<hbm>>
    tpu.wait_dma2 semaphore(%arg17 : memref<!tpu.dma_semaphore, #tpu.memory_space<semaphore_mem>>) src(%dma_wait3A_43 : memref<128xi32, #tpu.memory_space<hbm>>) dst(%arg11 : memref<128xi32, #tpu.memory_space<vmem>>)
    %dma_start3A_44 = arith.constant 0 : i32
    %dma_start3A_45 = arith.constant 0 : i32
    %dma_start3A_46 = tpu.memref_slice %arg2[%dma_start3A_44, %dma_start3A_45] : memref<10240x128xf32, #tpu.memory_space<hbm>> -> memref<10240x128xf32, #tpu.memory_space<hbm>>
    tpu.enqueue_indirect_dma source(%dma_start3A_46 : memref<10240x128xf32, #tpu.memory_space<hbm>>) target(%arg15 : memref<128x128xf32, #tpu.memory_space<vmem>>) offsets(%arg7 : memref<128xi32, #tpu.memory_space<vmem>>) semaphore(%arg21 : memref<!tpu.dma_semaphore, #tpu.memory_space<semaphore_mem>>)
    %scan3A = arith.constant 0 : i32
    %scan3A_47 = arith.constant 0 : i32
    %scan3A_48 = arith.constant 17 : i32
    %scan3A_49 = arith.addi %scan3A_47, %scan3A_48 : i32
    %scan3A_50 = arith.constant 1 : i32
    scf.for %scan3A_242 = %scan3A_47 to %scan3A_49 step %scan3A_50  : i32 {
      %mul3A_243 = arith.constant 4 : i32
      %mul3A_244 = arith.muli %mul3A_243, %scan3A_242 : i32
      %add3A_245 = arith.constant 0 : i32
      %add3A_246 = arith.addi %mul3A_244, %add3A_245 : i32
      %dma_wait3A_247 = arith.constant 0 : i32
      %dma_wait3A_248 = tpu.memref_slice %arg3[%dma_wait3A_247] : memref<320000xi32, #tpu.memory_space<hbm>> -> memref<128xi32, #tpu.memory_space<hbm>>
      %dma_wait3A_249 = arith.constant 0 : i32
      %dma_wait3A_250 = tpu.memref_slice %arg3[%dma_wait3A_249] : memref<320000xi32, #tpu.memory_space<hbm>> -> memref<128xi32, #tpu.memory_space<hbm>>
      tpu.wait_dma2 semaphore(%arg18 : memref<!tpu.dma_semaphore, #tpu.memory_space<semaphore_mem>>) src(%dma_wait3A_250 : memref<128xi32, #tpu.memory_space<hbm>>) dst(%arg8 : memref<128xi32, #tpu.memory_space<vmem>>)
      %dma_wait3A_251 = arith.constant 0 : i32
      %dma_wait3A_252 = tpu.memref_slice %arg3[%dma_wait3A_251] : memref<320000xi32, #tpu.memory_space<hbm>> -> memref<128xi32, #tpu.memory_space<hbm>>
      %dma_wait3A_253 = arith.constant 0 : i32
      %dma_wait3A_254 = tpu.memref_slice %arg3[%dma_wait3A_253] : memref<320000xi32, #tpu.memory_space<hbm>> -> memref<128xi32, #tpu.memory_space<hbm>>
      tpu.wait_dma2 semaphore(%arg18 : memref<!tpu.dma_semaphore, #tpu.memory_space<semaphore_mem>>) src(%dma_wait3A_254 : memref<128xi32, #tpu.memory_space<hbm>>) dst(%arg12 : memref<128xi32, #tpu.memory_space<vmem>>)
      %dma_start3A_255 = arith.constant 0 : i32
      %dma_start3A_256 = arith.constant 0 : i32
      %dma_start3A_257 = tpu.memref_slice %arg2[%dma_start3A_255, %dma_start3A_256] : memref<10240x128xf32, #tpu.memory_space<hbm>> -> memref<10240x128xf32, #tpu.memory_space<hbm>>
      tpu.enqueue_indirect_dma source(%dma_start3A_257 : memref<10240x128xf32, #tpu.memory_space<hbm>>) target(%arg16 : memref<128x128xf32, #tpu.memory_space<vmem>>) offsets(%arg8 : memref<128xi32, #tpu.memory_space<vmem>>) semaphore(%arg22 : memref<!tpu.dma_semaphore, #tpu.memory_space<semaphore_mem>>)
      %dma_wait3A_258 = arith.constant 0 : i32
      %dma_wait3A_259 = arith.constant 0 : i32
      %dma_wait3A_260 = tpu.memref_slice %arg2[%dma_wait3A_258, %dma_wait3A_259] : memref<10240x128xf32, #tpu.memory_space<hbm>> -> memref<10240x128xf32, #tpu.memory_space<hbm>>
      tpu.wait_indirect_dma semaphore(%arg21 : memref<!tpu.dma_semaphore, #tpu.memory_space<semaphore_mem>>) src(%dma_wait3A_260 : memref<10240x128xf32, #tpu.memory_space<hbm>>) dst(%arg15 : memref<128x128xf32, #tpu.memory_space<vmem>>)
      "tpu.region"() ({
        %run_scoped3A = tpu.sem_alloc : memref<!tpu.dma_semaphore, #tpu.memory_space<semaphore_mem>>
        %dma_start3A_363 = arith.constant 0 : i32
        %dma_start3A_364 = arith.constant 0 : i32
        %dma_start3A_365 = tpu.memref_slice %arg23[%dma_start3A_363, %dma_start3A_364] : memref<10240x128xf32, #tpu.memory_space<vmem_shared>> -> memref<10240x128xf32, #tpu.memory_space<vmem_shared>>
        tpu.enqueue_indirect_dma source(%arg15 : memref<128x128xf32, #tpu.memory_space<vmem>>) target(%dma_start3A_365 : memref<10240x128xf32, #tpu.memory_space<vmem_shared>>) offsets(%arg11 : memref<128xi32, #tpu.memory_space<vmem>>) semaphore(%run_scoped3A : memref<!tpu.dma_semaphore, #tpu.memory_space<semaphore_mem>>) {add = true}
        %dma_wait3A_366 = arith.constant 0 : i32
        %dma_wait3A_367 = arith.constant 0 : i32
        %dma_wait3A_368 = tpu.memref_slice %arg23[%dma_wait3A_366, %dma_wait3A_367] : memref<10240x128xf32, #tpu.memory_space<vmem_shared>> -> memref<10240x128xf32, #tpu.memory_space<vmem_shared>>
        tpu.wait_indirect_dma semaphore(%run_scoped3A : memref<!tpu.dma_semaphore, #tpu.memory_space<semaphore_mem>>) src(%arg15 : memref<128x128xf32, #tpu.memory_space<vmem>>) dst(%dma_wait3A_368 : memref<10240x128xf32, #tpu.memory_space<vmem_shared>>)
        tpu.yield
      }) : () -> ()
      %add3A_261 = arith.constant 4 : i32
      %add3A_262 = arith.addi %add3A_246, %add3A_261 : i32
      %mul3A_263 = arith.constant 32 : i32
      %mul3A_264 = arith.muli %mul3A_263, %add3A_262 : i32
      %add3A_265 = arith.addi %add3A, %mul3A_264 : i32
      %mul3A_266 = arith.constant 128 : i32
      %mul3A_267 = arith.muli %add3A_265, %mul3A_266 : i32
      %multiple_of3A_268 = tpu.assume_multiple %mul3A_267, 128 : i32
      %dma_start3A_269 = tpu.memref_slice %arg3[%multiple_of3A_268] : memref<320000xi32, #tpu.memory_space<hbm>> -> memref<128xi32, #tpu.memory_space<hbm>>
      %dma_start3A_270 = tpu.memref_slice %arg3[%multiple_of3A_268] : memref<320000xi32, #tpu.memory_space<hbm>> -> memref<128xi32, #tpu.memory_space<hbm>>
      tpu.enqueue_dma source(%dma_start3A_270 : memref<128xi32, #tpu.memory_space<hbm>>) target(%arg7 : memref<128xi32, #tpu.memory_space<vmem>>) target_semaphore(%arg17 : memref<!tpu.dma_semaphore, #tpu.memory_space<semaphore_mem>>)
      %dma_start3A_271 = tpu.memref_slice %arg4[%multiple_of3A_268] : memref<320000xi32, #tpu.memory_space<hbm>> -> memref<128xi32, #tpu.memory_space<hbm>>
      %dma_start3A_272 = tpu.memref_slice %arg4[%multiple_of3A_268] : memref<320000xi32, #tpu.memory_space<hbm>> -> memref<128xi32, #tpu.memory_space<hbm>>
      tpu.enqueue_dma source(%dma_start3A_272 : memref<128xi32, #tpu.memory_space<hbm>>) target(%arg11 : memref<128xi32, #tpu.memory_space<vmem>>) target_semaphore(%arg17 : memref<!tpu.dma_semaphore, #tpu.memory_space<semaphore_mem>>)
      %mul3A_273 = arith.constant 4 : i32
      %mul3A_274 = arith.muli %mul3A_273, %scan3A_242 : i32
      %add3A_275 = arith.constant 1 : i32
      %add3A_276 = arith.addi %mul3A_274, %add3A_275 : i32
      %dma_wait3A_277 = arith.constant 0 : i32
      %dma_wait3A_278 = tpu.memref_slice %arg3[%dma_wait3A_277] : memref<320000xi32, #tpu.memory_space<hbm>> -> memref<128xi32, #tpu.memory_space<hbm>>
      %dma_wait3A_279 = arith.constant 0 : i32
      %dma_wait3A_280 = tpu.memref_slice %arg3[%dma_wait3A_279] : memref<320000xi32, #tpu.memory_space<hbm>> -> memref<128xi32, #tpu.memory_space<hbm>>
      tpu.wait_dma2 semaphore(%arg19 : memref<!tpu.dma_semaphore, #tpu.memory_space<semaphore_mem>>) src(%dma_wait3A_280 : memref<128xi32, #tpu.memory_space<hbm>>) dst(%arg9 : memref<128xi32, #tpu.memory_space<vmem>>)
      %dma_wait3A_281 = arith.constant 0 : i32
      %dma_wait3A_282 = tpu.memref_slice %arg3[%dma_wait3A_281] : memref<320000xi32, #tpu.memory_space<hbm>> -> memref<128xi32, #tpu.memory_space<hbm>>
      %dma_wait3A_283 = arith.constant 0 : i32
      %dma_wait3A_284 = tpu.memref_slice %arg3[%dma_wait3A_283] : memref<320000xi32, #tpu.memory_space<hbm>> -> memref<128xi32, #tpu.memory_space<hbm>>
      tpu.wait_dma2 semaphore(%arg19 : memref<!tpu.dma_semaphore, #tpu.memory_space<semaphore_mem>>) src(%dma_wait3A_284 : memref<128xi32, #tpu.memory_space<hbm>>) dst(%arg13 : memref<128xi32, #tpu.memory_space<vmem>>)
      %dma_start3A_285 = arith.constant 0 : i32
      %dma_start3A_286 = arith.constant 0 : i32
      %dma_start3A_287 = tpu.memref_slice %arg2[%dma_start3A_285, %dma_start3A_286] : memref<10240x128xf32, #tpu.memory_space<hbm>> -> memref<10240x128xf32, #tpu.memory_space<hbm>>
      tpu.enqueue_indirect_dma source(%dma_start3A_287 : memref<10240x128xf32, #tpu.memory_space<hbm>>) target(%arg15 : memref<128x128xf32, #tpu.memory_space<vmem>>) offsets(%arg9 : memref<128xi32, #tpu.memory_space<vmem>>) semaphore(%arg21 : memref<!tpu.dma_semaphore, #tpu.memory_space<semaphore_mem>>)
      %dma_wait3A_288 = arith.constant 0 : i32
      %dma_wait3A_289 = arith.constant 0 : i32
      %dma_wait3A_290 = tpu.memref_slice %arg2[%dma_wait3A_288, %dma_wait3A_289] : memref<10240x128xf32, #tpu.memory_space<hbm>> -> memref<10240x128xf32, #tpu.memory_space<hbm>>
      tpu.wait_indirect_dma semaphore(%arg22 : memref<!tpu.dma_semaphore, #tpu.memory_space<semaphore_mem>>) src(%dma_wait3A_290 : memref<10240x128xf32, #tpu.memory_space<hbm>>) dst(%arg16 : memref<128x128xf32, #tpu.memory_space<vmem>>)
      "tpu.region"() ({
        %run_scoped3A = tpu.sem_alloc : memref<!tpu.dma_semaphore, #tpu.memory_space<semaphore_mem>>
        %dma_start3A_363 = arith.constant 0 : i32
        %dma_start3A_364 = arith.constant 0 : i32
        %dma_start3A_365 = tpu.memref_slice %arg23[%dma_start3A_363, %dma_start3A_364] : memref<10240x128xf32, #tpu.memory_space<vmem_shared>> -> memref<10240x128xf32, #tpu.memory_space<vmem_shared>>
        tpu.enqueue_indirect_dma source(%arg16 : memref<128x128xf32, #tpu.memory_space<vmem>>) target(%dma_start3A_365 : memref<10240x128xf32, #tpu.memory_space<vmem_shared>>) offsets(%arg12 : memref<128xi32, #tpu.memory_space<vmem>>) semaphore(%run_scoped3A : memref<!tpu.dma_semaphore, #tpu.memory_space<semaphore_mem>>) {add = true}
        %dma_wait3A_366 = arith.constant 0 : i32
        %dma_wait3A_367 = arith.constant 0 : i32
        %dma_wait3A_368 = tpu.memref_slice %arg23[%dma_wait3A_366, %dma_wait3A_367] : memref<10240x128xf32, #tpu.memory_space<vmem_shared>> -> memref<10240x128xf32, #tpu.memory_space<vmem_shared>>
        tpu.wait_indirect_dma semaphore(%run_scoped3A : memref<!tpu.dma_semaphore, #tpu.memory_space<semaphore_mem>>) src(%arg16 : memref<128x128xf32, #tpu.memory_space<vmem>>) dst(%dma_wait3A_368 : memref<10240x128xf32, #tpu.memory_space<vmem_shared>>)
        tpu.yield
      }) : () -> ()
      %add3A_291 = arith.constant 4 : i32
      %add3A_292 = arith.addi %add3A_276, %add3A_291 : i32
      %mul3A_293 = arith.constant 32 : i32
      %mul3A_294 = arith.muli %mul3A_293, %add3A_292 : i32
      %add3A_295 = arith.addi %add3A, %mul3A_294 : i32
      %mul3A_296 = arith.constant 128 : i32
      %mul3A_297 = arith.muli %add3A_295, %mul3A_296 : i32
      %multiple_of3A_298 = tpu.assume_multiple %mul3A_297, 128 : i32
      %dma_start3A_299 = tpu.memref_slice %arg3[%multiple_of3A_298] : memref<320000xi32, #tpu.memory_space<hbm>> -> memref<128xi32, #tpu.memory_space<hbm>>
      %dma_start3A_300 = tpu.memref_slice %arg3[%multiple_of3A_298] : memref<320000xi32, #tpu.memory_space<hbm>> -> memref<128xi32, #tpu.memory_space<hbm>>
      tpu.enqueue_dma source(%dma_start3A_300 : memref<128xi32, #tpu.memory_space<hbm>>) target(%arg8 : memref<128xi32, #tpu.memory_space<vmem>>) target_semaphore(%arg18 : memref<!tpu.dma_semaphore, #tpu.memory_space<semaphore_mem>>)
      %dma_start3A_301 = tpu.memref_slice %arg4[%multiple_of3A_298] : memref<320000xi32, #tpu.memory_space<hbm>> -> memref<128xi32, #tpu.memory_space<hbm>>
      %dma_start3A_302 = tpu.memref_slice %arg4[%multiple_of3A_298] : memref<320000xi32, #tpu.memory_space<hbm>> -> memref<128xi32, #tpu.memory_space<hbm>>
      tpu.enqueue_dma source(%dma_start3A_302 : memref<128xi32, #tpu.memory_space<hbm>>) target(%arg12 : memref<128xi32, #tpu.memory_space<vmem>>) target_semaphore(%arg18 : memref<!tpu.dma_semaphore, #tpu.memory_space<semaphore_mem>>)
      %mul3A_303 = arith.constant 4 : i32
      %mul3A_304 = arith.muli %mul3A_303, %scan3A_242 : i32
      %add3A_305 = arith.constant 2 : i32
      %add3A_306 = arith.addi %mul3A_304, %add3A_305 : i32
      %dma_wait3A_307 = arith.constant 0 : i32
      %dma_wait3A_308 = tpu.memref_slice %arg3[%dma_wait3A_307] : memref<320000xi32, #tpu.memory_space<hbm>> -> memref<128xi32, #tpu.memory_space<hbm>>
      %dma_wait3A_309 = arith.constant 0 : i32
      %dma_wait3A_310 = tpu.memref_slice %arg3[%dma_wait3A_309] : memref<320000xi32, #tpu.memory_space<hbm>> -> memref<128xi32, #tpu.memory_space<hbm>>
      tpu.wait_dma2 semaphore(%arg20 : memref<!tpu.dma_semaphore, #tpu.memory_space<semaphore_mem>>) src(%dma_wait3A_310 : memref<128xi32, #tpu.memory_space<hbm>>) dst(%arg10 : memref<128xi32, #tpu.memory_space<vmem>>)
      %dma_wait3A_311 = arith.constant 0 : i32
      %dma_wait3A_312 = tpu.memref_slice %arg3[%dma_wait3A_311] : memref<320000xi32, #tpu.memory_space<hbm>> -> memref<128xi32, #tpu.memory_space<hbm>>
      %dma_wait3A_313 = arith.constant 0 : i32
      %dma_wait3A_314 = tpu.memref_slice %arg3[%dma_wait3A_313] : memref<320000xi32, #tpu.memory_space<hbm>> -> memref<128xi32, #tpu.memory_space<hbm>>
      tpu.wait_dma2 semaphore(%arg20 : memref<!tpu.dma_semaphore, #tpu.memory_space<semaphore_mem>>) src(%dma_wait3A_314 : memref<128xi32, #tpu.memory_space<hbm>>) dst(%arg14 : memref<128xi32, #tpu.memory_space<vmem>>)
      %dma_start3A_315 = arith.constant 0 : i32
      %dma_start3A_316 = arith.constant 0 : i32
      %dma_start3A_317 = tpu.memref_slice %arg2[%dma_start3A_315, %dma_start3A_316] : memref<10240x128xf32, #tpu.memory_space<hbm>> -> memref<10240x128xf32, #tpu.memory_space<hbm>>
      tpu.enqueue_indirect_dma source(%dma_start3A_317 : memref<10240x128xf32, #tpu.memory_space<hbm>>) target(%arg16 : memref<128x128xf32, #tpu.memory_space<vmem>>) offsets(%arg10 : memref<128xi32, #tpu.memory_space<vmem>>) semaphore(%arg22 : memref<!tpu.dma_semaphore, #tpu.memory_space<semaphore_mem>>)
      %dma_wait3A_318 = arith.constant 0 : i32
      %dma_wait3A_319 = arith.constant 0 : i32
      %dma_wait3A_320 = tpu.memref_slice %arg2[%dma_wait3A_318, %dma_wait3A_319] : memref<10240x128xf32, #tpu.memory_space<hbm>> -> memref<10240x128xf32, #tpu.memory_space<hbm>>
      tpu.wait_indirect_dma semaphore(%arg21 : memref<!tpu.dma_semaphore, #tpu.memory_space<semaphore_mem>>) src(%dma_wait3A_320 : memref<10240x128xf32, #tpu.memory_space<hbm>>) dst(%arg15 : memref<128x128xf32, #tpu.memory_space<vmem>>)
      "tpu.region"() ({
        %run_scoped3A = tpu.sem_alloc : memref<!tpu.dma_semaphore, #tpu.memory_space<semaphore_mem>>
        %dma_start3A_363 = arith.constant 0 : i32
        %dma_start3A_364 = arith.constant 0 : i32
        %dma_start3A_365 = tpu.memref_slice %arg23[%dma_start3A_363, %dma_start3A_364] : memref<10240x128xf32, #tpu.memory_space<vmem_shared>> -> memref<10240x128xf32, #tpu.memory_space<vmem_shared>>
        tpu.enqueue_indirect_dma source(%arg15 : memref<128x128xf32, #tpu.memory_space<vmem>>) target(%dma_start3A_365 : memref<10240x128xf32, #tpu.memory_space<vmem_shared>>) offsets(%arg13 : memref<128xi32, #tpu.memory_space<vmem>>) semaphore(%run_scoped3A : memref<!tpu.dma_semaphore, #tpu.memory_space<semaphore_mem>>) {add = true}
        %dma_wait3A_366 = arith.constant 0 : i32
        %dma_wait3A_367 = arith.constant 0 : i32
        %dma_wait3A_368 = tpu.memref_slice %arg23[%dma_wait3A_366, %dma_wait3A_367] : memref<10240x128xf32, #tpu.memory_space<vmem_shared>> -> memref<10240x128xf32, #tpu.memory_space<vmem_shared>>
        tpu.wait_indirect_dma semaphore(%run_scoped3A : memref<!tpu.dma_semaphore, #tpu.memory_space<semaphore_mem>>) src(%arg15 : memref<128x128xf32, #tpu.memory_space<vmem>>) dst(%dma_wait3A_368 : memref<10240x128xf32, #tpu.memory_space<vmem_shared>>)
        tpu.yield
      }) : () -> ()
      %add3A_321 = arith.constant 4 : i32
      %add3A_322 = arith.addi %add3A_306, %add3A_321 : i32
      %mul3A_323 = arith.constant 32 : i32
      %mul3A_324 = arith.muli %mul3A_323, %add3A_322 : i32
      %add3A_325 = arith.addi %add3A, %mul3A_324 : i32
      %mul3A_326 = arith.constant 128 : i32
      %mul3A_327 = arith.muli %add3A_325, %mul3A_326 : i32
      %multiple_of3A_328 = tpu.assume_multiple %mul3A_327, 128 : i32
      %dma_start3A_329 = tpu.memref_slice %arg3[%multiple_of3A_328] : memref<320000xi32, #tpu.memory_space<hbm>> -> memref<128xi32, #tpu.memory_space<hbm>>
      %dma_start3A_330 = tpu.memref_slice %arg3[%multiple_of3A_328] : memref<320000xi32, #tpu.memory_space<hbm>> -> memref<128xi32, #tpu.memory_space<hbm>>
      tpu.enqueue_dma source(%dma_start3A_330 : memref<128xi32, #tpu.memory_space<hbm>>) target(%arg9 : memref<128xi32, #tpu.memory_space<vmem>>) target_semaphore(%arg19 : memref<!tpu.dma_semaphore, #tpu.memory_space<semaphore_mem>>)
      %dma_start3A_331 = tpu.memref_slice %arg4[%multiple_of3A_328] : memref<320000xi32, #tpu.memory_space<hbm>> -> memref<128xi32, #tpu.memory_space<hbm>>
      %dma_start3A_332 = tpu.memref_slice %arg4[%multiple_of3A_328] : memref<320000xi32, #tpu.memory_space<hbm>> -> memref<128xi32, #tpu.memory_space<hbm>>
      tpu.enqueue_dma source(%dma_start3A_332 : memref<128xi32, #tpu.memory_space<hbm>>) target(%arg13 : memref<128xi32, #tpu.memory_space<vmem>>) target_semaphore(%arg19 : memref<!tpu.dma_semaphore, #tpu.memory_space<semaphore_mem>>)
      %mul3A_333 = arith.constant 4 : i32
      %mul3A_334 = arith.muli %mul3A_333, %scan3A_242 : i32
      %add3A_335 = arith.constant 3 : i32
      %add3A_336 = arith.addi %mul3A_334, %add3A_335 : i32
      %dma_wait3A_337 = arith.constant 0 : i32
      %dma_wait3A_338 = tpu.memref_slice %arg3[%dma_wait3A_337] : memref<320000xi32, #tpu.memory_space<hbm>> -> memref<128xi32, #tpu.memory_space<hbm>>
      %dma_wait3A_339 = arith.constant 0 : i32
      %dma_wait3A_340 = tpu.memref_slice %arg3[%dma_wait3A_339] : memref<320000xi32, #tpu.memory_space<hbm>> -> memref<128xi32, #tpu.memory_space<hbm>>
      tpu.wait_dma2 semaphore(%arg17 : memref<!tpu.dma_semaphore, #tpu.memory_space<semaphore_mem>>) src(%dma_wait3A_340 : memref<128xi32, #tpu.memory_space<hbm>>) dst(%arg7 : memref<128xi32, #tpu.memory_space<vmem>>)
      %dma_wait3A_341 = arith.constant 0 : i32
      %dma_wait3A_342 = tpu.memref_slice %arg3[%dma_wait3A_341] : memref<320000xi32, #tpu.memory_space<hbm>> -> memref<128xi32, #tpu.memory_space<hbm>>
      %dma_wait3A_343 = arith.constant 0 : i32
      %dma_wait3A_344 = tpu.memref_slice %arg3[%dma_wait3A_343] : memref<320000xi32, #tpu.memory_space<hbm>> -> memref<128xi32, #tpu.memory_space<hbm>>
      tpu.wait_dma2 semaphore(%arg17 : memref<!tpu.dma_semaphore, #tpu.memory_space<semaphore_mem>>) src(%dma_wait3A_344 : memref<128xi32, #tpu.memory_space<hbm>>) dst(%arg11 : memref<128xi32, #tpu.memory_space<vmem>>)
      %dma_start3A_345 = arith.constant 0 : i32
      %dma_start3A_346 = arith.constant 0 : i32
      %dma_start3A_347 = tpu.memref_slice %arg2[%dma_start3A_345, %dma_start3A_346] : memref<10240x128xf32, #tpu.memory_space<hbm>> -> memref<10240x128xf32, #tpu.memory_space<hbm>>
      tpu.enqueue_indirect_dma source(%dma_start3A_347 : memref<10240x128xf32, #tpu.memory_space<hbm>>) target(%arg15 : memref<128x128xf32, #tpu.memory_space<vmem>>) offsets(%arg7 : memref<128xi32, #tpu.memory_space<vmem>>) semaphore(%arg21 : memref<!tpu.dma_semaphore, #tpu.memory_space<semaphore_mem>>)
      %dma_wait3A_348 = arith.constant 0 : i32
      %dma_wait3A_349 = arith.constant 0 : i32
      %dma_wait3A_350 = tpu.memref_slice %arg2[%dma_wait3A_348, %dma_wait3A_349] : memref<10240x128xf32, #tpu.memory_space<hbm>> -> memref<10240x128xf32, #tpu.memory_space<hbm>>
      tpu.wait_indirect_dma semaphore(%arg22 : memref<!tpu.dma_semaphore, #tpu.memory_space<semaphore_mem>>) src(%dma_wait3A_350 : memref<10240x128xf32, #tpu.memory_space<hbm>>) dst(%arg16 : memref<128x128xf32, #tpu.memory_space<vmem>>)
      "tpu.region"() ({
        %run_scoped3A = tpu.sem_alloc : memref<!tpu.dma_semaphore, #tpu.memory_space<semaphore_mem>>
        %dma_start3A_363 = arith.constant 0 : i32
        %dma_start3A_364 = arith.constant 0 : i32
        %dma_start3A_365 = tpu.memref_slice %arg23[%dma_start3A_363, %dma_start3A_364] : memref<10240x128xf32, #tpu.memory_space<vmem_shared>> -> memref<10240x128xf32, #tpu.memory_space<vmem_shared>>
        tpu.enqueue_indirect_dma source(%arg16 : memref<128x128xf32, #tpu.memory_space<vmem>>) target(%dma_start3A_365 : memref<10240x128xf32, #tpu.memory_space<vmem_shared>>) offsets(%arg14 : memref<128xi32, #tpu.memory_space<vmem>>) semaphore(%run_scoped3A : memref<!tpu.dma_semaphore, #tpu.memory_space<semaphore_mem>>) {add = true}
        %dma_wait3A_366 = arith.constant 0 : i32
        %dma_wait3A_367 = arith.constant 0 : i32
        %dma_wait3A_368 = tpu.memref_slice %arg23[%dma_wait3A_366, %dma_wait3A_367] : memref<10240x128xf32, #tpu.memory_space<vmem_shared>> -> memref<10240x128xf32, #tpu.memory_space<vmem_shared>>
        tpu.wait_indirect_dma semaphore(%run_scoped3A : memref<!tpu.dma_semaphore, #tpu.memory_space<semaphore_mem>>) src(%arg16 : memref<128x128xf32, #tpu.memory_space<vmem>>) dst(%dma_wait3A_368 : memref<10240x128xf32, #tpu.memory_space<vmem_shared>>)
        tpu.yield
      }) : () -> ()
      %add3A_351 = arith.constant 4 : i32
      %add3A_352 = arith.addi %add3A_336, %add3A_351 : i32
      %mul3A_353 = arith.constant 32 : i32
      %mul3A_354 = arith.muli %mul3A_353, %add3A_352 : i32
      %add3A_355 = arith.addi %add3A, %mul3A_354 : i32
      %mul3A_356 = arith.constant 128 : i32
      %mul3A_357 = arith.muli %add3A_355, %mul3A_356 : i32
      %multiple_of3A_358 = tpu.assume_multiple %mul3A_357, 128 : i32
      %dma_start3A_359 = tpu.memref_slice %arg3[%multiple_of3A_358] : memref<320000xi32, #tpu.memory_space<hbm>> -> memref<128xi32, #tpu.memory_space<hbm>>
      %dma_start3A_360 = tpu.memref_slice %arg3[%multiple_of3A_358] : memref<320000xi32, #tpu.memory_space<hbm>> -> memref<128xi32, #tpu.memory_space<hbm>>
      tpu.enqueue_dma source(%dma_start3A_360 : memref<128xi32, #tpu.memory_space<hbm>>) target(%arg10 : memref<128xi32, #tpu.memory_space<vmem>>) target_semaphore(%arg20 : memref<!tpu.dma_semaphore, #tpu.memory_space<semaphore_mem>>)
      %dma_start3A_361 = tpu.memref_slice %arg4[%multiple_of3A_358] : memref<320000xi32, #tpu.memory_space<hbm>> -> memref<128xi32, #tpu.memory_space<hbm>>
      %dma_start3A_362 = tpu.memref_slice %arg4[%multiple_of3A_358] : memref<320000xi32, #tpu.memory_space<hbm>> -> memref<128xi32, #tpu.memory_space<hbm>>
      tpu.enqueue_dma source(%dma_start3A_362 : memref<128xi32, #tpu.memory_space<hbm>>) target(%arg14 : memref<128xi32, #tpu.memory_space<vmem>>) target_semaphore(%arg20 : memref<!tpu.dma_semaphore, #tpu.memory_space<semaphore_mem>>)
    }
    %scan3A_51 = arith.constant 17 : i32
    %dma_wait3A_52 = arith.constant 0 : i32
    %dma_wait3A_53 = tpu.memref_slice %arg3[%dma_wait3A_52] : memref<320000xi32, #tpu.memory_space<hbm>> -> memref<128xi32, #tpu.memory_space<hbm>>
    %dma_wait3A_54 = arith.constant 0 : i32
    %dma_wait3A_55 = tpu.memref_slice %arg3[%dma_wait3A_54] : memref<320000xi32, #tpu.memory_space<hbm>> -> memref<128xi32, #tpu.memory_space<hbm>>
    tpu.wait_dma2 semaphore(%arg18 : memref<!tpu.dma_semaphore, #tpu.memory_space<semaphore_mem>>) src(%dma_wait3A_55 : memref<128xi32, #tpu.memory_space<hbm>>) dst(%arg8 : memref<128xi32, #tpu.memory_space<vmem>>)
    %dma_wait3A_56 = arith.constant 0 : i32
    %dma_wait3A_57 = tpu.memref_slice %arg3[%dma_wait3A_56] : memref<320000xi32, #tpu.memory_space<hbm>> -> memref<128xi32, #tpu.memory_space<hbm>>
    %dma_wait3A_58 = arith.constant 0 : i32
    %dma_wait3A_59 = tpu.memref_slice %arg3[%dma_wait3A_58] : memref<320000xi32, #tpu.memory_space<hbm>> -> memref<128xi32, #tpu.memory_space<hbm>>
    tpu.wait_dma2 semaphore(%arg18 : memref<!tpu.dma_semaphore, #tpu.memory_space<semaphore_mem>>) src(%dma_wait3A_59 : memref<128xi32, #tpu.memory_space<hbm>>) dst(%arg12 : memref<128xi32, #tpu.memory_space<vmem>>)
    %dma_start3A_60 = arith.constant 0 : i32
    %dma_start3A_61 = arith.constant 0 : i32
    %dma_start3A_62 = tpu.memref_slice %arg2[%dma_start3A_60, %dma_start3A_61] : memref<10240x128xf32, #tpu.memory_space<hbm>> -> memref<10240x128xf32, #tpu.memory_space<hbm>>
    tpu.enqueue_indirect_dma source(%dma_start3A_62 : memref<10240x128xf32, #tpu.memory_space<hbm>>) target(%arg16 : memref<128x128xf32, #tpu.memory_space<vmem>>) offsets(%arg8 : memref<128xi32, #tpu.memory_space<vmem>>) semaphore(%arg22 : memref<!tpu.dma_semaphore, #tpu.memory_space<semaphore_mem>>)
    %dma_wait3A_63 = arith.constant 0 : i32
    %dma_wait3A_64 = arith.constant 0 : i32
    %dma_wait3A_65 = tpu.memref_slice %arg2[%dma_wait3A_63, %dma_wait3A_64] : memref<10240x128xf32, #tpu.memory_space<hbm>> -> memref<10240x128xf32, #tpu.memory_space<hbm>>
    tpu.wait_indirect_dma semaphore(%arg21 : memref<!tpu.dma_semaphore, #tpu.memory_space<semaphore_mem>>) src(%dma_wait3A_65 : memref<10240x128xf32, #tpu.memory_space<hbm>>) dst(%arg15 : memref<128x128xf32, #tpu.memory_space<vmem>>)
    "tpu.region"() ({
      %run_scoped3A = tpu.sem_alloc : memref<!tpu.dma_semaphore, #tpu.memory_space<semaphore_mem>>
      %dma_start3A_242 = arith.constant 0 : i32
      %dma_start3A_243 = arith.constant 0 : i32
      %dma_start3A_244 = tpu.memref_slice %arg23[%dma_start3A_242, %dma_start3A_243] : memref<10240x128xf32, #tpu.memory_space<vmem_shared>> -> memref<10240x128xf32, #tpu.memory_space<vmem_shared>>
      tpu.enqueue_indirect_dma source(%arg15 : memref<128x128xf32, #tpu.memory_space<vmem>>) target(%dma_start3A_244 : memref<10240x128xf32, #tpu.memory_space<vmem_shared>>) offsets(%arg11 : memref<128xi32, #tpu.memory_space<vmem>>) semaphore(%run_scoped3A : memref<!tpu.dma_semaphore, #tpu.memory_space<semaphore_mem>>) {add = true}
      %dma_wait3A_245 = arith.constant 0 : i32
      %dma_wait3A_246 = arith.constant 0 : i32
      %dma_wait3A_247 = tpu.memref_slice %arg23[%dma_wait3A_245, %dma_wait3A_246] : memref<10240x128xf32, #tpu.memory_space<vmem_shared>> -> memref<10240x128xf32, #tpu.memory_space<vmem_shared>>
      tpu.wait_indirect_dma semaphore(%run_scoped3A : memref<!tpu.dma_semaphore, #tpu.memory_space<semaphore_mem>>) src(%arg15 : memref<128x128xf32, #tpu.memory_space<vmem>>) dst(%dma_wait3A_247 : memref<10240x128xf32, #tpu.memory_space<vmem_shared>>)
      tpu.yield
    }) : () -> ()
    %add3A_66 = arith.constant 2304 : i32
    %add3A_67 = arith.addi %add3A, %add3A_66 : i32
    %mul3A_68 = arith.constant 128 : i32
    %mul3A_69 = arith.muli %add3A_67, %mul3A_68 : i32
    %multiple_of3A_70 = tpu.assume_multiple %mul3A_69, 128 : i32
    %dma_start3A_71 = tpu.memref_slice %arg3[%multiple_of3A_70] : memref<320000xi32, #tpu.memory_space<hbm>> -> memref<128xi32, #tpu.memory_space<hbm>>
    %dma_start3A_72 = tpu.memref_slice %arg3[%multiple_of3A_70] : memref<320000xi32, #tpu.memory_space<hbm>> -> memref<128xi32, #tpu.memory_space<hbm>>
    tpu.enqueue_dma source(%dma_start3A_72 : memref<128xi32, #tpu.memory_space<hbm>>) target(%arg7 : memref<128xi32, #tpu.memory_space<vmem>>) target_semaphore(%arg17 : memref<!tpu.dma_semaphore, #tpu.memory_space<semaphore_mem>>)
    %dma_start3A_73 = tpu.memref_slice %arg4[%multiple_of3A_70] : memref<320000xi32, #tpu.memory_space<hbm>> -> memref<128xi32, #tpu.memory_space<hbm>>
    %dma_start3A_74 = tpu.memref_slice %arg4[%multiple_of3A_70] : memref<320000xi32, #tpu.memory_space<hbm>> -> memref<128xi32, #tpu.memory_space<hbm>>
    tpu.enqueue_dma source(%dma_start3A_74 : memref<128xi32, #tpu.memory_space<hbm>>) target(%arg11 : memref<128xi32, #tpu.memory_space<vmem>>) target_semaphore(%arg17 : memref<!tpu.dma_semaphore, #tpu.memory_space<semaphore_mem>>)
    %dma_wait3A_75 = arith.constant 0 : i32
    %dma_wait3A_76 = tpu.memref_slice %arg3[%dma_wait3A_75] : memref<320000xi32, #tpu.memory_space<hbm>> -> memref<128xi32, #tpu.memory_space<hbm>>
    %dma_wait3A_77 = arith.constant 0 : i32
    %dma_wait3A_78 = tpu.memref_slice %arg3[%dma_wait3A_77] : memref<320000xi32, #tpu.memory_space<hbm>> -> memref<128xi32, #tpu.memory_space<hbm>>
    tpu.wait_dma2 semaphore(%arg19 : memref<!tpu.dma_semaphore, #tpu.memory_space<semaphore_mem>>) src(%dma_wait3A_78 : memref<128xi32, #tpu.memory_space<hbm>>) dst(%arg9 : memref<128xi32, #tpu.memory_space<vmem>>)
    %dma_wait3A_79 = arith.constant 0 : i32
    %dma_wait3A_80 = tpu.memref_slice %arg3[%dma_wait3A_79] : memref<320000xi32, #tpu.memory_space<hbm>> -> memref<128xi32, #tpu.memory_space<hbm>>
    %dma_wait3A_81 = arith.constant 0 : i32
    %dma_wait3A_82 = tpu.memref_slice %arg3[%dma_wait3A_81] : memref<320000xi32, #tpu.memory_space<hbm>> -> memref<128xi32, #tpu.memory_space<hbm>>
    tpu.wait_dma2 semaphore(%arg19 : memref<!tpu.dma_semaphore, #tpu.memory_space<semaphore_mem>>) src(%dma_wait3A_82 : memref<128xi32, #tpu.memory_space<hbm>>) dst(%arg13 : memref<128xi32, #tpu.memory_space<vmem>>)
    %dma_start3A_83 = arith.constant 0 : i32
    %dma_start3A_84 = arith.constant 0 : i32
    %dma_start3A_85 = tpu.memref_slice %arg2[%dma_start3A_83, %dma_start3A_84] : memref<10240x128xf32, #tpu.memory_space<hbm>> -> memref<10240x128xf32, #tpu.memory_space<hbm>>
    tpu.enqueue_indirect_dma source(%dma_start3A_85 : memref<10240x128xf32, #tpu.memory_space<hbm>>) target(%arg15 : memref<128x128xf32, #tpu.memory_space<vmem>>) offsets(%arg9 : memref<128xi32, #tpu.memory_space<vmem>>) semaphore(%arg21 : memref<!tpu.dma_semaphore, #tpu.memory_space<semaphore_mem>>)
    %dma_wait3A_86 = arith.constant 0 : i32
    %dma_wait3A_87 = arith.constant 0 : i32
    %dma_wait3A_88 = tpu.memref_slice %arg2[%dma_wait3A_86, %dma_wait3A_87] : memref<10240x128xf32, #tpu.memory_space<hbm>> -> memref<10240x128xf32, #tpu.memory_space<hbm>>
    tpu.wait_indirect_dma semaphore(%arg22 : memref<!tpu.dma_semaphore, #tpu.memory_space<semaphore_mem>>) src(%dma_wait3A_88 : memref<10240x128xf32, #tpu.memory_space<hbm>>) dst(%arg16 : memref<128x128xf32, #tpu.memory_space<vmem>>)
    "tpu.region"() ({
      %run_scoped3A = tpu.sem_alloc : memref<!tpu.dma_semaphore, #tpu.memory_space<semaphore_mem>>
      %dma_start3A_242 = arith.constant 0 : i32
      %dma_start3A_243 = arith.constant 0 : i32
      %dma_start3A_244 = tpu.memref_slice %arg23[%dma_start3A_242, %dma_start3A_243] : memref<10240x128xf32, #tpu.memory_space<vmem_shared>> -> memref<10240x128xf32, #tpu.memory_space<vmem_shared>>
      tpu.enqueue_indirect_dma source(%arg16 : memref<128x128xf32, #tpu.memory_space<vmem>>) target(%dma_start3A_244 : memref<10240x128xf32, #tpu.memory_space<vmem_shared>>) offsets(%arg12 : memref<128xi32, #tpu.memory_space<vmem>>) semaphore(%run_scoped3A : memref<!tpu.dma_semaphore, #tpu.memory_space<semaphore_mem>>) {add = true}
      %dma_wait3A_245 = arith.constant 0 : i32
      %dma_wait3A_246 = arith.constant 0 : i32
      %dma_wait3A_247 = tpu.memref_slice %arg23[%dma_wait3A_245, %dma_wait3A_246] : memref<10240x128xf32, #tpu.memory_space<vmem_shared>> -> memref<10240x128xf32, #tpu.memory_space<vmem_shared>>
      tpu.wait_indirect_dma semaphore(%run_scoped3A : memref<!tpu.dma_semaphore, #tpu.memory_space<semaphore_mem>>) src(%arg16 : memref<128x128xf32, #tpu.memory_space<vmem>>) dst(%dma_wait3A_247 : memref<10240x128xf32, #tpu.memory_space<vmem_shared>>)
      tpu.yield
    }) : () -> ()
    %add3A_89 = arith.constant 2336 : i32
    %add3A_90 = arith.addi %add3A, %add3A_89 : i32
    %mul3A_91 = arith.constant 128 : i32
    %mul3A_92 = arith.muli %add3A_90, %mul3A_91 : i32
    %multiple_of3A_93 = tpu.assume_multiple %mul3A_92, 128 : i32
    %dma_start3A_94 = tpu.memref_slice %arg3[%multiple_of3A_93] : memref<320000xi32, #tpu.memory_space<hbm>> -> memref<128xi32, #tpu.memory_space<hbm>>
    %dma_start3A_95 = tpu.memref_slice %arg3[%multiple_of3A_93] : memref<320000xi32, #tpu.memory_space<hbm>> -> memref<128xi32, #tpu.memory_space<hbm>>
    tpu.enqueue_dma source(%dma_start3A_95 : memref<128xi32, #tpu.memory_space<hbm>>) target(%arg8 : memref<128xi32, #tpu.memory_space<vmem>>) target_semaphore(%arg18 : memref<!tpu.dma_semaphore, #tpu.memory_space<semaphore_mem>>)
    %dma_start3A_96 = tpu.memref_slice %arg4[%multiple_of3A_93] : memref<320000xi32, #tpu.memory_space<hbm>> -> memref<128xi32, #tpu.memory_space<hbm>>
    %dma_start3A_97 = tpu.memref_slice %arg4[%multiple_of3A_93] : memref<320000xi32, #tpu.memory_space<hbm>> -> memref<128xi32, #tpu.memory_space<hbm>>
    tpu.enqueue_dma source(%dma_start3A_97 : memref<128xi32, #tpu.memory_space<hbm>>) target(%arg12 : memref<128xi32, #tpu.memory_space<vmem>>) target_semaphore(%arg18 : memref<!tpu.dma_semaphore, #tpu.memory_space<semaphore_mem>>)
    %dma_wait3A_98 = arith.constant 0 : i32
    %dma_wait3A_99 = tpu.memref_slice %arg3[%dma_wait3A_98] : memref<320000xi32, #tpu.memory_space<hbm>> -> memref<128xi32, #tpu.memory_space<hbm>>
    %dma_wait3A_100 = arith.constant 0 : i32
    %dma_wait3A_101 = tpu.memref_slice %arg3[%dma_wait3A_100] : memref<320000xi32, #tpu.memory_space<hbm>> -> memref<128xi32, #tpu.memory_space<hbm>>
    tpu.wait_dma2 semaphore(%arg20 : memref<!tpu.dma_semaphore, #tpu.memory_space<semaphore_mem>>) src(%dma_wait3A_101 : memref<128xi32, #tpu.memory_space<hbm>>) dst(%arg10 : memref<128xi32, #tpu.memory_space<vmem>>)
    %dma_wait3A_102 = arith.constant 0 : i32
    %dma_wait3A_103 = tpu.memref_slice %arg3[%dma_wait3A_102] : memref<320000xi32, #tpu.memory_space<hbm>> -> memref<128xi32, #tpu.memory_space<hbm>>
    %dma_wait3A_104 = arith.constant 0 : i32
    %dma_wait3A_105 = tpu.memref_slice %arg3[%dma_wait3A_104] : memref<320000xi32, #tpu.memory_space<hbm>> -> memref<128xi32, #tpu.memory_space<hbm>>
    tpu.wait_dma2 semaphore(%arg20 : memref<!tpu.dma_semaphore, #tpu.memory_space<semaphore_mem>>) src(%dma_wait3A_105 : memref<128xi32, #tpu.memory_space<hbm>>) dst(%arg14 : memref<128xi32, #tpu.memory_space<vmem>>)
    %dma_start3A_106 = arith.constant 0 : i32
    %dma_start3A_107 = arith.constant 0 : i32
    %dma_start3A_108 = tpu.memref_slice %arg2[%dma_start3A_106, %dma_start3A_107] : memref<10240x128xf32, #tpu.memory_space<hbm>> -> memref<10240x128xf32, #tpu.memory_space<hbm>>
    tpu.enqueue_indirect_dma source(%dma_start3A_108 : memref<10240x128xf32, #tpu.memory_space<hbm>>) target(%arg16 : memref<128x128xf32, #tpu.memory_space<vmem>>) offsets(%arg10 : memref<128xi32, #tpu.memory_space<vmem>>) semaphore(%arg22 : memref<!tpu.dma_semaphore, #tpu.memory_space<semaphore_mem>>)
    %dma_wait3A_109 = arith.constant 0 : i32
    %dma_wait3A_110 = arith.constant 0 : i32
    %dma_wait3A_111 = tpu.memref_slice %arg2[%dma_wait3A_109, %dma_wait3A_110] : memref<10240x128xf32, #tpu.memory_space<hbm>> -> memref<10240x128xf32, #tpu.memory_space<hbm>>
    tpu.wait_indirect_dma semaphore(%arg21 : memref<!tpu.dma_semaphore, #tpu.memory_space<semaphore_mem>>) src(%dma_wait3A_111 : memref<10240x128xf32, #tpu.memory_space<hbm>>) dst(%arg15 : memref<128x128xf32, #tpu.memory_space<vmem>>)
    "tpu.region"() ({
      %run_scoped3A = tpu.sem_alloc : memref<!tpu.dma_semaphore, #tpu.memory_space<semaphore_mem>>
      %dma_start3A_242 = arith.constant 0 : i32
      %dma_start3A_243 = arith.constant 0 : i32
      %dma_start3A_244 = tpu.memref_slice %arg23[%dma_start3A_242, %dma_start3A_243] : memref<10240x128xf32, #tpu.memory_space<vmem_shared>> -> memref<10240x128xf32, #tpu.memory_space<vmem_shared>>
      tpu.enqueue_indirect_dma source(%arg15 : memref<128x128xf32, #tpu.memory_space<vmem>>) target(%dma_start3A_244 : memref<10240x128xf32, #tpu.memory_space<vmem_shared>>) offsets(%arg13 : memref<128xi32, #tpu.memory_space<vmem>>) semaphore(%run_scoped3A : memref<!tpu.dma_semaphore, #tpu.memory_space<semaphore_mem>>) {add = true}
      %dma_wait3A_245 = arith.constant 0 : i32
      %dma_wait3A_246 = arith.constant 0 : i32
      %dma_wait3A_247 = tpu.memref_slice %arg23[%dma_wait3A_245, %dma_wait3A_246] : memref<10240x128xf32, #tpu.memory_space<vmem_shared>> -> memref<10240x128xf32, #tpu.memory_space<vmem_shared>>
      tpu.wait_indirect_dma semaphore(%run_scoped3A : memref<!tpu.dma_semaphore, #tpu.memory_space<semaphore_mem>>) src(%arg15 : memref<128x128xf32, #tpu.memory_space<vmem>>) dst(%dma_wait3A_247 : memref<10240x128xf32, #tpu.memory_space<vmem_shared>>)
      tpu.yield
    }) : () -> ()
    %add3A_112 = arith.constant 2368 : i32
    %add3A_113 = arith.addi %add3A, %add3A_112 : i32
    %mul3A_114 = arith.constant 128 : i32
    %mul3A_115 = arith.muli %add3A_113, %mul3A_114 : i32
    %multiple_of3A_116 = tpu.assume_multiple %mul3A_115, 128 : i32
    %dma_start3A_117 = tpu.memref_slice %arg3[%multiple_of3A_116] : memref<320000xi32, #tpu.memory_space<hbm>> -> memref<128xi32, #tpu.memory_space<hbm>>
    %dma_start3A_118 = tpu.memref_slice %arg3[%multiple_of3A_116] : memref<320000xi32, #tpu.memory_space<hbm>> -> memref<128xi32, #tpu.memory_space<hbm>>
    tpu.enqueue_dma source(%dma_start3A_118 : memref<128xi32, #tpu.memory_space<hbm>>) target(%arg9 : memref<128xi32, #tpu.memory_space<vmem>>) target_semaphore(%arg19 : memref<!tpu.dma_semaphore, #tpu.memory_space<semaphore_mem>>)
    %dma_start3A_119 = tpu.memref_slice %arg4[%multiple_of3A_116] : memref<320000xi32, #tpu.memory_space<hbm>> -> memref<128xi32, #tpu.memory_space<hbm>>
    %dma_start3A_120 = tpu.memref_slice %arg4[%multiple_of3A_116] : memref<320000xi32, #tpu.memory_space<hbm>> -> memref<128xi32, #tpu.memory_space<hbm>>
    tpu.enqueue_dma source(%dma_start3A_120 : memref<128xi32, #tpu.memory_space<hbm>>) target(%arg13 : memref<128xi32, #tpu.memory_space<vmem>>) target_semaphore(%arg19 : memref<!tpu.dma_semaphore, #tpu.memory_space<semaphore_mem>>)
    %dma_wait3A_121 = arith.constant 0 : i32
    %dma_wait3A_122 = tpu.memref_slice %arg3[%dma_wait3A_121] : memref<320000xi32, #tpu.memory_space<hbm>> -> memref<128xi32, #tpu.memory_space<hbm>>
    %dma_wait3A_123 = arith.constant 0 : i32
    %dma_wait3A_124 = tpu.memref_slice %arg3[%dma_wait3A_123] : memref<320000xi32, #tpu.memory_space<hbm>> -> memref<128xi32, #tpu.memory_space<hbm>>
    tpu.wait_dma2 semaphore(%arg17 : memref<!tpu.dma_semaphore, #tpu.memory_space<semaphore_mem>>) src(%dma_wait3A_124 : memref<128xi32, #tpu.memory_space<hbm>>) dst(%arg7 : memref<128xi32, #tpu.memory_space<vmem>>)
    %dma_wait3A_125 = arith.constant 0 : i32
    %dma_wait3A_126 = tpu.memref_slice %arg3[%dma_wait3A_125] : memref<320000xi32, #tpu.memory_space<hbm>> -> memref<128xi32, #tpu.memory_space<hbm>>
    %dma_wait3A_127 = arith.constant 0 : i32
    %dma_wait3A_128 = tpu.memref_slice %arg3[%dma_wait3A_127] : memref<320000xi32, #tpu.memory_space<hbm>> -> memref<128xi32, #tpu.memory_space<hbm>>
    tpu.wait_dma2 semaphore(%arg17 : memref<!tpu.dma_semaphore, #tpu.memory_space<semaphore_mem>>) src(%dma_wait3A_128 : memref<128xi32, #tpu.memory_space<hbm>>) dst(%arg11 : memref<128xi32, #tpu.memory_space<vmem>>)
    %dma_start3A_129 = arith.constant 0 : i32
    %dma_start3A_130 = arith.constant 0 : i32
    %dma_start3A_131 = tpu.memref_slice %arg2[%dma_start3A_129, %dma_start3A_130] : memref<10240x128xf32, #tpu.memory_space<hbm>> -> memref<10240x128xf32, #tpu.memory_space<hbm>>
    tpu.enqueue_indirect_dma source(%dma_start3A_131 : memref<10240x128xf32, #tpu.memory_space<hbm>>) target(%arg15 : memref<128x128xf32, #tpu.memory_space<vmem>>) offsets(%arg7 : memref<128xi32, #tpu.memory_space<vmem>>) semaphore(%arg21 : memref<!tpu.dma_semaphore, #tpu.memory_space<semaphore_mem>>)
    %dma_wait3A_132 = arith.constant 0 : i32
    %dma_wait3A_133 = arith.constant 0 : i32
    %dma_wait3A_134 = tpu.memref_slice %arg2[%dma_wait3A_132, %dma_wait3A_133] : memref<10240x128xf32, #tpu.memory_space<hbm>> -> memref<10240x128xf32, #tpu.memory_space<hbm>>
    tpu.wait_indirect_dma semaphore(%arg22 : memref<!tpu.dma_semaphore, #tpu.memory_space<semaphore_mem>>) src(%dma_wait3A_134 : memref<10240x128xf32, #tpu.memory_space<hbm>>) dst(%arg16 : memref<128x128xf32, #tpu.memory_space<vmem>>)
    "tpu.region"() ({
      %run_scoped3A = tpu.sem_alloc : memref<!tpu.dma_semaphore, #tpu.memory_space<semaphore_mem>>
      %dma_start3A_242 = arith.constant 0 : i32
      %dma_start3A_243 = arith.constant 0 : i32
      %dma_start3A_244 = tpu.memref_slice %arg23[%dma_start3A_242, %dma_start3A_243] : memref<10240x128xf32, #tpu.memory_space<vmem_shared>> -> memref<10240x128xf32, #tpu.memory_space<vmem_shared>>
      tpu.enqueue_indirect_dma source(%arg16 : memref<128x128xf32, #tpu.memory_space<vmem>>) target(%dma_start3A_244 : memref<10240x128xf32, #tpu.memory_space<vmem_shared>>) offsets(%arg14 : memref<128xi32, #tpu.memory_space<vmem>>) semaphore(%run_scoped3A : memref<!tpu.dma_semaphore, #tpu.memory_space<semaphore_mem>>) {add = true}
      %dma_wait3A_245 = arith.constant 0 : i32
      %dma_wait3A_246 = arith.constant 0 : i32
      %dma_wait3A_247 = tpu.memref_slice %arg23[%dma_wait3A_245, %dma_wait3A_246] : memref<10240x128xf32, #tpu.memory_space<vmem_shared>> -> memref<10240x128xf32, #tpu.memory_space<vmem_shared>>
      tpu.wait_indirect_dma semaphore(%run_scoped3A : memref<!tpu.dma_semaphore, #tpu.memory_space<semaphore_mem>>) src(%arg16 : memref<128x128xf32, #tpu.memory_space<vmem>>) dst(%dma_wait3A_247 : memref<10240x128xf32, #tpu.memory_space<vmem_shared>>)
      tpu.yield
    }) : () -> ()
    %add3A_135 = arith.constant 2400 : i32
    %add3A_136 = arith.addi %add3A, %add3A_135 : i32
    %mul3A_137 = arith.constant 128 : i32
    %mul3A_138 = arith.muli %add3A_136, %mul3A_137 : i32
    %multiple_of3A_139 = tpu.assume_multiple %mul3A_138, 128 : i32
    %dma_start3A_140 = tpu.memref_slice %arg3[%multiple_of3A_139] : memref<320000xi32, #tpu.memory_space<hbm>> -> memref<128xi32, #tpu.memory_space<hbm>>
    %dma_start3A_141 = tpu.memref_slice %arg3[%multiple_of3A_139] : memref<320000xi32, #tpu.memory_space<hbm>> -> memref<128xi32, #tpu.memory_space<hbm>>
    tpu.enqueue_dma source(%dma_start3A_141 : memref<128xi32, #tpu.memory_space<hbm>>) target(%arg10 : memref<128xi32, #tpu.memory_space<vmem>>) target_semaphore(%arg20 : memref<!tpu.dma_semaphore, #tpu.memory_space<semaphore_mem>>)
    %dma_start3A_142 = tpu.memref_slice %arg4[%multiple_of3A_139] : memref<320000xi32, #tpu.memory_space<hbm>> -> memref<128xi32, #tpu.memory_space<hbm>>
    %dma_start3A_143 = tpu.memref_slice %arg4[%multiple_of3A_139] : memref<320000xi32, #tpu.memory_space<hbm>> -> memref<128xi32, #tpu.memory_space<hbm>>
    tpu.enqueue_dma source(%dma_start3A_143 : memref<128xi32, #tpu.memory_space<hbm>>) target(%arg14 : memref<128xi32, #tpu.memory_space<vmem>>) target_semaphore(%arg20 : memref<!tpu.dma_semaphore, #tpu.memory_space<semaphore_mem>>)
    %dma_wait3A_144 = arith.constant 0 : i32
    %dma_wait3A_145 = tpu.memref_slice %arg3[%dma_wait3A_144] : memref<320000xi32, #tpu.memory_space<hbm>> -> memref<128xi32, #tpu.memory_space<hbm>>
    %dma_wait3A_146 = arith.constant 0 : i32
    %dma_wait3A_147 = tpu.memref_slice %arg3[%dma_wait3A_146] : memref<320000xi32, #tpu.memory_space<hbm>> -> memref<128xi32, #tpu.memory_space<hbm>>
    tpu.wait_dma2 semaphore(%arg18 : memref<!tpu.dma_semaphore, #tpu.memory_space<semaphore_mem>>) src(%dma_wait3A_147 : memref<128xi32, #tpu.memory_space<hbm>>) dst(%arg8 : memref<128xi32, #tpu.memory_space<vmem>>)
    %dma_wait3A_148 = arith.constant 0 : i32
    %dma_wait3A_149 = tpu.memref_slice %arg3[%dma_wait3A_148] : memref<320000xi32, #tpu.memory_space<hbm>> -> memref<128xi32, #tpu.memory_space<hbm>>
    %dma_wait3A_150 = arith.constant 0 : i32
    %dma_wait3A_151 = tpu.memref_slice %arg3[%dma_wait3A_150] : memref<320000xi32, #tpu.memory_space<hbm>> -> memref<128xi32, #tpu.memory_space<hbm>>
    tpu.wait_dma2 semaphore(%arg18 : memref<!tpu.dma_semaphore, #tpu.memory_space<semaphore_mem>>) src(%dma_wait3A_151 : memref<128xi32, #tpu.memory_space<hbm>>) dst(%arg12 : memref<128xi32, #tpu.memory_space<vmem>>)
    %dma_start3A_152 = arith.constant 0 : i32
    %dma_start3A_153 = arith.constant 0 : i32
    %dma_start3A_154 = tpu.memref_slice %arg2[%dma_start3A_152, %dma_start3A_153] : memref<10240x128xf32, #tpu.memory_space<hbm>> -> memref<10240x128xf32, #tpu.memory_space<hbm>>
    tpu.enqueue_indirect_dma source(%dma_start3A_154 : memref<10240x128xf32, #tpu.memory_space<hbm>>) target(%arg16 : memref<128x128xf32, #tpu.memory_space<vmem>>) offsets(%arg8 : memref<128xi32, #tpu.memory_space<vmem>>) semaphore(%arg22 : memref<!tpu.dma_semaphore, #tpu.memory_space<semaphore_mem>>)
    %dma_wait3A_155 = arith.constant 0 : i32
    %dma_wait3A_156 = arith.constant 0 : i32
    %dma_wait3A_157 = tpu.memref_slice %arg2[%dma_wait3A_155, %dma_wait3A_156] : memref<10240x128xf32, #tpu.memory_space<hbm>> -> memref<10240x128xf32, #tpu.memory_space<hbm>>
    tpu.wait_indirect_dma semaphore(%arg21 : memref<!tpu.dma_semaphore, #tpu.memory_space<semaphore_mem>>) src(%dma_wait3A_157 : memref<10240x128xf32, #tpu.memory_space<hbm>>) dst(%arg15 : memref<128x128xf32, #tpu.memory_space<vmem>>)
    "tpu.region"() ({
      %run_scoped3A = tpu.sem_alloc : memref<!tpu.dma_semaphore, #tpu.memory_space<semaphore_mem>>
      %dma_start3A_242 = arith.constant 0 : i32
      %dma_start3A_243 = arith.constant 0 : i32
      %dma_start3A_244 = tpu.memref_slice %arg23[%dma_start3A_242, %dma_start3A_243] : memref<10240x128xf32, #tpu.memory_space<vmem_shared>> -> memref<10240x128xf32, #tpu.memory_space<vmem_shared>>
      tpu.enqueue_indirect_dma source(%arg15 : memref<128x128xf32, #tpu.memory_space<vmem>>) target(%dma_start3A_244 : memref<10240x128xf32, #tpu.memory_space<vmem_shared>>) offsets(%arg11 : memref<128xi32, #tpu.memory_space<vmem>>) semaphore(%run_scoped3A : memref<!tpu.dma_semaphore, #tpu.memory_space<semaphore_mem>>) {add = true}
      %dma_wait3A_245 = arith.constant 0 : i32
      %dma_wait3A_246 = arith.constant 0 : i32
      %dma_wait3A_247 = tpu.memref_slice %arg23[%dma_wait3A_245, %dma_wait3A_246] : memref<10240x128xf32, #tpu.memory_space<vmem_shared>> -> memref<10240x128xf32, #tpu.memory_space<vmem_shared>>
      tpu.wait_indirect_dma semaphore(%run_scoped3A : memref<!tpu.dma_semaphore, #tpu.memory_space<semaphore_mem>>) src(%arg15 : memref<128x128xf32, #tpu.memory_space<vmem>>) dst(%dma_wait3A_247 : memref<10240x128xf32, #tpu.memory_space<vmem_shared>>)
      tpu.yield
    }) : () -> ()
    %add3A_158 = arith.constant 2432 : i32
    %add3A_159 = arith.addi %add3A, %add3A_158 : i32
    %mul3A_160 = arith.constant 128 : i32
    %mul3A_161 = arith.muli %add3A_159, %mul3A_160 : i32
    %multiple_of3A_162 = tpu.assume_multiple %mul3A_161, 128 : i32
    %dma_start3A_163 = tpu.memref_slice %arg3[%multiple_of3A_162] : memref<320000xi32, #tpu.memory_space<hbm>> -> memref<128xi32, #tpu.memory_space<hbm>>
    %dma_start3A_164 = tpu.memref_slice %arg3[%multiple_of3A_162] : memref<320000xi32, #tpu.memory_space<hbm>> -> memref<128xi32, #tpu.memory_space<hbm>>
    tpu.enqueue_dma source(%dma_start3A_164 : memref<128xi32, #tpu.memory_space<hbm>>) target(%arg7 : memref<128xi32, #tpu.memory_space<vmem>>) target_semaphore(%arg17 : memref<!tpu.dma_semaphore, #tpu.memory_space<semaphore_mem>>)
    %dma_start3A_165 = tpu.memref_slice %arg4[%multiple_of3A_162] : memref<320000xi32, #tpu.memory_space<hbm>> -> memref<128xi32, #tpu.memory_space<hbm>>
    %dma_start3A_166 = tpu.memref_slice %arg4[%multiple_of3A_162] : memref<320000xi32, #tpu.memory_space<hbm>> -> memref<128xi32, #tpu.memory_space<hbm>>
    tpu.enqueue_dma source(%dma_start3A_166 : memref<128xi32, #tpu.memory_space<hbm>>) target(%arg11 : memref<128xi32, #tpu.memory_space<vmem>>) target_semaphore(%arg17 : memref<!tpu.dma_semaphore, #tpu.memory_space<semaphore_mem>>)
    %dma_wait3A_167 = arith.constant 0 : i32
    %dma_wait3A_168 = tpu.memref_slice %arg3[%dma_wait3A_167] : memref<320000xi32, #tpu.memory_space<hbm>> -> memref<128xi32, #tpu.memory_space<hbm>>
    %dma_wait3A_169 = arith.constant 0 : i32
    %dma_wait3A_170 = tpu.memref_slice %arg3[%dma_wait3A_169] : memref<320000xi32, #tpu.memory_space<hbm>> -> memref<128xi32, #tpu.memory_space<hbm>>
    tpu.wait_dma2 semaphore(%arg19 : memref<!tpu.dma_semaphore, #tpu.memory_space<semaphore_mem>>) src(%dma_wait3A_170 : memref<128xi32, #tpu.memory_space<hbm>>) dst(%arg9 : memref<128xi32, #tpu.memory_space<vmem>>)
    %dma_wait3A_171 = arith.constant 0 : i32
    %dma_wait3A_172 = tpu.memref_slice %arg3[%dma_wait3A_171] : memref<320000xi32, #tpu.memory_space<hbm>> -> memref<128xi32, #tpu.memory_space<hbm>>
    %dma_wait3A_173 = arith.constant 0 : i32
    %dma_wait3A_174 = tpu.memref_slice %arg3[%dma_wait3A_173] : memref<320000xi32, #tpu.memory_space<hbm>> -> memref<128xi32, #tpu.memory_space<hbm>>
    tpu.wait_dma2 semaphore(%arg19 : memref<!tpu.dma_semaphore, #tpu.memory_space<semaphore_mem>>) src(%dma_wait3A_174 : memref<128xi32, #tpu.memory_space<hbm>>) dst(%arg13 : memref<128xi32, #tpu.memory_space<vmem>>)
    %dma_start3A_175 = arith.constant 0 : i32
    %dma_start3A_176 = arith.constant 0 : i32
    %dma_start3A_177 = tpu.memref_slice %arg2[%dma_start3A_175, %dma_start3A_176] : memref<10240x128xf32, #tpu.memory_space<hbm>> -> memref<10240x128xf32, #tpu.memory_space<hbm>>
    tpu.enqueue_indirect_dma source(%dma_start3A_177 : memref<10240x128xf32, #tpu.memory_space<hbm>>) target(%arg15 : memref<128x128xf32, #tpu.memory_space<vmem>>) offsets(%arg9 : memref<128xi32, #tpu.memory_space<vmem>>) semaphore(%arg21 : memref<!tpu.dma_semaphore, #tpu.memory_space<semaphore_mem>>)
    %dma_wait3A_178 = arith.constant 0 : i32
    %dma_wait3A_179 = arith.constant 0 : i32
    %dma_wait3A_180 = tpu.memref_slice %arg2[%dma_wait3A_178, %dma_wait3A_179] : memref<10240x128xf32, #tpu.memory_space<hbm>> -> memref<10240x128xf32, #tpu.memory_space<hbm>>
    tpu.wait_indirect_dma semaphore(%arg22 : memref<!tpu.dma_semaphore, #tpu.memory_space<semaphore_mem>>) src(%dma_wait3A_180 : memref<10240x128xf32, #tpu.memory_space<hbm>>) dst(%arg16 : memref<128x128xf32, #tpu.memory_space<vmem>>)
    "tpu.region"() ({
      %run_scoped3A = tpu.sem_alloc : memref<!tpu.dma_semaphore, #tpu.memory_space<semaphore_mem>>
      %dma_start3A_242 = arith.constant 0 : i32
      %dma_start3A_243 = arith.constant 0 : i32
      %dma_start3A_244 = tpu.memref_slice %arg23[%dma_start3A_242, %dma_start3A_243] : memref<10240x128xf32, #tpu.memory_space<vmem_shared>> -> memref<10240x128xf32, #tpu.memory_space<vmem_shared>>
      tpu.enqueue_indirect_dma source(%arg16 : memref<128x128xf32, #tpu.memory_space<vmem>>) target(%dma_start3A_244 : memref<10240x128xf32, #tpu.memory_space<vmem_shared>>) offsets(%arg12 : memref<128xi32, #tpu.memory_space<vmem>>) semaphore(%run_scoped3A : memref<!tpu.dma_semaphore, #tpu.memory_space<semaphore_mem>>) {add = true}
      %dma_wait3A_245 = arith.constant 0 : i32
      %dma_wait3A_246 = arith.constant 0 : i32
      %dma_wait3A_247 = tpu.memref_slice %arg23[%dma_wait3A_245, %dma_wait3A_246] : memref<10240x128xf32, #tpu.memory_space<vmem_shared>> -> memref<10240x128xf32, #tpu.memory_space<vmem_shared>>
      tpu.wait_indirect_dma semaphore(%run_scoped3A : memref<!tpu.dma_semaphore, #tpu.memory_space<semaphore_mem>>) src(%arg16 : memref<128x128xf32, #tpu.memory_space<vmem>>) dst(%dma_wait3A_247 : memref<10240x128xf32, #tpu.memory_space<vmem_shared>>)
      tpu.yield
    }) : () -> ()
    %add3A_181 = arith.constant 2464 : i32
    %add3A_182 = arith.addi %add3A, %add3A_181 : i32
    %mul3A_183 = arith.constant 128 : i32
    %mul3A_184 = arith.muli %add3A_182, %mul3A_183 : i32
    %multiple_of3A_185 = tpu.assume_multiple %mul3A_184, 128 : i32
    %dma_start3A_186 = tpu.memref_slice %arg3[%multiple_of3A_185] : memref<320000xi32, #tpu.memory_space<hbm>> -> memref<128xi32, #tpu.memory_space<hbm>>
    %dma_start3A_187 = tpu.memref_slice %arg3[%multiple_of3A_185] : memref<320000xi32, #tpu.memory_space<hbm>> -> memref<128xi32, #tpu.memory_space<hbm>>
    tpu.enqueue_dma source(%dma_start3A_187 : memref<128xi32, #tpu.memory_space<hbm>>) target(%arg8 : memref<128xi32, #tpu.memory_space<vmem>>) target_semaphore(%arg18 : memref<!tpu.dma_semaphore, #tpu.memory_space<semaphore_mem>>)
    %dma_start3A_188 = tpu.memref_slice %arg4[%multiple_of3A_185] : memref<320000xi32, #tpu.memory_space<hbm>> -> memref<128xi32, #tpu.memory_space<hbm>>
    %dma_start3A_189 = tpu.memref_slice %arg4[%multiple_of3A_185] : memref<320000xi32, #tpu.memory_space<hbm>> -> memref<128xi32, #tpu.memory_space<hbm>>
    tpu.enqueue_dma source(%dma_start3A_189 : memref<128xi32, #tpu.memory_space<hbm>>) target(%arg12 : memref<128xi32, #tpu.memory_space<vmem>>) target_semaphore(%arg18 : memref<!tpu.dma_semaphore, #tpu.memory_space<semaphore_mem>>)
    %dma_wait3A_190 = arith.constant 0 : i32
    %dma_wait3A_191 = tpu.memref_slice %arg3[%dma_wait3A_190] : memref<320000xi32, #tpu.memory_space<hbm>> -> memref<128xi32, #tpu.memory_space<hbm>>
    %dma_wait3A_192 = arith.constant 0 : i32
    %dma_wait3A_193 = tpu.memref_slice %arg3[%dma_wait3A_192] : memref<320000xi32, #tpu.memory_space<hbm>> -> memref<128xi32, #tpu.memory_space<hbm>>
    tpu.wait_dma2 semaphore(%arg20 : memref<!tpu.dma_semaphore, #tpu.memory_space<semaphore_mem>>) src(%dma_wait3A_193 : memref<128xi32, #tpu.memory_space<hbm>>) dst(%arg10 : memref<128xi32, #tpu.memory_space<vmem>>)
    %dma_wait3A_194 = arith.constant 0 : i32
    %dma_wait3A_195 = tpu.memref_slice %arg3[%dma_wait3A_194] : memref<320000xi32, #tpu.memory_space<hbm>> -> memref<128xi32, #tpu.memory_space<hbm>>
    %dma_wait3A_196 = arith.constant 0 : i32
    %dma_wait3A_197 = tpu.memref_slice %arg3[%dma_wait3A_196] : memref<320000xi32, #tpu.memory_space<hbm>> -> memref<128xi32, #tpu.memory_space<hbm>>
    tpu.wait_dma2 semaphore(%arg20 : memref<!tpu.dma_semaphore, #tpu.memory_space<semaphore_mem>>) src(%dma_wait3A_197 : memref<128xi32, #tpu.memory_space<hbm>>) dst(%arg14 : memref<128xi32, #tpu.memory_space<vmem>>)
    %dma_start3A_198 = arith.constant 0 : i32
    %dma_start3A_199 = arith.constant 0 : i32
    %dma_start3A_200 = tpu.memref_slice %arg2[%dma_start3A_198, %dma_start3A_199] : memref<10240x128xf32, #tpu.memory_space<hbm>> -> memref<10240x128xf32, #tpu.memory_space<hbm>>
    tpu.enqueue_indirect_dma source(%dma_start3A_200 : memref<10240x128xf32, #tpu.memory_space<hbm>>) target(%arg16 : memref<128x128xf32, #tpu.memory_space<vmem>>) offsets(%arg10 : memref<128xi32, #tpu.memory_space<vmem>>) semaphore(%arg22 : memref<!tpu.dma_semaphore, #tpu.memory_space<semaphore_mem>>)
    %dma_wait3A_201 = arith.constant 0 : i32
    %dma_wait3A_202 = arith.constant 0 : i32
    %dma_wait3A_203 = tpu.memref_slice %arg2[%dma_wait3A_201, %dma_wait3A_202] : memref<10240x128xf32, #tpu.memory_space<hbm>> -> memref<10240x128xf32, #tpu.memory_space<hbm>>
    tpu.wait_indirect_dma semaphore(%arg21 : memref<!tpu.dma_semaphore, #tpu.memory_space<semaphore_mem>>) src(%dma_wait3A_203 : memref<10240x128xf32, #tpu.memory_space<hbm>>) dst(%arg15 : memref<128x128xf32, #tpu.memory_space<vmem>>)
    "tpu.region"() ({
      %run_scoped3A = tpu.sem_alloc : memref<!tpu.dma_semaphore, #tpu.memory_space<semaphore_mem>>
      %dma_start3A_242 = arith.constant 0 : i32
      %dma_start3A_243 = arith.constant 0 : i32
      %dma_start3A_244 = tpu.memref_slice %arg23[%dma_start3A_242, %dma_start3A_243] : memref<10240x128xf32, #tpu.memory_space<vmem_shared>> -> memref<10240x128xf32, #tpu.memory_space<vmem_shared>>
      tpu.enqueue_indirect_dma source(%arg15 : memref<128x128xf32, #tpu.memory_space<vmem>>) target(%dma_start3A_244 : memref<10240x128xf32, #tpu.memory_space<vmem_shared>>) offsets(%arg13 : memref<128xi32, #tpu.memory_space<vmem>>) semaphore(%run_scoped3A : memref<!tpu.dma_semaphore, #tpu.memory_space<semaphore_mem>>) {add = true}
      %dma_wait3A_245 = arith.constant 0 : i32
      %dma_wait3A_246 = arith.constant 0 : i32
      %dma_wait3A_247 = tpu.memref_slice %arg23[%dma_wait3A_245, %dma_wait3A_246] : memref<10240x128xf32, #tpu.memory_space<vmem_shared>> -> memref<10240x128xf32, #tpu.memory_space<vmem_shared>>
      tpu.wait_indirect_dma semaphore(%run_scoped3A : memref<!tpu.dma_semaphore, #tpu.memory_space<semaphore_mem>>) src(%arg15 : memref<128x128xf32, #tpu.memory_space<vmem>>) dst(%dma_wait3A_247 : memref<10240x128xf32, #tpu.memory_space<vmem_shared>>)
      tpu.yield
    }) : () -> ()
    %dma_wait3A_204 = arith.constant 0 : i32
    %dma_wait3A_205 = tpu.memref_slice %arg3[%dma_wait3A_204] : memref<320000xi32, #tpu.memory_space<hbm>> -> memref<128xi32, #tpu.memory_space<hbm>>
    %dma_wait3A_206 = arith.constant 0 : i32
    %dma_wait3A_207 = tpu.memref_slice %arg3[%dma_wait3A_206] : memref<320000xi32, #tpu.memory_space<hbm>> -> memref<128xi32, #tpu.memory_space<hbm>>
    tpu.wait_dma2 semaphore(%arg17 : memref<!tpu.dma_semaphore, #tpu.memory_space<semaphore_mem>>) src(%dma_wait3A_207 : memref<128xi32, #tpu.memory_space<hbm>>) dst(%arg7 : memref<128xi32, #tpu.memory_space<vmem>>)
    %dma_wait3A_208 = arith.constant 0 : i32
    %dma_wait3A_209 = tpu.memref_slice %arg3[%dma_wait3A_208] : memref<320000xi32, #tpu.memory_space<hbm>> -> memref<128xi32, #tpu.memory_space<hbm>>
    %dma_wait3A_210 = arith.constant 0 : i32
    %dma_wait3A_211 = tpu.memref_slice %arg3[%dma_wait3A_210] : memref<320000xi32, #tpu.memory_space<hbm>> -> memref<128xi32, #tpu.memory_space<hbm>>
    tpu.wait_dma2 semaphore(%arg17 : memref<!tpu.dma_semaphore, #tpu.memory_space<semaphore_mem>>) src(%dma_wait3A_211 : memref<128xi32, #tpu.memory_space<hbm>>) dst(%arg11 : memref<128xi32, #tpu.memory_space<vmem>>)
    %dma_start3A_212 = arith.constant 0 : i32
    %dma_start3A_213 = arith.constant 0 : i32
    %dma_start3A_214 = tpu.memref_slice %arg2[%dma_start3A_212, %dma_start3A_213] : memref<10240x128xf32, #tpu.memory_space<hbm>> -> memref<10240x128xf32, #tpu.memory_space<hbm>>
    tpu.enqueue_indirect_dma source(%dma_start3A_214 : memref<10240x128xf32, #tpu.memory_space<hbm>>) target(%arg15 : memref<128x128xf32, #tpu.memory_space<vmem>>) offsets(%arg7 : memref<128xi32, #tpu.memory_space<vmem>>) semaphore(%arg21 : memref<!tpu.dma_semaphore, #tpu.memory_space<semaphore_mem>>)
    %dma_wait3A_215 = arith.constant 0 : i32
    %dma_wait3A_216 = arith.constant 0 : i32
    %dma_wait3A_217 = tpu.memref_slice %arg2[%dma_wait3A_215, %dma_wait3A_216] : memref<10240x128xf32, #tpu.memory_space<hbm>> -> memref<10240x128xf32, #tpu.memory_space<hbm>>
    tpu.wait_indirect_dma semaphore(%arg22 : memref<!tpu.dma_semaphore, #tpu.memory_space<semaphore_mem>>) src(%dma_wait3A_217 : memref<10240x128xf32, #tpu.memory_space<hbm>>) dst(%arg16 : memref<128x128xf32, #tpu.memory_space<vmem>>)
    "tpu.region"() ({
      %run_scoped3A = tpu.sem_alloc : memref<!tpu.dma_semaphore, #tpu.memory_space<semaphore_mem>>
      %dma_start3A_242 = arith.constant 0 : i32
      %dma_start3A_243 = arith.constant 0 : i32
      %dma_start3A_244 = tpu.memref_slice %arg23[%dma_start3A_242, %dma_start3A_243] : memref<10240x128xf32, #tpu.memory_space<vmem_shared>> -> memref<10240x128xf32, #tpu.memory_space<vmem_shared>>
      tpu.enqueue_indirect_dma source(%arg16 : memref<128x128xf32, #tpu.memory_space<vmem>>) target(%dma_start3A_244 : memref<10240x128xf32, #tpu.memory_space<vmem_shared>>) offsets(%arg14 : memref<128xi32, #tpu.memory_space<vmem>>) semaphore(%run_scoped3A : memref<!tpu.dma_semaphore, #tpu.memory_space<semaphore_mem>>) {add = true}
      %dma_wait3A_245 = arith.constant 0 : i32
      %dma_wait3A_246 = arith.constant 0 : i32
      %dma_wait3A_247 = tpu.memref_slice %arg23[%dma_wait3A_245, %dma_wait3A_246] : memref<10240x128xf32, #tpu.memory_space<vmem_shared>> -> memref<10240x128xf32, #tpu.memory_space<vmem_shared>>
      tpu.wait_indirect_dma semaphore(%run_scoped3A : memref<!tpu.dma_semaphore, #tpu.memory_space<semaphore_mem>>) src(%arg16 : memref<128x128xf32, #tpu.memory_space<vmem>>) dst(%dma_wait3A_247 : memref<10240x128xf32, #tpu.memory_space<vmem_shared>>)
      tpu.yield
    }) : () -> ()
    %dma_wait3A_218 = arith.constant 0 : i32
    %dma_wait3A_219 = tpu.memref_slice %arg3[%dma_wait3A_218] : memref<320000xi32, #tpu.memory_space<hbm>> -> memref<128xi32, #tpu.memory_space<hbm>>
    %dma_wait3A_220 = arith.constant 0 : i32
    %dma_wait3A_221 = tpu.memref_slice %arg3[%dma_wait3A_220] : memref<320000xi32, #tpu.memory_space<hbm>> -> memref<128xi32, #tpu.memory_space<hbm>>
    tpu.wait_dma2 semaphore(%arg18 : memref<!tpu.dma_semaphore, #tpu.memory_space<semaphore_mem>>) src(%dma_wait3A_221 : memref<128xi32, #tpu.memory_space<hbm>>) dst(%arg8 : memref<128xi32, #tpu.memory_space<vmem>>)
    %dma_wait3A_222 = arith.constant 0 : i32
    %dma_wait3A_223 = tpu.memref_slice %arg3[%dma_wait3A_222] : memref<320000xi32, #tpu.memory_space<hbm>> -> memref<128xi32, #tpu.memory_space<hbm>>
    %dma_wait3A_224 = arith.constant 0 : i32
    %dma_wait3A_225 = tpu.memref_slice %arg3[%dma_wait3A_224] : memref<320000xi32, #tpu.memory_space<hbm>> -> memref<128xi32, #tpu.memory_space<hbm>>
    tpu.wait_dma2 semaphore(%arg18 : memref<!tpu.dma_semaphore, #tpu.memory_space<semaphore_mem>>) src(%dma_wait3A_225 : memref<128xi32, #tpu.memory_space<hbm>>) dst(%arg12 : memref<128xi32, #tpu.memory_space<vmem>>)
    %dma_start3A_226 = arith.constant 0 : i32
    %dma_start3A_227 = arith.constant 0 : i32
    %dma_start3A_228 = tpu.memref_slice %arg2[%dma_start3A_226, %dma_start3A_227] : memref<10240x128xf32, #tpu.memory_space<hbm>> -> memref<10240x128xf32, #tpu.memory_space<hbm>>
    tpu.enqueue_indirect_dma source(%dma_start3A_228 : memref<10240x128xf32, #tpu.memory_space<hbm>>) target(%arg16 : memref<128x128xf32, #tpu.memory_space<vmem>>) offsets(%arg8 : memref<128xi32, #tpu.memory_space<vmem>>) semaphore(%arg22 : memref<!tpu.dma_semaphore, #tpu.memory_space<semaphore_mem>>)
    %dma_wait3A_229 = arith.constant 0 : i32
    %dma_wait3A_230 = arith.constant 0 : i32
    %dma_wait3A_231 = tpu.memref_slice %arg2[%dma_wait3A_229, %dma_wait3A_230] : memref<10240x128xf32, #tpu.memory_space<hbm>> -> memref<10240x128xf32, #tpu.memory_space<hbm>>
    tpu.wait_indirect_dma semaphore(%arg21 : memref<!tpu.dma_semaphore, #tpu.memory_space<semaphore_mem>>) src(%dma_wait3A_231 : memref<10240x128xf32, #tpu.memory_space<hbm>>) dst(%arg15 : memref<128x128xf32, #tpu.memory_space<vmem>>)
    "tpu.region"() ({
      %run_scoped3A = tpu.sem_alloc : memref<!tpu.dma_semaphore, #tpu.memory_space<semaphore_mem>>
      %dma_start3A_242 = arith.constant 0 : i32
      %dma_start3A_243 = arith.constant 0 : i32
      %dma_start3A_244 = tpu.memref_slice %arg23[%dma_start3A_242, %dma_start3A_243] : memref<10240x128xf32, #tpu.memory_space<vmem_shared>> -> memref<10240x128xf32, #tpu.memory_space<vmem_shared>>
      tpu.enqueue_indirect_dma source(%arg15 : memref<128x128xf32, #tpu.memory_space<vmem>>) target(%dma_start3A_244 : memref<10240x128xf32, #tpu.memory_space<vmem_shared>>) offsets(%arg11 : memref<128xi32, #tpu.memory_space<vmem>>) semaphore(%run_scoped3A : memref<!tpu.dma_semaphore, #tpu.memory_space<semaphore_mem>>) {add = true}
      %dma_wait3A_245 = arith.constant 0 : i32
      %dma_wait3A_246 = arith.constant 0 : i32
      %dma_wait3A_247 = tpu.memref_slice %arg23[%dma_wait3A_245, %dma_wait3A_246] : memref<10240x128xf32, #tpu.memory_space<vmem_shared>> -> memref<10240x128xf32, #tpu.memory_space<vmem_shared>>
      tpu.wait_indirect_dma semaphore(%run_scoped3A : memref<!tpu.dma_semaphore, #tpu.memory_space<semaphore_mem>>) src(%arg15 : memref<128x128xf32, #tpu.memory_space<vmem>>) dst(%dma_wait3A_247 : memref<10240x128xf32, #tpu.memory_space<vmem_shared>>)
      tpu.yield
    }) : () -> ()
    %dma_wait3A_232 = arith.constant 0 : i32
    %dma_wait3A_233 = arith.constant 0 : i32
    %dma_wait3A_234 = tpu.memref_slice %arg2[%dma_wait3A_232, %dma_wait3A_233] : memref<10240x128xf32, #tpu.memory_space<hbm>> -> memref<10240x128xf32, #tpu.memory_space<hbm>>
    tpu.wait_indirect_dma semaphore(%arg22 : memref<!tpu.dma_semaphore, #tpu.memory_space<semaphore_mem>>) src(%dma_wait3A_234 : memref<10240x128xf32, #tpu.memory_space<hbm>>) dst(%arg16 : memref<128x128xf32, #tpu.memory_space<vmem>>)
    "tpu.region"() ({
      %run_scoped3A = tpu.sem_alloc : memref<!tpu.dma_semaphore, #tpu.memory_space<semaphore_mem>>
      %dma_start3A_242 = arith.constant 0 : i32
      %dma_start3A_243 = arith.constant 0 : i32
      %dma_start3A_244 = tpu.memref_slice %arg23[%dma_start3A_242, %dma_start3A_243] : memref<10240x128xf32, #tpu.memory_space<vmem_shared>> -> memref<10240x128xf32, #tpu.memory_space<vmem_shared>>
      tpu.enqueue_indirect_dma source(%arg16 : memref<128x128xf32, #tpu.memory_space<vmem>>) target(%dma_start3A_244 : memref<10240x128xf32, #tpu.memory_space<vmem_shared>>) offsets(%arg12 : memref<128xi32, #tpu.memory_space<vmem>>) semaphore(%run_scoped3A : memref<!tpu.dma_semaphore, #tpu.memory_space<semaphore_mem>>) {add = true}
      %dma_wait3A_245 = arith.constant 0 : i32
      %dma_wait3A_246 = arith.constant 0 : i32
      %dma_wait3A_247 = tpu.memref_slice %arg23[%dma_wait3A_245, %dma_wait3A_246] : memref<10240x128xf32, #tpu.memory_space<vmem_shared>> -> memref<10240x128xf32, #tpu.memory_space<vmem_shared>>
      tpu.wait_indirect_dma semaphore(%run_scoped3A : memref<!tpu.dma_semaphore, #tpu.memory_space<semaphore_mem>>) src(%arg16 : memref<128x128xf32, #tpu.memory_space<vmem>>) dst(%dma_wait3A_247 : memref<10240x128xf32, #tpu.memory_space<vmem_shared>>)
      tpu.yield
    }) : () -> ()
    %lt3A = arith.constant 4 : i32
    %lt3A_235 = arith.cmpi slt, %add3A, %lt3A : i32
    %convert_element_type3A = arith.extui %lt3A_235 : i1 to i32
    %cond3A = arith.constant 0 : i32
    %cond3A_236 = arith.cmpi ne, %convert_element_type3A, %cond3A : i32
    scf.if %cond3A_236 {
      %add3A_242 = arith.constant 2496 : i32
      %add3A_243 = arith.addi %add3A, %add3A_242 : i32
      %mul3A_244 = arith.constant 128 : i32
      %mul3A_245 = arith.muli %add3A_243, %mul3A_244 : i32
      %multiple_of3A_246 = tpu.assume_multiple %mul3A_245, 128 : i32
      "tpu.region"() ({
        %run_scoped3A = tpu.sem_alloc : memref<!tpu.dma_semaphore, #tpu.memory_space<semaphore_mem>>
        %dma_start3A_253 = tpu.memref_slice %arg3[%multiple_of3A_246] : memref<320000xi32, #tpu.memory_space<hbm>> -> memref<128xi32, #tpu.memory_space<hbm>>
        %dma_start3A_254 = tpu.memref_slice %arg3[%multiple_of3A_246] : memref<320000xi32, #tpu.memory_space<hbm>> -> memref<128xi32, #tpu.memory_space<hbm>>
        tpu.enqueue_dma source(%dma_start3A_254 : memref<128xi32, #tpu.memory_space<hbm>>) target(%arg7 : memref<128xi32, #tpu.memory_space<vmem>>) target_semaphore(%run_scoped3A : memref<!tpu.dma_semaphore, #tpu.memory_space<semaphore_mem>>)
        %dma_wait3A_255 = tpu.memref_slice %arg3[%multiple_of3A_246] : memref<320000xi32, #tpu.memory_space<hbm>> -> memref<128xi32, #tpu.memory_space<hbm>>
        %dma_wait3A_256 = tpu.memref_slice %arg3[%multiple_of3A_246] : memref<320000xi32, #tpu.memory_space<hbm>> -> memref<128xi32, #tpu.memory_space<hbm>>
        tpu.wait_dma2 semaphore(%run_scoped3A : memref<!tpu.dma_semaphore, #tpu.memory_space<semaphore_mem>>) src(%dma_wait3A_256 : memref<128xi32, #tpu.memory_space<hbm>>) dst(%arg7 : memref<128xi32, #tpu.memory_space<vmem>>)
        tpu.yield
      }) : () -> ()
      "tpu.region"() ({
        %run_scoped3A = tpu.sem_alloc : memref<!tpu.dma_semaphore, #tpu.memory_space<semaphore_mem>>
        %dma_start3A_253 = tpu.memref_slice %arg4[%multiple_of3A_246] : memref<320000xi32, #tpu.memory_space<hbm>> -> memref<128xi32, #tpu.memory_space<hbm>>
        %dma_start3A_254 = tpu.memref_slice %arg4[%multiple_of3A_246] : memref<320000xi32, #tpu.memory_space<hbm>> -> memref<128xi32, #tpu.memory_space<hbm>>
        tpu.enqueue_dma source(%dma_start3A_254 : memref<128xi32, #tpu.memory_space<hbm>>) target(%arg11 : memref<128xi32, #tpu.memory_space<vmem>>) target_semaphore(%run_scoped3A : memref<!tpu.dma_semaphore, #tpu.memory_space<semaphore_mem>>)
        %dma_wait3A_255 = tpu.memref_slice %arg4[%multiple_of3A_246] : memref<320000xi32, #tpu.memory_space<hbm>> -> memref<128xi32, #tpu.memory_space<hbm>>
        %dma_wait3A_256 = tpu.memref_slice %arg4[%multiple_of3A_246] : memref<320000xi32, #tpu.memory_space<hbm>> -> memref<128xi32, #tpu.memory_space<hbm>>
        tpu.wait_dma2 semaphore(%run_scoped3A : memref<!tpu.dma_semaphore, #tpu.memory_space<semaphore_mem>>) src(%dma_wait3A_256 : memref<128xi32, #tpu.memory_space<hbm>>) dst(%arg11 : memref<128xi32, #tpu.memory_space<vmem>>)
        tpu.yield
      }) : () -> ()
      %dma_start3A_247 = arith.constant 0 : i32
      %dma_start3A_248 = arith.constant 0 : i32
      %dma_start3A_249 = tpu.memref_slice %arg2[%dma_start3A_247, %dma_start3A_248] : memref<10240x128xf32, #tpu.memory_space<hbm>> -> memref<10240x128xf32, #tpu.memory_space<hbm>>
      tpu.enqueue_indirect_dma source(%dma_start3A_249 : memref<10240x128xf32, #tpu.memory_space<hbm>>) target(%arg15 : memref<128x128xf32, #tpu.memory_space<vmem>>) offsets(%arg7 : memref<128xi32, #tpu.memory_space<vmem>>) semaphore(%arg21 : memref<!tpu.dma_semaphore, #tpu.memory_space<semaphore_mem>>)
      %dma_wait3A_250 = arith.constant 0 : i32
      %dma_wait3A_251 = arith.constant 0 : i32
      %dma_wait3A_252 = tpu.memref_slice %arg2[%dma_wait3A_250, %dma_wait3A_251] : memref<10240x128xf32, #tpu.memory_space<hbm>> -> memref<10240x128xf32, #tpu.memory_space<hbm>>
      tpu.wait_indirect_dma semaphore(%arg21 : memref<!tpu.dma_semaphore, #tpu.memory_space<semaphore_mem>>) src(%dma_wait3A_252 : memref<10240x128xf32, #tpu.memory_space<hbm>>) dst(%arg15 : memref<128x128xf32, #tpu.memory_space<vmem>>)
      "tpu.region"() ({
        %run_scoped3A = tpu.sem_alloc : memref<!tpu.dma_semaphore, #tpu.memory_space<semaphore_mem>>
        %dma_start3A_253 = arith.constant 0 : i32
        %dma_start3A_254 = arith.constant 0 : i32
        %dma_start3A_255 = tpu.memref_slice %arg23[%dma_start3A_253, %dma_start3A_254] : memref<10240x128xf32, #tpu.memory_space<vmem_shared>> -> memref<10240x128xf32, #tpu.memory_space<vmem_shared>>
        tpu.enqueue_indirect_dma source(%arg15 : memref<128x128xf32, #tpu.memory_space<vmem>>) target(%dma_start3A_255 : memref<10240x128xf32, #tpu.memory_space<vmem_shared>>) offsets(%arg11 : memref<128xi32, #tpu.memory_space<vmem>>) semaphore(%run_scoped3A : memref<!tpu.dma_semaphore, #tpu.memory_space<semaphore_mem>>) {add = true}
        %dma_wait3A_256 = arith.constant 0 : i32
        %dma_wait3A_257 = arith.constant 0 : i32
        %dma_wait3A_258 = tpu.memref_slice %arg23[%dma_wait3A_256, %dma_wait3A_257] : memref<10240x128xf32, #tpu.memory_space<vmem_shared>> -> memref<10240x128xf32, #tpu.memory_space<vmem_shared>>
        tpu.wait_indirect_dma semaphore(%run_scoped3A : memref<!tpu.dma_semaphore, #tpu.memory_space<semaphore_mem>>) src(%arg15 : memref<128x128xf32, #tpu.memory_space<vmem>>) dst(%dma_wait3A_258 : memref<10240x128xf32, #tpu.memory_space<vmem_shared>>)
        tpu.yield
      }) : () -> ()
    } else {
    }
    %barrier3A_237 = arith.constant 0 : index
    tpu.barrier barrier_id(%barrier3A_237)
    %mul3A_238 = arith.constant 640 : i32
    %mul3A_239 = arith.muli %arg1, %mul3A_238 : i32
    %mul3A_240 = arith.constant 640 : i32
    %mul3A_241 = arith.muli %arg1, %mul3A_240 : i32
    "tpu.region"() ({
      %run_scoped3A = tpu.sem_alloc : memref<!tpu.dma_semaphore, #tpu.memory_space<semaphore_mem>>
      %dma_start3A_242 = arith.constant 0 : i32
      %dma_start3A_243 = tpu.memref_slice %arg6[%arg0, %mul3A_241, %dma_start3A_242] : memref<2x10240x128xf32, #tpu.memory_space<hbm>> -> memref<1x640x128xf32, #tpu.memory_space<hbm>>
      %dma_start3A_244 = tpu.memref_squeeze %dma_start3A_243 : memref<1x640x128xf32, #tpu.memory_space<hbm>> -> memref<640x128xf32, #tpu.memory_space<hbm>>
      %dma_start3A_245 = arith.constant 0 : i32
      %dma_start3A_246 = tpu.memref_slice %arg23[%mul3A_239, %dma_start3A_245] : memref<10240x128xf32, #tpu.memory_space<vmem_shared>> -> memref<640x128xf32, #tpu.memory_space<vmem_shared>>
      tpu.enqueue_dma source(%dma_start3A_246 : memref<640x128xf32, #tpu.memory_space<vmem_shared>>) target(%dma_start3A_244 : memref<640x128xf32, #tpu.memory_space<hbm>>) target_semaphore(%run_scoped3A : memref<!tpu.dma_semaphore, #tpu.memory_space<semaphore_mem>>)
      %dma_wait3A_247 = arith.constant 0 : i32
      %dma_wait3A_248 = tpu.memref_slice %arg6[%arg0, %mul3A_241, %dma_wait3A_247] : memref<2x10240x128xf32, #tpu.memory_space<hbm>> -> memref<1x640x128xf32, #tpu.memory_space<hbm>>
      %dma_wait3A_249 = tpu.memref_squeeze %dma_wait3A_248 : memref<1x640x128xf32, #tpu.memory_space<hbm>> -> memref<640x128xf32, #tpu.memory_space<hbm>>
      %dma_wait3A_250 = arith.constant 0 : i32
      %dma_wait3A_251 = tpu.memref_slice %arg23[%mul3A_239, %dma_wait3A_250] : memref<10240x128xf32, #tpu.memory_space<vmem_shared>> -> memref<640x128xf32, #tpu.memory_space<vmem_shared>>
      tpu.wait_dma2 semaphore(%run_scoped3A : memref<!tpu.dma_semaphore, #tpu.memory_space<semaphore_mem>>) src(%dma_wait3A_251 : memref<640x128xf32, #tpu.memory_space<vmem_shared>>) dst(%dma_wait3A_249 : memref<640x128xf32, #tpu.memory_space<hbm>>)
      tpu.yield
    }) : () -> ()
    return
  }
}

#map = affine_map<(d0, d1) -> (0)>
#map1 = affine_map<(d0, d1) -> (0, 0)>
#map2 = affine_map<(d0, d1) -> (0, 0, 0)>
module attributes {stable_mosaic.version = 14 : i64} {
  func.func @_deg_body(%arg0: i32, %arg1: i32, %arg2: memref<320000xi32, #tpu.memory_space<hbm>>, %arg3: memref<128x128xf32, #tpu.memory_space<hbm>>, %arg4: memref<640x128xf32, #tpu.memory_space<hbm>>, %arg5: memref<2x10240x128xf32, #tpu.memory_space<hbm>>, %arg6: memref<128xi32, #tpu.memory_space<vmem>>, %arg7: memref<128xi32, #tpu.memory_space<vmem>>, %arg8: memref<128x128xf32, #tpu.memory_space<vmem>>, %arg9: memref<!tpu.dma_semaphore, #tpu.memory_space<semaphore_mem>>, %arg10: memref<!tpu.dma_semaphore, #tpu.memory_space<semaphore_mem>>, %arg11: memref<10240x128xf32, #tpu.memory_space<vmem_shared>>) attributes {dimension_semantics = [#tpu.dimension_semantics<core_parallel>, #tpu.dimension_semantics<subcore_parallel>], iteration_bounds = array<i64: 2, 16>, scalar_prefetch = 0 : i64, scratch_operands = 6 : i64, tpu.core_type = #tpu.core_type<sc_vector_subcore>, window_params = [{transform_indices = #map}, {transform_indices = #map1}, {transform_indices = #map1}, {transform_indices = #map2}]} {
    %mul3A = arith.constant 16 : i32
    %mul3A_0 = arith.muli %arg0, %mul3A : i32
    %add3A = arith.addi %mul3A_0, %arg1 : i32
    %mul3A_1 = arith.constant 640 : i32
    %mul3A_2 = arith.muli %arg1, %mul3A_1 : i32
    "tpu.region"() ({
      %run_scoped3A = tpu.sem_alloc : memref<!tpu.dma_semaphore, #tpu.memory_space<semaphore_mem>>
      %dma_start3A_34 = arith.constant 0 : i32
      %dma_start3A_35 = tpu.memref_slice %arg11[%mul3A_2, %dma_start3A_34] : memref<10240x128xf32, #tpu.memory_space<vmem_shared>> -> memref<640x128xf32, #tpu.memory_space<vmem_shared>>
      tpu.enqueue_dma source(%arg4 : memref<640x128xf32, #tpu.memory_space<hbm>>) target(%dma_start3A_35 : memref<640x128xf32, #tpu.memory_space<vmem_shared>>) target_semaphore(%run_scoped3A : memref<!tpu.dma_semaphore, #tpu.memory_space<semaphore_mem>>)
      %dma_wait3A_36 = arith.constant 0 : i32
      %dma_wait3A_37 = tpu.memref_slice %arg11[%mul3A_2, %dma_wait3A_36] : memref<10240x128xf32, #tpu.memory_space<vmem_shared>> -> memref<640x128xf32, #tpu.memory_space<vmem_shared>>
      tpu.wait_dma2 semaphore(%run_scoped3A : memref<!tpu.dma_semaphore, #tpu.memory_space<semaphore_mem>>) src(%arg4 : memref<640x128xf32, #tpu.memory_space<hbm>>) dst(%dma_wait3A_37 : memref<640x128xf32, #tpu.memory_space<vmem_shared>>)
      tpu.yield
    }) : () -> ()
    "tpu.region"() ({
      %run_scoped3A = tpu.sem_alloc : memref<!tpu.dma_semaphore, #tpu.memory_space<semaphore_mem>>
      tpu.enqueue_dma source(%arg3 : memref<128x128xf32, #tpu.memory_space<hbm>>) target(%arg8 : memref<128x128xf32, #tpu.memory_space<vmem>>) target_semaphore(%run_scoped3A : memref<!tpu.dma_semaphore, #tpu.memory_space<semaphore_mem>>)
      tpu.wait_dma2 semaphore(%run_scoped3A : memref<!tpu.dma_semaphore, #tpu.memory_space<semaphore_mem>>) src(%arg3 : memref<128x128xf32, #tpu.memory_space<hbm>>) dst(%arg8 : memref<128x128xf32, #tpu.memory_space<vmem>>)
      tpu.yield
    }) : () -> ()
    %barrier3A = arith.constant 0 : index
    tpu.barrier barrier_id(%barrier3A)
    %add3A_3 = arith.constant 0 : i32
    %add3A_4 = arith.addi %add3A, %add3A_3 : i32
    %mul3A_5 = arith.constant 128 : i32
    %mul3A_6 = arith.muli %add3A_4, %mul3A_5 : i32
    %multiple_of3A = tpu.assume_multiple %mul3A_6, 128 : i32
    %dma_start3A = tpu.memref_slice %arg2[%multiple_of3A] : memref<320000xi32, #tpu.memory_space<hbm>> -> memref<128xi32, #tpu.memory_space<hbm>>
    %dma_start3A_7 = tpu.memref_slice %arg2[%multiple_of3A] : memref<320000xi32, #tpu.memory_space<hbm>> -> memref<128xi32, #tpu.memory_space<hbm>>
    tpu.enqueue_dma source(%dma_start3A_7 : memref<128xi32, #tpu.memory_space<hbm>>) target(%arg6 : memref<128xi32, #tpu.memory_space<vmem>>) target_semaphore(%arg9 : memref<!tpu.dma_semaphore, #tpu.memory_space<semaphore_mem>>)
    %add3A_8 = arith.constant 32 : i32
    %add3A_9 = arith.addi %add3A, %add3A_8 : i32
    %mul3A_10 = arith.constant 128 : i32
    %mul3A_11 = arith.muli %add3A_9, %mul3A_10 : i32
    %multiple_of3A_12 = tpu.assume_multiple %mul3A_11, 128 : i32
    %dma_start3A_13 = tpu.memref_slice %arg2[%multiple_of3A_12] : memref<320000xi32, #tpu.memory_space<hbm>> -> memref<128xi32, #tpu.memory_space<hbm>>
    %dma_start3A_14 = tpu.memref_slice %arg2[%multiple_of3A_12] : memref<320000xi32, #tpu.memory_space<hbm>> -> memref<128xi32, #tpu.memory_space<hbm>>
    tpu.enqueue_dma source(%dma_start3A_14 : memref<128xi32, #tpu.memory_space<hbm>>) target(%arg7 : memref<128xi32, #tpu.memory_space<vmem>>) target_semaphore(%arg10 : memref<!tpu.dma_semaphore, #tpu.memory_space<semaphore_mem>>)
    %scan3A = arith.constant 0 : i32
    %scan3A_15 = arith.constant 0 : i32
    %scan3A_16 = arith.constant 38 : i32
    %scan3A_17 = arith.addi %scan3A_15, %scan3A_16 : i32
    %scan3A_18 = arith.constant 1 : i32
    scf.for %scan3A_34 = %scan3A_15 to %scan3A_17 step %scan3A_18  : i32 {
      %mul3A_35 = arith.constant 2 : i32
      %mul3A_36 = arith.muli %mul3A_35, %scan3A_34 : i32
      %add3A_37 = arith.constant 0 : i32
      %add3A_38 = arith.addi %mul3A_36, %add3A_37 : i32
      %dma_wait3A_39 = arith.constant 0 : i32
      %dma_wait3A_40 = tpu.memref_slice %arg2[%dma_wait3A_39] : memref<320000xi32, #tpu.memory_space<hbm>> -> memref<128xi32, #tpu.memory_space<hbm>>
      %dma_wait3A_41 = arith.constant 0 : i32
      %dma_wait3A_42 = tpu.memref_slice %arg2[%dma_wait3A_41] : memref<320000xi32, #tpu.memory_space<hbm>> -> memref<128xi32, #tpu.memory_space<hbm>>
      tpu.wait_dma2 semaphore(%arg9 : memref<!tpu.dma_semaphore, #tpu.memory_space<semaphore_mem>>) src(%dma_wait3A_42 : memref<128xi32, #tpu.memory_space<hbm>>) dst(%arg6 : memref<128xi32, #tpu.memory_space<vmem>>)
      "tpu.region"() ({
        %run_scoped3A = tpu.sem_alloc : memref<!tpu.dma_semaphore, #tpu.memory_space<semaphore_mem>>
        %dma_start3A_71 = arith.constant 0 : i32
        %dma_start3A_72 = arith.constant 0 : i32
        %dma_start3A_73 = tpu.memref_slice %arg11[%dma_start3A_71, %dma_start3A_72] : memref<10240x128xf32, #tpu.memory_space<vmem_shared>> -> memref<10240x128xf32, #tpu.memory_space<vmem_shared>>
        tpu.enqueue_indirect_dma source(%arg8 : memref<128x128xf32, #tpu.memory_space<vmem>>) target(%dma_start3A_73 : memref<10240x128xf32, #tpu.memory_space<vmem_shared>>) offsets(%arg6 : memref<128xi32, #tpu.memory_space<vmem>>) semaphore(%run_scoped3A : memref<!tpu.dma_semaphore, #tpu.memory_space<semaphore_mem>>) {add = true}
        %dma_wait3A_74 = arith.constant 0 : i32
        %dma_wait3A_75 = arith.constant 0 : i32
        %dma_wait3A_76 = tpu.memref_slice %arg11[%dma_wait3A_74, %dma_wait3A_75] : memref<10240x128xf32, #tpu.memory_space<vmem_shared>> -> memref<10240x128xf32, #tpu.memory_space<vmem_shared>>
        tpu.wait_indirect_dma semaphore(%run_scoped3A : memref<!tpu.dma_semaphore, #tpu.memory_space<semaphore_mem>>) src(%arg8 : memref<128x128xf32, #tpu.memory_space<vmem>>) dst(%dma_wait3A_76 : memref<10240x128xf32, #tpu.memory_space<vmem_shared>>)
        tpu.yield
      }) : () -> ()
      %add3A_43 = arith.constant 2 : i32
      %add3A_44 = arith.addi %add3A_38, %add3A_43 : i32
      %mul3A_45 = arith.constant 32 : i32
      %mul3A_46 = arith.muli %mul3A_45, %add3A_44 : i32
      %add3A_47 = arith.addi %add3A, %mul3A_46 : i32
      %mul3A_48 = arith.constant 128 : i32
      %mul3A_49 = arith.muli %add3A_47, %mul3A_48 : i32
      %multiple_of3A_50 = tpu.assume_multiple %mul3A_49, 128 : i32
      %dma_start3A_51 = tpu.memref_slice %arg2[%multiple_of3A_50] : memref<320000xi32, #tpu.memory_space<hbm>> -> memref<128xi32, #tpu.memory_space<hbm>>
      %dma_start3A_52 = tpu.memref_slice %arg2[%multiple_of3A_50] : memref<320000xi32, #tpu.memory_space<hbm>> -> memref<128xi32, #tpu.memory_space<hbm>>
      tpu.enqueue_dma source(%dma_start3A_52 : memref<128xi32, #tpu.memory_space<hbm>>) target(%arg6 : memref<128xi32, #tpu.memory_space<vmem>>) target_semaphore(%arg9 : memref<!tpu.dma_semaphore, #tpu.memory_space<semaphore_mem>>)
      %mul3A_53 = arith.constant 2 : i32
      %mul3A_54 = arith.muli %mul3A_53, %scan3A_34 : i32
      %add3A_55 = arith.constant 1 : i32
      %add3A_56 = arith.addi %mul3A_54, %add3A_55 : i32
      %dma_wait3A_57 = arith.constant 0 : i32
      %dma_wait3A_58 = tpu.memref_slice %arg2[%dma_wait3A_57] : memref<320000xi32, #tpu.memory_space<hbm>> -> memref<128xi32, #tpu.memory_space<hbm>>
      %dma_wait3A_59 = arith.constant 0 : i32
      %dma_wait3A_60 = tpu.memref_slice %arg2[%dma_wait3A_59] : memref<320000xi32, #tpu.memory_space<hbm>> -> memref<128xi32, #tpu.memory_space<hbm>>
      tpu.wait_dma2 semaphore(%arg10 : memref<!tpu.dma_semaphore, #tpu.memory_space<semaphore_mem>>) src(%dma_wait3A_60 : memref<128xi32, #tpu.memory_space<hbm>>) dst(%arg7 : memref<128xi32, #tpu.memory_space<vmem>>)
      "tpu.region"() ({
        %run_scoped3A = tpu.sem_alloc : memref<!tpu.dma_semaphore, #tpu.memory_space<semaphore_mem>>
        %dma_start3A_71 = arith.constant 0 : i32
        %dma_start3A_72 = arith.constant 0 : i32
        %dma_start3A_73 = tpu.memref_slice %arg11[%dma_start3A_71, %dma_start3A_72] : memref<10240x128xf32, #tpu.memory_space<vmem_shared>> -> memref<10240x128xf32, #tpu.memory_space<vmem_shared>>
        tpu.enqueue_indirect_dma source(%arg8 : memref<128x128xf32, #tpu.memory_space<vmem>>) target(%dma_start3A_73 : memref<10240x128xf32, #tpu.memory_space<vmem_shared>>) offsets(%arg7 : memref<128xi32, #tpu.memory_space<vmem>>) semaphore(%run_scoped3A : memref<!tpu.dma_semaphore, #tpu.memory_space<semaphore_mem>>) {add = true}
        %dma_wait3A_74 = arith.constant 0 : i32
        %dma_wait3A_75 = arith.constant 0 : i32
        %dma_wait3A_76 = tpu.memref_slice %arg11[%dma_wait3A_74, %dma_wait3A_75] : memref<10240x128xf32, #tpu.memory_space<vmem_shared>> -> memref<10240x128xf32, #tpu.memory_space<vmem_shared>>
        tpu.wait_indirect_dma semaphore(%run_scoped3A : memref<!tpu.dma_semaphore, #tpu.memory_space<semaphore_mem>>) src(%arg8 : memref<128x128xf32, #tpu.memory_space<vmem>>) dst(%dma_wait3A_76 : memref<10240x128xf32, #tpu.memory_space<vmem_shared>>)
        tpu.yield
      }) : () -> ()
      %add3A_61 = arith.constant 2 : i32
      %add3A_62 = arith.addi %add3A_56, %add3A_61 : i32
      %mul3A_63 = arith.constant 32 : i32
      %mul3A_64 = arith.muli %mul3A_63, %add3A_62 : i32
      %add3A_65 = arith.addi %add3A, %mul3A_64 : i32
      %mul3A_66 = arith.constant 128 : i32
      %mul3A_67 = arith.muli %add3A_65, %mul3A_66 : i32
      %multiple_of3A_68 = tpu.assume_multiple %mul3A_67, 128 : i32
      %dma_start3A_69 = tpu.memref_slice %arg2[%multiple_of3A_68] : memref<320000xi32, #tpu.memory_space<hbm>> -> memref<128xi32, #tpu.memory_space<hbm>>
      %dma_start3A_70 = tpu.memref_slice %arg2[%multiple_of3A_68] : memref<320000xi32, #tpu.memory_space<hbm>> -> memref<128xi32, #tpu.memory_space<hbm>>
      tpu.enqueue_dma source(%dma_start3A_70 : memref<128xi32, #tpu.memory_space<hbm>>) target(%arg7 : memref<128xi32, #tpu.memory_space<vmem>>) target_semaphore(%arg10 : memref<!tpu.dma_semaphore, #tpu.memory_space<semaphore_mem>>)
    }
    %scan3A_19 = arith.constant 38 : i32
    %dma_wait3A = arith.constant 0 : i32
    %dma_wait3A_20 = tpu.memref_slice %arg2[%dma_wait3A] : memref<320000xi32, #tpu.memory_space<hbm>> -> memref<128xi32, #tpu.memory_space<hbm>>
    %dma_wait3A_21 = arith.constant 0 : i32
    %dma_wait3A_22 = tpu.memref_slice %arg2[%dma_wait3A_21] : memref<320000xi32, #tpu.memory_space<hbm>> -> memref<128xi32, #tpu.memory_space<hbm>>
    tpu.wait_dma2 semaphore(%arg9 : memref<!tpu.dma_semaphore, #tpu.memory_space<semaphore_mem>>) src(%dma_wait3A_22 : memref<128xi32, #tpu.memory_space<hbm>>) dst(%arg6 : memref<128xi32, #tpu.memory_space<vmem>>)
    "tpu.region"() ({
      %run_scoped3A = tpu.sem_alloc : memref<!tpu.dma_semaphore, #tpu.memory_space<semaphore_mem>>
      %dma_start3A_34 = arith.constant 0 : i32
      %dma_start3A_35 = arith.constant 0 : i32
      %dma_start3A_36 = tpu.memref_slice %arg11[%dma_start3A_34, %dma_start3A_35] : memref<10240x128xf32, #tpu.memory_space<vmem_shared>> -> memref<10240x128xf32, #tpu.memory_space<vmem_shared>>
      tpu.enqueue_indirect_dma source(%arg8 : memref<128x128xf32, #tpu.memory_space<vmem>>) target(%dma_start3A_36 : memref<10240x128xf32, #tpu.memory_space<vmem_shared>>) offsets(%arg6 : memref<128xi32, #tpu.memory_space<vmem>>) semaphore(%run_scoped3A : memref<!tpu.dma_semaphore, #tpu.memory_space<semaphore_mem>>) {add = true}
      %dma_wait3A_37 = arith.constant 0 : i32
      %dma_wait3A_38 = arith.constant 0 : i32
      %dma_wait3A_39 = tpu.memref_slice %arg11[%dma_wait3A_37, %dma_wait3A_38] : memref<10240x128xf32, #tpu.memory_space<vmem_shared>> -> memref<10240x128xf32, #tpu.memory_space<vmem_shared>>
      tpu.wait_indirect_dma semaphore(%run_scoped3A : memref<!tpu.dma_semaphore, #tpu.memory_space<semaphore_mem>>) src(%arg8 : memref<128x128xf32, #tpu.memory_space<vmem>>) dst(%dma_wait3A_39 : memref<10240x128xf32, #tpu.memory_space<vmem_shared>>)
      tpu.yield
    }) : () -> ()
    %dma_wait3A_23 = arith.constant 0 : i32
    %dma_wait3A_24 = tpu.memref_slice %arg2[%dma_wait3A_23] : memref<320000xi32, #tpu.memory_space<hbm>> -> memref<128xi32, #tpu.memory_space<hbm>>
    %dma_wait3A_25 = arith.constant 0 : i32
    %dma_wait3A_26 = tpu.memref_slice %arg2[%dma_wait3A_25] : memref<320000xi32, #tpu.memory_space<hbm>> -> memref<128xi32, #tpu.memory_space<hbm>>
    tpu.wait_dma2 semaphore(%arg10 : memref<!tpu.dma_semaphore, #tpu.memory_space<semaphore_mem>>) src(%dma_wait3A_26 : memref<128xi32, #tpu.memory_space<hbm>>) dst(%arg7 : memref<128xi32, #tpu.memory_space<vmem>>)
    "tpu.region"() ({
      %run_scoped3A = tpu.sem_alloc : memref<!tpu.dma_semaphore, #tpu.memory_space<semaphore_mem>>
      %dma_start3A_34 = arith.constant 0 : i32
      %dma_start3A_35 = arith.constant 0 : i32
      %dma_start3A_36 = tpu.memref_slice %arg11[%dma_start3A_34, %dma_start3A_35] : memref<10240x128xf32, #tpu.memory_space<vmem_shared>> -> memref<10240x128xf32, #tpu.memory_space<vmem_shared>>
      tpu.enqueue_indirect_dma source(%arg8 : memref<128x128xf32, #tpu.memory_space<vmem>>) target(%dma_start3A_36 : memref<10240x128xf32, #tpu.memory_space<vmem_shared>>) offsets(%arg7 : memref<128xi32, #tpu.memory_space<vmem>>) semaphore(%run_scoped3A : memref<!tpu.dma_semaphore, #tpu.memory_space<semaphore_mem>>) {add = true}
      %dma_wait3A_37 = arith.constant 0 : i32
      %dma_wait3A_38 = arith.constant 0 : i32
      %dma_wait3A_39 = tpu.memref_slice %arg11[%dma_wait3A_37, %dma_wait3A_38] : memref<10240x128xf32, #tpu.memory_space<vmem_shared>> -> memref<10240x128xf32, #tpu.memory_space<vmem_shared>>
      tpu.wait_indirect_dma semaphore(%run_scoped3A : memref<!tpu.dma_semaphore, #tpu.memory_space<semaphore_mem>>) src(%arg8 : memref<128x128xf32, #tpu.memory_space<vmem>>) dst(%dma_wait3A_39 : memref<10240x128xf32, #tpu.memory_space<vmem_shared>>)
      tpu.yield
    }) : () -> ()
    %lt3A = arith.constant 4 : i32
    %lt3A_27 = arith.cmpi slt, %add3A, %lt3A : i32
    %convert_element_type3A = arith.extui %lt3A_27 : i1 to i32
    %cond3A = arith.constant 0 : i32
    %cond3A_28 = arith.cmpi ne, %convert_element_type3A, %cond3A : i32
    scf.if %cond3A_28 {
      %add3A_34 = arith.constant 2496 : i32
      %add3A_35 = arith.addi %add3A, %add3A_34 : i32
      %mul3A_36 = arith.constant 128 : i32
      %mul3A_37 = arith.muli %add3A_35, %mul3A_36 : i32
      %multiple_of3A_38 = tpu.assume_multiple %mul3A_37, 128 : i32
      "tpu.region"() ({
        %run_scoped3A = tpu.sem_alloc : memref<!tpu.dma_semaphore, #tpu.memory_space<semaphore_mem>>
        %dma_start3A_39 = tpu.memref_slice %arg2[%multiple_of3A_38] : memref<320000xi32, #tpu.memory_space<hbm>> -> memref<128xi32, #tpu.memory_space<hbm>>
        %dma_start3A_40 = tpu.memref_slice %arg2[%multiple_of3A_38] : memref<320000xi32, #tpu.memory_space<hbm>> -> memref<128xi32, #tpu.memory_space<hbm>>
        tpu.enqueue_dma source(%dma_start3A_40 : memref<128xi32, #tpu.memory_space<hbm>>) target(%arg6 : memref<128xi32, #tpu.memory_space<vmem>>) target_semaphore(%run_scoped3A : memref<!tpu.dma_semaphore, #tpu.memory_space<semaphore_mem>>)
        %dma_wait3A_41 = tpu.memref_slice %arg2[%multiple_of3A_38] : memref<320000xi32, #tpu.memory_space<hbm>> -> memref<128xi32, #tpu.memory_space<hbm>>
        %dma_wait3A_42 = tpu.memref_slice %arg2[%multiple_of3A_38] : memref<320000xi32, #tpu.memory_space<hbm>> -> memref<128xi32, #tpu.memory_space<hbm>>
        tpu.wait_dma2 semaphore(%run_scoped3A : memref<!tpu.dma_semaphore, #tpu.memory_space<semaphore_mem>>) src(%dma_wait3A_42 : memref<128xi32, #tpu.memory_space<hbm>>) dst(%arg6 : memref<128xi32, #tpu.memory_space<vmem>>)
        tpu.yield
      }) : () -> ()
      "tpu.region"() ({
        %run_scoped3A = tpu.sem_alloc : memref<!tpu.dma_semaphore, #tpu.memory_space<semaphore_mem>>
        %dma_start3A_39 = arith.constant 0 : i32
        %dma_start3A_40 = arith.constant 0 : i32
        %dma_start3A_41 = tpu.memref_slice %arg11[%dma_start3A_39, %dma_start3A_40] : memref<10240x128xf32, #tpu.memory_space<vmem_shared>> -> memref<10240x128xf32, #tpu.memory_space<vmem_shared>>
        tpu.enqueue_indirect_dma source(%arg8 : memref<128x128xf32, #tpu.memory_space<vmem>>) target(%dma_start3A_41 : memref<10240x128xf32, #tpu.memory_space<vmem_shared>>) offsets(%arg6 : memref<128xi32, #tpu.memory_space<vmem>>) semaphore(%run_scoped3A : memref<!tpu.dma_semaphore, #tpu.memory_space<semaphore_mem>>) {add = true}
        %dma_wait3A_42 = arith.constant 0 : i32
        %dma_wait3A_43 = arith.constant 0 : i32
        %dma_wait3A_44 = tpu.memref_slice %arg11[%dma_wait3A_42, %dma_wait3A_43] : memref<10240x128xf32, #tpu.memory_space<vmem_shared>> -> memref<10240x128xf32, #tpu.memory_space<vmem_shared>>
        tpu.wait_indirect_dma semaphore(%run_scoped3A : memref<!tpu.dma_semaphore, #tpu.memory_space<semaphore_mem>>) src(%arg8 : memref<128x128xf32, #tpu.memory_space<vmem>>) dst(%dma_wait3A_44 : memref<10240x128xf32, #tpu.memory_space<vmem_shared>>)
        tpu.yield
      }) : () -> ()
    } else {
    }
    %barrier3A_29 = arith.constant 0 : index
    tpu.barrier barrier_id(%barrier3A_29)
    %mul3A_30 = arith.constant 640 : i32
    %mul3A_31 = arith.muli %arg1, %mul3A_30 : i32
    %mul3A_32 = arith.constant 640 : i32
    %mul3A_33 = arith.muli %arg1, %mul3A_32 : i32
    "tpu.region"() ({
      %run_scoped3A = tpu.sem_alloc : memref<!tpu.dma_semaphore, #tpu.memory_space<semaphore_mem>>
      %dma_start3A_34 = arith.constant 0 : i32
      %dma_start3A_35 = tpu.memref_slice %arg5[%arg0, %mul3A_33, %dma_start3A_34] : memref<2x10240x128xf32, #tpu.memory_space<hbm>> -> memref<1x640x128xf32, #tpu.memory_space<hbm>>
      %dma_start3A_36 = tpu.memref_squeeze %dma_start3A_35 : memref<1x640x128xf32, #tpu.memory_space<hbm>> -> memref<640x128xf32, #tpu.memory_space<hbm>>
      %dma_start3A_37 = arith.constant 0 : i32
      %dma_start3A_38 = tpu.memref_slice %arg11[%mul3A_31, %dma_start3A_37] : memref<10240x128xf32, #tpu.memory_space<vmem_shared>> -> memref<640x128xf32, #tpu.memory_space<vmem_shared>>
      tpu.enqueue_dma source(%dma_start3A_38 : memref<640x128xf32, #tpu.memory_space<vmem_shared>>) target(%dma_start3A_36 : memref<640x128xf32, #tpu.memory_space<hbm>>) target_semaphore(%run_scoped3A : memref<!tpu.dma_semaphore, #tpu.memory_space<semaphore_mem>>)
      %dma_wait3A_39 = arith.constant 0 : i32
      %dma_wait3A_40 = tpu.memref_slice %arg5[%arg0, %mul3A_33, %dma_wait3A_39] : memref<2x10240x128xf32, #tpu.memory_space<hbm>> -> memref<1x640x128xf32, #tpu.memory_space<hbm>>
      %dma_wait3A_41 = tpu.memref_squeeze %dma_wait3A_40 : memref<1x640x128xf32, #tpu.memory_space<hbm>> -> memref<640x128xf32, #tpu.memory_space<hbm>>
      %dma_wait3A_42 = arith.constant 0 : i32
      %dma_wait3A_43 = tpu.memref_slice %arg11[%mul3A_31, %dma_wait3A_42] : memref<10240x128xf32, #tpu.memory_space<vmem_shared>> -> memref<640x128xf32, #tpu.memory_space<vmem_shared>>
      tpu.wait_dma2 semaphore(%run_scoped3A : memref<!tpu.dma_semaphore, #tpu.memory_space<semaphore_mem>>) src(%dma_wait3A_43 : memref<640x128xf32, #tpu.memory_space<vmem_shared>>) dst(%dma_wait3A_41 : memref<640x128xf32, #tpu.memory_space<hbm>>)
      tpu.yield
    }) : () -> ()
    return
  }
}

#map = affine_map<(d0, d1) -> (0, 0)>
#map1 = affine_map<(d0, d1) -> (0)>
#map2 = affine_map<(d0, d1) -> (0, 0, 0)>
module attributes {stable_mosaic.version = 14 : i64} {
  func.func @_msg_body(%arg0: i32, %arg1: i32, %arg2: memref<10240x128xf32, #tpu.memory_space<hbm>>, %arg3: memref<320000xi32, #tpu.memory_space<hbm>>, %arg4: memref<320000xi32, #tpu.memory_space<hbm>>, %arg5: memref<640x128xf32, #tpu.memory_space<hbm>>, %arg6: memref<2x10240x128xf32, #tpu.memory_space<hbm>>, %arg7: memref<128xi32, #tpu.memory_space<vmem>>, %arg8: memref<128xi32, #tpu.memory_space<vmem>>, %arg9: memref<128xi32, #tpu.memory_space<vmem>>, %arg10: memref<128xi32, #tpu.memory_space<vmem>>, %arg11: memref<128xi32, #tpu.memory_space<vmem>>, %arg12: memref<128xi32, #tpu.memory_space<vmem>>, %arg13: memref<128xi32, #tpu.memory_space<vmem>>, %arg14: memref<128xi32, #tpu.memory_space<vmem>>, %arg15: memref<128x128xf32, #tpu.memory_space<vmem>>, %arg16: memref<128x128xf32, #tpu.memory_space<vmem>>, %arg17: memref<!tpu.dma_semaphore, #tpu.memory_space<semaphore_mem>>, %arg18: memref<!tpu.dma_semaphore, #tpu.memory_space<semaphore_mem>>, %arg19: memref<!tpu.dma_semaphore, #tpu.memory_space<semaphore_mem>>, %arg20: memref<!tpu.dma_semaphore, #tpu.memory_space<semaphore_mem>>, %arg21: memref<!tpu.dma_semaphore, #tpu.memory_space<semaphore_mem>>, %arg22: memref<!tpu.dma_semaphore, #tpu.memory_space<semaphore_mem>>, %arg23: memref<10240x128xf32, #tpu.memory_space<vmem_shared>>) attributes {dimension_semantics = [#tpu.dimension_semantics<core_parallel>, #tpu.dimension_semantics<subcore_parallel>], iteration_bounds = array<i64: 2, 16>, scalar_prefetch = 0 : i64, scratch_operands = 17 : i64, tpu.core_type = #tpu.core_type<sc_vector_subcore>, window_params = [{transform_indices = #map}, {transform_indices = #map1}, {transform_indices = #map1}, {transform_indices = #map}, {transform_indices = #map2}]} {
    %mul3A = arith.constant 16 : i32
    %mul3A_0 = arith.muli %arg0, %mul3A : i32
    %add3A = arith.addi %mul3A_0, %arg1 : i32
    %mul3A_1 = arith.constant 640 : i32
    %mul3A_2 = arith.muli %arg1, %mul3A_1 : i32
    "tpu.region"() ({
      %run_scoped3A = tpu.sem_alloc : memref<!tpu.dma_semaphore, #tpu.memory_space<semaphore_mem>>
      %dma_start3A_242 = arith.constant 0 : i32
      %dma_start3A_243 = tpu.memref_slice %arg23[%mul3A_2, %dma_start3A_242] : memref<10240x128xf32, #tpu.memory_space<vmem_shared>> -> memref<640x128xf32, #tpu.memory_space<vmem_shared>>
      tpu.enqueue_dma source(%arg5 : memref<640x128xf32, #tpu.memory_space<hbm>>) target(%dma_start3A_243 : memref<640x128xf32, #tpu.memory_space<vmem_shared>>) target_semaphore(%run_scoped3A : memref<!tpu.dma_semaphore, #tpu.memory_space<semaphore_mem>>)
      %dma_wait3A_244 = arith.constant 0 : i32
      %dma_wait3A_245 = tpu.memref_slice %arg23[%mul3A_2, %dma_wait3A_244] : memref<10240x128xf32, #tpu.memory_space<vmem_shared>> -> memref<640x128xf32, #tpu.memory_space<vmem_shared>>
      tpu.wait_dma2 semaphore(%run_scoped3A : memref<!tpu.dma_semaphore, #tpu.memory_space<semaphore_mem>>) src(%arg5 : memref<640x128xf32, #tpu.memory_space<hbm>>) dst(%dma_wait3A_245 : memref<640x128xf32, #tpu.memory_space<vmem_shared>>)
      tpu.yield
    }) : () -> ()
    %barrier3A = arith.constant 0 : index
    tpu.barrier barrier_id(%barrier3A)
    %add3A_3 = arith.constant 0 : i32
    %add3A_4 = arith.addi %add3A, %add3A_3 : i32
    %mul3A_5 = arith.constant 128 : i32
    %mul3A_6 = arith.muli %add3A_4, %mul3A_5 : i32
    %multiple_of3A = tpu.assume_multiple %mul3A_6, 128 : i32
    %dma_start3A = tpu.memref_slice %arg3[%multiple_of3A] : memref<320000xi32, #tpu.memory_space<hbm>> -> memref<128xi32, #tpu.memory_space<hbm>>
    %dma_start3A_7 = tpu.memref_slice %arg3[%multiple_of3A] : memref<320000xi32, #tpu.memory_space<hbm>> -> memref<128xi32, #tpu.memory_space<hbm>>
    tpu.enqueue_dma source(%dma_start3A_7 : memref<128xi32, #tpu.memory_space<hbm>>) target(%arg7 : memref<128xi32, #tpu.memory_space<vmem>>) target_semaphore(%arg17 : memref<!tpu.dma_semaphore, #tpu.memory_space<semaphore_mem>>)
    %dma_start3A_8 = tpu.memref_slice %arg4[%multiple_of3A] : memref<320000xi32, #tpu.memory_space<hbm>> -> memref<128xi32, #tpu.memory_space<hbm>>
    %dma_start3A_9 = tpu.memref_slice %arg4[%multiple_of3A] : memref<320000xi32, #tpu.memory_space<hbm>> -> memref<128xi32, #tpu.memory_space<hbm>>
    tpu.enqueue_dma source(%dma_start3A_9 : memref<128xi32, #tpu.memory_space<hbm>>) target(%arg11 : memref<128xi32, #tpu.memory_space<vmem>>) target_semaphore(%arg17 : memref<!tpu.dma_semaphore, #tpu.memory_space<semaphore_mem>>)
    %add3A_10 = arith.constant 32 : i32
    %add3A_11 = arith.addi %add3A, %add3A_10 : i32
    %mul3A_12 = arith.constant 128 : i32
    %mul3A_13 = arith.muli %add3A_11, %mul3A_12 : i32
    %multiple_of3A_14 = tpu.assume_multiple %mul3A_13, 128 : i32
    %dma_start3A_15 = tpu.memref_slice %arg3[%multiple_of3A_14] : memref<320000xi32, #tpu.memory_space<hbm>> -> memref<128xi32, #tpu.memory_space<hbm>>
    %dma_start3A_16 = tpu.memref_slice %arg3[%multiple_of3A_14] : memref<320000xi32, #tpu.memory_space<hbm>> -> memref<128xi32, #tpu.memory_space<hbm>>
    tpu.enqueue_dma source(%dma_start3A_16 : memref<128xi32, #tpu.memory_space<hbm>>) target(%arg8 : memref<128xi32, #tpu.memory_space<vmem>>) target_semaphore(%arg18 : memref<!tpu.dma_semaphore, #tpu.memory_space<semaphore_mem>>)
    %dma_start3A_17 = tpu.memref_slice %arg4[%multiple_of3A_14] : memref<320000xi32, #tpu.memory_space<hbm>> -> memref<128xi32, #tpu.memory_space<hbm>>
    %dma_start3A_18 = tpu.memref_slice %arg4[%multiple_of3A_14] : memref<320000xi32, #tpu.memory_space<hbm>> -> memref<128xi32, #tpu.memory_space<hbm>>
    tpu.enqueue_dma source(%dma_start3A_18 : memref<128xi32, #tpu.memory_space<hbm>>) target(%arg12 : memref<128xi32, #tpu.memory_space<vmem>>) target_semaphore(%arg18 : memref<!tpu.dma_semaphore, #tpu.memory_space<semaphore_mem>>)
    %add3A_19 = arith.constant 64 : i32
    %add3A_20 = arith.addi %add3A, %add3A_19 : i32
    %mul3A_21 = arith.constant 128 : i32
    %mul3A_22 = arith.muli %add3A_20, %mul3A_21 : i32
    %multiple_of3A_23 = tpu.assume_multiple %mul3A_22, 128 : i32
    %dma_start3A_24 = tpu.memref_slice %arg3[%multiple_of3A_23] : memref<320000xi32, #tpu.memory_space<hbm>> -> memref<128xi32, #tpu.memory_space<hbm>>
    %dma_start3A_25 = tpu.memref_slice %arg3[%multiple_of3A_23] : memref<320000xi32, #tpu.memory_space<hbm>> -> memref<128xi32, #tpu.memory_space<hbm>>
    tpu.enqueue_dma source(%dma_start3A_25 : memref<128xi32, #tpu.memory_space<hbm>>) target(%arg9 : memref<128xi32, #tpu.memory_space<vmem>>) target_semaphore(%arg19 : memref<!tpu.dma_semaphore, #tpu.memory_space<semaphore_mem>>)
    %dma_start3A_26 = tpu.memref_slice %arg4[%multiple_of3A_23] : memref<320000xi32, #tpu.memory_space<hbm>> -> memref<128xi32, #tpu.memory_space<hbm>>
    %dma_start3A_27 = tpu.memref_slice %arg4[%multiple_of3A_23] : memref<320000xi32, #tpu.memory_space<hbm>> -> memref<128xi32, #tpu.memory_space<hbm>>
    tpu.enqueue_dma source(%dma_start3A_27 : memref<128xi32, #tpu.memory_space<hbm>>) target(%arg13 : memref<128xi32, #tpu.memory_space<vmem>>) target_semaphore(%arg19 : memref<!tpu.dma_semaphore, #tpu.memory_space<semaphore_mem>>)
    %add3A_28 = arith.constant 96 : i32
    %add3A_29 = arith.addi %add3A, %add3A_28 : i32
    %mul3A_30 = arith.constant 128 : i32
    %mul3A_31 = arith.muli %add3A_29, %mul3A_30 : i32
    %multiple_of3A_32 = tpu.assume_multiple %mul3A_31, 128 : i32
    %dma_start3A_33 = tpu.memref_slice %arg3[%multiple_of3A_32] : memref<320000xi32, #tpu.memory_space<hbm>> -> memref<128xi32, #tpu.memory_space<hbm>>
    %dma_start3A_34 = tpu.memref_slice %arg3[%multiple_of3A_32] : memref<320000xi32, #tpu.memory_space<hbm>> -> memref<128xi32, #tpu.memory_space<hbm>>
    tpu.enqueue_dma source(%dma_start3A_34 : memref<128xi32, #tpu.memory_space<hbm>>) target(%arg10 : memref<128xi32, #tpu.memory_space<vmem>>) target_semaphore(%arg20 : memref<!tpu.dma_semaphore, #tpu.memory_space<semaphore_mem>>)
    %dma_start3A_35 = tpu.memref_slice %arg4[%multiple_of3A_32] : memref<320000xi32, #tpu.memory_space<hbm>> -> memref<128xi32, #tpu.memory_space<hbm>>
    %dma_start3A_36 = tpu.memref_slice %arg4[%multiple_of3A_32] : memref<320000xi32, #tpu.memory_space<hbm>> -> memref<128xi32, #tpu.memory_space<hbm>>
    tpu.enqueue_dma source(%dma_start3A_36 : memref<128xi32, #tpu.memory_space<hbm>>) target(%arg14 : memref<128xi32, #tpu.memory_space<vmem>>) target_semaphore(%arg20 : memref<!tpu.dma_semaphore, #tpu.memory_space<semaphore_mem>>)
    %dma_wait3A = arith.constant 0 : i32
    %dma_wait3A_37 = tpu.memref_slice %arg3[%dma_wait3A] : memref<320000xi32, #tpu.memory_space<hbm>> -> memref<128xi32, #tpu.memory_space<hbm>>
    %dma_wait3A_38 = arith.constant 0 : i32
    %dma_wait3A_39 = tpu.memref_slice %arg3[%dma_wait3A_38] : memref<320000xi32, #tpu.memory_space<hbm>> -> memref<128xi32, #tpu.memory_space<hbm>>
    tpu.wait_dma2 semaphore(%arg17 : memref<!tpu.dma_semaphore, #tpu.memory_space<semaphore_mem>>) src(%dma_wait3A_39 : memref<128xi32, #tpu.memory_space<hbm>>) dst(%arg7 : memref<128xi32, #tpu.memory_space<vmem>>)
    %dma_wait3A_40 = arith.constant 0 : i32
    %dma_wait3A_41 = tpu.memref_slice %arg3[%dma_wait3A_40] : memref<320000xi32, #tpu.memory_space<hbm>> -> memref<128xi32, #tpu.memory_space<hbm>>
    %dma_wait3A_42 = arith.constant 0 : i32
    %dma_wait3A_43 = tpu.memref_slice %arg3[%dma_wait3A_42] : memref<320000xi32, #tpu.memory_space<hbm>> -> memref<128xi32, #tpu.memory_space<hbm>>
    tpu.wait_dma2 semaphore(%arg17 : memref<!tpu.dma_semaphore, #tpu.memory_space<semaphore_mem>>) src(%dma_wait3A_43 : memref<128xi32, #tpu.memory_space<hbm>>) dst(%arg11 : memref<128xi32, #tpu.memory_space<vmem>>)
    %dma_start3A_44 = arith.constant 0 : i32
    %dma_start3A_45 = arith.constant 0 : i32
    %dma_start3A_46 = tpu.memref_slice %arg2[%dma_start3A_44, %dma_start3A_45] : memref<10240x128xf32, #tpu.memory_space<hbm>> -> memref<10240x128xf32, #tpu.memory_space<hbm>>
    tpu.enqueue_indirect_dma source(%dma_start3A_46 : memref<10240x128xf32, #tpu.memory_space<hbm>>) target(%arg15 : memref<128x128xf32, #tpu.memory_space<vmem>>) offsets(%arg7 : memref<128xi32, #tpu.memory_space<vmem>>) semaphore(%arg21 : memref<!tpu.dma_semaphore, #tpu.memory_space<semaphore_mem>>)
    %scan3A = arith.constant 0 : i32
    %scan3A_47 = arith.constant 0 : i32
    %scan3A_48 = arith.constant 17 : i32
    %scan3A_49 = arith.addi %scan3A_47, %scan3A_48 : i32
    %scan3A_50 = arith.constant 1 : i32
    scf.for %scan3A_242 = %scan3A_47 to %scan3A_49 step %scan3A_50  : i32 {
      %mul3A_243 = arith.constant 4 : i32
      %mul3A_244 = arith.muli %mul3A_243, %scan3A_242 : i32
      %add3A_245 = arith.constant 0 : i32
      %add3A_246 = arith.addi %mul3A_244, %add3A_245 : i32
      %dma_wait3A_247 = arith.constant 0 : i32
      %dma_wait3A_248 = tpu.memref_slice %arg3[%dma_wait3A_247] : memref<320000xi32, #tpu.memory_space<hbm>> -> memref<128xi32, #tpu.memory_space<hbm>>
      %dma_wait3A_249 = arith.constant 0 : i32
      %dma_wait3A_250 = tpu.memref_slice %arg3[%dma_wait3A_249] : memref<320000xi32, #tpu.memory_space<hbm>> -> memref<128xi32, #tpu.memory_space<hbm>>
      tpu.wait_dma2 semaphore(%arg18 : memref<!tpu.dma_semaphore, #tpu.memory_space<semaphore_mem>>) src(%dma_wait3A_250 : memref<128xi32, #tpu.memory_space<hbm>>) dst(%arg8 : memref<128xi32, #tpu.memory_space<vmem>>)
      %dma_wait3A_251 = arith.constant 0 : i32
      %dma_wait3A_252 = tpu.memref_slice %arg3[%dma_wait3A_251] : memref<320000xi32, #tpu.memory_space<hbm>> -> memref<128xi32, #tpu.memory_space<hbm>>
      %dma_wait3A_253 = arith.constant 0 : i32
      %dma_wait3A_254 = tpu.memref_slice %arg3[%dma_wait3A_253] : memref<320000xi32, #tpu.memory_space<hbm>> -> memref<128xi32, #tpu.memory_space<hbm>>
      tpu.wait_dma2 semaphore(%arg18 : memref<!tpu.dma_semaphore, #tpu.memory_space<semaphore_mem>>) src(%dma_wait3A_254 : memref<128xi32, #tpu.memory_space<hbm>>) dst(%arg12 : memref<128xi32, #tpu.memory_space<vmem>>)
      %dma_start3A_255 = arith.constant 0 : i32
      %dma_start3A_256 = arith.constant 0 : i32
      %dma_start3A_257 = tpu.memref_slice %arg2[%dma_start3A_255, %dma_start3A_256] : memref<10240x128xf32, #tpu.memory_space<hbm>> -> memref<10240x128xf32, #tpu.memory_space<hbm>>
      tpu.enqueue_indirect_dma source(%dma_start3A_257 : memref<10240x128xf32, #tpu.memory_space<hbm>>) target(%arg16 : memref<128x128xf32, #tpu.memory_space<vmem>>) offsets(%arg8 : memref<128xi32, #tpu.memory_space<vmem>>) semaphore(%arg22 : memref<!tpu.dma_semaphore, #tpu.memory_space<semaphore_mem>>)
      %dma_wait3A_258 = arith.constant 0 : i32
      %dma_wait3A_259 = arith.constant 0 : i32
      %dma_wait3A_260 = tpu.memref_slice %arg2[%dma_wait3A_258, %dma_wait3A_259] : memref<10240x128xf32, #tpu.memory_space<hbm>> -> memref<10240x128xf32, #tpu.memory_space<hbm>>
      tpu.wait_indirect_dma semaphore(%arg21 : memref<!tpu.dma_semaphore, #tpu.memory_space<semaphore_mem>>) src(%dma_wait3A_260 : memref<10240x128xf32, #tpu.memory_space<hbm>>) dst(%arg15 : memref<128x128xf32, #tpu.memory_space<vmem>>)
      "tpu.region"() ({
        %run_scoped3A = tpu.sem_alloc : memref<!tpu.dma_semaphore, #tpu.memory_space<semaphore_mem>>
        %dma_start3A_363 = arith.constant 0 : i32
        %dma_start3A_364 = arith.constant 0 : i32
        %dma_start3A_365 = tpu.memref_slice %arg23[%dma_start3A_363, %dma_start3A_364] : memref<10240x128xf32, #tpu.memory_space<vmem_shared>> -> memref<10240x128xf32, #tpu.memory_space<vmem_shared>>
        tpu.enqueue_indirect_dma source(%arg15 : memref<128x128xf32, #tpu.memory_space<vmem>>) target(%dma_start3A_365 : memref<10240x128xf32, #tpu.memory_space<vmem_shared>>) offsets(%arg11 : memref<128xi32, #tpu.memory_space<vmem>>) semaphore(%run_scoped3A : memref<!tpu.dma_semaphore, #tpu.memory_space<semaphore_mem>>) {add = true}
        %dma_wait3A_366 = arith.constant 0 : i32
        %dma_wait3A_367 = arith.constant 0 : i32
        %dma_wait3A_368 = tpu.memref_slice %arg23[%dma_wait3A_366, %dma_wait3A_367] : memref<10240x128xf32, #tpu.memory_space<vmem_shared>> -> memref<10240x128xf32, #tpu.memory_space<vmem_shared>>
        tpu.wait_indirect_dma semaphore(%run_scoped3A : memref<!tpu.dma_semaphore, #tpu.memory_space<semaphore_mem>>) src(%arg15 : memref<128x128xf32, #tpu.memory_space<vmem>>) dst(%dma_wait3A_368 : memref<10240x128xf32, #tpu.memory_space<vmem_shared>>)
        tpu.yield
      }) : () -> ()
      %add3A_261 = arith.constant 4 : i32
      %add3A_262 = arith.addi %add3A_246, %add3A_261 : i32
      %mul3A_263 = arith.constant 32 : i32
      %mul3A_264 = arith.muli %mul3A_263, %add3A_262 : i32
      %add3A_265 = arith.addi %add3A, %mul3A_264 : i32
      %mul3A_266 = arith.constant 128 : i32
      %mul3A_267 = arith.muli %add3A_265, %mul3A_266 : i32
      %multiple_of3A_268 = tpu.assume_multiple %mul3A_267, 128 : i32
      %dma_start3A_269 = tpu.memref_slice %arg3[%multiple_of3A_268] : memref<320000xi32, #tpu.memory_space<hbm>> -> memref<128xi32, #tpu.memory_space<hbm>>
      %dma_start3A_270 = tpu.memref_slice %arg3[%multiple_of3A_268] : memref<320000xi32, #tpu.memory_space<hbm>> -> memref<128xi32, #tpu.memory_space<hbm>>
      tpu.enqueue_dma source(%dma_start3A_270 : memref<128xi32, #tpu.memory_space<hbm>>) target(%arg7 : memref<128xi32, #tpu.memory_space<vmem>>) target_semaphore(%arg17 : memref<!tpu.dma_semaphore, #tpu.memory_space<semaphore_mem>>)
      %dma_start3A_271 = tpu.memref_slice %arg4[%multiple_of3A_268] : memref<320000xi32, #tpu.memory_space<hbm>> -> memref<128xi32, #tpu.memory_space<hbm>>
      %dma_start3A_272 = tpu.memref_slice %arg4[%multiple_of3A_268] : memref<320000xi32, #tpu.memory_space<hbm>> -> memref<128xi32, #tpu.memory_space<hbm>>
      tpu.enqueue_dma source(%dma_start3A_272 : memref<128xi32, #tpu.memory_space<hbm>>) target(%arg11 : memref<128xi32, #tpu.memory_space<vmem>>) target_semaphore(%arg17 : memref<!tpu.dma_semaphore, #tpu.memory_space<semaphore_mem>>)
      %mul3A_273 = arith.constant 4 : i32
      %mul3A_274 = arith.muli %mul3A_273, %scan3A_242 : i32
      %add3A_275 = arith.constant 1 : i32
      %add3A_276 = arith.addi %mul3A_274, %add3A_275 : i32
      %dma_wait3A_277 = arith.constant 0 : i32
      %dma_wait3A_278 = tpu.memref_slice %arg3[%dma_wait3A_277] : memref<320000xi32, #tpu.memory_space<hbm>> -> memref<128xi32, #tpu.memory_space<hbm>>
      %dma_wait3A_279 = arith.constant 0 : i32
      %dma_wait3A_280 = tpu.memref_slice %arg3[%dma_wait3A_279] : memref<320000xi32, #tpu.memory_space<hbm>> -> memref<128xi32, #tpu.memory_space<hbm>>
      tpu.wait_dma2 semaphore(%arg19 : memref<!tpu.dma_semaphore, #tpu.memory_space<semaphore_mem>>) src(%dma_wait3A_280 : memref<128xi32, #tpu.memory_space<hbm>>) dst(%arg9 : memref<128xi32, #tpu.memory_space<vmem>>)
      %dma_wait3A_281 = arith.constant 0 : i32
      %dma_wait3A_282 = tpu.memref_slice %arg3[%dma_wait3A_281] : memref<320000xi32, #tpu.memory_space<hbm>> -> memref<128xi32, #tpu.memory_space<hbm>>
      %dma_wait3A_283 = arith.constant 0 : i32
      %dma_wait3A_284 = tpu.memref_slice %arg3[%dma_wait3A_283] : memref<320000xi32, #tpu.memory_space<hbm>> -> memref<128xi32, #tpu.memory_space<hbm>>
      tpu.wait_dma2 semaphore(%arg19 : memref<!tpu.dma_semaphore, #tpu.memory_space<semaphore_mem>>) src(%dma_wait3A_284 : memref<128xi32, #tpu.memory_space<hbm>>) dst(%arg13 : memref<128xi32, #tpu.memory_space<vmem>>)
      %dma_start3A_285 = arith.constant 0 : i32
      %dma_start3A_286 = arith.constant 0 : i32
      %dma_start3A_287 = tpu.memref_slice %arg2[%dma_start3A_285, %dma_start3A_286] : memref<10240x128xf32, #tpu.memory_space<hbm>> -> memref<10240x128xf32, #tpu.memory_space<hbm>>
      tpu.enqueue_indirect_dma source(%dma_start3A_287 : memref<10240x128xf32, #tpu.memory_space<hbm>>) target(%arg15 : memref<128x128xf32, #tpu.memory_space<vmem>>) offsets(%arg9 : memref<128xi32, #tpu.memory_space<vmem>>) semaphore(%arg21 : memref<!tpu.dma_semaphore, #tpu.memory_space<semaphore_mem>>)
      %dma_wait3A_288 = arith.constant 0 : i32
      %dma_wait3A_289 = arith.constant 0 : i32
      %dma_wait3A_290 = tpu.memref_slice %arg2[%dma_wait3A_288, %dma_wait3A_289] : memref<10240x128xf32, #tpu.memory_space<hbm>> -> memref<10240x128xf32, #tpu.memory_space<hbm>>
      tpu.wait_indirect_dma semaphore(%arg22 : memref<!tpu.dma_semaphore, #tpu.memory_space<semaphore_mem>>) src(%dma_wait3A_290 : memref<10240x128xf32, #tpu.memory_space<hbm>>) dst(%arg16 : memref<128x128xf32, #tpu.memory_space<vmem>>)
      "tpu.region"() ({
        %run_scoped3A = tpu.sem_alloc : memref<!tpu.dma_semaphore, #tpu.memory_space<semaphore_mem>>
        %dma_start3A_363 = arith.constant 0 : i32
        %dma_start3A_364 = arith.constant 0 : i32
        %dma_start3A_365 = tpu.memref_slice %arg23[%dma_start3A_363, %dma_start3A_364] : memref<10240x128xf32, #tpu.memory_space<vmem_shared>> -> memref<10240x128xf32, #tpu.memory_space<vmem_shared>>
        tpu.enqueue_indirect_dma source(%arg16 : memref<128x128xf32, #tpu.memory_space<vmem>>) target(%dma_start3A_365 : memref<10240x128xf32, #tpu.memory_space<vmem_shared>>) offsets(%arg12 : memref<128xi32, #tpu.memory_space<vmem>>) semaphore(%run_scoped3A : memref<!tpu.dma_semaphore, #tpu.memory_space<semaphore_mem>>) {add = true}
        %dma_wait3A_366 = arith.constant 0 : i32
        %dma_wait3A_367 = arith.constant 0 : i32
        %dma_wait3A_368 = tpu.memref_slice %arg23[%dma_wait3A_366, %dma_wait3A_367] : memref<10240x128xf32, #tpu.memory_space<vmem_shared>> -> memref<10240x128xf32, #tpu.memory_space<vmem_shared>>
        tpu.wait_indirect_dma semaphore(%run_scoped3A : memref<!tpu.dma_semaphore, #tpu.memory_space<semaphore_mem>>) src(%arg16 : memref<128x128xf32, #tpu.memory_space<vmem>>) dst(%dma_wait3A_368 : memref<10240x128xf32, #tpu.memory_space<vmem_shared>>)
        tpu.yield
      }) : () -> ()
      %add3A_291 = arith.constant 4 : i32
      %add3A_292 = arith.addi %add3A_276, %add3A_291 : i32
      %mul3A_293 = arith.constant 32 : i32
      %mul3A_294 = arith.muli %mul3A_293, %add3A_292 : i32
      %add3A_295 = arith.addi %add3A, %mul3A_294 : i32
      %mul3A_296 = arith.constant 128 : i32
      %mul3A_297 = arith.muli %add3A_295, %mul3A_296 : i32
      %multiple_of3A_298 = tpu.assume_multiple %mul3A_297, 128 : i32
      %dma_start3A_299 = tpu.memref_slice %arg3[%multiple_of3A_298] : memref<320000xi32, #tpu.memory_space<hbm>> -> memref<128xi32, #tpu.memory_space<hbm>>
      %dma_start3A_300 = tpu.memref_slice %arg3[%multiple_of3A_298] : memref<320000xi32, #tpu.memory_space<hbm>> -> memref<128xi32, #tpu.memory_space<hbm>>
      tpu.enqueue_dma source(%dma_start3A_300 : memref<128xi32, #tpu.memory_space<hbm>>) target(%arg8 : memref<128xi32, #tpu.memory_space<vmem>>) target_semaphore(%arg18 : memref<!tpu.dma_semaphore, #tpu.memory_space<semaphore_mem>>)
      %dma_start3A_301 = tpu.memref_slice %arg4[%multiple_of3A_298] : memref<320000xi32, #tpu.memory_space<hbm>> -> memref<128xi32, #tpu.memory_space<hbm>>
      %dma_start3A_302 = tpu.memref_slice %arg4[%multiple_of3A_298] : memref<320000xi32, #tpu.memory_space<hbm>> -> memref<128xi32, #tpu.memory_space<hbm>>
      tpu.enqueue_dma source(%dma_start3A_302 : memref<128xi32, #tpu.memory_space<hbm>>) target(%arg12 : memref<128xi32, #tpu.memory_space<vmem>>) target_semaphore(%arg18 : memref<!tpu.dma_semaphore, #tpu.memory_space<semaphore_mem>>)
      %mul3A_303 = arith.constant 4 : i32
      %mul3A_304 = arith.muli %mul3A_303, %scan3A_242 : i32
      %add3A_305 = arith.constant 2 : i32
      %add3A_306 = arith.addi %mul3A_304, %add3A_305 : i32
      %dma_wait3A_307 = arith.constant 0 : i32
      %dma_wait3A_308 = tpu.memref_slice %arg3[%dma_wait3A_307] : memref<320000xi32, #tpu.memory_space<hbm>> -> memref<128xi32, #tpu.memory_space<hbm>>
      %dma_wait3A_309 = arith.constant 0 : i32
      %dma_wait3A_310 = tpu.memref_slice %arg3[%dma_wait3A_309] : memref<320000xi32, #tpu.memory_space<hbm>> -> memref<128xi32, #tpu.memory_space<hbm>>
      tpu.wait_dma2 semaphore(%arg20 : memref<!tpu.dma_semaphore, #tpu.memory_space<semaphore_mem>>) src(%dma_wait3A_310 : memref<128xi32, #tpu.memory_space<hbm>>) dst(%arg10 : memref<128xi32, #tpu.memory_space<vmem>>)
      %dma_wait3A_311 = arith.constant 0 : i32
      %dma_wait3A_312 = tpu.memref_slice %arg3[%dma_wait3A_311] : memref<320000xi32, #tpu.memory_space<hbm>> -> memref<128xi32, #tpu.memory_space<hbm>>
      %dma_wait3A_313 = arith.constant 0 : i32
      %dma_wait3A_314 = tpu.memref_slice %arg3[%dma_wait3A_313] : memref<320000xi32, #tpu.memory_space<hbm>> -> memref<128xi32, #tpu.memory_space<hbm>>
      tpu.wait_dma2 semaphore(%arg20 : memref<!tpu.dma_semaphore, #tpu.memory_space<semaphore_mem>>) src(%dma_wait3A_314 : memref<128xi32, #tpu.memory_space<hbm>>) dst(%arg14 : memref<128xi32, #tpu.memory_space<vmem>>)
      %dma_start3A_315 = arith.constant 0 : i32
      %dma_start3A_316 = arith.constant 0 : i32
      %dma_start3A_317 = tpu.memref_slice %arg2[%dma_start3A_315, %dma_start3A_316] : memref<10240x128xf32, #tpu.memory_space<hbm>> -> memref<10240x128xf32, #tpu.memory_space<hbm>>
      tpu.enqueue_indirect_dma source(%dma_start3A_317 : memref<10240x128xf32, #tpu.memory_space<hbm>>) target(%arg16 : memref<128x128xf32, #tpu.memory_space<vmem>>) offsets(%arg10 : memref<128xi32, #tpu.memory_space<vmem>>) semaphore(%arg22 : memref<!tpu.dma_semaphore, #tpu.memory_space<semaphore_mem>>)
      %dma_wait3A_318 = arith.constant 0 : i32
      %dma_wait3A_319 = arith.constant 0 : i32
      %dma_wait3A_320 = tpu.memref_slice %arg2[%dma_wait3A_318, %dma_wait3A_319] : memref<10240x128xf32, #tpu.memory_space<hbm>> -> memref<10240x128xf32, #tpu.memory_space<hbm>>
      tpu.wait_indirect_dma semaphore(%arg21 : memref<!tpu.dma_semaphore, #tpu.memory_space<semaphore_mem>>) src(%dma_wait3A_320 : memref<10240x128xf32, #tpu.memory_space<hbm>>) dst(%arg15 : memref<128x128xf32, #tpu.memory_space<vmem>>)
      "tpu.region"() ({
        %run_scoped3A = tpu.sem_alloc : memref<!tpu.dma_semaphore, #tpu.memory_space<semaphore_mem>>
        %dma_start3A_363 = arith.constant 0 : i32
        %dma_start3A_364 = arith.constant 0 : i32
        %dma_start3A_365 = tpu.memref_slice %arg23[%dma_start3A_363, %dma_start3A_364] : memref<10240x128xf32, #tpu.memory_space<vmem_shared>> -> memref<10240x128xf32, #tpu.memory_space<vmem_shared>>
        tpu.enqueue_indirect_dma source(%arg15 : memref<128x128xf32, #tpu.memory_space<vmem>>) target(%dma_start3A_365 : memref<10240x128xf32, #tpu.memory_space<vmem_shared>>) offsets(%arg13 : memref<128xi32, #tpu.memory_space<vmem>>) semaphore(%run_scoped3A : memref<!tpu.dma_semaphore, #tpu.memory_space<semaphore_mem>>) {add = true}
        %dma_wait3A_366 = arith.constant 0 : i32
        %dma_wait3A_367 = arith.constant 0 : i32
        %dma_wait3A_368 = tpu.memref_slice %arg23[%dma_wait3A_366, %dma_wait3A_367] : memref<10240x128xf32, #tpu.memory_space<vmem_shared>> -> memref<10240x128xf32, #tpu.memory_space<vmem_shared>>
        tpu.wait_indirect_dma semaphore(%run_scoped3A : memref<!tpu.dma_semaphore, #tpu.memory_space<semaphore_mem>>) src(%arg15 : memref<128x128xf32, #tpu.memory_space<vmem>>) dst(%dma_wait3A_368 : memref<10240x128xf32, #tpu.memory_space<vmem_shared>>)
        tpu.yield
      }) : () -> ()
      %add3A_321 = arith.constant 4 : i32
      %add3A_322 = arith.addi %add3A_306, %add3A_321 : i32
      %mul3A_323 = arith.constant 32 : i32
      %mul3A_324 = arith.muli %mul3A_323, %add3A_322 : i32
      %add3A_325 = arith.addi %add3A, %mul3A_324 : i32
      %mul3A_326 = arith.constant 128 : i32
      %mul3A_327 = arith.muli %add3A_325, %mul3A_326 : i32
      %multiple_of3A_328 = tpu.assume_multiple %mul3A_327, 128 : i32
      %dma_start3A_329 = tpu.memref_slice %arg3[%multiple_of3A_328] : memref<320000xi32, #tpu.memory_space<hbm>> -> memref<128xi32, #tpu.memory_space<hbm>>
      %dma_start3A_330 = tpu.memref_slice %arg3[%multiple_of3A_328] : memref<320000xi32, #tpu.memory_space<hbm>> -> memref<128xi32, #tpu.memory_space<hbm>>
      tpu.enqueue_dma source(%dma_start3A_330 : memref<128xi32, #tpu.memory_space<hbm>>) target(%arg9 : memref<128xi32, #tpu.memory_space<vmem>>) target_semaphore(%arg19 : memref<!tpu.dma_semaphore, #tpu.memory_space<semaphore_mem>>)
      %dma_start3A_331 = tpu.memref_slice %arg4[%multiple_of3A_328] : memref<320000xi32, #tpu.memory_space<hbm>> -> memref<128xi32, #tpu.memory_space<hbm>>
      %dma_start3A_332 = tpu.memref_slice %arg4[%multiple_of3A_328] : memref<320000xi32, #tpu.memory_space<hbm>> -> memref<128xi32, #tpu.memory_space<hbm>>
      tpu.enqueue_dma source(%dma_start3A_332 : memref<128xi32, #tpu.memory_space<hbm>>) target(%arg13 : memref<128xi32, #tpu.memory_space<vmem>>) target_semaphore(%arg19 : memref<!tpu.dma_semaphore, #tpu.memory_space<semaphore_mem>>)
      %mul3A_333 = arith.constant 4 : i32
      %mul3A_334 = arith.muli %mul3A_333, %scan3A_242 : i32
      %add3A_335 = arith.constant 3 : i32
      %add3A_336 = arith.addi %mul3A_334, %add3A_335 : i32
      %dma_wait3A_337 = arith.constant 0 : i32
      %dma_wait3A_338 = tpu.memref_slice %arg3[%dma_wait3A_337] : memref<320000xi32, #tpu.memory_space<hbm>> -> memref<128xi32, #tpu.memory_space<hbm>>
      %dma_wait3A_339 = arith.constant 0 : i32
      %dma_wait3A_340 = tpu.memref_slice %arg3[%dma_wait3A_339] : memref<320000xi32, #tpu.memory_space<hbm>> -> memref<128xi32, #tpu.memory_space<hbm>>
      tpu.wait_dma2 semaphore(%arg17 : memref<!tpu.dma_semaphore, #tpu.memory_space<semaphore_mem>>) src(%dma_wait3A_340 : memref<128xi32, #tpu.memory_space<hbm>>) dst(%arg7 : memref<128xi32, #tpu.memory_space<vmem>>)
      %dma_wait3A_341 = arith.constant 0 : i32
      %dma_wait3A_342 = tpu.memref_slice %arg3[%dma_wait3A_341] : memref<320000xi32, #tpu.memory_space<hbm>> -> memref<128xi32, #tpu.memory_space<hbm>>
      %dma_wait3A_343 = arith.constant 0 : i32
      %dma_wait3A_344 = tpu.memref_slice %arg3[%dma_wait3A_343] : memref<320000xi32, #tpu.memory_space<hbm>> -> memref<128xi32, #tpu.memory_space<hbm>>
      tpu.wait_dma2 semaphore(%arg17 : memref<!tpu.dma_semaphore, #tpu.memory_space<semaphore_mem>>) src(%dma_wait3A_344 : memref<128xi32, #tpu.memory_space<hbm>>) dst(%arg11 : memref<128xi32, #tpu.memory_space<vmem>>)
      %dma_start3A_345 = arith.constant 0 : i32
      %dma_start3A_346 = arith.constant 0 : i32
      %dma_start3A_347 = tpu.memref_slice %arg2[%dma_start3A_345, %dma_start3A_346] : memref<10240x128xf32, #tpu.memory_space<hbm>> -> memref<10240x128xf32, #tpu.memory_space<hbm>>
      tpu.enqueue_indirect_dma source(%dma_start3A_347 : memref<10240x128xf32, #tpu.memory_space<hbm>>) target(%arg15 : memref<128x128xf32, #tpu.memory_space<vmem>>) offsets(%arg7 : memref<128xi32, #tpu.memory_space<vmem>>) semaphore(%arg21 : memref<!tpu.dma_semaphore, #tpu.memory_space<semaphore_mem>>)
      %dma_wait3A_348 = arith.constant 0 : i32
      %dma_wait3A_349 = arith.constant 0 : i32
      %dma_wait3A_350 = tpu.memref_slice %arg2[%dma_wait3A_348, %dma_wait3A_349] : memref<10240x128xf32, #tpu.memory_space<hbm>> -> memref<10240x128xf32, #tpu.memory_space<hbm>>
      tpu.wait_indirect_dma semaphore(%arg22 : memref<!tpu.dma_semaphore, #tpu.memory_space<semaphore_mem>>) src(%dma_wait3A_350 : memref<10240x128xf32, #tpu.memory_space<hbm>>) dst(%arg16 : memref<128x128xf32, #tpu.memory_space<vmem>>)
      "tpu.region"() ({
        %run_scoped3A = tpu.sem_alloc : memref<!tpu.dma_semaphore, #tpu.memory_space<semaphore_mem>>
        %dma_start3A_363 = arith.constant 0 : i32
        %dma_start3A_364 = arith.constant 0 : i32
        %dma_start3A_365 = tpu.memref_slice %arg23[%dma_start3A_363, %dma_start3A_364] : memref<10240x128xf32, #tpu.memory_space<vmem_shared>> -> memref<10240x128xf32, #tpu.memory_space<vmem_shared>>
        tpu.enqueue_indirect_dma source(%arg16 : memref<128x128xf32, #tpu.memory_space<vmem>>) target(%dma_start3A_365 : memref<10240x128xf32, #tpu.memory_space<vmem_shared>>) offsets(%arg14 : memref<128xi32, #tpu.memory_space<vmem>>) semaphore(%run_scoped3A : memref<!tpu.dma_semaphore, #tpu.memory_space<semaphore_mem>>) {add = true}
        %dma_wait3A_366 = arith.constant 0 : i32
        %dma_wait3A_367 = arith.constant 0 : i32
        %dma_wait3A_368 = tpu.memref_slice %arg23[%dma_wait3A_366, %dma_wait3A_367] : memref<10240x128xf32, #tpu.memory_space<vmem_shared>> -> memref<10240x128xf32, #tpu.memory_space<vmem_shared>>
        tpu.wait_indirect_dma semaphore(%run_scoped3A : memref<!tpu.dma_semaphore, #tpu.memory_space<semaphore_mem>>) src(%arg16 : memref<128x128xf32, #tpu.memory_space<vmem>>) dst(%dma_wait3A_368 : memref<10240x128xf32, #tpu.memory_space<vmem_shared>>)
        tpu.yield
      }) : () -> ()
      %add3A_351 = arith.constant 4 : i32
      %add3A_352 = arith.addi %add3A_336, %add3A_351 : i32
      %mul3A_353 = arith.constant 32 : i32
      %mul3A_354 = arith.muli %mul3A_353, %add3A_352 : i32
      %add3A_355 = arith.addi %add3A, %mul3A_354 : i32
      %mul3A_356 = arith.constant 128 : i32
      %mul3A_357 = arith.muli %add3A_355, %mul3A_356 : i32
      %multiple_of3A_358 = tpu.assume_multiple %mul3A_357, 128 : i32
      %dma_start3A_359 = tpu.memref_slice %arg3[%multiple_of3A_358] : memref<320000xi32, #tpu.memory_space<hbm>> -> memref<128xi32, #tpu.memory_space<hbm>>
      %dma_start3A_360 = tpu.memref_slice %arg3[%multiple_of3A_358] : memref<320000xi32, #tpu.memory_space<hbm>> -> memref<128xi32, #tpu.memory_space<hbm>>
      tpu.enqueue_dma source(%dma_start3A_360 : memref<128xi32, #tpu.memory_space<hbm>>) target(%arg10 : memref<128xi32, #tpu.memory_space<vmem>>) target_semaphore(%arg20 : memref<!tpu.dma_semaphore, #tpu.memory_space<semaphore_mem>>)
      %dma_start3A_361 = tpu.memref_slice %arg4[%multiple_of3A_358] : memref<320000xi32, #tpu.memory_space<hbm>> -> memref<128xi32, #tpu.memory_space<hbm>>
      %dma_start3A_362 = tpu.memref_slice %arg4[%multiple_of3A_358] : memref<320000xi32, #tpu.memory_space<hbm>> -> memref<128xi32, #tpu.memory_space<hbm>>
      tpu.enqueue_dma source(%dma_start3A_362 : memref<128xi32, #tpu.memory_space<hbm>>) target(%arg14 : memref<128xi32, #tpu.memory_space<vmem>>) target_semaphore(%arg20 : memref<!tpu.dma_semaphore, #tpu.memory_space<semaphore_mem>>)
    }
    %scan3A_51 = arith.constant 17 : i32
    %dma_wait3A_52 = arith.constant 0 : i32
    %dma_wait3A_53 = tpu.memref_slice %arg3[%dma_wait3A_52] : memref<320000xi32, #tpu.memory_space<hbm>> -> memref<128xi32, #tpu.memory_space<hbm>>
    %dma_wait3A_54 = arith.constant 0 : i32
    %dma_wait3A_55 = tpu.memref_slice %arg3[%dma_wait3A_54] : memref<320000xi32, #tpu.memory_space<hbm>> -> memref<128xi32, #tpu.memory_space<hbm>>
    tpu.wait_dma2 semaphore(%arg18 : memref<!tpu.dma_semaphore, #tpu.memory_space<semaphore_mem>>) src(%dma_wait3A_55 : memref<128xi32, #tpu.memory_space<hbm>>) dst(%arg8 : memref<128xi32, #tpu.memory_space<vmem>>)
    %dma_wait3A_56 = arith.constant 0 : i32
    %dma_wait3A_57 = tpu.memref_slice %arg3[%dma_wait3A_56] : memref<320000xi32, #tpu.memory_space<hbm>> -> memref<128xi32, #tpu.memory_space<hbm>>
    %dma_wait3A_58 = arith.constant 0 : i32
    %dma_wait3A_59 = tpu.memref_slice %arg3[%dma_wait3A_58] : memref<320000xi32, #tpu.memory_space<hbm>> -> memref<128xi32, #tpu.memory_space<hbm>>
    tpu.wait_dma2 semaphore(%arg18 : memref<!tpu.dma_semaphore, #tpu.memory_space<semaphore_mem>>) src(%dma_wait3A_59 : memref<128xi32, #tpu.memory_space<hbm>>) dst(%arg12 : memref<128xi32, #tpu.memory_space<vmem>>)
    %dma_start3A_60 = arith.constant 0 : i32
    %dma_start3A_61 = arith.constant 0 : i32
    %dma_start3A_62 = tpu.memref_slice %arg2[%dma_start3A_60, %dma_start3A_61] : memref<10240x128xf32, #tpu.memory_space<hbm>> -> memref<10240x128xf32, #tpu.memory_space<hbm>>
    tpu.enqueue_indirect_dma source(%dma_start3A_62 : memref<10240x128xf32, #tpu.memory_space<hbm>>) target(%arg16 : memref<128x128xf32, #tpu.memory_space<vmem>>) offsets(%arg8 : memref<128xi32, #tpu.memory_space<vmem>>) semaphore(%arg22 : memref<!tpu.dma_semaphore, #tpu.memory_space<semaphore_mem>>)
    %dma_wait3A_63 = arith.constant 0 : i32
    %dma_wait3A_64 = arith.constant 0 : i32
    %dma_wait3A_65 = tpu.memref_slice %arg2[%dma_wait3A_63, %dma_wait3A_64] : memref<10240x128xf32, #tpu.memory_space<hbm>> -> memref<10240x128xf32, #tpu.memory_space<hbm>>
    tpu.wait_indirect_dma semaphore(%arg21 : memref<!tpu.dma_semaphore, #tpu.memory_space<semaphore_mem>>) src(%dma_wait3A_65 : memref<10240x128xf32, #tpu.memory_space<hbm>>) dst(%arg15 : memref<128x128xf32, #tpu.memory_space<vmem>>)
    "tpu.region"() ({
      %run_scoped3A = tpu.sem_alloc : memref<!tpu.dma_semaphore, #tpu.memory_space<semaphore_mem>>
      %dma_start3A_242 = arith.constant 0 : i32
      %dma_start3A_243 = arith.constant 0 : i32
      %dma_start3A_244 = tpu.memref_slice %arg23[%dma_start3A_242, %dma_start3A_243] : memref<10240x128xf32, #tpu.memory_space<vmem_shared>> -> memref<10240x128xf32, #tpu.memory_space<vmem_shared>>
      tpu.enqueue_indirect_dma source(%arg15 : memref<128x128xf32, #tpu.memory_space<vmem>>) target(%dma_start3A_244 : memref<10240x128xf32, #tpu.memory_space<vmem_shared>>) offsets(%arg11 : memref<128xi32, #tpu.memory_space<vmem>>) semaphore(%run_scoped3A : memref<!tpu.dma_semaphore, #tpu.memory_space<semaphore_mem>>) {add = true}
      %dma_wait3A_245 = arith.constant 0 : i32
      %dma_wait3A_246 = arith.constant 0 : i32
      %dma_wait3A_247 = tpu.memref_slice %arg23[%dma_wait3A_245, %dma_wait3A_246] : memref<10240x128xf32, #tpu.memory_space<vmem_shared>> -> memref<10240x128xf32, #tpu.memory_space<vmem_shared>>
      tpu.wait_indirect_dma semaphore(%run_scoped3A : memref<!tpu.dma_semaphore, #tpu.memory_space<semaphore_mem>>) src(%arg15 : memref<128x128xf32, #tpu.memory_space<vmem>>) dst(%dma_wait3A_247 : memref<10240x128xf32, #tpu.memory_space<vmem_shared>>)
      tpu.yield
    }) : () -> ()
    %add3A_66 = arith.constant 2304 : i32
    %add3A_67 = arith.addi %add3A, %add3A_66 : i32
    %mul3A_68 = arith.constant 128 : i32
    %mul3A_69 = arith.muli %add3A_67, %mul3A_68 : i32
    %multiple_of3A_70 = tpu.assume_multiple %mul3A_69, 128 : i32
    %dma_start3A_71 = tpu.memref_slice %arg3[%multiple_of3A_70] : memref<320000xi32, #tpu.memory_space<hbm>> -> memref<128xi32, #tpu.memory_space<hbm>>
    %dma_start3A_72 = tpu.memref_slice %arg3[%multiple_of3A_70] : memref<320000xi32, #tpu.memory_space<hbm>> -> memref<128xi32, #tpu.memory_space<hbm>>
    tpu.enqueue_dma source(%dma_start3A_72 : memref<128xi32, #tpu.memory_space<hbm>>) target(%arg7 : memref<128xi32, #tpu.memory_space<vmem>>) target_semaphore(%arg17 : memref<!tpu.dma_semaphore, #tpu.memory_space<semaphore_mem>>)
    %dma_start3A_73 = tpu.memref_slice %arg4[%multiple_of3A_70] : memref<320000xi32, #tpu.memory_space<hbm>> -> memref<128xi32, #tpu.memory_space<hbm>>
    %dma_start3A_74 = tpu.memref_slice %arg4[%multiple_of3A_70] : memref<320000xi32, #tpu.memory_space<hbm>> -> memref<128xi32, #tpu.memory_space<hbm>>
    tpu.enqueue_dma source(%dma_start3A_74 : memref<128xi32, #tpu.memory_space<hbm>>) target(%arg11 : memref<128xi32, #tpu.memory_space<vmem>>) target_semaphore(%arg17 : memref<!tpu.dma_semaphore, #tpu.memory_space<semaphore_mem>>)
    %dma_wait3A_75 = arith.constant 0 : i32
    %dma_wait3A_76 = tpu.memref_slice %arg3[%dma_wait3A_75] : memref<320000xi32, #tpu.memory_space<hbm>> -> memref<128xi32, #tpu.memory_space<hbm>>
    %dma_wait3A_77 = arith.constant 0 : i32
    %dma_wait3A_78 = tpu.memref_slice %arg3[%dma_wait3A_77] : memref<320000xi32, #tpu.memory_space<hbm>> -> memref<128xi32, #tpu.memory_space<hbm>>
    tpu.wait_dma2 semaphore(%arg19 : memref<!tpu.dma_semaphore, #tpu.memory_space<semaphore_mem>>) src(%dma_wait3A_78 : memref<128xi32, #tpu.memory_space<hbm>>) dst(%arg9 : memref<128xi32, #tpu.memory_space<vmem>>)
    %dma_wait3A_79 = arith.constant 0 : i32
    %dma_wait3A_80 = tpu.memref_slice %arg3[%dma_wait3A_79] : memref<320000xi32, #tpu.memory_space<hbm>> -> memref<128xi32, #tpu.memory_space<hbm>>
    %dma_wait3A_81 = arith.constant 0 : i32
    %dma_wait3A_82 = tpu.memref_slice %arg3[%dma_wait3A_81] : memref<320000xi32, #tpu.memory_space<hbm>> -> memref<128xi32, #tpu.memory_space<hbm>>
    tpu.wait_dma2 semaphore(%arg19 : memref<!tpu.dma_semaphore, #tpu.memory_space<semaphore_mem>>) src(%dma_wait3A_82 : memref<128xi32, #tpu.memory_space<hbm>>) dst(%arg13 : memref<128xi32, #tpu.memory_space<vmem>>)
    %dma_start3A_83 = arith.constant 0 : i32
    %dma_start3A_84 = arith.constant 0 : i32
    %dma_start3A_85 = tpu.memref_slice %arg2[%dma_start3A_83, %dma_start3A_84] : memref<10240x128xf32, #tpu.memory_space<hbm>> -> memref<10240x128xf32, #tpu.memory_space<hbm>>
    tpu.enqueue_indirect_dma source(%dma_start3A_85 : memref<10240x128xf32, #tpu.memory_space<hbm>>) target(%arg15 : memref<128x128xf32, #tpu.memory_space<vmem>>) offsets(%arg9 : memref<128xi32, #tpu.memory_space<vmem>>) semaphore(%arg21 : memref<!tpu.dma_semaphore, #tpu.memory_space<semaphore_mem>>)
    %dma_wait3A_86 = arith.constant 0 : i32
    %dma_wait3A_87 = arith.constant 0 : i32
    %dma_wait3A_88 = tpu.memref_slice %arg2[%dma_wait3A_86, %dma_wait3A_87] : memref<10240x128xf32, #tpu.memory_space<hbm>> -> memref<10240x128xf32, #tpu.memory_space<hbm>>
    tpu.wait_indirect_dma semaphore(%arg22 : memref<!tpu.dma_semaphore, #tpu.memory_space<semaphore_mem>>) src(%dma_wait3A_88 : memref<10240x128xf32, #tpu.memory_space<hbm>>) dst(%arg16 : memref<128x128xf32, #tpu.memory_space<vmem>>)
    "tpu.region"() ({
      %run_scoped3A = tpu.sem_alloc : memref<!tpu.dma_semaphore, #tpu.memory_space<semaphore_mem>>
      %dma_start3A_242 = arith.constant 0 : i32
      %dma_start3A_243 = arith.constant 0 : i32
      %dma_start3A_244 = tpu.memref_slice %arg23[%dma_start3A_242, %dma_start3A_243] : memref<10240x128xf32, #tpu.memory_space<vmem_shared>> -> memref<10240x128xf32, #tpu.memory_space<vmem_shared>>
      tpu.enqueue_indirect_dma source(%arg16 : memref<128x128xf32, #tpu.memory_space<vmem>>) target(%dma_start3A_244 : memref<10240x128xf32, #tpu.memory_space<vmem_shared>>) offsets(%arg12 : memref<128xi32, #tpu.memory_space<vmem>>) semaphore(%run_scoped3A : memref<!tpu.dma_semaphore, #tpu.memory_space<semaphore_mem>>) {add = true}
      %dma_wait3A_245 = arith.constant 0 : i32
      %dma_wait3A_246 = arith.constant 0 : i32
      %dma_wait3A_247 = tpu.memref_slice %arg23[%dma_wait3A_245, %dma_wait3A_246] : memref<10240x128xf32, #tpu.memory_space<vmem_shared>> -> memref<10240x128xf32, #tpu.memory_space<vmem_shared>>
      tpu.wait_indirect_dma semaphore(%run_scoped3A : memref<!tpu.dma_semaphore, #tpu.memory_space<semaphore_mem>>) src(%arg16 : memref<128x128xf32, #tpu.memory_space<vmem>>) dst(%dma_wait3A_247 : memref<10240x128xf32, #tpu.memory_space<vmem_shared>>)
      tpu.yield
    }) : () -> ()
    %add3A_89 = arith.constant 2336 : i32
    %add3A_90 = arith.addi %add3A, %add3A_89 : i32
    %mul3A_91 = arith.constant 128 : i32
    %mul3A_92 = arith.muli %add3A_90, %mul3A_91 : i32
    %multiple_of3A_93 = tpu.assume_multiple %mul3A_92, 128 : i32
    %dma_start3A_94 = tpu.memref_slice %arg3[%multiple_of3A_93] : memref<320000xi32, #tpu.memory_space<hbm>> -> memref<128xi32, #tpu.memory_space<hbm>>
    %dma_start3A_95 = tpu.memref_slice %arg3[%multiple_of3A_93] : memref<320000xi32, #tpu.memory_space<hbm>> -> memref<128xi32, #tpu.memory_space<hbm>>
    tpu.enqueue_dma source(%dma_start3A_95 : memref<128xi32, #tpu.memory_space<hbm>>) target(%arg8 : memref<128xi32, #tpu.memory_space<vmem>>) target_semaphore(%arg18 : memref<!tpu.dma_semaphore, #tpu.memory_space<semaphore_mem>>)
    %dma_start3A_96 = tpu.memref_slice %arg4[%multiple_of3A_93] : memref<320000xi32, #tpu.memory_space<hbm>> -> memref<128xi32, #tpu.memory_space<hbm>>
    %dma_start3A_97 = tpu.memref_slice %arg4[%multiple_of3A_93] : memref<320000xi32, #tpu.memory_space<hbm>> -> memref<128xi32, #tpu.memory_space<hbm>>
    tpu.enqueue_dma source(%dma_start3A_97 : memref<128xi32, #tpu.memory_space<hbm>>) target(%arg12 : memref<128xi32, #tpu.memory_space<vmem>>) target_semaphore(%arg18 : memref<!tpu.dma_semaphore, #tpu.memory_space<semaphore_mem>>)
    %dma_wait3A_98 = arith.constant 0 : i32
    %dma_wait3A_99 = tpu.memref_slice %arg3[%dma_wait3A_98] : memref<320000xi32, #tpu.memory_space<hbm>> -> memref<128xi32, #tpu.memory_space<hbm>>
    %dma_wait3A_100 = arith.constant 0 : i32
    %dma_wait3A_101 = tpu.memref_slice %arg3[%dma_wait3A_100] : memref<320000xi32, #tpu.memory_space<hbm>> -> memref<128xi32, #tpu.memory_space<hbm>>
    tpu.wait_dma2 semaphore(%arg20 : memref<!tpu.dma_semaphore, #tpu.memory_space<semaphore_mem>>) src(%dma_wait3A_101 : memref<128xi32, #tpu.memory_space<hbm>>) dst(%arg10 : memref<128xi32, #tpu.memory_space<vmem>>)
    %dma_wait3A_102 = arith.constant 0 : i32
    %dma_wait3A_103 = tpu.memref_slice %arg3[%dma_wait3A_102] : memref<320000xi32, #tpu.memory_space<hbm>> -> memref<128xi32, #tpu.memory_space<hbm>>
    %dma_wait3A_104 = arith.constant 0 : i32
    %dma_wait3A_105 = tpu.memref_slice %arg3[%dma_wait3A_104] : memref<320000xi32, #tpu.memory_space<hbm>> -> memref<128xi32, #tpu.memory_space<hbm>>
    tpu.wait_dma2 semaphore(%arg20 : memref<!tpu.dma_semaphore, #tpu.memory_space<semaphore_mem>>) src(%dma_wait3A_105 : memref<128xi32, #tpu.memory_space<hbm>>) dst(%arg14 : memref<128xi32, #tpu.memory_space<vmem>>)
    %dma_start3A_106 = arith.constant 0 : i32
    %dma_start3A_107 = arith.constant 0 : i32
    %dma_start3A_108 = tpu.memref_slice %arg2[%dma_start3A_106, %dma_start3A_107] : memref<10240x128xf32, #tpu.memory_space<hbm>> -> memref<10240x128xf32, #tpu.memory_space<hbm>>
    tpu.enqueue_indirect_dma source(%dma_start3A_108 : memref<10240x128xf32, #tpu.memory_space<hbm>>) target(%arg16 : memref<128x128xf32, #tpu.memory_space<vmem>>) offsets(%arg10 : memref<128xi32, #tpu.memory_space<vmem>>) semaphore(%arg22 : memref<!tpu.dma_semaphore, #tpu.memory_space<semaphore_mem>>)
    %dma_wait3A_109 = arith.constant 0 : i32
    %dma_wait3A_110 = arith.constant 0 : i32
    %dma_wait3A_111 = tpu.memref_slice %arg2[%dma_wait3A_109, %dma_wait3A_110] : memref<10240x128xf32, #tpu.memory_space<hbm>> -> memref<10240x128xf32, #tpu.memory_space<hbm>>
    tpu.wait_indirect_dma semaphore(%arg21 : memref<!tpu.dma_semaphore, #tpu.memory_space<semaphore_mem>>) src(%dma_wait3A_111 : memref<10240x128xf32, #tpu.memory_space<hbm>>) dst(%arg15 : memref<128x128xf32, #tpu.memory_space<vmem>>)
    "tpu.region"() ({
      %run_scoped3A = tpu.sem_alloc : memref<!tpu.dma_semaphore, #tpu.memory_space<semaphore_mem>>
      %dma_start3A_242 = arith.constant 0 : i32
      %dma_start3A_243 = arith.constant 0 : i32
      %dma_start3A_244 = tpu.memref_slice %arg23[%dma_start3A_242, %dma_start3A_243] : memref<10240x128xf32, #tpu.memory_space<vmem_shared>> -> memref<10240x128xf32, #tpu.memory_space<vmem_shared>>
      tpu.enqueue_indirect_dma source(%arg15 : memref<128x128xf32, #tpu.memory_space<vmem>>) target(%dma_start3A_244 : memref<10240x128xf32, #tpu.memory_space<vmem_shared>>) offsets(%arg13 : memref<128xi32, #tpu.memory_space<vmem>>) semaphore(%run_scoped3A : memref<!tpu.dma_semaphore, #tpu.memory_space<semaphore_mem>>) {add = true}
      %dma_wait3A_245 = arith.constant 0 : i32
      %dma_wait3A_246 = arith.constant 0 : i32
      %dma_wait3A_247 = tpu.memref_slice %arg23[%dma_wait3A_245, %dma_wait3A_246] : memref<10240x128xf32, #tpu.memory_space<vmem_shared>> -> memref<10240x128xf32, #tpu.memory_space<vmem_shared>>
      tpu.wait_indirect_dma semaphore(%run_scoped3A : memref<!tpu.dma_semaphore, #tpu.memory_space<semaphore_mem>>) src(%arg15 : memref<128x128xf32, #tpu.memory_space<vmem>>) dst(%dma_wait3A_247 : memref<10240x128xf32, #tpu.memory_space<vmem_shared>>)
      tpu.yield
    }) : () -> ()
    %add3A_112 = arith.constant 2368 : i32
    %add3A_113 = arith.addi %add3A, %add3A_112 : i32
    %mul3A_114 = arith.constant 128 : i32
    %mul3A_115 = arith.muli %add3A_113, %mul3A_114 : i32
    %multiple_of3A_116 = tpu.assume_multiple %mul3A_115, 128 : i32
    %dma_start3A_117 = tpu.memref_slice %arg3[%multiple_of3A_116] : memref<320000xi32, #tpu.memory_space<hbm>> -> memref<128xi32, #tpu.memory_space<hbm>>
    %dma_start3A_118 = tpu.memref_slice %arg3[%multiple_of3A_116] : memref<320000xi32, #tpu.memory_space<hbm>> -> memref<128xi32, #tpu.memory_space<hbm>>
    tpu.enqueue_dma source(%dma_start3A_118 : memref<128xi32, #tpu.memory_space<hbm>>) target(%arg9 : memref<128xi32, #tpu.memory_space<vmem>>) target_semaphore(%arg19 : memref<!tpu.dma_semaphore, #tpu.memory_space<semaphore_mem>>)
    %dma_start3A_119 = tpu.memref_slice %arg4[%multiple_of3A_116] : memref<320000xi32, #tpu.memory_space<hbm>> -> memref<128xi32, #tpu.memory_space<hbm>>
    %dma_start3A_120 = tpu.memref_slice %arg4[%multiple_of3A_116] : memref<320000xi32, #tpu.memory_space<hbm>> -> memref<128xi32, #tpu.memory_space<hbm>>
    tpu.enqueue_dma source(%dma_start3A_120 : memref<128xi32, #tpu.memory_space<hbm>>) target(%arg13 : memref<128xi32, #tpu.memory_space<vmem>>) target_semaphore(%arg19 : memref<!tpu.dma_semaphore, #tpu.memory_space<semaphore_mem>>)
    %dma_wait3A_121 = arith.constant 0 : i32
    %dma_wait3A_122 = tpu.memref_slice %arg3[%dma_wait3A_121] : memref<320000xi32, #tpu.memory_space<hbm>> -> memref<128xi32, #tpu.memory_space<hbm>>
    %dma_wait3A_123 = arith.constant 0 : i32
    %dma_wait3A_124 = tpu.memref_slice %arg3[%dma_wait3A_123] : memref<320000xi32, #tpu.memory_space<hbm>> -> memref<128xi32, #tpu.memory_space<hbm>>
    tpu.wait_dma2 semaphore(%arg17 : memref<!tpu.dma_semaphore, #tpu.memory_space<semaphore_mem>>) src(%dma_wait3A_124 : memref<128xi32, #tpu.memory_space<hbm>>) dst(%arg7 : memref<128xi32, #tpu.memory_space<vmem>>)
    %dma_wait3A_125 = arith.constant 0 : i32
    %dma_wait3A_126 = tpu.memref_slice %arg3[%dma_wait3A_125] : memref<320000xi32, #tpu.memory_space<hbm>> -> memref<128xi32, #tpu.memory_space<hbm>>
    %dma_wait3A_127 = arith.constant 0 : i32
    %dma_wait3A_128 = tpu.memref_slice %arg3[%dma_wait3A_127] : memref<320000xi32, #tpu.memory_space<hbm>> -> memref<128xi32, #tpu.memory_space<hbm>>
    tpu.wait_dma2 semaphore(%arg17 : memref<!tpu.dma_semaphore, #tpu.memory_space<semaphore_mem>>) src(%dma_wait3A_128 : memref<128xi32, #tpu.memory_space<hbm>>) dst(%arg11 : memref<128xi32, #tpu.memory_space<vmem>>)
    %dma_start3A_129 = arith.constant 0 : i32
    %dma_start3A_130 = arith.constant 0 : i32
    %dma_start3A_131 = tpu.memref_slice %arg2[%dma_start3A_129, %dma_start3A_130] : memref<10240x128xf32, #tpu.memory_space<hbm>> -> memref<10240x128xf32, #tpu.memory_space<hbm>>
    tpu.enqueue_indirect_dma source(%dma_start3A_131 : memref<10240x128xf32, #tpu.memory_space<hbm>>) target(%arg15 : memref<128x128xf32, #tpu.memory_space<vmem>>) offsets(%arg7 : memref<128xi32, #tpu.memory_space<vmem>>) semaphore(%arg21 : memref<!tpu.dma_semaphore, #tpu.memory_space<semaphore_mem>>)
    %dma_wait3A_132 = arith.constant 0 : i32
    %dma_wait3A_133 = arith.constant 0 : i32
    %dma_wait3A_134 = tpu.memref_slice %arg2[%dma_wait3A_132, %dma_wait3A_133] : memref<10240x128xf32, #tpu.memory_space<hbm>> -> memref<10240x128xf32, #tpu.memory_space<hbm>>
    tpu.wait_indirect_dma semaphore(%arg22 : memref<!tpu.dma_semaphore, #tpu.memory_space<semaphore_mem>>) src(%dma_wait3A_134 : memref<10240x128xf32, #tpu.memory_space<hbm>>) dst(%arg16 : memref<128x128xf32, #tpu.memory_space<vmem>>)
    "tpu.region"() ({
      %run_scoped3A = tpu.sem_alloc : memref<!tpu.dma_semaphore, #tpu.memory_space<semaphore_mem>>
      %dma_start3A_242 = arith.constant 0 : i32
      %dma_start3A_243 = arith.constant 0 : i32
      %dma_start3A_244 = tpu.memref_slice %arg23[%dma_start3A_242, %dma_start3A_243] : memref<10240x128xf32, #tpu.memory_space<vmem_shared>> -> memref<10240x128xf32, #tpu.memory_space<vmem_shared>>
      tpu.enqueue_indirect_dma source(%arg16 : memref<128x128xf32, #tpu.memory_space<vmem>>) target(%dma_start3A_244 : memref<10240x128xf32, #tpu.memory_space<vmem_shared>>) offsets(%arg14 : memref<128xi32, #tpu.memory_space<vmem>>) semaphore(%run_scoped3A : memref<!tpu.dma_semaphore, #tpu.memory_space<semaphore_mem>>) {add = true}
      %dma_wait3A_245 = arith.constant 0 : i32
      %dma_wait3A_246 = arith.constant 0 : i32
      %dma_wait3A_247 = tpu.memref_slice %arg23[%dma_wait3A_245, %dma_wait3A_246] : memref<10240x128xf32, #tpu.memory_space<vmem_shared>> -> memref<10240x128xf32, #tpu.memory_space<vmem_shared>>
      tpu.wait_indirect_dma semaphore(%run_scoped3A : memref<!tpu.dma_semaphore, #tpu.memory_space<semaphore_mem>>) src(%arg16 : memref<128x128xf32, #tpu.memory_space<vmem>>) dst(%dma_wait3A_247 : memref<10240x128xf32, #tpu.memory_space<vmem_shared>>)
      tpu.yield
    }) : () -> ()
    %add3A_135 = arith.constant 2400 : i32
    %add3A_136 = arith.addi %add3A, %add3A_135 : i32
    %mul3A_137 = arith.constant 128 : i32
    %mul3A_138 = arith.muli %add3A_136, %mul3A_137 : i32
    %multiple_of3A_139 = tpu.assume_multiple %mul3A_138, 128 : i32
    %dma_start3A_140 = tpu.memref_slice %arg3[%multiple_of3A_139] : memref<320000xi32, #tpu.memory_space<hbm>> -> memref<128xi32, #tpu.memory_space<hbm>>
    %dma_start3A_141 = tpu.memref_slice %arg3[%multiple_of3A_139] : memref<320000xi32, #tpu.memory_space<hbm>> -> memref<128xi32, #tpu.memory_space<hbm>>
    tpu.enqueue_dma source(%dma_start3A_141 : memref<128xi32, #tpu.memory_space<hbm>>) target(%arg10 : memref<128xi32, #tpu.memory_space<vmem>>) target_semaphore(%arg20 : memref<!tpu.dma_semaphore, #tpu.memory_space<semaphore_mem>>)
    %dma_start3A_142 = tpu.memref_slice %arg4[%multiple_of3A_139] : memref<320000xi32, #tpu.memory_space<hbm>> -> memref<128xi32, #tpu.memory_space<hbm>>
    %dma_start3A_143 = tpu.memref_slice %arg4[%multiple_of3A_139] : memref<320000xi32, #tpu.memory_space<hbm>> -> memref<128xi32, #tpu.memory_space<hbm>>
    tpu.enqueue_dma source(%dma_start3A_143 : memref<128xi32, #tpu.memory_space<hbm>>) target(%arg14 : memref<128xi32, #tpu.memory_space<vmem>>) target_semaphore(%arg20 : memref<!tpu.dma_semaphore, #tpu.memory_space<semaphore_mem>>)
    %dma_wait3A_144 = arith.constant 0 : i32
    %dma_wait3A_145 = tpu.memref_slice %arg3[%dma_wait3A_144] : memref<320000xi32, #tpu.memory_space<hbm>> -> memref<128xi32, #tpu.memory_space<hbm>>
    %dma_wait3A_146 = arith.constant 0 : i32
    %dma_wait3A_147 = tpu.memref_slice %arg3[%dma_wait3A_146] : memref<320000xi32, #tpu.memory_space<hbm>> -> memref<128xi32, #tpu.memory_space<hbm>>
    tpu.wait_dma2 semaphore(%arg18 : memref<!tpu.dma_semaphore, #tpu.memory_space<semaphore_mem>>) src(%dma_wait3A_147 : memref<128xi32, #tpu.memory_space<hbm>>) dst(%arg8 : memref<128xi32, #tpu.memory_space<vmem>>)
    %dma_wait3A_148 = arith.constant 0 : i32
    %dma_wait3A_149 = tpu.memref_slice %arg3[%dma_wait3A_148] : memref<320000xi32, #tpu.memory_space<hbm>> -> memref<128xi32, #tpu.memory_space<hbm>>
    %dma_wait3A_150 = arith.constant 0 : i32
    %dma_wait3A_151 = tpu.memref_slice %arg3[%dma_wait3A_150] : memref<320000xi32, #tpu.memory_space<hbm>> -> memref<128xi32, #tpu.memory_space<hbm>>
    tpu.wait_dma2 semaphore(%arg18 : memref<!tpu.dma_semaphore, #tpu.memory_space<semaphore_mem>>) src(%dma_wait3A_151 : memref<128xi32, #tpu.memory_space<hbm>>) dst(%arg12 : memref<128xi32, #tpu.memory_space<vmem>>)
    %dma_start3A_152 = arith.constant 0 : i32
    %dma_start3A_153 = arith.constant 0 : i32
    %dma_start3A_154 = tpu.memref_slice %arg2[%dma_start3A_152, %dma_start3A_153] : memref<10240x128xf32, #tpu.memory_space<hbm>> -> memref<10240x128xf32, #tpu.memory_space<hbm>>
    tpu.enqueue_indirect_dma source(%dma_start3A_154 : memref<10240x128xf32, #tpu.memory_space<hbm>>) target(%arg16 : memref<128x128xf32, #tpu.memory_space<vmem>>) offsets(%arg8 : memref<128xi32, #tpu.memory_space<vmem>>) semaphore(%arg22 : memref<!tpu.dma_semaphore, #tpu.memory_space<semaphore_mem>>)
    %dma_wait3A_155 = arith.constant 0 : i32
    %dma_wait3A_156 = arith.constant 0 : i32
    %dma_wait3A_157 = tpu.memref_slice %arg2[%dma_wait3A_155, %dma_wait3A_156] : memref<10240x128xf32, #tpu.memory_space<hbm>> -> memref<10240x128xf32, #tpu.memory_space<hbm>>
    tpu.wait_indirect_dma semaphore(%arg21 : memref<!tpu.dma_semaphore, #tpu.memory_space<semaphore_mem>>) src(%dma_wait3A_157 : memref<10240x128xf32, #tpu.memory_space<hbm>>) dst(%arg15 : memref<128x128xf32, #tpu.memory_space<vmem>>)
    "tpu.region"() ({
      %run_scoped3A = tpu.sem_alloc : memref<!tpu.dma_semaphore, #tpu.memory_space<semaphore_mem>>
      %dma_start3A_242 = arith.constant 0 : i32
      %dma_start3A_243 = arith.constant 0 : i32
      %dma_start3A_244 = tpu.memref_slice %arg23[%dma_start3A_242, %dma_start3A_243] : memref<10240x128xf32, #tpu.memory_space<vmem_shared>> -> memref<10240x128xf32, #tpu.memory_space<vmem_shared>>
      tpu.enqueue_indirect_dma source(%arg15 : memref<128x128xf32, #tpu.memory_space<vmem>>) target(%dma_start3A_244 : memref<10240x128xf32, #tpu.memory_space<vmem_shared>>) offsets(%arg11 : memref<128xi32, #tpu.memory_space<vmem>>) semaphore(%run_scoped3A : memref<!tpu.dma_semaphore, #tpu.memory_space<semaphore_mem>>) {add = true}
      %dma_wait3A_245 = arith.constant 0 : i32
      %dma_wait3A_246 = arith.constant 0 : i32
      %dma_wait3A_247 = tpu.memref_slice %arg23[%dma_wait3A_245, %dma_wait3A_246] : memref<10240x128xf32, #tpu.memory_space<vmem_shared>> -> memref<10240x128xf32, #tpu.memory_space<vmem_shared>>
      tpu.wait_indirect_dma semaphore(%run_scoped3A : memref<!tpu.dma_semaphore, #tpu.memory_space<semaphore_mem>>) src(%arg15 : memref<128x128xf32, #tpu.memory_space<vmem>>) dst(%dma_wait3A_247 : memref<10240x128xf32, #tpu.memory_space<vmem_shared>>)
      tpu.yield
    }) : () -> ()
    %add3A_158 = arith.constant 2432 : i32
    %add3A_159 = arith.addi %add3A, %add3A_158 : i32
    %mul3A_160 = arith.constant 128 : i32
    %mul3A_161 = arith.muli %add3A_159, %mul3A_160 : i32
    %multiple_of3A_162 = tpu.assume_multiple %mul3A_161, 128 : i32
    %dma_start3A_163 = tpu.memref_slice %arg3[%multiple_of3A_162] : memref<320000xi32, #tpu.memory_space<hbm>> -> memref<128xi32, #tpu.memory_space<hbm>>
    %dma_start3A_164 = tpu.memref_slice %arg3[%multiple_of3A_162] : memref<320000xi32, #tpu.memory_space<hbm>> -> memref<128xi32, #tpu.memory_space<hbm>>
    tpu.enqueue_dma source(%dma_start3A_164 : memref<128xi32, #tpu.memory_space<hbm>>) target(%arg7 : memref<128xi32, #tpu.memory_space<vmem>>) target_semaphore(%arg17 : memref<!tpu.dma_semaphore, #tpu.memory_space<semaphore_mem>>)
    %dma_start3A_165 = tpu.memref_slice %arg4[%multiple_of3A_162] : memref<320000xi32, #tpu.memory_space<hbm>> -> memref<128xi32, #tpu.memory_space<hbm>>
    %dma_start3A_166 = tpu.memref_slice %arg4[%multiple_of3A_162] : memref<320000xi32, #tpu.memory_space<hbm>> -> memref<128xi32, #tpu.memory_space<hbm>>
    tpu.enqueue_dma source(%dma_start3A_166 : memref<128xi32, #tpu.memory_space<hbm>>) target(%arg11 : memref<128xi32, #tpu.memory_space<vmem>>) target_semaphore(%arg17 : memref<!tpu.dma_semaphore, #tpu.memory_space<semaphore_mem>>)
    %dma_wait3A_167 = arith.constant 0 : i32
    %dma_wait3A_168 = tpu.memref_slice %arg3[%dma_wait3A_167] : memref<320000xi32, #tpu.memory_space<hbm>> -> memref<128xi32, #tpu.memory_space<hbm>>
    %dma_wait3A_169 = arith.constant 0 : i32
    %dma_wait3A_170 = tpu.memref_slice %arg3[%dma_wait3A_169] : memref<320000xi32, #tpu.memory_space<hbm>> -> memref<128xi32, #tpu.memory_space<hbm>>
    tpu.wait_dma2 semaphore(%arg19 : memref<!tpu.dma_semaphore, #tpu.memory_space<semaphore_mem>>) src(%dma_wait3A_170 : memref<128xi32, #tpu.memory_space<hbm>>) dst(%arg9 : memref<128xi32, #tpu.memory_space<vmem>>)
    %dma_wait3A_171 = arith.constant 0 : i32
    %dma_wait3A_172 = tpu.memref_slice %arg3[%dma_wait3A_171] : memref<320000xi32, #tpu.memory_space<hbm>> -> memref<128xi32, #tpu.memory_space<hbm>>
    %dma_wait3A_173 = arith.constant 0 : i32
    %dma_wait3A_174 = tpu.memref_slice %arg3[%dma_wait3A_173] : memref<320000xi32, #tpu.memory_space<hbm>> -> memref<128xi32, #tpu.memory_space<hbm>>
    tpu.wait_dma2 semaphore(%arg19 : memref<!tpu.dma_semaphore, #tpu.memory_space<semaphore_mem>>) src(%dma_wait3A_174 : memref<128xi32, #tpu.memory_space<hbm>>) dst(%arg13 : memref<128xi32, #tpu.memory_space<vmem>>)
    %dma_start3A_175 = arith.constant 0 : i32
    %dma_start3A_176 = arith.constant 0 : i32
    %dma_start3A_177 = tpu.memref_slice %arg2[%dma_start3A_175, %dma_start3A_176] : memref<10240x128xf32, #tpu.memory_space<hbm>> -> memref<10240x128xf32, #tpu.memory_space<hbm>>
    tpu.enqueue_indirect_dma source(%dma_start3A_177 : memref<10240x128xf32, #tpu.memory_space<hbm>>) target(%arg15 : memref<128x128xf32, #tpu.memory_space<vmem>>) offsets(%arg9 : memref<128xi32, #tpu.memory_space<vmem>>) semaphore(%arg21 : memref<!tpu.dma_semaphore, #tpu.memory_space<semaphore_mem>>)
    %dma_wait3A_178 = arith.constant 0 : i32
    %dma_wait3A_179 = arith.constant 0 : i32
    %dma_wait3A_180 = tpu.memref_slice %arg2[%dma_wait3A_178, %dma_wait3A_179] : memref<10240x128xf32, #tpu.memory_space<hbm>> -> memref<10240x128xf32, #tpu.memory_space<hbm>>
    tpu.wait_indirect_dma semaphore(%arg22 : memref<!tpu.dma_semaphore, #tpu.memory_space<semaphore_mem>>) src(%dma_wait3A_180 : memref<10240x128xf32, #tpu.memory_space<hbm>>) dst(%arg16 : memref<128x128xf32, #tpu.memory_space<vmem>>)
    "tpu.region"() ({
      %run_scoped3A = tpu.sem_alloc : memref<!tpu.dma_semaphore, #tpu.memory_space<semaphore_mem>>
      %dma_start3A_242 = arith.constant 0 : i32
      %dma_start3A_243 = arith.constant 0 : i32
      %dma_start3A_244 = tpu.memref_slice %arg23[%dma_start3A_242, %dma_start3A_243] : memref<10240x128xf32, #tpu.memory_space<vmem_shared>> -> memref<10240x128xf32, #tpu.memory_space<vmem_shared>>
      tpu.enqueue_indirect_dma source(%arg16 : memref<128x128xf32, #tpu.memory_space<vmem>>) target(%dma_start3A_244 : memref<10240x128xf32, #tpu.memory_space<vmem_shared>>) offsets(%arg12 : memref<128xi32, #tpu.memory_space<vmem>>) semaphore(%run_scoped3A : memref<!tpu.dma_semaphore, #tpu.memory_space<semaphore_mem>>) {add = true}
      %dma_wait3A_245 = arith.constant 0 : i32
      %dma_wait3A_246 = arith.constant 0 : i32
      %dma_wait3A_247 = tpu.memref_slice %arg23[%dma_wait3A_245, %dma_wait3A_246] : memref<10240x128xf32, #tpu.memory_space<vmem_shared>> -> memref<10240x128xf32, #tpu.memory_space<vmem_shared>>
      tpu.wait_indirect_dma semaphore(%run_scoped3A : memref<!tpu.dma_semaphore, #tpu.memory_space<semaphore_mem>>) src(%arg16 : memref<128x128xf32, #tpu.memory_space<vmem>>) dst(%dma_wait3A_247 : memref<10240x128xf32, #tpu.memory_space<vmem_shared>>)
      tpu.yield
    }) : () -> ()
    %add3A_181 = arith.constant 2464 : i32
    %add3A_182 = arith.addi %add3A, %add3A_181 : i32
    %mul3A_183 = arith.constant 128 : i32
    %mul3A_184 = arith.muli %add3A_182, %mul3A_183 : i32
    %multiple_of3A_185 = tpu.assume_multiple %mul3A_184, 128 : i32
    %dma_start3A_186 = tpu.memref_slice %arg3[%multiple_of3A_185] : memref<320000xi32, #tpu.memory_space<hbm>> -> memref<128xi32, #tpu.memory_space<hbm>>
    %dma_start3A_187 = tpu.memref_slice %arg3[%multiple_of3A_185] : memref<320000xi32, #tpu.memory_space<hbm>> -> memref<128xi32, #tpu.memory_space<hbm>>
    tpu.enqueue_dma source(%dma_start3A_187 : memref<128xi32, #tpu.memory_space<hbm>>) target(%arg8 : memref<128xi32, #tpu.memory_space<vmem>>) target_semaphore(%arg18 : memref<!tpu.dma_semaphore, #tpu.memory_space<semaphore_mem>>)
    %dma_start3A_188 = tpu.memref_slice %arg4[%multiple_of3A_185] : memref<320000xi32, #tpu.memory_space<hbm>> -> memref<128xi32, #tpu.memory_space<hbm>>
    %dma_start3A_189 = tpu.memref_slice %arg4[%multiple_of3A_185] : memref<320000xi32, #tpu.memory_space<hbm>> -> memref<128xi32, #tpu.memory_space<hbm>>
    tpu.enqueue_dma source(%dma_start3A_189 : memref<128xi32, #tpu.memory_space<hbm>>) target(%arg12 : memref<128xi32, #tpu.memory_space<vmem>>) target_semaphore(%arg18 : memref<!tpu.dma_semaphore, #tpu.memory_space<semaphore_mem>>)
    %dma_wait3A_190 = arith.constant 0 : i32
    %dma_wait3A_191 = tpu.memref_slice %arg3[%dma_wait3A_190] : memref<320000xi32, #tpu.memory_space<hbm>> -> memref<128xi32, #tpu.memory_space<hbm>>
    %dma_wait3A_192 = arith.constant 0 : i32
    %dma_wait3A_193 = tpu.memref_slice %arg3[%dma_wait3A_192] : memref<320000xi32, #tpu.memory_space<hbm>> -> memref<128xi32, #tpu.memory_space<hbm>>
    tpu.wait_dma2 semaphore(%arg20 : memref<!tpu.dma_semaphore, #tpu.memory_space<semaphore_mem>>) src(%dma_wait3A_193 : memref<128xi32, #tpu.memory_space<hbm>>) dst(%arg10 : memref<128xi32, #tpu.memory_space<vmem>>)
    %dma_wait3A_194 = arith.constant 0 : i32
    %dma_wait3A_195 = tpu.memref_slice %arg3[%dma_wait3A_194] : memref<320000xi32, #tpu.memory_space<hbm>> -> memref<128xi32, #tpu.memory_space<hbm>>
    %dma_wait3A_196 = arith.constant 0 : i32
    %dma_wait3A_197 = tpu.memref_slice %arg3[%dma_wait3A_196] : memref<320000xi32, #tpu.memory_space<hbm>> -> memref<128xi32, #tpu.memory_space<hbm>>
    tpu.wait_dma2 semaphore(%arg20 : memref<!tpu.dma_semaphore, #tpu.memory_space<semaphore_mem>>) src(%dma_wait3A_197 : memref<128xi32, #tpu.memory_space<hbm>>) dst(%arg14 : memref<128xi32, #tpu.memory_space<vmem>>)
    %dma_start3A_198 = arith.constant 0 : i32
    %dma_start3A_199 = arith.constant 0 : i32
    %dma_start3A_200 = tpu.memref_slice %arg2[%dma_start3A_198, %dma_start3A_199] : memref<10240x128xf32, #tpu.memory_space<hbm>> -> memref<10240x128xf32, #tpu.memory_space<hbm>>
    tpu.enqueue_indirect_dma source(%dma_start3A_200 : memref<10240x128xf32, #tpu.memory_space<hbm>>) target(%arg16 : memref<128x128xf32, #tpu.memory_space<vmem>>) offsets(%arg10 : memref<128xi32, #tpu.memory_space<vmem>>) semaphore(%arg22 : memref<!tpu.dma_semaphore, #tpu.memory_space<semaphore_mem>>)
    %dma_wait3A_201 = arith.constant 0 : i32
    %dma_wait3A_202 = arith.constant 0 : i32
    %dma_wait3A_203 = tpu.memref_slice %arg2[%dma_wait3A_201, %dma_wait3A_202] : memref<10240x128xf32, #tpu.memory_space<hbm>> -> memref<10240x128xf32, #tpu.memory_space<hbm>>
    tpu.wait_indirect_dma semaphore(%arg21 : memref<!tpu.dma_semaphore, #tpu.memory_space<semaphore_mem>>) src(%dma_wait3A_203 : memref<10240x128xf32, #tpu.memory_space<hbm>>) dst(%arg15 : memref<128x128xf32, #tpu.memory_space<vmem>>)
    "tpu.region"() ({
      %run_scoped3A = tpu.sem_alloc : memref<!tpu.dma_semaphore, #tpu.memory_space<semaphore_mem>>
      %dma_start3A_242 = arith.constant 0 : i32
      %dma_start3A_243 = arith.constant 0 : i32
      %dma_start3A_244 = tpu.memref_slice %arg23[%dma_start3A_242, %dma_start3A_243] : memref<10240x128xf32, #tpu.memory_space<vmem_shared>> -> memref<10240x128xf32, #tpu.memory_space<vmem_shared>>
      tpu.enqueue_indirect_dma source(%arg15 : memref<128x128xf32, #tpu.memory_space<vmem>>) target(%dma_start3A_244 : memref<10240x128xf32, #tpu.memory_space<vmem_shared>>) offsets(%arg13 : memref<128xi32, #tpu.memory_space<vmem>>) semaphore(%run_scoped3A : memref<!tpu.dma_semaphore, #tpu.memory_space<semaphore_mem>>) {add = true}
      %dma_wait3A_245 = arith.constant 0 : i32
      %dma_wait3A_246 = arith.constant 0 : i32
      %dma_wait3A_247 = tpu.memref_slice %arg23[%dma_wait3A_245, %dma_wait3A_246] : memref<10240x128xf32, #tpu.memory_space<vmem_shared>> -> memref<10240x128xf32, #tpu.memory_space<vmem_shared>>
      tpu.wait_indirect_dma semaphore(%run_scoped3A : memref<!tpu.dma_semaphore, #tpu.memory_space<semaphore_mem>>) src(%arg15 : memref<128x128xf32, #tpu.memory_space<vmem>>) dst(%dma_wait3A_247 : memref<10240x128xf32, #tpu.memory_space<vmem_shared>>)
      tpu.yield
    }) : () -> ()
    %dma_wait3A_204 = arith.constant 0 : i32
    %dma_wait3A_205 = tpu.memref_slice %arg3[%dma_wait3A_204] : memref<320000xi32, #tpu.memory_space<hbm>> -> memref<128xi32, #tpu.memory_space<hbm>>
    %dma_wait3A_206 = arith.constant 0 : i32
    %dma_wait3A_207 = tpu.memref_slice %arg3[%dma_wait3A_206] : memref<320000xi32, #tpu.memory_space<hbm>> -> memref<128xi32, #tpu.memory_space<hbm>>
    tpu.wait_dma2 semaphore(%arg17 : memref<!tpu.dma_semaphore, #tpu.memory_space<semaphore_mem>>) src(%dma_wait3A_207 : memref<128xi32, #tpu.memory_space<hbm>>) dst(%arg7 : memref<128xi32, #tpu.memory_space<vmem>>)
    %dma_wait3A_208 = arith.constant 0 : i32
    %dma_wait3A_209 = tpu.memref_slice %arg3[%dma_wait3A_208] : memref<320000xi32, #tpu.memory_space<hbm>> -> memref<128xi32, #tpu.memory_space<hbm>>
    %dma_wait3A_210 = arith.constant 0 : i32
    %dma_wait3A_211 = tpu.memref_slice %arg3[%dma_wait3A_210] : memref<320000xi32, #tpu.memory_space<hbm>> -> memref<128xi32, #tpu.memory_space<hbm>>
    tpu.wait_dma2 semaphore(%arg17 : memref<!tpu.dma_semaphore, #tpu.memory_space<semaphore_mem>>) src(%dma_wait3A_211 : memref<128xi32, #tpu.memory_space<hbm>>) dst(%arg11 : memref<128xi32, #tpu.memory_space<vmem>>)
    %dma_start3A_212 = arith.constant 0 : i32
    %dma_start3A_213 = arith.constant 0 : i32
    %dma_start3A_214 = tpu.memref_slice %arg2[%dma_start3A_212, %dma_start3A_213] : memref<10240x128xf32, #tpu.memory_space<hbm>> -> memref<10240x128xf32, #tpu.memory_space<hbm>>
    tpu.enqueue_indirect_dma source(%dma_start3A_214 : memref<10240x128xf32, #tpu.memory_space<hbm>>) target(%arg15 : memref<128x128xf32, #tpu.memory_space<vmem>>) offsets(%arg7 : memref<128xi32, #tpu.memory_space<vmem>>) semaphore(%arg21 : memref<!tpu.dma_semaphore, #tpu.memory_space<semaphore_mem>>)
    %dma_wait3A_215 = arith.constant 0 : i32
    %dma_wait3A_216 = arith.constant 0 : i32
    %dma_wait3A_217 = tpu.memref_slice %arg2[%dma_wait3A_215, %dma_wait3A_216] : memref<10240x128xf32, #tpu.memory_space<hbm>> -> memref<10240x128xf32, #tpu.memory_space<hbm>>
    tpu.wait_indirect_dma semaphore(%arg22 : memref<!tpu.dma_semaphore, #tpu.memory_space<semaphore_mem>>) src(%dma_wait3A_217 : memref<10240x128xf32, #tpu.memory_space<hbm>>) dst(%arg16 : memref<128x128xf32, #tpu.memory_space<vmem>>)
    "tpu.region"() ({
      %run_scoped3A = tpu.sem_alloc : memref<!tpu.dma_semaphore, #tpu.memory_space<semaphore_mem>>
      %dma_start3A_242 = arith.constant 0 : i32
      %dma_start3A_243 = arith.constant 0 : i32
      %dma_start3A_244 = tpu.memref_slice %arg23[%dma_start3A_242, %dma_start3A_243] : memref<10240x128xf32, #tpu.memory_space<vmem_shared>> -> memref<10240x128xf32, #tpu.memory_space<vmem_shared>>
      tpu.enqueue_indirect_dma source(%arg16 : memref<128x128xf32, #tpu.memory_space<vmem>>) target(%dma_start3A_244 : memref<10240x128xf32, #tpu.memory_space<vmem_shared>>) offsets(%arg14 : memref<128xi32, #tpu.memory_space<vmem>>) semaphore(%run_scoped3A : memref<!tpu.dma_semaphore, #tpu.memory_space<semaphore_mem>>) {add = true}
      %dma_wait3A_245 = arith.constant 0 : i32
      %dma_wait3A_246 = arith.constant 0 : i32
      %dma_wait3A_247 = tpu.memref_slice %arg23[%dma_wait3A_245, %dma_wait3A_246] : memref<10240x128xf32, #tpu.memory_space<vmem_shared>> -> memref<10240x128xf32, #tpu.memory_space<vmem_shared>>
      tpu.wait_indirect_dma semaphore(%run_scoped3A : memref<!tpu.dma_semaphore, #tpu.memory_space<semaphore_mem>>) src(%arg16 : memref<128x128xf32, #tpu.memory_space<vmem>>) dst(%dma_wait3A_247 : memref<10240x128xf32, #tpu.memory_space<vmem_shared>>)
      tpu.yield
    }) : () -> ()
    %dma_wait3A_218 = arith.constant 0 : i32
    %dma_wait3A_219 = tpu.memref_slice %arg3[%dma_wait3A_218] : memref<320000xi32, #tpu.memory_space<hbm>> -> memref<128xi32, #tpu.memory_space<hbm>>
    %dma_wait3A_220 = arith.constant 0 : i32
    %dma_wait3A_221 = tpu.memref_slice %arg3[%dma_wait3A_220] : memref<320000xi32, #tpu.memory_space<hbm>> -> memref<128xi32, #tpu.memory_space<hbm>>
    tpu.wait_dma2 semaphore(%arg18 : memref<!tpu.dma_semaphore, #tpu.memory_space<semaphore_mem>>) src(%dma_wait3A_221 : memref<128xi32, #tpu.memory_space<hbm>>) dst(%arg8 : memref<128xi32, #tpu.memory_space<vmem>>)
    %dma_wait3A_222 = arith.constant 0 : i32
    %dma_wait3A_223 = tpu.memref_slice %arg3[%dma_wait3A_222] : memref<320000xi32, #tpu.memory_space<hbm>> -> memref<128xi32, #tpu.memory_space<hbm>>
    %dma_wait3A_224 = arith.constant 0 : i32
    %dma_wait3A_225 = tpu.memref_slice %arg3[%dma_wait3A_224] : memref<320000xi32, #tpu.memory_space<hbm>> -> memref<128xi32, #tpu.memory_space<hbm>>
    tpu.wait_dma2 semaphore(%arg18 : memref<!tpu.dma_semaphore, #tpu.memory_space<semaphore_mem>>) src(%dma_wait3A_225 : memref<128xi32, #tpu.memory_space<hbm>>) dst(%arg12 : memref<128xi32, #tpu.memory_space<vmem>>)
    %dma_start3A_226 = arith.constant 0 : i32
    %dma_start3A_227 = arith.constant 0 : i32
    %dma_start3A_228 = tpu.memref_slice %arg2[%dma_start3A_226, %dma_start3A_227] : memref<10240x128xf32, #tpu.memory_space<hbm>> -> memref<10240x128xf32, #tpu.memory_space<hbm>>
    tpu.enqueue_indirect_dma source(%dma_start3A_228 : memref<10240x128xf32, #tpu.memory_space<hbm>>) target(%arg16 : memref<128x128xf32, #tpu.memory_space<vmem>>) offsets(%arg8 : memref<128xi32, #tpu.memory_space<vmem>>) semaphore(%arg22 : memref<!tpu.dma_semaphore, #tpu.memory_space<semaphore_mem>>)
    %dma_wait3A_229 = arith.constant 0 : i32
    %dma_wait3A_230 = arith.constant 0 : i32
    %dma_wait3A_231 = tpu.memref_slice %arg2[%dma_wait3A_229, %dma_wait3A_230] : memref<10240x128xf32, #tpu.memory_space<hbm>> -> memref<10240x128xf32, #tpu.memory_space<hbm>>
    tpu.wait_indirect_dma semaphore(%arg21 : memref<!tpu.dma_semaphore, #tpu.memory_space<semaphore_mem>>) src(%dma_wait3A_231 : memref<10240x128xf32, #tpu.memory_space<hbm>>) dst(%arg15 : memref<128x128xf32, #tpu.memory_space<vmem>>)
    "tpu.region"() ({
      %run_scoped3A = tpu.sem_alloc : memref<!tpu.dma_semaphore, #tpu.memory_space<semaphore_mem>>
      %dma_start3A_242 = arith.constant 0 : i32
      %dma_start3A_243 = arith.constant 0 : i32
      %dma_start3A_244 = tpu.memref_slice %arg23[%dma_start3A_242, %dma_start3A_243] : memref<10240x128xf32, #tpu.memory_space<vmem_shared>> -> memref<10240x128xf32, #tpu.memory_space<vmem_shared>>
      tpu.enqueue_indirect_dma source(%arg15 : memref<128x128xf32, #tpu.memory_space<vmem>>) target(%dma_start3A_244 : memref<10240x128xf32, #tpu.memory_space<vmem_shared>>) offsets(%arg11 : memref<128xi32, #tpu.memory_space<vmem>>) semaphore(%run_scoped3A : memref<!tpu.dma_semaphore, #tpu.memory_space<semaphore_mem>>) {add = true}
      %dma_wait3A_245 = arith.constant 0 : i32
      %dma_wait3A_246 = arith.constant 0 : i32
      %dma_wait3A_247 = tpu.memref_slice %arg23[%dma_wait3A_245, %dma_wait3A_246] : memref<10240x128xf32, #tpu.memory_space<vmem_shared>> -> memref<10240x128xf32, #tpu.memory_space<vmem_shared>>
      tpu.wait_indirect_dma semaphore(%run_scoped3A : memref<!tpu.dma_semaphore, #tpu.memory_space<semaphore_mem>>) src(%arg15 : memref<128x128xf32, #tpu.memory_space<vmem>>) dst(%dma_wait3A_247 : memref<10240x128xf32, #tpu.memory_space<vmem_shared>>)
      tpu.yield
    }) : () -> ()
    %dma_wait3A_232 = arith.constant 0 : i32
    %dma_wait3A_233 = arith.constant 0 : i32
    %dma_wait3A_234 = tpu.memref_slice %arg2[%dma_wait3A_232, %dma_wait3A_233] : memref<10240x128xf32, #tpu.memory_space<hbm>> -> memref<10240x128xf32, #tpu.memory_space<hbm>>
    tpu.wait_indirect_dma semaphore(%arg22 : memref<!tpu.dma_semaphore, #tpu.memory_space<semaphore_mem>>) src(%dma_wait3A_234 : memref<10240x128xf32, #tpu.memory_space<hbm>>) dst(%arg16 : memref<128x128xf32, #tpu.memory_space<vmem>>)
    "tpu.region"() ({
      %run_scoped3A = tpu.sem_alloc : memref<!tpu.dma_semaphore, #tpu.memory_space<semaphore_mem>>
      %dma_start3A_242 = arith.constant 0 : i32
      %dma_start3A_243 = arith.constant 0 : i32
      %dma_start3A_244 = tpu.memref_slice %arg23[%dma_start3A_242, %dma_start3A_243] : memref<10240x128xf32, #tpu.memory_space<vmem_shared>> -> memref<10240x128xf32, #tpu.memory_space<vmem_shared>>
      tpu.enqueue_indirect_dma source(%arg16 : memref<128x128xf32, #tpu.memory_space<vmem>>) target(%dma_start3A_244 : memref<10240x128xf32, #tpu.memory_space<vmem_shared>>) offsets(%arg12 : memref<128xi32, #tpu.memory_space<vmem>>) semaphore(%run_scoped3A : memref<!tpu.dma_semaphore, #tpu.memory_space<semaphore_mem>>) {add = true}
      %dma_wait3A_245 = arith.constant 0 : i32
      %dma_wait3A_246 = arith.constant 0 : i32
      %dma_wait3A_247 = tpu.memref_slice %arg23[%dma_wait3A_245, %dma_wait3A_246] : memref<10240x128xf32, #tpu.memory_space<vmem_shared>> -> memref<10240x128xf32, #tpu.memory_space<vmem_shared>>
      tpu.wait_indirect_dma semaphore(%run_scoped3A : memref<!tpu.dma_semaphore, #tpu.memory_space<semaphore_mem>>) src(%arg16 : memref<128x128xf32, #tpu.memory_space<vmem>>) dst(%dma_wait3A_247 : memref<10240x128xf32, #tpu.memory_space<vmem_shared>>)
      tpu.yield
    }) : () -> ()
    %lt3A = arith.constant 4 : i32
    %lt3A_235 = arith.cmpi slt, %add3A, %lt3A : i32
    %convert_element_type3A = arith.extui %lt3A_235 : i1 to i32
    %cond3A = arith.constant 0 : i32
    %cond3A_236 = arith.cmpi ne, %convert_element_type3A, %cond3A : i32
    scf.if %cond3A_236 {
      %add3A_242 = arith.constant 2496 : i32
      %add3A_243 = arith.addi %add3A, %add3A_242 : i32
      %mul3A_244 = arith.constant 128 : i32
      %mul3A_245 = arith.muli %add3A_243, %mul3A_244 : i32
      %multiple_of3A_246 = tpu.assume_multiple %mul3A_245, 128 : i32
      "tpu.region"() ({
        %run_scoped3A = tpu.sem_alloc : memref<!tpu.dma_semaphore, #tpu.memory_space<semaphore_mem>>
        %dma_start3A_253 = tpu.memref_slice %arg3[%multiple_of3A_246] : memref<320000xi32, #tpu.memory_space<hbm>> -> memref<128xi32, #tpu.memory_space<hbm>>
        %dma_start3A_254 = tpu.memref_slice %arg3[%multiple_of3A_246] : memref<320000xi32, #tpu.memory_space<hbm>> -> memref<128xi32, #tpu.memory_space<hbm>>
        tpu.enqueue_dma source(%dma_start3A_254 : memref<128xi32, #tpu.memory_space<hbm>>) target(%arg7 : memref<128xi32, #tpu.memory_space<vmem>>) target_semaphore(%run_scoped3A : memref<!tpu.dma_semaphore, #tpu.memory_space<semaphore_mem>>)
        %dma_wait3A_255 = tpu.memref_slice %arg3[%multiple_of3A_246] : memref<320000xi32, #tpu.memory_space<hbm>> -> memref<128xi32, #tpu.memory_space<hbm>>
        %dma_wait3A_256 = tpu.memref_slice %arg3[%multiple_of3A_246] : memref<320000xi32, #tpu.memory_space<hbm>> -> memref<128xi32, #tpu.memory_space<hbm>>
        tpu.wait_dma2 semaphore(%run_scoped3A : memref<!tpu.dma_semaphore, #tpu.memory_space<semaphore_mem>>) src(%dma_wait3A_256 : memref<128xi32, #tpu.memory_space<hbm>>) dst(%arg7 : memref<128xi32, #tpu.memory_space<vmem>>)
        tpu.yield
      }) : () -> ()
      "tpu.region"() ({
        %run_scoped3A = tpu.sem_alloc : memref<!tpu.dma_semaphore, #tpu.memory_space<semaphore_mem>>
        %dma_start3A_253 = tpu.memref_slice %arg4[%multiple_of3A_246] : memref<320000xi32, #tpu.memory_space<hbm>> -> memref<128xi32, #tpu.memory_space<hbm>>
        %dma_start3A_254 = tpu.memref_slice %arg4[%multiple_of3A_246] : memref<320000xi32, #tpu.memory_space<hbm>> -> memref<128xi32, #tpu.memory_space<hbm>>
        tpu.enqueue_dma source(%dma_start3A_254 : memref<128xi32, #tpu.memory_space<hbm>>) target(%arg11 : memref<128xi32, #tpu.memory_space<vmem>>) target_semaphore(%run_scoped3A : memref<!tpu.dma_semaphore, #tpu.memory_space<semaphore_mem>>)
        %dma_wait3A_255 = tpu.memref_slice %arg4[%multiple_of3A_246] : memref<320000xi32, #tpu.memory_space<hbm>> -> memref<128xi32, #tpu.memory_space<hbm>>
        %dma_wait3A_256 = tpu.memref_slice %arg4[%multiple_of3A_246] : memref<320000xi32, #tpu.memory_space<hbm>> -> memref<128xi32, #tpu.memory_space<hbm>>
        tpu.wait_dma2 semaphore(%run_scoped3A : memref<!tpu.dma_semaphore, #tpu.memory_space<semaphore_mem>>) src(%dma_wait3A_256 : memref<128xi32, #tpu.memory_space<hbm>>) dst(%arg11 : memref<128xi32, #tpu.memory_space<vmem>>)
        tpu.yield
      }) : () -> ()
      %dma_start3A_247 = arith.constant 0 : i32
      %dma_start3A_248 = arith.constant 0 : i32
      %dma_start3A_249 = tpu.memref_slice %arg2[%dma_start3A_247, %dma_start3A_248] : memref<10240x128xf32, #tpu.memory_space<hbm>> -> memref<10240x128xf32, #tpu.memory_space<hbm>>
      tpu.enqueue_indirect_dma source(%dma_start3A_249 : memref<10240x128xf32, #tpu.memory_space<hbm>>) target(%arg15 : memref<128x128xf32, #tpu.memory_space<vmem>>) offsets(%arg7 : memref<128xi32, #tpu.memory_space<vmem>>) semaphore(%arg21 : memref<!tpu.dma_semaphore, #tpu.memory_space<semaphore_mem>>)
      %dma_wait3A_250 = arith.constant 0 : i32
      %dma_wait3A_251 = arith.constant 0 : i32
      %dma_wait3A_252 = tpu.memref_slice %arg2[%dma_wait3A_250, %dma_wait3A_251] : memref<10240x128xf32, #tpu.memory_space<hbm>> -> memref<10240x128xf32, #tpu.memory_space<hbm>>
      tpu.wait_indirect_dma semaphore(%arg21 : memref<!tpu.dma_semaphore, #tpu.memory_space<semaphore_mem>>) src(%dma_wait3A_252 : memref<10240x128xf32, #tpu.memory_space<hbm>>) dst(%arg15 : memref<128x128xf32, #tpu.memory_space<vmem>>)
      "tpu.region"() ({
        %run_scoped3A = tpu.sem_alloc : memref<!tpu.dma_semaphore, #tpu.memory_space<semaphore_mem>>
        %dma_start3A_253 = arith.constant 0 : i32
        %dma_start3A_254 = arith.constant 0 : i32
        %dma_start3A_255 = tpu.memref_slice %arg23[%dma_start3A_253, %dma_start3A_254] : memref<10240x128xf32, #tpu.memory_space<vmem_shared>> -> memref<10240x128xf32, #tpu.memory_space<vmem_shared>>
        tpu.enqueue_indirect_dma source(%arg15 : memref<128x128xf32, #tpu.memory_space<vmem>>) target(%dma_start3A_255 : memref<10240x128xf32, #tpu.memory_space<vmem_shared>>) offsets(%arg11 : memref<128xi32, #tpu.memory_space<vmem>>) semaphore(%run_scoped3A : memref<!tpu.dma_semaphore, #tpu.memory_space<semaphore_mem>>) {add = true}
        %dma_wait3A_256 = arith.constant 0 : i32
        %dma_wait3A_257 = arith.constant 0 : i32
        %dma_wait3A_258 = tpu.memref_slice %arg23[%dma_wait3A_256, %dma_wait3A_257] : memref<10240x128xf32, #tpu.memory_space<vmem_shared>> -> memref<10240x128xf32, #tpu.memory_space<vmem_shared>>
        tpu.wait_indirect_dma semaphore(%run_scoped3A : memref<!tpu.dma_semaphore, #tpu.memory_space<semaphore_mem>>) src(%arg15 : memref<128x128xf32, #tpu.memory_space<vmem>>) dst(%dma_wait3A_258 : memref<10240x128xf32, #tpu.memory_space<vmem_shared>>)
        tpu.yield
      }) : () -> ()
    } else {
    }
    %barrier3A_237 = arith.constant 0 : index
    tpu.barrier barrier_id(%barrier3A_237)
    %mul3A_238 = arith.constant 640 : i32
    %mul3A_239 = arith.muli %arg1, %mul3A_238 : i32
    %mul3A_240 = arith.constant 640 : i32
    %mul3A_241 = arith.muli %arg1, %mul3A_240 : i32
    "tpu.region"() ({
      %run_scoped3A = tpu.sem_alloc : memref<!tpu.dma_semaphore, #tpu.memory_space<semaphore_mem>>
      %dma_start3A_242 = arith.constant 0 : i32
      %dma_start3A_243 = tpu.memref_slice %arg6[%arg0, %mul3A_241, %dma_start3A_242] : memref<2x10240x128xf32, #tpu.memory_space<hbm>> -> memref<1x640x128xf32, #tpu.memory_space<hbm>>
      %dma_start3A_244 = tpu.memref_squeeze %dma_start3A_243 : memref<1x640x128xf32, #tpu.memory_space<hbm>> -> memref<640x128xf32, #tpu.memory_space<hbm>>
      %dma_start3A_245 = arith.constant 0 : i32
      %dma_start3A_246 = tpu.memref_slice %arg23[%mul3A_239, %dma_start3A_245] : memref<10240x128xf32, #tpu.memory_space<vmem_shared>> -> memref<640x128xf32, #tpu.memory_space<vmem_shared>>
      tpu.enqueue_dma source(%dma_start3A_246 : memref<640x128xf32, #tpu.memory_space<vmem_shared>>) target(%dma_start3A_244 : memref<640x128xf32, #tpu.memory_space<hbm>>) target_semaphore(%run_scoped3A : memref<!tpu.dma_semaphore, #tpu.memory_space<semaphore_mem>>)
      %dma_wait3A_247 = arith.constant 0 : i32
      %dma_wait3A_248 = tpu.memref_slice %arg6[%arg0, %mul3A_241, %dma_wait3A_247] : memref<2x10240x128xf32, #tpu.memory_space<hbm>> -> memref<1x640x128xf32, #tpu.memory_space<hbm>>
      %dma_wait3A_249 = tpu.memref_squeeze %dma_wait3A_248 : memref<1x640x128xf32, #tpu.memory_space<hbm>> -> memref<640x128xf32, #tpu.memory_space<hbm>>
      %dma_wait3A_250 = arith.constant 0 : i32
      %dma_wait3A_251 = tpu.memref_slice %arg23[%mul3A_239, %dma_wait3A_250] : memref<10240x128xf32, #tpu.memory_space<vmem_shared>> -> memref<640x128xf32, #tpu.memory_space<vmem_shared>>
      tpu.wait_dma2 semaphore(%run_scoped3A : memref<!tpu.dma_semaphore, #tpu.memory_space<semaphore_mem>>) src(%dma_wait3A_251 : memref<640x128xf32, #tpu.memory_space<vmem_shared>>) dst(%dma_wait3A_249 : memref<640x128xf32, #tpu.memory_space<hbm>>)
      tpu.yield
    }) : () -> ()
    return
  }
}

module attributes {stable_mosaic.version = 14 : i64} {
  func.func @_k0_body(%arg0: i32, %arg1: memref<2x1280x128xf32, #tpu.memory_space<vmem>>, %arg2: memref<1280x128xf32, #tpu.memory_space<vmem>>, %arg3: memref<128x128xf32, #tpu.memory_space<vmem>>, %arg4: memref<128x128xf32, #tpu.memory_space<vmem>>, %arg5: memref<1280x128xf32, #tpu.memory_space<vmem>>, %arg6: memref<1280x128xf32, #tpu.memory_space<vmem>>) attributes {dimension_semantics = [#tpu.dimension_semantics<arbitrary>], iteration_bounds = array<i64: 8>, scalar_prefetch = 0 : i64, scratch_operands = 0 : i64, tpu.core_type = #tpu.core_type<tc>, window_params = [{transform_indices = @transform_0, window_bounds = array<i64: 2, 1280, 128>}, {transform_indices = @transform_1, window_bounds = array<i64: 1280, 128>}, {pipeline_mode = #tpu.pipeline_mode<synchronous>, transform_indices = @transform_2, window_bounds = array<i64: 128, 128>}, {pipeline_mode = #tpu.pipeline_mode<synchronous>, transform_indices = @transform_3, window_bounds = array<i64: 128, 128>}, {transform_indices = @transform_4, window_bounds = array<i64: 1280, 128>}, {transform_indices = @transform_5, window_bounds = array<i64: 1280, 128>}]} {
    %get3A = arith.constant 0 : index
    %get3A_0 = arith.constant 0 : index
    %get3A_1 = vector.load %arg2[%get3A, %get3A_0] : memref<1280x128xf32, #tpu.memory_space<vmem>>, vector<1280x128xf32>
    %get3A_2 = arith.constant 0 : index
    %get3A_3 = arith.constant 0 : index
    %get3A_4 = vector.load %arg3[%get3A_2, %get3A_3] : memref<128x128xf32, #tpu.memory_space<vmem>>, vector<128x128xf32>
    %dot_general3A = arith.constant dense<0.000000e+00> : vector<1280x128xf32>
    %dot_general3A_5 = tpu.matmul %get3A_1, %get3A_4, %dot_general3A {dimension_numbers = #tpu.dot_dimension_numbers<[1], [0], [0], [1], [0, 0, 1, 1], [], []>, transpose_lhs_hint = false} : vector<1280x128xf32>, vector<128x128xf32>, vector<1280x128xf32> -> vector<1280x128xf32>
    %get3A_6 = arith.constant 0 : index
    %get3A_7 = arith.constant 0 : index
    %get3A_8 = arith.constant 0 : index
    %get3A_9 = vector.load %arg1[%get3A_6, %get3A_7, %get3A_8] : memref<2x1280x128xf32, #tpu.memory_space<vmem>>, vector<2x1280x128xf32>
    %slice3A = vector.extract_strided_slice %get3A_9 {offsets = [0, 0, 0], sizes = [1, 1280, 128], strides = [1, 1, 1]} : vector<2x1280x128xf32> to vector<1x1280x128xf32>
    %squeeze3A = vector.shape_cast %slice3A : vector<1x1280x128xf32> to vector<1280x128xf32>
    %slice3A_10 = vector.extract_strided_slice %get3A_9 {offsets = [1, 0, 0], sizes = [1, 1280, 128], strides = [1, 1, 1]} : vector<2x1280x128xf32> to vector<1x1280x128xf32>
    %squeeze3A_11 = vector.shape_cast %slice3A_10 : vector<1x1280x128xf32> to vector<1280x128xf32>
    %add3A = arith.addf %squeeze3A, %squeeze3A_11 : vector<1280x128xf32>
    %slice3A_12 = vector.extract_strided_slice %add3A {offsets = [0, 0], sizes = [1280, 1], strides = [1, 1]} : vector<1280x128xf32> to vector<1280x1xf32>
    %gt3A = arith.constant 0.000000e+00 : f32
    %gt3A_13 = vector.broadcast %gt3A : f32 to vector<1280x1xf32>
    %gt3A_14 = arith.cmpf ogt, %slice3A_12, %gt3A_13 : vector<1280x1xf32>
    %rsqrt3A = math.rsqrt %slice3A_12 : vector<1280x1xf32>
    %jit3A = arith.constant 0.000000e+00 : f32
    %broadcast_in_dim3A = vector.broadcast %jit3A : f32 to vector<1280x1xf32>
    %select_n3A = arith.select %gt3A_14, %rsqrt3A, %broadcast_in_dim3A : vector<1280x1xi1>, vector<1280x1xf32>
    %get3A_15 = arith.constant 0 : index
    %get3A_16 = arith.constant 0 : index
    %get3A_17 = vector.load %arg4[%get3A_15, %get3A_16] : memref<128x128xf32, #tpu.memory_space<vmem>>, vector<128x128xf32>
    %dot_general3A_18 = arith.constant dense<0.000000e+00> : vector<1280x128xf32>
    %dot_general3A_19 = tpu.matmul %dot_general3A_5, %get3A_17, %dot_general3A_18 {dimension_numbers = #tpu.dot_dimension_numbers<[1], [0], [0], [1], [0, 0, 1, 1], [], []>, transpose_lhs_hint = false} : vector<1280x128xf32>, vector<128x128xf32>, vector<1280x128xf32> -> vector<1280x128xf32>
    %mul3A = vector.broadcast %select_n3A : vector<1280x1xf32> to vector<1280x128xf32>
    %mul3A_20 = arith.mulf %dot_general3A_19, %mul3A : vector<1280x128xf32>
    %swap3A = arith.constant 0 : index
    %swap3A_21 = arith.constant 0 : index
    %swap3A_22 = vector.load %arg6[%swap3A, %swap3A_21] : memref<1280x128xf32, #tpu.memory_space<vmem>>, vector<1280x128xf32>
    tpu.vector_store %arg6[%swap3A, %swap3A_21], %mul3A_20 {strides = array<i32>} : memref<1280x128xf32, #tpu.memory_space<vmem>>, vector<1280x128xf32>,
    %swap3A_23 = arith.constant 0 : index
    %swap3A_24 = arith.constant 0 : index
    %swap3A_25 = vector.load %arg5[%swap3A_23, %swap3A_24] : memref<1280x128xf32, #tpu.memory_space<vmem>>, vector<1280x128xf32>
    tpu.vector_store %arg5[%swap3A_23, %swap3A_24], %dot_general3A_5 {strides = array<i32>} : memref<1280x128xf32, #tpu.memory_space<vmem>>, vector<1280x128xf32>,
    return
  }
  func.func @transform_0(%arg0: i32) -> (i32, i32, i32) {
    %c0_i32 = arith.constant 0 : i32
    %c0_i32_0 = arith.constant 0 : i32
    %c0_i32_1 = arith.constant 0 : i32
    return %c0_i32, %arg0, %c0_i32_0 : i32, i32, i32
  }
  func.func @transform_1(%arg0: i32) -> (i32, i32) {
    %c0_i32 = arith.constant 0 : i32
    %c0_i32_0 = arith.constant 0 : i32
    return %arg0, %c0_i32 : i32, i32
  }
  func.func @transform_2(%arg0: i32) -> (i32, i32) {
    %c0_i32 = arith.constant 0 : i32
    %c0_i32_0 = arith.constant 0 : i32
    %c0_i32_1 = arith.constant 0 : i32
    return %c0_i32, %c0_i32_0 : i32, i32
  }
  func.func @transform_3(%arg0: i32) -> (i32, i32) {
    %c0_i32 = arith.constant 0 : i32
    %c0_i32_0 = arith.constant 0 : i32
    %c0_i32_1 = arith.constant 0 : i32
    return %c0_i32, %c0_i32_0 : i32, i32
  }
  func.func @transform_4(%arg0: i32) -> (i32, i32) {
    %c0_i32 = arith.constant 0 : i32
    %c0_i32_0 = arith.constant 0 : i32
    return %arg0, %c0_i32 : i32, i32
  }
  func.func @transform_5(%arg0: i32) -> (i32, i32) {
    %c0_i32 = arith.constant 0 : i32
    %c0_i32_0 = arith.constant 0 : i32
    return %arg0, %c0_i32 : i32, i32
  }
}

module attributes {stable_mosaic.version = 14 : i64} {
  func.func @_kmid_body(%arg0: i32, %arg1: memref<2x1280x128xf32, #tpu.memory_space<vmem>>, %arg2: memref<2x1280x128xf32, #tpu.memory_space<vmem>>, %arg3: memref<1280x128xf32, #tpu.memory_space<vmem>>, %arg4: memref<1x128xf32, #tpu.memory_space<vmem>>, %arg5: memref<128x128xf32, #tpu.memory_space<vmem>>, %arg6: memref<1280x128xf32, #tpu.memory_space<vmem>>, %arg7: memref<1280x128xf32, #tpu.memory_space<vmem>>) attributes {dimension_semantics = [#tpu.dimension_semantics<arbitrary>], iteration_bounds = array<i64: 8>, scalar_prefetch = 0 : i64, scratch_operands = 0 : i64, tpu.core_type = #tpu.core_type<tc>, window_params = [{transform_indices = @transform_0, window_bounds = array<i64: 2, 1280, 128>}, {transform_indices = @transform_1, window_bounds = array<i64: 2, 1280, 128>}, {transform_indices = @transform_2, window_bounds = array<i64: 1280, 128>}, {pipeline_mode = #tpu.pipeline_mode<synchronous>, transform_indices = @transform_3, window_bounds = array<i64: 1, 128>}, {pipeline_mode = #tpu.pipeline_mode<synchronous>, transform_indices = @transform_4, window_bounds = array<i64: 128, 128>}, {transform_indices = @transform_5, window_bounds = array<i64: 1280, 128>}, {transform_indices = @transform_6, window_bounds = array<i64: 1280, 128>}]} {
    %get3A = arith.constant 0 : index
    %get3A_0 = arith.constant 0 : index
    %get3A_1 = arith.constant 0 : index
    %get3A_2 = vector.load %arg1[%get3A, %get3A_0, %get3A_1] : memref<2x1280x128xf32, #tpu.memory_space<vmem>>, vector<2x1280x128xf32>
    %slice3A = vector.extract_strided_slice %get3A_2 {offsets = [0, 0, 0], sizes = [1, 1280, 128], strides = [1, 1, 1]} : vector<2x1280x128xf32> to vector<1x1280x128xf32>
    %squeeze3A = vector.shape_cast %slice3A : vector<1x1280x128xf32> to vector<1280x128xf32>
    %slice3A_3 = vector.extract_strided_slice %get3A_2 {offsets = [1, 0, 0], sizes = [1, 1280, 128], strides = [1, 1, 1]} : vector<2x1280x128xf32> to vector<1x1280x128xf32>
    %squeeze3A_4 = vector.shape_cast %slice3A_3 : vector<1x1280x128xf32> to vector<1280x128xf32>
    %add3A = arith.addf %squeeze3A, %squeeze3A_4 : vector<1280x128xf32>
    %slice3A_5 = vector.extract_strided_slice %add3A {offsets = [0, 0], sizes = [1280, 1], strides = [1, 1]} : vector<1280x128xf32> to vector<1280x1xf32>
    %gt3A = arith.constant 0.000000e+00 : f32
    %gt3A_6 = vector.broadcast %gt3A : f32 to vector<1280x1xf32>
    %gt3A_7 = arith.cmpf ogt, %slice3A_5, %gt3A_6 : vector<1280x1xf32>
    %rsqrt3A = math.rsqrt %slice3A_5 : vector<1280x1xf32>
    %jit3A = arith.constant 0.000000e+00 : f32
    %broadcast_in_dim3A = vector.broadcast %jit3A : f32 to vector<1280x1xf32>
    %select_n3A = arith.select %gt3A_7, %rsqrt3A, %broadcast_in_dim3A : vector<1280x1xi1>, vector<1280x1xf32>
    %get3A_8 = arith.constant 0 : index
    %get3A_9 = arith.constant 0 : index
    %get3A_10 = arith.constant 0 : index
    %get3A_11 = vector.load %arg2[%get3A_8, %get3A_9, %get3A_10] : memref<2x1280x128xf32, #tpu.memory_space<vmem>>, vector<1x1280x128xf32>
    %get3A_12 = vector.shape_cast %get3A_11 : vector<1x1280x128xf32> to vector<1280x128xf32>
    %get3A_13 = arith.constant 1 : index
    %get3A_14 = arith.constant 0 : index
    %get3A_15 = arith.constant 0 : index
    %get3A_16 = vector.load %arg2[%get3A_13, %get3A_14, %get3A_15] : memref<2x1280x128xf32, #tpu.memory_space<vmem>>, vector<1x1280x128xf32>
    %get3A_17 = vector.shape_cast %get3A_16 : vector<1x1280x128xf32> to vector<1280x128xf32>
    %add3A_18 = arith.addf %get3A_12, %get3A_17 : vector<1280x128xf32>
    %mul3A = vector.broadcast %select_n3A : vector<1280x1xf32> to vector<1280x128xf32>
    %mul3A_19 = arith.mulf %add3A_18, %mul3A : vector<1280x128xf32>
    %get3A_20 = arith.constant 0 : index
    %get3A_21 = arith.constant 0 : index
    %get3A_22 = vector.load %arg4[%get3A_20, %get3A_21] : memref<1x128xf32, #tpu.memory_space<vmem>>, vector<1x128xf32>
    %add3A_23 = vector.broadcast %get3A_22 : vector<1x128xf32> to vector<1280x128xf32>
    %add3A_24 = arith.addf %mul3A_19, %add3A_23 : vector<1280x128xf32>
    %get3A_25 = arith.constant 0 : index
    %get3A_26 = arith.constant 0 : index
    %get3A_27 = vector.load %arg3[%get3A_25, %get3A_26] : memref<1280x128xf32, #tpu.memory_space<vmem>>, vector<1280x128xf32>
    %max3A = arith.constant 0.000000e+00 : f32
    %max3A_28 = vector.broadcast %max3A : f32 to vector<1280x128xf32>
    %max3A_29 = arith.maximumf %add3A_24, %max3A_28 : vector<1280x128xf32>
    %add3A_30 = arith.addf %get3A_27, %max3A_29 : vector<1280x128xf32>
    %get3A_31 = arith.constant 0 : index
    %get3A_32 = arith.constant 0 : index
    %get3A_33 = vector.load %arg5[%get3A_31, %get3A_32] : memref<128x128xf32, #tpu.memory_space<vmem>>, vector<128x128xf32>
    %dot_general3A = arith.constant dense<0.000000e+00> : vector<1280x128xf32>
    %dot_general3A_34 = tpu.matmul %add3A_30, %get3A_33, %dot_general3A {dimension_numbers = #tpu.dot_dimension_numbers<[1], [0], [0], [1], [0, 0, 1, 1], [], []>, transpose_lhs_hint = false} : vector<1280x128xf32>, vector<128x128xf32>, vector<1280x128xf32> -> vector<1280x128xf32>
    %mul3A_35 = vector.broadcast %select_n3A : vector<1280x1xf32> to vector<1280x128xf32>
    %mul3A_36 = arith.mulf %dot_general3A_34, %mul3A_35 : vector<1280x128xf32>
    %swap3A = arith.constant 0 : index
    %swap3A_37 = arith.constant 0 : index
    %swap3A_38 = vector.load %arg7[%swap3A, %swap3A_37] : memref<1280x128xf32, #tpu.memory_space<vmem>>, vector<1280x128xf32>
    tpu.vector_store %arg7[%swap3A, %swap3A_37], %mul3A_36 {strides = array<i32>} : memref<1280x128xf32, #tpu.memory_space<vmem>>, vector<1280x128xf32>,
    %swap3A_39 = arith.constant 0 : index
    %swap3A_40 = arith.constant 0 : index
    %swap3A_41 = vector.load %arg6[%swap3A_39, %swap3A_40] : memref<1280x128xf32, #tpu.memory_space<vmem>>, vector<1280x128xf32>
    tpu.vector_store %arg6[%swap3A_39, %swap3A_40], %add3A_30 {strides = array<i32>} : memref<1280x128xf32, #tpu.memory_space<vmem>>, vector<1280x128xf32>,
    return
  }
  func.func @transform_0(%arg0: i32) -> (i32, i32, i32) {
    %c0_i32 = arith.constant 0 : i32
    %c0_i32_0 = arith.constant 0 : i32
    %c0_i32_1 = arith.constant 0 : i32
    return %c0_i32, %arg0, %c0_i32_0 : i32, i32, i32
  }
  func.func @transform_1(%arg0: i32) -> (i32, i32, i32) {
    %c0_i32 = arith.constant 0 : i32
    %c0_i32_0 = arith.constant 0 : i32
    %c0_i32_1 = arith.constant 0 : i32
    return %c0_i32, %arg0, %c0_i32_0 : i32, i32, i32
  }
  func.func @transform_2(%arg0: i32) -> (i32, i32) {
    %c0_i32 = arith.constant 0 : i32
    %c0_i32_0 = arith.constant 0 : i32
    return %arg0, %c0_i32 : i32, i32
  }
  func.func @transform_3(%arg0: i32) -> (i32, i32) {
    %c0_i32 = arith.constant 0 : i32
    %c0_i32_0 = arith.constant 0 : i32
    %c0_i32_1 = arith.constant 0 : i32
    return %c0_i32, %c0_i32_0 : i32, i32
  }
  func.func @transform_4(%arg0: i32) -> (i32, i32) {
    %c0_i32 = arith.constant 0 : i32
    %c0_i32_0 = arith.constant 0 : i32
    %c0_i32_1 = arith.constant 0 : i32
    return %c0_i32, %c0_i32_0 : i32, i32
  }
  func.func @transform_5(%arg0: i32) -> (i32, i32) {
    %c0_i32 = arith.constant 0 : i32
    %c0_i32_0 = arith.constant 0 : i32
    return %arg0, %c0_i32 : i32, i32
  }
  func.func @transform_6(%arg0: i32) -> (i32, i32) {
    %c0_i32 = arith.constant 0 : i32
    %c0_i32_0 = arith.constant 0 : i32
    return %arg0, %c0_i32 : i32, i32
  }
}

module attributes {stable_mosaic.version = 14 : i64} {
  func.func @_kfin_body(%arg0: i32, %arg1: memref<2x1280x128xf32, #tpu.memory_space<vmem>>, %arg2: memref<2x1280x128xf32, #tpu.memory_space<vmem>>, %arg3: memref<1280x128xf32, #tpu.memory_space<vmem>>, %arg4: memref<1x128xf32, #tpu.memory_space<vmem>>, %arg5: memref<1280x128xf32, #tpu.memory_space<vmem>>) attributes {dimension_semantics = [#tpu.dimension_semantics<arbitrary>], iteration_bounds = array<i64: 8>, scalar_prefetch = 0 : i64, scratch_operands = 0 : i64, tpu.core_type = #tpu.core_type<tc>, window_params = [{transform_indices = @transform_0, window_bounds = array<i64: 2, 1280, 128>}, {transform_indices = @transform_1, window_bounds = array<i64: 2, 1280, 128>}, {transform_indices = @transform_2, window_bounds = array<i64: 1280, 128>}, {pipeline_mode = #tpu.pipeline_mode<synchronous>, transform_indices = @transform_3, window_bounds = array<i64: 1, 128>}, {transform_indices = @transform_4, window_bounds = array<i64: 1280, 128>}]} {
    %get3A = arith.constant 0 : index
    %get3A_0 = arith.constant 0 : index
    %get3A_1 = arith.constant 0 : index
    %get3A_2 = vector.load %arg1[%get3A, %get3A_0, %get3A_1] : memref<2x1280x128xf32, #tpu.memory_space<vmem>>, vector<2x1280x128xf32>
    %slice3A = vector.extract_strided_slice %get3A_2 {offsets = [0, 0, 0], sizes = [1, 1280, 128], strides = [1, 1, 1]} : vector<2x1280x128xf32> to vector<1x1280x128xf32>
    %squeeze3A = vector.shape_cast %slice3A : vector<1x1280x128xf32> to vector<1280x128xf32>
    %slice3A_3 = vector.extract_strided_slice %get3A_2 {offsets = [1, 0, 0], sizes = [1, 1280, 128], strides = [1, 1, 1]} : vector<2x1280x128xf32> to vector<1x1280x128xf32>
    %squeeze3A_4 = vector.shape_cast %slice3A_3 : vector<1x1280x128xf32> to vector<1280x128xf32>
    %add3A = arith.addf %squeeze3A, %squeeze3A_4 : vector<1280x128xf32>
    %slice3A_5 = vector.extract_strided_slice %add3A {offsets = [0, 0], sizes = [1280, 1], strides = [1, 1]} : vector<1280x128xf32> to vector<1280x1xf32>
    %gt3A = arith.constant 0.000000e+00 : f32
    %gt3A_6 = vector.broadcast %gt3A : f32 to vector<1280x1xf32>
    %gt3A_7 = arith.cmpf ogt, %slice3A_5, %gt3A_6 : vector<1280x1xf32>
    %rsqrt3A = math.rsqrt %slice3A_5 : vector<1280x1xf32>
    %jit3A = arith.constant 0.000000e+00 : f32
    %broadcast_in_dim3A = vector.broadcast %jit3A : f32 to vector<1280x1xf32>
    %select_n3A = arith.select %gt3A_7, %rsqrt3A, %broadcast_in_dim3A : vector<1280x1xi1>, vector<1280x1xf32>
    %get3A_8 = arith.constant 0 : index
    %get3A_9 = arith.constant 0 : index
    %get3A_10 = arith.constant 0 : index
    %get3A_11 = vector.load %arg2[%get3A_8, %get3A_9, %get3A_10] : memref<2x1280x128xf32, #tpu.memory_space<vmem>>, vector<1x1280x128xf32>
    %get3A_12 = vector.shape_cast %get3A_11 : vector<1x1280x128xf32> to vector<1280x128xf32>
    %get3A_13 = arith.constant 1 : index
    %get3A_14 = arith.constant 0 : index
    %get3A_15 = arith.constant 0 : index
    %get3A_16 = vector.load %arg2[%get3A_13, %get3A_14, %get3A_15] : memref<2x1280x128xf32, #tpu.memory_space<vmem>>, vector<1x1280x128xf32>
    %get3A_17 = vector.shape_cast %get3A_16 : vector<1x1280x128xf32> to vector<1280x128xf32>
    %add3A_18 = arith.addf %get3A_12, %get3A_17 : vector<1280x128xf32>
    %mul3A = vector.broadcast %select_n3A : vector<1280x1xf32> to vector<1280x128xf32>
    %mul3A_19 = arith.mulf %add3A_18, %mul3A : vector<1280x128xf32>
    %get3A_20 = arith.constant 0 : index
    %get3A_21 = arith.constant 0 : index
    %get3A_22 = vector.load %arg4[%get3A_20, %get3A_21] : memref<1x128xf32, #tpu.memory_space<vmem>>, vector<1x128xf32>
    %add3A_23 = vector.broadcast %get3A_22 : vector<1x128xf32> to vector<1280x128xf32>
    %add3A_24 = arith.addf %mul3A_19, %add3A_23 : vector<1280x128xf32>
    %get3A_25 = arith.constant 0 : index
    %get3A_26 = arith.constant 0 : index
    %get3A_27 = vector.load %arg3[%get3A_25, %get3A_26] : memref<1280x128xf32, #tpu.memory_space<vmem>>, vector<1280x128xf32>
    %max3A = arith.constant 0.000000e+00 : f32
    %max3A_28 = vector.broadcast %max3A : f32 to vector<1280x128xf32>
    %max3A_29 = arith.maximumf %add3A_24, %max3A_28 : vector<1280x128xf32>
    %add3A_30 = arith.addf %get3A_27, %max3A_29 : vector<1280x128xf32>
    %swap3A = arith.constant 0 : index
    %swap3A_31 = arith.constant 0 : index
    %swap3A_32 = vector.load %arg5[%swap3A, %swap3A_31] : memref<1280x128xf32, #tpu.memory_space<vmem>>, vector<1280x128xf32>
    tpu.vector_store %arg5[%swap3A, %swap3A_31], %add3A_30 {strides = array<i32>} : memref<1280x128xf32, #tpu.memory_space<vmem>>, vector<1280x128xf32>,
    return
  }
  func.func @transform_0(%arg0: i32) -> (i32, i32, i32) {
    %c0_i32 = arith.constant 0 : i32
    %c0_i32_0 = arith.constant 0 : i32
    %c0_i32_1 = arith.constant 0 : i32
    return %c0_i32, %arg0, %c0_i32_0 : i32, i32, i32
  }
  func.func @transform_1(%arg0: i32) -> (i32, i32, i32) {
    %c0_i32 = arith.constant 0 : i32
    %c0_i32_0 = arith.constant 0 : i32
    %c0_i32_1 = arith.constant 0 : i32
    return %c0_i32, %arg0, %c0_i32_0 : i32, i32, i32
  }
  func.func @transform_2(%arg0: i32) -> (i32, i32) {
    %c0_i32 = arith.constant 0 : i32
    %c0_i32_0 = arith.constant 0 : i32
    return %arg0, %c0_i32 : i32, i32
  }
  func.func @transform_3(%arg0: i32) -> (i32, i32) {
    %c0_i32 = arith.constant 0 : i32
    %c0_i32_0 = arith.constant 0 : i32
    %c0_i32_1 = arith.constant 0 : i32
    return %c0_i32, %c0_i32_0 : i32, i32
  }
  func.func @transform_4(%arg0: i32) -> (i32, i32) {
    %c0_i32 = arith.constant 0 : i32
    %c0_i32_0 = arith.constant 0 : i32
    return %arg0, %c0_i32 : i32, i32
  }
}

</mosaic_0001>

<sc_bundles>
// kernel: kernel.10.cloned.1.call-start
scs
__scs_entry_jumppad:
0x0: {  	(pc) =	sbr.rel $0x88, $3  }
0x1: {  	(tag) =	ssettag $0x0;
	lr =	simm.s32 $0x1  }
0x2: {  	[smem:$0x3F98] =	sst lr;
	_ =	strace $0xD0000000  }
0x3: {  	_ = 	snop  }
0x4: {  	_ = 	snop  }
0x5: {  	_ = 	snop  }
0x6: {  	_ = 	snop  }
0x7: {  	_ = 	snop  }
__scs_overlays_trampoline_lowered:
0x8: {  	[smem:$0x3FA7] =	sst s0  }
0x9: {  	[smem:$0x3FA8] =	sst s1  }
0xa: {  	[smem:$0x3FA9] =	sst s2  }
0xb: {  	[smem:$0x3FAA] =	sst s3  }
0xc: {  	[smem:$0x3FAB] =	sst s4  }
0xd: {  	[smem:$0x3FAC] =	sst s5  }
0xe: {  	[smem:$0x3FAD] =	sst s6  }
0xf: {  	[smem:$0x3FAE] =	sst s7  }
0x10: {  	[smem:$0x3FAF] =	sst s8  }
0x11: {  	[smem:$0x3FB0] =	sst s9;
	s0 =	simm.s32 @!p0 $0x0  }
0x12: {  	s1 =	sld [smem:$0x3F96];
	s0 =	simm.s32 @p0 $0x1  }
0x13: {  	[smem:$0x3FB1] =	sst s0;
	s0 =	simm.s32 @!p1 $0x0  }
0x14: {  	s2 =	sld [smem:$0x3F95];
	s0 =	simm.s32 @p1 $0x1  }
0x15: {  	[smem:$0x3FB2] =	sst s0;
	s0 =	simm.s32 @!p2 $0x0  }
0x16: {  	s3 =	sld [smem:$0x3FDB];
	s0 =	simm.s32 @p2 $0x1  }
0x17: {  	s4 =	simm.s32 $0x1BF5;
	[smem:$0x3FB4] =	sst s0  }
0x18: {  	s0 =	sld [smem:$0x3F97];
	_ =	swait.ge [sflag:s4], $0x0  }
0x19: {  	s7 =	sld [smem:$0x3F98]  }
0x1a: {  	s8 =	sadd.s32 $0xFFFFE003, lr  }
0x1b: {  	s9 =	sadd.s32 $0xFFFFFEF7, lr;
	s5 =	simm.s32 $0xFFFFFFFF;
	p2 =	slt.u32 s8, $0xFFFFF086  }
0x1c: {  	p1 =	slt.u32 s9, $0xF7A;
	s5 =	simm.s32 @!p2 $0x0  }
0x1d: {  	s5 =	simm.s32 @p1 $0x1;
	p0 =	seq.s32 s7, s2  }
0x1e: {  	s7 =	smul.u32 @!p0 $0xF7A, s2;
	p2 =	seq.s32 @!p0 s5, $0x0  }
0x1f: {  	s9 =	smul.u32 $0xF7A, s1;
	s8 =	simm.s32 @!p0 $0x1BF5;
	p2 =	por !p2, p0  }
0x20: {  	[sflag:s8] =	ssyncset.s32 @!p0 $0xFFFFF086;
	s6 =	sadd.s32 @!p0 s3, s7;
	s7 =	simm.s32 @!p0 $0x108  }
0x21: {  	s3 =	sadd.s32 s3, s9;
	s6 =	sadd.s32 @!p0 $0x88, s6;
	s7 =	simm.s32 @p2 $0x1082  }
0x22: {  	[simem:s7], [sflag:s8] =	dma.local @!p0 [hbm:s6], $0xF7A  }
0x23: {  	s9 =	sor.u32 $0xD0000000, s2;
	s6 =	simm.s32 $0x108;
	_ =	swait.ge @!p0 [sflag:s8], $0x0  }
0x24: {  	s3 =	sadd.s32 $0x88, s3;
	s6 =	simm.s32 @!p1 $0x1082;
	[sflag:s4] =	ssyncset.s32 $0xFFFFF086  }
0x25: {  	[simem:s6], [sflag:s4] =	dma.local [hbm:s3], $0xF7A  }
0x26: {  	[smem:$0x3F98] =	sst s1;
	(tag) =	ssettag s2;
	_ =	strace s9  }
0x27: {  	s1 =	sld [smem:$0x3FA8]  }
0x28: {  	s2 =	sld [smem:$0x3FA9]  }
0x29: {  	s4 =	sld [smem:$0x3FAB]  }
0x2a: {  	p0 =	seq.s32 s5, $0x0;
	s5 =	sld [smem:$0x3FAC]  }
0x2b: {  	s6 =	sld [smem:$0x3FAD]  }
0x2c: {  	s7 =	sld [smem:$0x3FAE]  }
0x2d: {  	s3 =	simm.s32 $0x108;
	s8 =	sld [smem:$0x3FAF]  }
0x2e: {  	s3 =	simm.s32 @!p0 $0x1082;
	s9 =	sld [smem:$0x3FB0]  }
0x2f: {  	lr =	sadd.s32 s0, s3;
	s0 =	sld [smem:$0x3FA7]  }
0x30: {  	s3 =	sld [smem:$0x3FAA]  }
0x31: {  	[smem:$0x3FB3] =	sst s10  }
0x32: {  	s10 =	sld [smem:$0x3FB1];
	_ =	sdelay $0x3  }
0x33: {  	p0 =	seq.s32 s10, $0x1;
	s10 =	sld [smem:$0x3FB3];
	_ =	sdelay $0x3  }
0x34: {  	[smem:$0x3FB3] =	sst s10  }
0x35: {  	s10 =	sld [smem:$0x3FB2];
	_ =	sdelay $0x3  }
0x36: {  	p1 =	seq.s32 s10, $0x1;
	s10 =	sld [smem:$0x3FB3];
	_ =	sdelay $0x3  }
0x37: {  	[smem:$0x3FB3] =	sst s10  }
0x38: {  	s10 =	sld [smem:$0x3FB4]  }
0x39: {  	_ = 	snop;
	(pc) =	sbr.ind lr, $3  }
0x3a: {  	_ = 	snop  }
0x3b: {  	_ = 	snop  }
0x3c: {  	p2 =	seq.s32 s10, $0x1;
	s10 =	sld [smem:$0x3FB3]  }
0x3d: {  	_ =	shalt  }
0x3e: {  	_ =	shalt  }
0x3f: {  	_ =	shalt  }
0x40: {  	_ =	shalt  }
0x41: {  	_ =	shalt  }
0x42: {  	_ =	shalt  }
0x43: {  	_ =	shalt  }
0x44: {  	_ =	shalt  }
0x45: {  	_ =	shalt  }
0x46: {  	_ =	shalt  }
0x47: {  	_ =	shalt  }
0x48: {  	_ =	shalt  }
0x49: {  	_ =	shalt  }
0x4a: {  	_ =	shalt  }
0x4b: {  	_ =	shalt  }
0x4c: {  	_ =	shalt  }
0x4d: {  	_ =	shalt  }
0x4e: {  	_ =	shalt  }
0x4f: {  	_ =	shalt  }
0x50: {  	_ =	shalt  }
0x51: {  	_ =	shalt  }
0x52: {  	_ =	shalt  }
0x53: {  	_ =	shalt  }
0x54: {  	_ =	shalt  }
0x55: {  	_ =	shalt  }
0x56: {  	_ =	shalt  }
0x57: {  	_ =	shalt  }
0x58: {  	_ =	shalt  }
0x59: {  	_ =	shalt  }
0x5a: {  	_ =	shalt  }
0x5b: {  	_ =	shalt  }
0x5c: {  	_ =	shalt  }
0x5d: {  	_ =	shalt  }
0x5e: {  	_ =	shalt  }
0x5f: {  	_ =	shalt  }
0x60: {  	_ =	shalt  }
0x61: {  	_ =	shalt  }
0x62: {  	_ =	shalt  }
0x63: {  	_ =	shalt  }
0x64: {  	_ =	shalt  }
0x65: {  	_ =	shalt  }
0x66: {  	_ =	shalt  }
0x67: {  	_ =	shalt  }
0x68: {  	_ =	shalt  }
0x69: {  	_ =	shalt  }
0x6a: {  	_ =	shalt  }
0x6b: {  	_ =	shalt  }
0x6c: {  	_ =	shalt  }
0x6d: {  	_ =	shalt  }
0x6e: {  	_ =	shalt  }
0x6f: {  	_ =	shalt  }
0x70: {  	_ =	shalt  }
0x71: {  	_ =	shalt  }
0x72: {  	_ =	shalt  }
0x73: {  	_ =	shalt  }
0x74: {  	_ =	shalt  }
0x75: {  	_ =	shalt  }
0x76: {  	_ =	shalt  }
0x77: {  	_ =	shalt  }
0x78: {  	_ =	shalt  }
0x79: {  	_ =	shalt  }
0x7a: {  	_ =	shalt  }
0x7b: {  	_ =	shalt  }
0x7c: {  	_ =	shalt  }
0x7d: {  	_ =	shalt  }
0x7e: {  	_ =	shalt  }
0x7f: {  	_ =	shalt  }
0x80: {  	_ =	shalt  }
0x81: {  	_ =	shalt  }
0x82: {  	_ =	shalt  }
0x83: {  	_ =	shalt  }
0x84: {  	_ =	shalt  }
0x85: {  	_ =	shalt  }
0x86: {  	_ =	shalt  }
0x87: {  	_ =	shalt  }
.Lfunc_end0:
.L_simem_size_0:
called_computation_lowered:
.L_overlay_start_0:
0x88: {  	s2 =	sld [smem:$0x3FD9]  }
0x89: {  	s3 =	sld [smem:$0x3FFE];
	_ =	sdelay $0x1  }
0x8a: {  	s1 =	srdreg.scid  }
0x8b: {  	s0 =	sand.u32 $0x1, s1  }
0x8c: {  	s16 =	sshll.u32 s0, $0xA;
	s2 =	sadd.s32 s3, s2  }
0x8d: {  	s2 =	sadd.s32 s2, s16  }
0x8e: {  	[smem:$0x3FBF] =	sst s2  }
0x8f: {  	_ = 	snop  }
0x90: {  	(tm) =	ssettm $0x1  }
0x91: {  	s17 =	sld [smem:$0x3FFB];
	_ =	sdelay $0x3  }
0x92: {  	_ =	strace s17  }
0x93: {  	s2 =	sld [smem:$0x3FFC];
	_ =	sdelay $0x3  }
0x94: {  	_ =	strace s2  }
0x95: {  	s2 =	sld [smem:$0x3FFD];
	_ =	sdelay $0x3  }
0x96: {  	_ =	strace s2  }
0x97: {  	_ =	strace $0x8FFFFFFF  }
0x98: {  	s18 =	sld [smem:$0x3FDB];
	_ =	sdelay $0x1  }
0x99: {  	s19 =	simm.s32 $_scs_section_size  }
0x9a: {  	s4 =	simm.s32 $_size__tile_overlayer_lowered;
	s5 =	simm.s32 $_tile_overlayer_lowered  }
0x9b: {  	s22 =	simm.s32 $0x1BFF;
	s21 =	sshll.u32 s5, $0x1;
	s2 =	sadd.s32 s19, s18  }
0x9c: {  	s6 =	simm.s32 $0x0;
	s20 =	sshll.u32 s4, $0x1;
	s4 =	sadd.s32 s21, s2  }
0x9d: {  	[timem:s6], [sflag:s22] =	dma.local [hbm:s4], s20  }
0x9e: {  	_ =	swait.ge [sflag:s22], s20  }
0x9f: {  	s3 =	ssub.s32 $0x0, s20;
	[sflag:s22] =	ssyncset.done $0x0  }
0xa0: {  	[sflag:s22] =	ssyncadd.s32 s3;
	_ =	sdelay $0x1  }
0xa1: {  	s23 =	simm.s32 $0x1B8B  }
0xa2: {  	_ =	swait.ge [sflag:s23], $0x1  }
0xa3: {  	[sflag:s23] =	ssyncset.done $0x0  }
0xa4: {  	s25 =	simm.s32 $0x1B8E;
	s24 =	sld [smem:$0x3FFE];
	[sflag:s23] =	ssyncadd.s32 $0xFFFFFFFF  }
0xa5: {  	s26 =	simm.s32 $execute0_lowered;
	[smem:$0x3FD2] =	sst s25  }
0xa6: {  	s4 =	sshll.u32 s26, $0x1;
	_ =	strace $0x80000046;
	[dreg:$0x1] =	wrdreg $0xFFFFFFFF  }
0xa7: {  	s28 =	simm.s32 $_size_execute0_lowered;
	s2 =	sadd.s32 s2, s4;
	[dreg:$0x0] =	wrdreg $0x0  }
0xa8: {  	s4 =	sshll.u32 s28, $0x1;
	[dreg:$0x2] =	wrdreg s2  }
0xa9: {  	[dreg:$0x3] =	wrdreg s4  }
0xaa: {  	[dreg:$0x4] =	wrdreg $0xC0  }
0xab: {  	_ =	task [dreg:s6], $0x5FFFF  }
0xac: {  	[dreg:$0x1] =	wrdreg $0xFFFFFFFF  }
0xad: {  	[dreg:$0x0] =	wrdreg $0x60  }
0xae: {  	[dreg:$0x2] =	wrdreg s24  }
0xaf: {  	[dreg:$0x3] =	wrdreg $0x41000  }
0xb0: {  	[dreg:$0x4] =	wrdreg $0x9  }
0xb1: {  	_ =	task.clear_ibuf [dreg:s6], $0x5FFFF;
	_ =	strace $0x90000046  }
0xb2: {  	s29 =	simm.s32 $0x9;
	_ =	strace $0x80000048  }
0xb3: {  	_ =	swait.ge [sflag:s29], $0x1  }
0xb4: {  	[sflag:s29] =	ssyncadd.s32 $0xFFFFFFFF  }
0xb5: {  	_ =	strace $0x90000048  }
0xb6: {  	_ =	sfence  }
0xb7: {  	s30 =	sld [smem:$0x0];
	_ =	sdelay $0x2  }
0xb8: {  	s31 =	sshll.u32 s1, $0xD;
	s1 =	sshrl.u32 s1, $0x2  }
0xb9: {  	s3 =	sand.u32 $0x4000, s31;
	s1 =	sadd.s32 s1, s30  }
0xba: {  	s0 =	sor.u32 s3, s0;
	s1 =	sshll.u32 s1, $0x11  }
0xbb: {  	s0 =	sor.u32 s1, s0  }
0xbc: {  	s0 =	sadd.s32 $0x8F2B, s0  }
0xbd: {  	[sflag:s0] =	ssyncadd.remote.s32 $0x1  }
0xbe: {  	_ =	sfence.sel $0xFFFF  }
0xbf: {  	[dreg:$0x0] =	wrdreg $0xFFFFFFFF;
	(pc) =	sbr.abs _section_cstart, $3  }
0xc0: {  	[dreg:$0x1] =	wrdreg $0xFFFFFFFF  }
0xc1: {  	_ =	task.clear_ibuf [dreg:s6], $0x2FFFF;
	_ =	strace $0x9FFFFFFF  }
0xc2: {  	(tm) =	ssettm $0x7FFFFFFF  }
0xc3: {  	_ =	shalt  }
tec
execute0_lowered:
.L_overlay_start_1:
0x0: {  	(tag) =	ssettag $0x1  }
0x1: {  	s6 =	rddreg [dreg:$0x0]  }
0x2: {  	s1 =	rddreg [dreg:$0x1];
	s2 =	srdreg.scid  }
0x3: {  	s0 =	rddreg [dreg:$0x2];
	s3 =	simm.s32 $0x0;
	s16 =	simm.s32 $0x80  }
0x4: {  	s17 =	simm.s32 $0x1;
	s18 =	simm.s32 $0x2;
	s12 =	sand.u32 $0x1, s2  }
0x5: {  	s2 =	stileid.u32;
	[smem:$0x7FF] =	sst s3;
	s9 =	sadd.s32 $0x3600, s6  }
0x6: {  	s4 =	sadd.s32 $0xD400, s6;
	s5 =	sadd.s32 $0xDC00, s6;
	s7 =	smul.u32 $0x140000, s12  }
0x7: {  	s8 =	smul.u32 $0x14000, s2;
	_ =	strace $0x80000047;
	s24 =	ssub.s32 $0x2, s12  }
0x8: {  	s10 =	smul.u32 $0x50000, s2;
	s26 =	sshll.u32 s12, $0x4;
	s30 =	sshll.u32 s2, $0x4  }
0x9: {  	s31 =	sshll.u32 s2, $0x6;
	s12 =	sshll.u32 s12, $0x8;
	s25 =	sshrl.u32 s24, $0x1  }
0xa: {  	s19 =	sor.u32 s2, s26;
	s15 =	sadd.s32 s30, s9;
	s7 =	sadd.s32 s8, s7  }
0xb: {  	s13 =	ssub.s32 s24, s25;
	s28 =	sshrl.u32 s10, $0x2;
	s29 =	sshll.u32 s19, $0x4  }
0xc: {  	s12 =	sadd.s32 s12, s15;
	p0 =	sgt.u32 s19, $0x3;
	s7 =	sshrl.u32 s7, $0x3  }
0xd: {  	s19 =	simm.s32 $0x0;
	s14 =	sadd.s32 s28, s1;
	s11 =	sadd.s32 s7, s6  }
0xe: {  	s6 =	sadd.s32 s9, s29;
	s7 =	sor.u32 $0x1C03, s31;
	s9 =	sadd.s32 $0x9C00, s15  }
0xf: {  	s15 =	simm.s32 $0x100;
	s8 =	sadd.s32 $0x200, s6;
	s10 =	sadd.s32 $0x10400, s11  }
0x10: {  	s11 =	smax.u32 s13, $0x1;
	s13 =	sshrl.u32 s14, $0x3;
	s14 =	simm.s32 $0x3  }
.LBB2_1:
0x11: {  	[spmem:s13], [sflag:s7] =	dma.local [hbm:s5], $0x2800  }
0x12: {  	_ =	swait.ge [sflag:s14], $0x2800  }
0x13: {  	[sflag:s14] =	ssyncset.done $0x0  }
0x14: {  	[sflag:s14] =	ssyncadd.s32 $0xFFFFD800  }
0x15: {  	[tilespmem:s15], [sflag:$0x3] =	stream.linear.gather [hbm4b:s4+s3], $0x4000, $0x38;
	[tilespmem:$0x18100] =	vst v63  }
0x16: {  	_ =	swait.ge [sflag:s14], $0x4000  }
0x17: {  	[sflag:s14] =	ssyncset.done $0x0  }
0x18: {  	[sflag:s14] =	ssyncadd.s32 $0xFFFFC000  }
0x19: {  	[bflag:$0x0] =	sbarrier.arrive $0xFFFF  }
0x1a: {  	[tilespmem:s3], [sflag:$0x1] =	stream.linear.gather [hbm4b:s6+s3], $0x80, $0x38;
	[tilespmem:$0x18100] =	vst v63  }
0x1b: {  	_ = 	snop  }
0x1c: {  	[tilespmem:s16], [sflag:$0x2] =	stream.linear.gather [hbm4b:s8+s3], $0x80, $0x38;
	[tilespmem:$0x18100] =	vst v63  }
0x1d: {  	_ =	swait.ge [sflag:s17], $0x80  }
0x1e: {  	[sflag:s17] =	ssyncset.done $0x0  }
0x1f: {  	[sflag:s17] =	ssyncadd.s32 $0xFFFFFF80  }
0x20: {  	[spmem:s1] =	stream.indirect.scatter.add.f32 [tilespmem:s15], [sflag:$0x3], $0x80, s3, s16, $0xb8;
	[tilespmem:$0x18100] =	vst v63  }
0x21: {  	_ =	swait.ge [sflag:s14], $0x4000  }
0x22: {  	s21 =	sadd.s32 $0xFFFF6800, s12;
	[sflag:s14] =	ssyncset.done $0x0  }
0x23: {  	s20 =	sadd.s32 $0x9C00, s21;
	[sflag:s14] =	ssyncadd.s32 $0xFFFFC000  }
0x24: {  	[tilespmem:s3], [sflag:$0x1] =	stream.linear.gather [hbm4b:s20+s3], $0x80, $0x38;
	[tilespmem:$0x18100] =	vst v63  }
0x25: {  	_ =	swait.ge [sflag:s18], $0x80  }
0x26: {  	[sflag:s18] =	ssyncset.done $0x0  }
0x27: {  	[sflag:s18] =	ssyncadd.s32 $0xFFFFFF80  }
0x28: {  	[spmem:s1] =	stream.indirect.scatter.add.f32 [tilespmem:s15], [sflag:$0x3], $0x80, s16, s16, $0xb8;
	[tilespmem:$0x18100] =	vst v63  }
0x29: {  	_ =	swait.ge [sflag:s14], $0x4000  }
0x2a: {  	[sflag:s14] =	ssyncset.done $0x0  }
0x2b: {  	s21 =	sadd.s32 $0x9E00, s21;
	s20 =	simm.s32 $0xFFFF6C00;
	[sflag:s14] =	ssyncadd.s32 $0xFFFFC000  }
.LBB2_2:
0x2c: {  	[tilespmem:s16], [sflag:$0x2] =	stream.linear.gather [hbm4b:s21+s3], $0x80, $0x38;
	[tilespmem:$0x18100] =	vst v63  }
0x2d: {  	s21 =	smov.u32 s20  }
0x2e: {  	p1 =	sne.s32 s20, $0xFFFFFC00;
	s20 =	sadd.s32 $0x400, s20;
	_ =	swait.ge [sflag:s17], $0x80  }
0x2f: {  	[sflag:s17] =	ssyncset.done $0x0  }
0x30: {  	[sflag:s17] =	ssyncadd.s32 $0xFFFFFF80  }
0x31: {  	[spmem:s1] =	stream.indirect.scatter.add.f32 [tilespmem:s15], [sflag:$0x3], $0x80, s3, s16, $0xb8;
	[tilespmem:$0x18100] =	vst v63  }
0x32: {  	_ =	swait.ge [sflag:s14], $0x4000  }
0x33: {  	s21 =	sadd.s32 s21, s12;
	[sflag:s14] =	ssyncset.done $0x0  }
0x34: {  	s22 =	sadd.s32 $0x9C00, s21;
	[sflag:s14] =	ssyncadd.s32 $0xFFFFC000  }
0x35: {  	[tilespmem:s3], [sflag:$0x1] =	stream.linear.gather [hbm4b:s22+s3], $0x80, $0x38;
	[tilespmem:$0x18100] =	vst v63  }
0x36: {  	_ =	swait.ge [sflag:s18], $0x80  }
0x37: {  	[sflag:s18] =	ssyncset.done $0x0  }
.Ltmp0:
0x38: {  	[sflag:s18] =	ssyncadd.s32 $0xFFFFFF80;
	(pc) =	sbr.rel @p1 .LBB2_2-.Ltmp0, $4  }
0x39: {  	[spmem:s1] =	stream.indirect.scatter.add.f32 [tilespmem:s15], [sflag:$0x3], $0x80, s16, s16, $0xb8;
	[tilespmem:$0x18100] =	vst v63  }
0x3a: {  	_ =	swait.ge [sflag:s14], $0x4000  }
0x3b: {  	[sflag:s14] =	ssyncset.done $0x0  }
0x3c: {  	s21 =	sadd.s32 $0x9E00, s21;
	[sflag:s14] =	ssyncadd.s32 $0xFFFFC000  }
0x3d: {  	[tilespmem:s16], [sflag:$0x2] =	stream.linear.gather [hbm4b:s21+s3], $0x80, $0x38;
	[tilespmem:$0x18100] =	vst v63  }
0x3e: {  	_ =	swait.ge [sflag:s17], $0x80  }
0x3f: {  	[sflag:s17] =	ssyncset.done $0x0  }
0x40: {  	[sflag:s17] =	ssyncadd.s32 $0xFFFFFF80  }
0x41: {  	[spmem:s1] =	stream.indirect.scatter.add.f32 [tilespmem:s15], [sflag:$0x3], $0x80, s3, s16, $0xb8;
	[tilespmem:$0x18100] =	vst v63  }
0x42: {  	_ =	swait.ge [sflag:s14], $0x4000  }
0x43: {  	[sflag:s14] =	ssyncset.done $0x0  }
0x44: {  	[sflag:s14] =	ssyncadd.s32 $0xFFFFC000  }
0x45: {  	_ =	swait.ge [sflag:s18], $0x80  }
0x46: {  	[sflag:s18] =	ssyncset.done $0x0  }
0x47: {  	[sflag:s18] =	ssyncadd.s32 $0xFFFFFF80  }
0x48: {  	[spmem:s1] =	stream.indirect.scatter.add.f32 [tilespmem:s15], [sflag:$0x3], $0x80, s16, s16, $0xb8;
	[tilespmem:$0x18100] =	vst v63  }
0x49: {  	_ =	swait.ge [sflag:s14], $0x4000  }
0x4a: {  	[sflag:s14] =	ssyncset.done $0x0  }
0x4b: {  	s20 =	simm.s32 @!p0 $0x0;
	s21 =	simm.s32 @!p0 $0x3;
	[sflag:s14] =	ssyncadd.s32 $0xFFFFC000  }
0x4c: {  	[tilespmem:s20], [sflag:$0x3] =	stream.linear.gather @!p0 [hbm4b:s9+s20], $0x80, $0x38;
	[tilespmem:$0x18100] =	vst v63  }
0x4d: {  	_ =	swait.ge @!p0 [sflag:s21], $0x80  }
0x4e: {  	[sflag:s21] =	ssyncset.done @!p0 $0x0  }
0x4f: {  	s22 =	simm.s32 @!p0 $0x80;
	s23 =	simm.s32 @!p0 $0x100;
	[sflag:s21] =	ssyncadd.s32 @!p0 $0xFFFFFF80  }
0x50: {  	[spmem:s1] =	stream.indirect.scatter.add.f32 @!p0 [tilespmem:s23], [sflag:$0x3], $0x80, s20, s22, $0xb8;
	[tilespmem:$0x18100] =	vst v63  }
0x51: {  	_ =	swait.ge @!p0 [sflag:s21], $0x4000  }
0x52: {  	s19 =	sadd.s32 $0x1, s19;
	[sflag:s21] =	ssyncset.done @!p0 $0x0  }
0x53: {  	p1 =	sne.s32 s19, s11;
	[sflag:s21] =	ssyncadd.s32 @!p0 $0xFFFFC000  }
.Ltmp1:
0x54: {  	[bflag:$0x0] =	sbarrier.arrive $0xFFFF;
	(pc) =	sbr.rel @p1 .LBB2_1-.Ltmp1, $4  }
0x55: {  	[hbm:s10], [sflag:s7] =	dma.local [spmem:s13], $0x2800  }
0x56: {  	_ =	swait.ge [sflag:s14], $0x2800  }
0x57: {  	[sflag:s14] =	ssyncset.done $0x0  }
0x58: {  	[sflag:s14] =	ssyncadd.s32 $0xFFFFD800  }
0x59: {  	_ =	sfence.sel $0x180000  }
0x5a: {  	[bflag:$0x0] =	sbarrier.arrive $0xFFFF  }
0x5b: {  	p0 =	sne.s32 s2, $0x0;
	_ =	strace $0x90000047  }
0x5c: {  	s0 =	sadd.s32 @!p0 $0x100000, s0;
	[bflag:$0x2] =	sbarrier.arrive $0xFFFF  }
0x5d: {  	[sflag:s0] =	ssyncadd.tile.s32 @!p0 $0x1;
	_ =	shalt  }
.Lfunc_end2:
_tile_overlayer_lowered:
.L_overlay_start_2:
0x5e: {  	(tag) =	ssettag $0x2  }
0x5f: {  	s0 =	rddreg [dreg:$0x0];
	s2 =	stileid.u32  }
0x60: {  	s1 =	rddreg [dreg:$0x1];
	p0 =	sne.s32 s2, $0x0  }
0x61: {  	s3 =	rddreg [dreg:$0x2];
	[bflag:$0x3] =	sbarrier.arrive $0xFFFF;
	s2 =	simm.s32 @!p0 $0x1C03  }
0x62: {  	[timem:s3], [sflag:s2] =	dma.local @!p0 [hbm:s0], s1  }
0x63: {  	s0 =	simm.s32 @!p0 $0x3  }
0x64: {  	_ =	swait.ge @!p0 [sflag:s0], s1  }
0x65: {  	s1 =	ssub.s32 @!p0 $0x0, s1;
	[sflag:s0] =	ssyncset.done @!p0 $0x0  }
0x66: {  	[sflag:s0] =	ssyncadd.s32 @!p0 s1  }
0x67: {  	[bflag:$0x3] =	sbarrier.arrive $0xFFFF  }
0x68: {  	_ =	shalt  }

// kernel: kernel.13.cloned.1.call-start
scs
__scs_entry_jumppad:
0x0: {  	(pc) =	sbr.rel $0x88, $3  }
0x1: {  	(tag) =	ssettag $0x0;
	lr =	simm.s32 $0x1  }
0x2: {  	[smem:$0x3F98] =	sst lr;
	_ =	strace $0xD0000000  }
0x3: {  	_ = 	snop  }
0x4: {  	_ = 	snop  }
0x5: {  	_ = 	snop  }
0x6: {  	_ = 	snop  }
0x7: {  	_ = 	snop  }
__scs_overlays_trampoline_lowered:
0x8: {  	[smem:$0x3FA7] =	sst s0  }
0x9: {  	[smem:$0x3FA8] =	sst s1  }
0xa: {  	[smem:$0x3FA9] =	sst s2  }
0xb: {  	[smem:$0x3FAA] =	sst s3  }
0xc: {  	[smem:$0x3FAB] =	sst s4  }
0xd: {  	[smem:$0x3FAC] =	sst s5  }
0xe: {  	[smem:$0x3FAD] =	sst s6  }
0xf: {  	[smem:$0x3FAE] =	sst s7  }
0x10: {  	[smem:$0x3FAF] =	sst s8  }
0x11: {  	[smem:$0x3FB0] =	sst s9;
	s0 =	simm.s32 @!p0 $0x0  }
0x12: {  	s1 =	sld [smem:$0x3F96];
	s0 =	simm.s32 @p0 $0x1  }
0x13: {  	[smem:$0x3FB1] =	sst s0;
	s0 =	simm.s32 @!p1 $0x0  }
0x14: {  	s2 =	sld [smem:$0x3F95];
	s0 =	simm.s32 @p1 $0x1  }
0x15: {  	[smem:$0x3FB2] =	sst s0;
	s0 =	simm.s32 @!p2 $0x0  }
0x16: {  	s3 =	sld [smem:$0x3FDB];
	s0 =	simm.s32 @p2 $0x1  }
0x17: {  	s4 =	simm.s32 $0x1BF5;
	[smem:$0x3FB4] =	sst s0  }
0x18: {  	s0 =	sld [smem:$0x3F97];
	_ =	swait.ge [sflag:s4], $0x0  }
0x19: {  	s7 =	sld [smem:$0x3F98]  }
0x1a: {  	s8 =	sadd.s32 $0xFFFFE003, lr  }
0x1b: {  	s9 =	sadd.s32 $0xFFFFFEF7, lr;
	s5 =	simm.s32 $0xFFFFFFFF;
	p2 =	slt.u32 s8, $0xFFFFF086  }
0x1c: {  	p1 =	slt.u32 s9, $0xF7A;
	s5 =	simm.s32 @!p2 $0x0  }
0x1d: {  	s5 =	simm.s32 @p1 $0x1;
	p0 =	seq.s32 s7, s2  }
0x1e: {  	s7 =	smul.u32 @!p0 $0xF7A, s2;
	p2 =	seq.s32 @!p0 s5, $0x0  }
0x1f: {  	s9 =	smul.u32 $0xF7A, s1;
	s8 =	simm.s32 @!p0 $0x1BF5;
	p2 =	por !p2, p0  }
0x20: {  	[sflag:s8] =	ssyncset.s32 @!p0 $0xFFFFF086;
	s6 =	sadd.s32 @!p0 s3, s7;
	s7 =	simm.s32 @!p0 $0x108  }
0x21: {  	s3 =	sadd.s32 s3, s9;
	s6 =	sadd.s32 @!p0 $0x88, s6;
	s7 =	simm.s32 @p2 $0x1082  }
0x22: {  	[simem:s7], [sflag:s8] =	dma.local @!p0 [hbm:s6], $0xF7A  }
0x23: {  	s9 =	sor.u32 $0xD0000000, s2;
	s6 =	simm.s32 $0x108;
	_ =	swait.ge @!p0 [sflag:s8], $0x0  }
0x24: {  	s3 =	sadd.s32 $0x88, s3;
	s6 =	simm.s32 @!p1 $0x1082;
	[sflag:s4] =	ssyncset.s32 $0xFFFFF086  }
0x25: {  	[simem:s6], [sflag:s4] =	dma.local [hbm:s3], $0xF7A  }
0x26: {  	[smem:$0x3F98] =	sst s1;
	(tag) =	ssettag s2;
	_ =	strace s9  }
0x27: {  	s1 =	sld [smem:$0x3FA8]  }
0x28: {  	s2 =	sld [smem:$0x3FA9]  }
0x29: {  	s4 =	sld [smem:$0x3FAB]  }
0x2a: {  	p0 =	seq.s32 s5, $0x0;
	s5 =	sld [smem:$0x3FAC]  }
0x2b: {  	s6 =	sld [smem:$0x3FAD]  }
0x2c: {  	s7 =	sld [smem:$0x3FAE]  }
0x2d: {  	s3 =	simm.s32 $0x108;
	s8 =	sld [smem:$0x3FAF]  }
0x2e: {  	s3 =	simm.s32 @!p0 $0x1082;
	s9 =	sld [smem:$0x3FB0]  }
0x2f: {  	lr =	sadd.s32 s0, s3;
	s0 =	sld [smem:$0x3FA7]  }
0x30: {  	s3 =	sld [smem:$0x3FAA]  }
0x31: {  	[smem:$0x3FB3] =	sst s10  }
0x32: {  	s10 =	sld [smem:$0x3FB1];
	_ =	sdelay $0x3  }
0x33: {  	p0 =	seq.s32 s10, $0x1;
	s10 =	sld [smem:$0x3FB3];
	_ =	sdelay $0x3  }
0x34: {  	[smem:$0x3FB3] =	sst s10  }
0x35: {  	s10 =	sld [smem:$0x3FB2];
	_ =	sdelay $0x3  }
0x36: {  	p1 =	seq.s32 s10, $0x1;
	s10 =	sld [smem:$0x3FB3];
	_ =	sdelay $0x3  }
0x37: {  	[smem:$0x3FB3] =	sst s10  }
0x38: {  	s10 =	sld [smem:$0x3FB4]  }
0x39: {  	_ = 	snop;
	(pc) =	sbr.ind lr, $3  }
0x3a: {  	_ = 	snop  }
0x3b: {  	_ = 	snop  }
0x3c: {  	p2 =	seq.s32 s10, $0x1;
	s10 =	sld [smem:$0x3FB3]  }
0x3d: {  	_ =	shalt  }
0x3e: {  	_ =	shalt  }
0x3f: {  	_ =	shalt  }
0x40: {  	_ =	shalt  }
0x41: {  	_ =	shalt  }
0x42: {  	_ =	shalt  }
0x43: {  	_ =	shalt  }
0x44: {  	_ =	shalt  }
0x45: {  	_ =	shalt  }
0x46: {  	_ =	shalt  }
0x47: {  	_ =	shalt  }
0x48: {  	_ =	shalt  }
0x49: {  	_ =	shalt  }
0x4a: {  	_ =	shalt  }
0x4b: {  	_ =	shalt  }
0x4c: {  	_ =	shalt  }
0x4d: {  	_ =	shalt  }
0x4e: {  	_ =	shalt  }
0x4f: {  	_ =	shalt  }
0x50: {  	_ =	shalt  }
0x51: {  	_ =	shalt  }
0x52: {  	_ =	shalt  }
0x53: {  	_ =	shalt  }
0x54: {  	_ =	shalt  }
0x55: {  	_ =	shalt  }
0x56: {  	_ =	shalt  }
0x57: {  	_ =	shalt  }
0x58: {  	_ =	shalt  }
0x59: {  	_ =	shalt  }
0x5a: {  	_ =	shalt  }
0x5b: {  	_ =	shalt  }
0x5c: {  	_ =	shalt  }
0x5d: {  	_ =	shalt  }
0x5e: {  	_ =	shalt  }
0x5f: {  	_ =	shalt  }
0x60: {  	_ =	shalt  }
0x61: {  	_ =	shalt  }
0x62: {  	_ =	shalt  }
0x63: {  	_ =	shalt  }
0x64: {  	_ =	shalt  }
0x65: {  	_ =	shalt  }
0x66: {  	_ =	shalt  }
0x67: {  	_ =	shalt  }
0x68: {  	_ =	shalt  }
0x69: {  	_ =	shalt  }
0x6a: {  	_ =	shalt  }
0x6b: {  	_ =	shalt  }
0x6c: {  	_ =	shalt  }
0x6d: {  	_ =	shalt  }
0x6e: {  	_ =	shalt  }
0x6f: {  	_ =	shalt  }
0x70: {  	_ =	shalt  }
0x71: {  	_ =	shalt  }
0x72: {  	_ =	shalt  }
0x73: {  	_ =	shalt  }
0x74: {  	_ =	shalt  }
0x75: {  	_ =	shalt  }
0x76: {  	_ =	shalt  }
0x77: {  	_ =	shalt  }
0x78: {  	_ =	shalt  }
0x79: {  	_ =	shalt  }
0x7a: {  	_ =	shalt  }
0x7b: {  	_ =	shalt  }
0x7c: {  	_ =	shalt  }
0x7d: {  	_ =	shalt  }
0x7e: {  	_ =	shalt  }
0x7f: {  	_ =	shalt  }
0x80: {  	_ =	shalt  }
0x81: {  	_ =	shalt  }
0x82: {  	_ =	shalt  }
0x83: {  	_ =	shalt  }
0x84: {  	_ =	shalt  }
0x85: {  	_ =	shalt  }
0x86: {  	_ =	shalt  }
0x87: {  	_ =	shalt  }
.Lfunc_end0:
.L_simem_size_0:
called_computation.1_lowered:
.L_overlay_start_0:
0x88: {  	s2 =	sld [smem:$0x3FD9]  }
0x89: {  	s3 =	sld [smem:$0x3FFE];
	_ =	sdelay $0x1  }
0x8a: {  	s1 =	srdreg.scid  }
0x8b: {  	s0 =	sand.u32 $0x1, s1  }
0x8c: {  	s17 =	sshll.u32 s0, $0xA;
	s2 =	sadd.s32 s3, s2  }
0x8d: {  	s2 =	sadd.s32 s2, s17  }
0x8e: {  	[smem:$0x3FBF] =	sst s2  }
0x8f: {  	_ = 	snop  }
0x90: {  	s2 =	sld [smem:$0x3FD0];
	(tm) =	ssettm $0x1  }
0x91: {  	s18 =	sld [smem:$0x3FFB];
	_ =	sdelay $0x3  }
0x92: {  	_ =	strace s18  }
0x93: {  	s3 =	sld [smem:$0x3FFC];
	_ =	sdelay $0x3  }
0x94: {  	_ =	strace s3  }
0x95: {  	s3 =	sld [smem:$0x3FFD];
	_ =	sdelay $0x3  }
0x96: {  	_ =	strace s3  }
0x97: {  	_ =	strace $0x8FFFFFFF  }
0x98: {  	s19 =	sld [smem:$0x3FDB];
	_ =	sdelay $0x1  }
0x99: {  	s4 =	simm.s32 $_scs_section_size  }
0x9a: {  	s5 =	simm.s32 $_size__tile_overlayer_lowered;
	s6 =	simm.s32 $_tile_overlayer_lowered  }
0x9b: {  	s22 =	simm.s32 $0x1BFF;
	s21 =	sshll.u32 s6, $0x1;
	s3 =	sadd.s32 s4, s19  }
0x9c: {  	s7 =	simm.s32 $0x0;
	s20 =	sshll.u32 s5, $0x1;
	s5 =	sadd.s32 s21, s3  }
0x9d: {  	[timem:s7], [sflag:s22] =	dma.local [hbm:s5], s20  }
0x9e: {  	_ =	swait.ge [sflag:s22], s20  }
0x9f: {  	s4 =	ssub.s32 $0x0, s20;
	[sflag:s22] =	ssyncset.done $0x0  }
0xa0: {  	[sflag:s22] =	ssyncadd.s32 s4;
	_ =	sdelay $0x1  }
0xa1: {  	s23 =	simm.s32 $0x1B8B  }
0xa2: {  	_ =	swait.ge [sflag:s23], $0x1  }
0xa3: {  	[sflag:s23] =	ssyncset.done $0x0  }
0xa4: {  	s25 =	simm.s32 $0x1B8E;
	s24 =	sld [smem:$0x3FFE];
	[sflag:s23] =	ssyncadd.s32 $0xFFFFFFFF  }
0xa5: {  	s26 =	simm.s32 $execute0_lowered;
	[smem:$0x3FD2] =	sst s25  }
0xa6: {  	s5 =	sshll.u32 s26, $0x1;
	_ =	strace $0x80000049;
	[dreg:$0x1] =	wrdreg $0xFFFFFFFF  }
0xa7: {  	s28 =	simm.s32 $_size_execute0_lowered;
	s3 =	sadd.s32 s3, s5;
	[dreg:$0x0] =	wrdreg $0x0  }
0xa8: {  	s5 =	sshll.u32 s28, $0x1;
	[dreg:$0x2] =	wrdreg s3  }
0xa9: {  	[dreg:$0x3] =	wrdreg s5  }
0xaa: {  	[dreg:$0x4] =	wrdreg $0xC0  }
0xab: {  	_ =	task [dreg:s7], $0x5FFFF  }
0xac: {  	[dreg:$0x1] =	wrdreg $0xFFFFFFFF  }
0xad: {  	[dreg:$0x0] =	wrdreg $0x60  }
0xae: {  	[dreg:$0x2] =	wrdreg s24  }
0xaf: {  	[dreg:$0x3] =	wrdreg s2  }
0xb0: {  	[dreg:$0x4] =	wrdreg $0x84000  }
0xb1: {  	[dreg:$0x5] =	wrdreg $0x9  }
0xb2: {  	_ =	task.clear_ibuf [dreg:s7], $0x6FFFF;
	_ =	strace $0x90000049  }
0xb3: {  	s29 =	simm.s32 $0x9;
	_ =	strace $0x8000004B  }
0xb4: {  	_ =	swait.ge [sflag:s29], $0x1  }
0xb5: {  	[sflag:s29] =	ssyncadd.s32 $0xFFFFFFFF  }
0xb6: {  	_ =	strace $0x9000004B  }
0xb7: {  	_ =	sfence  }
0xb8: {  	s30 =	sld [smem:$0x0];
	_ =	sdelay $0x2  }
0xb9: {  	s31 =	sshll.u32 s1, $0xD;
	s1 =	sshrl.u32 s1, $0x2  }
0xba: {  	s3 =	sand.u32 $0x4000, s31;
	s1 =	sadd.s32 s1, s30  }
0xbb: {  	s0 =	sor.u32 s3, s0;
	s1 =	sshll.u32 s1, $0x11  }
0xbc: {  	s0 =	sor.u32 s1, s0  }
0xbd: {  	s0 =	sadd.s32 $0x8F2B, s0  }
0xbe: {  	[sflag:s0] =	ssyncadd.remote.s32 $0x1  }
0xbf: {  	_ =	sfence.sel $0xFFFF  }
0xc0: {  	[dreg:$0x0] =	wrdreg $0xFFFFFFFF;
	(pc) =	sbr.abs _section_cstart, $3  }
0xc1: {  	[dreg:$0x1] =	wrdreg $0xFFFFFFFF  }
0xc2: {  	_ =	task.clear_ibuf [dreg:s7], $0x2FFFF;
	_ =	strace $0x9FFFFFFF  }
0xc3: {  	(tm) =	ssettm $0x7FFFFFFF  }
tec
execute0_lowered:
.L_overlay_start_1:
0x0: {  	(tag) =	ssettag $0x1  }
0x1: {  	s0 =	rddreg [dreg:$0x0]  }
0x2: {  	s2 =	rddreg [dreg:$0x1]  }
0x3: {  	s1 =	rddreg [dreg:$0x2];
	s3 =	simm.s32 $0x0;
	s4 =	srdreg.scid  }
0x4: {  	s13 =	stileid.u32;
	[smem:$0x7FF] =	sst s3;
	s4 =	sand.u32 $0x1, s4  }
0x5: {  	s6 =	smul.u32 $0x14000, s13;
	s8 =	sadd.s32 $0x3600, s0;
	s28 =	sadd.s32 $0x60400, s0  }
0x6: {  	s5 =	smul.u32 $0x140000, s4;
	_ =	strace $0x8000004A;
	s7 =	sshll.u32 s4, $0x4  }
0x7: {  	s9 =	ssub.s32 $0x2, s4;
	s4 =	sshll.u32 s4, $0x8;
	s7 =	sor.u32 s13, s7  }
0x8: {  	s16 =	sshrl.u32 s9, $0x1;
	s25 =	sadd.s32 s4, s8;
	s5 =	sadd.s32 s6, s5  }
0x9: {  	s10 =	sshll.u32 s7, $0x4;
	s6 =	ssub.s32 s9, s16;
	s9 =	sshll.u32 s13, $0x4  }
0xa: {  	p0 =	sgt.u32 s7, $0x3;
	s7 =	simm.s32 $0x280;
	s11 =	sor.u32 $0x200, s10  }
0xb: {  	s17 =	sor.u32 $0x400, s10;
	s19 =	sor.u32 $0x600, s10;
	s12 =	sadd.s32 s2, s11  }
0xc: {  	s21 =	sor.u32 $0x9000, s10;
	s11 =	sadd.s32 s8, s11;
	[dreg:$0x5] =	wrdreg s12  }
0xd: {  	s23 =	sor.u32 $0x9200, s10;
	s18 =	sadd.s32 s2, s17;
	[dreg:$0x6] =	wrdreg s11  }
0xe: {  	s26 =	sor.u32 $0x9400, s10;
	s20 =	sadd.s32 s2, s19;
	[dreg:$0x7] =	wrdreg s18  }
0xf: {  	s29 =	sor.u32 $0x9600, s10;
	s22 =	sadd.s32 s2, s21;
	[dreg:$0x9] =	wrdreg s20  }
0x10: {  	s15 =	sor.u32 $0x9800, s10;
	s24 =	sadd.s32 s2, s23;
	[dreg:$0xb] =	wrdreg s22  }
0x11: {  	s14 =	sadd.s32 s2, s26;
	s16 =	sadd.s32 s2, s15;
	[dreg:$0xd] =	wrdreg s24  }
0x12: {  	s11 =	sadd.s32 s8, s17;
	s12 =	sadd.s32 s8, s23;
	[dreg:$0xf] =	wrdreg s14  }
0x13: {  	s14 =	sadd.s32 s2, s29;
	[dreg:$0x13] =	wrdreg s16;
	s17 =	sadd.s32 s8, s15  }
0x14: {  	s18 =	sadd.s32 s2, s10;
	s23 =	sshrl.u32 s5, $0x3;
	[dreg:$0x8] =	wrdreg s11  }
0x15: {  	s24 =	smul.u32 $0x50000, s13;
	s5 =	simm.s32 $0x200;
	[dreg:$0xe] =	wrdreg s12  }
0x16: {  	s15 =	simm.s32 $0x4400;
	s16 =	simm.s32 $0x5;
	[dreg:$0x11] =	wrdreg s14  }
0x17: {  	s11 =	sadd.s32 s8, s19;
	s12 =	sadd.s32 s8, s26;
	[dreg:$0x14] =	wrdreg s17  }
0x18: {  	[dreg:$0x15] =	wrdreg s18;
	s19 =	sadd.s32 s8, s10;
	s10 =	sor.u32 $0x9A00, s10  }
0x19: {  	s14 =	simm.s32 $0x2;
	s17 =	simm.s32 $0x3;
	[dreg:$0xa] =	wrdreg s11  }
0x1a: {  	s18 =	simm.s32 $0x6;
	s11 =	sadd.s32 s8, s21;
	[dreg:$0x10] =	wrdreg s12  }
0x1b: {  	[dreg:$0x16] =	wrdreg s19;
	s20 =	sadd.s32 s2, s10;
	s10 =	sadd.s32 s8, s10  }
0x1c: {  	s21 =	sor.u32 $0x9C00, s9;
	s12 =	simm.s32 $0x1;
	[dreg:$0xc] =	wrdreg s11  }
0x1d: {  	s19 =	simm.s32 $0x4;
	s11 =	sadd.s32 s9, s25;
	[dreg:$0x17] =	wrdreg s20  }
0x1e: {  	[dreg:$0x18] =	wrdreg s10;
	s22 =	sadd.s32 s2, s21;
	s2 =	sadd.s32 s4, s2  }
0x1f: {  	s25 =	sshrl.u32 s24, $0x2;
	s4 =	simm.s32 $0x7;
	s10 =	simm.s32 $0x180  }
0x20: {  	s20 =	simm.s32 $0x0;
	[dreg:$0x4] =	wrdreg s11;
	s11 =	sadd.s32 s8, s29  }
0x21: {  	s8 =	sadd.s32 s8, s21;
	[dreg:$0x1a] =	wrdreg s22;
	s26 =	sadd.s32 s9, s2  }
0x22: {  	s2 =	sadd.s32 s23, s0;
	s0 =	sadd.s32 $0xDC00, s0;
	[dreg:$0x12] =	wrdreg s11  }
0x23: {  	s29 =	sshll.u32 s13, $0x6;
	s30 =	sadd.s32 s25, s1;
	[dreg:$0x19] =	wrdreg s8  }
0x24: {  	s9 =	simm.s32 $0x300;
	s13 =	simm.s32 $0x400;
	[dreg:$0x1b] =	wrdreg s0  }
0x25: {  	s31 =	sor.u32 $0x1C07, s29;
	s0 =	sadd.s32 $0x88400, s2;
	s2 =	smax.u32 s6, $0x1  }
0x26: {  	s6 =	simm.s32 $0x80;
	s8 =	simm.s32 $0x100;
	s11 =	simm.s32 $0x380  }
.LBB2_1:
0x27: {  	s21 =	sshrl.u32 s30, $0x3;
	s22 =	rddreg [dreg:$0x1b]  }
0x28: {  	[spmem:s21], [sflag:s31] =	dma.local [hbm:s22], $0x2800  }
0x29: {  	_ =	swait.ge [sflag:s4], $0x2800  }
0x2a: {  	[sflag:s4] =	ssyncset.done $0x0  }
0x2b: {  	[sflag:s4] =	ssyncadd.s32 $0xFFFFD800  }
0x2c: {  	[bflag:$0x0] =	sbarrier.arrive $0xFFFF  }
0x2d: {  	s29 =	rddreg [dreg:$0x15]  }
0x2e: {  	[tilespmem:s3], [sflag:$0x1] =	stream.linear.gather [hbm4b:s29+s3], $0x80, $0x38;
	[tilespmem:$0x1C400] =	vst v63  }
0x2f: {  	s23 =	rddreg [dreg:$0x16]  }
0x30: {  	[tilespmem:s5], [sflag:$0x1] =	stream.linear.gather [hbm4b:s23+s3], $0x80, $0x38;
	[tilespmem:$0x1C400] =	vst v63  }
0x31: {  	s24 =	rddreg [dreg:$0x5]  }
0x32: {  	[tilespmem:s6], [sflag:$0x2] =	stream.linear.gather [hbm4b:s24+s3], $0x80, $0x38;
	[tilespmem:$0x1C400] =	vst v63  }
0x33: {  	s25 =	rddreg [dreg:$0x6]  }
0x34: {  	[tilespmem:s7], [sflag:$0x2] =	stream.linear.gather [hbm4b:s25+s3], $0x80, $0x38;
	[tilespmem:$0x1C400] =	vst v63  }
0x35: {  	s29 =	rddreg [dreg:$0x7]  }
0x36: {  	[tilespmem:s8], [sflag:$0x3] =	stream.linear.gather [hbm4b:s29+s3], $0x80, $0x38;
	[tilespmem:$0x1C400] =	vst v63  }
0x37: {  	s23 =	rddreg [dreg:$0x8]  }
0x38: {  	[tilespmem:s9], [sflag:$0x3] =	stream.linear.gather [hbm4b:s23+s3], $0x80, $0x38;
	[tilespmem:$0x1C400] =	vst v63  }
0x39: {  	s24 =	rddreg [dreg:$0x9]  }
0x3a: {  	[tilespmem:s10], [sflag:$0x4] =	stream.linear.gather [hbm4b:s24+s3], $0x80, $0x38;
	[tilespmem:$0x1C400] =	vst v63  }
0x3b: {  	s25 =	rddreg [dreg:$0xa]  }
0x3c: {  	[tilespmem:s11], [sflag:$0x4] =	stream.linear.gather [hbm4b:s25+s3], $0x80, $0x38;
	[tilespmem:$0x1C400] =	vst v63  }
0x3d: {  	_ =	swait.ge [sflag:s12], $0x80  }
0x3e: {  	[sflag:s12] =	ssyncset.done $0x0  }
0x3f: {  	[sflag:s12] =	ssyncadd.s32 $0xFFFFFF80  }
0x40: {  	_ =	swait.ge [sflag:s12], $0x80  }
0x41: {  	[sflag:s12] =	ssyncset.done $0x0  }
0x42: {  	[sflag:s12] =	ssyncadd.s32 $0xFFFFFF80  }
0x43: {  	[tilespmem:s13], [sflag:$0x5] =	stream.indirect.gather [hbm4b:s28+s6], $0x80, s3, s6, $0xb8;
	[tilespmem:$0x1C400] =	vst v63  }
0x44: {  	_ =	swait.ge [sflag:s14], $0x80  }
0x45: {  	[sflag:s14] =	ssyncset.done $0x0  }
0x46: {  	[sflag:s14] =	ssyncadd.s32 $0xFFFFFF80  }
0x47: {  	_ =	swait.ge [sflag:s14], $0x80  }
0x48: {  	[sflag:s14] =	ssyncset.done $0x0  }
0x49: {  	[sflag:s14] =	ssyncadd.s32 $0xFFFFFF80  }
0x4a: {  	[tilespmem:s15], [sflag:$0x6] =	stream.indirect.gather [hbm4b:s28+s6], $0x80, s6, s6, $0xb8;
	[tilespmem:$0x1C400] =	vst v63  }
0x4b: {  	_ =	swait.ge [sflag:s16], $0x4000  }
0x4c: {  	[sflag:s16] =	ssyncset.done $0x0  }
0x4d: {  	[sflag:s16] =	ssyncadd.s32 $0xFFFFC000  }
0x4e: {  	[spmem:s1] =	stream.indirect.scatter.add.f32 [tilespmem:s13], [sflag:$0x7], $0x80, s5, s6, $0xb8;
	[tilespmem:$0x1C400] =	vst v63  }
0x4f: {  	_ =	swait.ge [sflag:s4], $0x4000  }
0x50: {  	s22 =	sadd.s32 $0x0, s26;
	[sflag:s4] =	ssyncset.done $0x0;
	s23 =	rddreg [dreg:$0x4]  }
0x51: {  	s24 =	sadd.s32 $0x800, s22;
	[sflag:s4] =	ssyncadd.s32 $0xFFFFC000;
	s23 =	sadd.s32 $0x0, s23  }
0x52: {  	[tilespmem:s3], [sflag:$0x1] =	stream.linear.gather [hbm4b:s24+s3], $0x80, $0x38;
	[tilespmem:$0x1C400] =	vst v63  }
0x53: {  	s29 =	sadd.s32 $0x800, s23  }
0x54: {  	[tilespmem:s5], [sflag:$0x1] =	stream.linear.gather [hbm4b:s29+s3], $0x80, $0x38;
	[tilespmem:$0x1C400] =	vst v63  }
0x55: {  	_ =	swait.ge [sflag:s17], $0x80  }
0x56: {  	[sflag:s17] =	ssyncset.done $0x0  }
0x57: {  	[sflag:s17] =	ssyncadd.s32 $0xFFFFFF80  }
0x58: {  	_ =	swait.ge [sflag:s17], $0x80  }
0x59: {  	[sflag:s17] =	ssyncset.done $0x0  }
0x5a: {  	[sflag:s17] =	ssyncadd.s32 $0xFFFFFF80  }
0x5b: {  	[tilespmem:s13], [sflag:$0x5] =	stream.indirect.gather [hbm4b:s28+s6], $0x80, s8, s6, $0xb8;
	[tilespmem:$0x1C400] =	vst v63  }
0x5c: {  	_ =	swait.ge [sflag:s18], $0x4000  }
0x5d: {  	[sflag:s18] =	ssyncset.done $0x0  }
0x5e: {  	[sflag:s18] =	ssyncadd.s32 $0xFFFFC000  }
0x5f: {  	[spmem:s1] =	stream.indirect.scatter.add.f32 [tilespmem:s15], [sflag:$0x7], $0x80, s7, s6, $0xb8;
	[tilespmem:$0x1C400] =	vst v63  }
0x60: {  	_ =	swait.ge [sflag:s4], $0x4000  }
0x61: {  	[sflag:s4] =	ssyncset.done $0x0  }
0x62: {  	s25 =	sadd.s32 $0xA00, s22;
	[sflag:s4] =	ssyncadd.s32 $0xFFFFC000  }
0x63: {  	[tilespmem:s6], [sflag:$0x2] =	stream.linear.gather [hbm4b:s25+s3], $0x80, $0x38;
	[tilespmem:$0x1C400] =	vst v63  }
0x64: {  	s29 =	sadd.s32 $0xA00, s23  }
0x65: {  	[tilespmem:s7], [sflag:$0x2] =	stream.linear.gather [hbm4b:s29+s3], $0x80, $0x38;
	[tilespmem:$0x1C400] =	vst v63  }
0x66: {  	_ =	swait.ge [sflag:s19], $0x80  }
0x67: {  	[sflag:s19] =	ssyncset.done $0x0  }
0x68: {  	[sflag:s19] =	ssyncadd.s32 $0xFFFFFF80  }
0x69: {  	_ =	swait.ge [sflag:s19], $0x80  }
0x6a: {  	[sflag:s19] =	ssyncset.done $0x0  }
0x6b: {  	[sflag:s19] =	ssyncadd.s32 $0xFFFFFF80  }
0x6c: {  	[tilespmem:s15], [sflag:$0x6] =	stream.indirect.gather [hbm4b:s28+s6], $0x80, s10, s6, $0xb8;
	[tilespmem:$0x1C400] =	vst v63  }
0x6d: {  	_ =	swait.ge [sflag:s16], $0x4000  }
0x6e: {  	[sflag:s16] =	ssyncset.done $0x0  }
0x6f: {  	[sflag:s16] =	ssyncadd.s32 $0xFFFFC000  }
0x70: {  	[spmem:s1] =	stream.indirect.scatter.add.f32 [tilespmem:s13], [sflag:$0x7], $0x80, s9, s6, $0xb8;
	[tilespmem:$0x1C400] =	vst v63  }
0x71: {  	_ =	swait.ge [sflag:s4], $0x4000  }
0x72: {  	[sflag:s4] =	ssyncset.done $0x0  }
0x73: {  	s25 =	sadd.s32 $0xC00, s22;
	[sflag:s4] =	ssyncadd.s32 $0xFFFFC000  }
0x74: {  	[tilespmem:s8], [sflag:$0x3] =	stream.linear.gather [hbm4b:s25+s3], $0x80, $0x38;
	[tilespmem:$0x1C400] =	vst v63  }
0x75: {  	s29 =	sadd.s32 $0xC00, s23  }
0x76: {  	[tilespmem:s9], [sflag:$0x3] =	stream.linear.gather [hbm4b:s29+s3], $0x80, $0x38;
	[tilespmem:$0x1C400] =	vst v63  }
0x77: {  	_ =	swait.ge [sflag:s12], $0x80  }
0x78: {  	[sflag:s12] =	ssyncset.done $0x0  }
0x79: {  	[sflag:s12] =	ssyncadd.s32 $0xFFFFFF80  }
0x7a: {  	_ =	swait.ge [sflag:s12], $0x80  }
0x7b: {  	[sflag:s12] =	ssyncset.done $0x0  }
0x7c: {  	[sflag:s12] =	ssyncadd.s32 $0xFFFFFF80  }
0x7d: {  	[tilespmem:s13], [sflag:$0x5] =	stream.indirect.gather [hbm4b:s28+s6], $0x80, s3, s6, $0xb8;
	[tilespmem:$0x1C400] =	vst v63  }
0x7e: {  	_ =	swait.ge [sflag:s18], $0x4000  }
0x7f: {  	[sflag:s18] =	ssyncset.done $0x0  }
0x80: {  	[sflag:s18] =	ssyncadd.s32 $0xFFFFC000  }
0x81: {  	[spmem:s1] =	stream.indirect.scatter.add.f32 [tilespmem:s15], [sflag:$0x7], $0x80, s11, s6, $0xb8;
	[tilespmem:$0x1C400] =	vst v63  }
0x82: {  	_ =	swait.ge [sflag:s4], $0x4000  }
0x83: {  	[sflag:s4] =	ssyncset.done $0x0  }
0x84: {  	s22 =	sadd.s32 $0xE00, s22;
	[sflag:s4] =	ssyncadd.s32 $0xFFFFC000  }
0x85: {  	[tilespmem:s10], [sflag:$0x4] =	stream.linear.gather [hbm4b:s22+s3], $0x80, $0x38;
	[tilespmem:$0x1C400] =	vst v63  }
0x86: {  	s23 =	sadd.s32 $0xE00, s23;
	s22 =	simm.s32 $0x800  }
.LBB2_2:
0x87: {  	[tilespmem:s11], [sflag:$0x4] =	stream.linear.gather [hbm4b:s23+s3], $0x80, $0x38;
	[tilespmem:$0x1C400] =	vst v63  }
0x88: {  	_ =	swait.ge [sflag:s14], $0x80  }
0x89: {  	[sflag:s14] =	ssyncset.done $0x0  }
0x8a: {  	[sflag:s14] =	ssyncadd.s32 $0xFFFFFF80  }
0x8b: {  	_ =	swait.ge [sflag:s14], $0x80  }
0x8c: {  	[sflag:s14] =	ssyncset.done $0x0  }
0x8d: {  	[sflag:s14] =	ssyncadd.s32 $0xFFFFFF80  }
0x8e: {  	[tilespmem:s15], [sflag:$0x6] =	stream.indirect.gather [hbm4b:s28+s6], $0x80, s6, s6, $0xb8;
	[tilespmem:$0x1C400] =	vst v63  }
0x8f: {  	_ =	swait.ge [sflag:s16], $0x4000  }
0x90: {  	[sflag:s16] =	ssyncset.done $0x0  }
0x91: {  	[sflag:s16] =	ssyncadd.s32 $0xFFFFC000  }
0x92: {  	[spmem:s1] =	stream.indirect.scatter.add.f32 [tilespmem:s13], [sflag:$0x7], $0x80, s5, s6, $0xb8;
	[tilespmem:$0x1C400] =	vst v63  }
0x93: {  	s24 =	smov.u32 s22;
	_ =	swait.ge [sflag:s4], $0x4000  }
0x94: {  	s23 =	sadd.s32 s24, s26;
	[sflag:s4] =	ssyncset.done $0x0;
	s25 =	rddreg [dreg:$0x4]  }
0x95: {  	s29 =	sadd.s32 $0x800, s23;
	[sflag:s4] =	ssyncadd.s32 $0xFFFFC000;
	s24 =	sadd.s32 s24, s25  }
0x96: {  	[tilespmem:s3], [sflag:$0x1] =	stream.linear.gather [hbm4b:s29+s3], $0x80, $0x38;
	[tilespmem:$0x1C400] =	vst v63  }
0x97: {  	s25 =	sadd.s32 $0x800, s24  }
0x98: {  	[tilespmem:s5], [sflag:$0x1] =	stream.linear.gather [hbm4b:s25+s3], $0x80, $0x38;
	[tilespmem:$0x1C400] =	vst v63  }
0x99: {  	_ =	swait.ge [sflag:s17], $0x80  }
0x9a: {  	[sflag:s17] =	ssyncset.done $0x0  }
0x9b: {  	[sflag:s17] =	ssyncadd.s32 $0xFFFFFF80  }
0x9c: {  	_ =	swait.ge [sflag:s17], $0x80  }
0x9d: {  	[sflag:s17] =	ssyncset.done $0x0  }
0x9e: {  	[sflag:s17] =	ssyncadd.s32 $0xFFFFFF80  }
0x9f: {  	[tilespmem:s13], [sflag:$0x5] =	stream.indirect.gather [hbm4b:s28+s6], $0x80, s8, s6, $0xb8;
	[tilespmem:$0x1C400] =	vst v63  }
0xa0: {  	_ =	swait.ge [sflag:s18], $0x4000  }
0xa1: {  	[sflag:s18] =	ssyncset.done $0x0  }
0xa2: {  	[sflag:s18] =	ssyncadd.s32 $0xFFFFC000  }
0xa3: {  	[spmem:s1] =	stream.indirect.scatter.add.f32 [tilespmem:s15], [sflag:$0x7], $0x80, s7, s6, $0xb8;
	[tilespmem:$0x1C400] =	vst v63  }
0xa4: {  	_ =	swait.ge [sflag:s4], $0x4000  }
0xa5: {  	[sflag:s4] =	ssyncset.done $0x0  }
0xa6: {  	s29 =	sadd.s32 $0xA00, s23;
	[sflag:s4] =	ssyncadd.s32 $0xFFFFC000  }
0xa7: {  	[tilespmem:s6], [sflag:$0x2] =	stream.linear.gather [hbm4b:s29+s3], $0x80, $0x38;
	[tilespmem:$0x1C400] =	vst v63  }
0xa8: {  	s29 =	sadd.s32 $0xA00, s24  }
0xa9: {  	[tilespmem:s7], [sflag:$0x2] =	stream.linear.gather [hbm4b:s29+s3], $0x80, $0x38;
	[tilespmem:$0x1C400] =	vst v63  }
0xaa: {  	_ =	swait.ge [sflag:s19], $0x80  }
0xab: {  	[sflag:s19] =	ssyncset.done $0x0  }
0xac: {  	[sflag:s19] =	ssyncadd.s32 $0xFFFFFF80  }
0xad: {  	_ =	swait.ge [sflag:s19], $0x80  }
0xae: {  	[sflag:s19] =	ssyncset.done $0x0  }
0xaf: {  	[sflag:s19] =	ssyncadd.s32 $0xFFFFFF80  }
0xb0: {  	[tilespmem:s15], [sflag:$0x6] =	stream.indirect.gather [hbm4b:s28+s6], $0x80, s10, s6, $0xb8;
	[tilespmem:$0x1C400] =	vst v63  }
0xb1: {  	_ =	swait.ge [sflag:s16], $0x4000  }
0xb2: {  	[sflag:s16] =	ssyncset.done $0x0  }
0xb3: {  	[sflag:s16] =	ssyncadd.s32 $0xFFFFC000  }
0xb4: {  	[spmem:s1] =	stream.indirect.scatter.add.f32 [tilespmem:s13], [sflag:$0x7], $0x80, s9, s6, $0xb8;
	[tilespmem:$0x1C400] =	vst v63  }
0xb5: {  	_ =	swait.ge [sflag:s4], $0x4000  }
0xb6: {  	[sflag:s4] =	ssyncset.done $0x0  }
0xb7: {  	s29 =	sadd.s32 $0xC00, s23;
	[sflag:s4] =	ssyncadd.s32 $0xFFFFC000  }
0xb8: {  	[tilespmem:s8], [sflag:$0x3] =	stream.linear.gather [hbm4b:s29+s3], $0x80, $0x38;
	[tilespmem:$0x1C400] =	vst v63  }
0xb9: {  	s29 =	sadd.s32 $0xC00, s24  }
0xba: {  	[tilespmem:s9], [sflag:$0x3] =	stream.linear.gather [hbm4b:s29+s3], $0x80, $0x38;
	[tilespmem:$0x1C400] =	vst v63  }
0xbb: {  	_ =	swait.ge [sflag:s12], $0x80  }
0xbc: {  	[sflag:s12] =	ssyncset.done $0x0  }
0xbd: {  	[sflag:s12] =	ssyncadd.s32 $0xFFFFFF80  }
0xbe: {  	_ =	swait.ge [sflag:s12], $0x80  }
0xbf: {  	[sflag:s12] =	ssyncset.done $0x0  }
0xc0: {  	[sflag:s12] =	ssyncadd.s32 $0xFFFFFF80  }
0xc1: {  	[tilespmem:s13], [sflag:$0x5] =	stream.indirect.gather [hbm4b:s28+s6], $0x80, s3, s6, $0xb8;
	[tilespmem:$0x1C400] =	vst v63  }
0xc2: {  	_ =	swait.ge [sflag:s18], $0x4000  }
0xc3: {  	[sflag:s18] =	ssyncset.done $0x0  }
0xc4: {  	p1 =	sne.s32 s22, $0x8000;
	[sflag:s18] =	ssyncadd.s32 $0xFFFFC000  }
0xc5: {  	[spmem:s1] =	stream.indirect.scatter.add.f32 [tilespmem:s15], [sflag:$0x7], $0x80, s11, s6, $0xb8;
	[tilespmem:$0x1C400] =	vst v63  }
.Ltmp0:
0xc6: {  	_ =	swait.ge [sflag:s4], $0x4000;
	(pc) =	sbr.rel @p1 .LBB2_2-.Ltmp0, $4  }
0xc7: {  	[sflag:s4] =	ssyncset.done $0x0  }
0xc8: {  	s23 =	sadd.s32 $0xE00, s23;
	[sflag:s4] =	ssyncadd.s32 $0xFFFFC000  }
0xc9: {  	[tilespmem:s10], [sflag:$0x4] =	stream.linear.gather [hbm4b:s23+s3], $0x80, $0x38;
	[tilespmem:$0x1C400] =	vst v63  }
0xca: {  	s22 =	sadd.s32 $0x800, s22;
	s23 =	sadd.s32 $0xE00, s24  }
0xcb: {  	[tilespmem:s11], [sflag:$0x4] =	stream.linear.gather [hbm4b:s23+s3], $0x80, $0x38;
	[tilespmem:$0x1C400] =	vst v63  }
0xcc: {  	_ =	swait.ge [sflag:s14], $0x80  }
0xcd: {  	[sflag:s14] =	ssyncset.done $0x0  }
0xce: {  	[sflag:s14] =	ssyncadd.s32 $0xFFFFFF80  }
0xcf: {  	_ =	swait.ge [sflag:s14], $0x80  }
0xd0: {  	[sflag:s14] =	ssyncset.done $0x0  }
0xd1: {  	[sflag:s14] =	ssyncadd.s32 $0xFFFFFF80  }
0xd2: {  	[tilespmem:s15], [sflag:$0x6] =	stream.indirect.gather [hbm4b:s28+s6], $0x80, s6, s6, $0xb8;
	[tilespmem:$0x1C400] =	vst v63  }
0xd3: {  	_ =	swait.ge [sflag:s16], $0x4000  }
0xd4: {  	[sflag:s16] =	ssyncset.done $0x0  }
0xd5: {  	[sflag:s16] =	ssyncadd.s32 $0xFFFFC000  }
0xd6: {  	[spmem:s1] =	stream.indirect.scatter.add.f32 [tilespmem:s13], [sflag:$0x7], $0x80, s5, s6, $0xb8;
	[tilespmem:$0x1C400] =	vst v63  }
0xd7: {  	_ =	swait.ge [sflag:s4], $0x4000  }
0xd8: {  	[sflag:s4] =	ssyncset.done $0x0  }
0xd9: {  	s22 =	rddreg [dreg:$0xb];
	[sflag:s4] =	ssyncadd.s32 $0xFFFFC000  }
0xda: {  	[tilespmem:s3], [sflag:$0x1] =	stream.linear.gather [hbm4b:s22+s3], $0x80, $0x38;
	[tilespmem:$0x1C400] =	vst v63  }
0xdb: {  	s24 =	rddreg [dreg:$0xc]  }
0xdc: {  	[tilespmem:s5], [sflag:$0x1] =	stream.linear.gather [hbm4b:s24+s3], $0x80, $0x38;
	[tilespmem:$0x1C400] =	vst v63  }
0xdd: {  	_ =	swait.ge [sflag:s17], $0x80  }
0xde: {  	[sflag:s17] =	ssyncset.done $0x0  }
0xdf: {  	[sflag:s17] =	ssyncadd.s32 $0xFFFFFF80  }
0xe0: {  	_ =	swait.ge [sflag:s17], $0x80  }
0xe1: {  	[sflag:s17] =	ssyncset.done $0x0  }
0xe2: {  	[sflag:s17] =	ssyncadd.s32 $0xFFFFFF80  }
0xe3: {  	[tilespmem:s13], [sflag:$0x5] =	stream.indirect.gather [hbm4b:s28+s6], $0x80, s8, s6, $0xb8;
	[tilespmem:$0x1C400] =	vst v63  }
0xe4: {  	_ =	swait.ge [sflag:s18], $0x4000  }
0xe5: {  	[sflag:s18] =	ssyncset.done $0x0  }
0xe6: {  	[sflag:s18] =	ssyncadd.s32 $0xFFFFC000  }
0xe7: {  	[spmem:s1] =	stream.indirect.scatter.add.f32 [tilespmem:s15], [sflag:$0x7], $0x80, s7, s6, $0xb8;
	[tilespmem:$0x1C400] =	vst v63  }
0xe8: {  	_ =	swait.ge [sflag:s4], $0x4000  }
0xe9: {  	[sflag:s4] =	ssyncset.done $0x0  }
0xea: {  	s25 =	rddreg [dreg:$0xd];
	[sflag:s4] =	ssyncadd.s32 $0xFFFFC000  }
0xeb: {  	[tilespmem:s6], [sflag:$0x2] =	stream.linear.gather [hbm4b:s25+s3], $0x80, $0x38;
	[tilespmem:$0x1C400] =	vst v63  }
0xec: {  	s29 =	rddreg [dreg:$0xe]  }
0xed: {  	[tilespmem:s7], [sflag:$0x2] =	stream.linear.gather [hbm4b:s29+s3], $0x80, $0x38;
	[tilespmem:$0x1C400] =	vst v63  }
0xee: {  	_ =	swait.ge [sflag:s19], $0x80  }
0xef: {  	[sflag:s19] =	ssyncset.done $0x0  }
0xf0: {  	[sflag:s19] =	ssyncadd.s32 $0xFFFFFF80  }
0xf1: {  	_ =	swait.ge [sflag:s19], $0x80  }
0xf2: {  	[sflag:s19] =	ssyncset.done $0x0  }
0xf3: {  	[sflag:s19] =	ssyncadd.s32 $0xFFFFFF80  }
0xf4: {  	[tilespmem:s15], [sflag:$0x6] =	stream.indirect.gather [hbm4b:s28+s6], $0x80, s10, s6, $0xb8;
	[tilespmem:$0x1C400] =	vst v63  }
0xf5: {  	_ =	swait.ge [sflag:s16], $0x4000  }
0xf6: {  	[sflag:s16] =	ssyncset.done $0x0  }
0xf7: {  	[sflag:s16] =	ssyncadd.s32 $0xFFFFC000  }
0xf8: {  	[spmem:s1] =	stream.indirect.scatter.add.f32 [tilespmem:s13], [sflag:$0x7], $0x80, s9, s6, $0xb8;
	[tilespmem:$0x1C400] =	vst v63  }
0xf9: {  	_ =	swait.ge [sflag:s4], $0x4000  }
0xfa: {  	[sflag:s4] =	ssyncset.done $0x0  }
0xfb: {  	s23 =	rddreg [dreg:$0xf];
	[sflag:s4] =	ssyncadd.s32 $0xFFFFC000  }
0xfc: {  	[tilespmem:s8], [sflag:$0x3] =	stream.linear.gather [hbm4b:s23+s3], $0x80, $0x38;
	[tilespmem:$0x1C400] =	vst v63  }
0xfd: {  	s24 =	rddreg [dreg:$0x10]  }
0xfe: {  	[tilespmem:s9], [sflag:$0x3] =	stream.linear.gather [hbm4b:s24+s3], $0x80, $0x38;
	[tilespmem:$0x1C400] =	vst v63  }
0xff: {  	_ =	swait.ge [sflag:s12], $0x80  }
0x100: {  	[sflag:s12] =	ssyncset.done $0x0  }
0x101: {  	[sflag:s12] =	ssyncadd.s32 $0xFFFFFF80  }
0x102: {  	_ =	swait.ge [sflag:s12], $0x80  }
0x103: {  	[sflag:s12] =	ssyncset.done $0x0  }
0x104: {  	[sflag:s12] =	ssyncadd.s32 $0xFFFFFF80  }
0x105: {  	[tilespmem:s13], [sflag:$0x5] =	stream.indirect.gather [hbm4b:s28+s6], $0x80, s3, s6, $0xb8;
	[tilespmem:$0x1C400] =	vst v63  }
0x106: {  	_ =	swait.ge [sflag:s18], $0x4000  }
0x107: {  	[sflag:s18] =	ssyncset.done $0x0  }
0x108: {  	[sflag:s18] =	ssyncadd.s32 $0xFFFFC000  }
0x109: {  	[spmem:s1] =	stream.indirect.scatter.add.f32 [tilespmem:s15], [sflag:$0x7], $0x80, s11, s6, $0xb8;
	[tilespmem:$0x1C400] =	vst v63  }
0x10a: {  	_ =	swait.ge [sflag:s4], $0x4000  }
0x10b: {  	[sflag:s4] =	ssyncset.done $0x0  }
0x10c: {  	s25 =	rddreg [dreg:$0x11];
	[sflag:s4] =	ssyncadd.s32 $0xFFFFC000  }
0x10d: {  	[tilespmem:s10], [sflag:$0x4] =	stream.linear.gather [hbm4b:s25+s3], $0x80, $0x38;
	[tilespmem:$0x1C400] =	vst v63  }
0x10e: {  	s29 =	rddreg [dreg:$0x12]  }
0x10f: {  	[tilespmem:s11], [sflag:$0x4] =	stream.linear.gather [hbm4b:s29+s3], $0x80, $0x38;
	[tilespmem:$0x1C400] =	vst v63  }
0x110: {  	_ =	swait.ge [sflag:s14], $0x80  }
0x111: {  	[sflag:s14] =	ssyncset.done $0x0  }
0x112: {  	[sflag:s14] =	ssyncadd.s32 $0xFFFFFF80  }
0x113: {  	_ =	swait.ge [sflag:s14], $0x80  }
0x114: {  	[sflag:s14] =	ssyncset.done $0x0  }
0x115: {  	[sflag:s14] =	ssyncadd.s32 $0xFFFFFF80  }
0x116: {  	[tilespmem:s15], [sflag:$0x6] =	stream.indirect.gather [hbm4b:s28+s6], $0x80, s6, s6, $0xb8;
	[tilespmem:$0x1C400] =	vst v63  }
0x117: {  	_ =	swait.ge [sflag:s16], $0x4000  }
0x118: {  	[sflag:s16] =	ssyncset.done $0x0  }
0x119: {  	[sflag:s16] =	ssyncadd.s32 $0xFFFFC000  }
0x11a: {  	[spmem:s1] =	stream.indirect.scatter.add.f32 [tilespmem:s13], [sflag:$0x7], $0x80, s5, s6, $0xb8;
	[tilespmem:$0x1C400] =	vst v63  }
0x11b: {  	_ =	swait.ge [sflag:s4], $0x4000  }
0x11c: {  	[sflag:s4] =	ssyncset.done $0x0  }
0x11d: {  	s23 =	rddreg [dreg:$0x13];
	[sflag:s4] =	ssyncadd.s32 $0xFFFFC000  }
0x11e: {  	[tilespmem:s3], [sflag:$0x1] =	stream.linear.gather [hbm4b:s23+s3], $0x80, $0x38;
	[tilespmem:$0x1C400] =	vst v63  }
0x11f: {  	s24 =	rddreg [dreg:$0x14]  }
0x120: {  	[tilespmem:s5], [sflag:$0x1] =	stream.linear.gather [hbm4b:s24+s3], $0x80, $0x38;
	[tilespmem:$0x1C400] =	vst v63  }
0x121: {  	_ =	swait.ge [sflag:s17], $0x80  }
0x122: {  	[sflag:s17] =	ssyncset.done $0x0  }
0x123: {  	[sflag:s17] =	ssyncadd.s32 $0xFFFFFF80  }
0x124: {  	_ =	swait.ge [sflag:s17], $0x80  }
0x125: {  	[sflag:s17] =	ssyncset.done $0x0  }
0x126: {  	[sflag:s17] =	ssyncadd.s32 $0xFFFFFF80  }
0x127: {  	[tilespmem:s13], [sflag:$0x5] =	stream.indirect.gather [hbm4b:s28+s6], $0x80, s8, s6, $0xb8;
	[tilespmem:$0x1C400] =	vst v63  }
0x128: {  	_ =	swait.ge [sflag:s18], $0x4000  }
0x129: {  	[sflag:s18] =	ssyncset.done $0x0  }
0x12a: {  	[sflag:s18] =	ssyncadd.s32 $0xFFFFC000  }
0x12b: {  	[spmem:s1] =	stream.indirect.scatter.add.f32 [tilespmem:s15], [sflag:$0x7], $0x80, s7, s6, $0xb8;
	[tilespmem:$0x1C400] =	vst v63  }
0x12c: {  	_ =	swait.ge [sflag:s4], $0x4000  }
0x12d: {  	[sflag:s4] =	ssyncset.done $0x0  }
0x12e: {  	s25 =	rddreg [dreg:$0x17];
	[sflag:s4] =	ssyncadd.s32 $0xFFFFC000  }
0x12f: {  	[tilespmem:s6], [sflag:$0x2] =	stream.linear.gather [hbm4b:s25+s3], $0x80, $0x38;
	[tilespmem:$0x1C400] =	vst v63  }
0x130: {  	s29 =	rddreg [dreg:$0x18]  }
0x131: {  	[tilespmem:s7], [sflag:$0x2] =	stream.linear.gather [hbm4b:s29+s3], $0x80, $0x38;
	[tilespmem:$0x1C400] =	vst v63  }
0x132: {  	_ =	swait.ge [sflag:s19], $0x80  }
0x133: {  	[sflag:s19] =	ssyncset.done $0x0  }
0x134: {  	[sflag:s19] =	ssyncadd.s32 $0xFFFFFF80  }
0x135: {  	_ =	swait.ge [sflag:s19], $0x80  }
0x136: {  	[sflag:s19] =	ssyncset.done $0x0  }
0x137: {  	[sflag:s19] =	ssyncadd.s32 $0xFFFFFF80  }
0x138: {  	[tilespmem:s15], [sflag:$0x6] =	stream.indirect.gather [hbm4b:s28+s6], $0x80, s10, s6, $0xb8;
	[tilespmem:$0x1C400] =	vst v63  }
0x139: {  	_ =	swait.ge [sflag:s16], $0x4000  }
0x13a: {  	[sflag:s16] =	ssyncset.done $0x0  }
0x13b: {  	[sflag:s16] =	ssyncadd.s32 $0xFFFFC000  }
0x13c: {  	[spmem:s1] =	stream.indirect.scatter.add.f32 [tilespmem:s13], [sflag:$0x7], $0x80, s9, s6, $0xb8;
	[tilespmem:$0x1C400] =	vst v63  }
0x13d: {  	_ =	swait.ge [sflag:s4], $0x4000  }
0x13e: {  	[sflag:s4] =	ssyncset.done $0x0  }
0x13f: {  	[sflag:s4] =	ssyncadd.s32 $0xFFFFC000  }
0x140: {  	_ =	swait.ge [sflag:s12], $0x80  }
0x141: {  	[sflag:s12] =	ssyncset.done $0x0  }
0x142: {  	[sflag:s12] =	ssyncadd.s32 $0xFFFFFF80  }
0x143: {  	_ =	swait.ge [sflag:s12], $0x80  }
0x144: {  	[sflag:s12] =	ssyncset.done $0x0  }
0x145: {  	[sflag:s12] =	ssyncadd.s32 $0xFFFFFF80  }
0x146: {  	[tilespmem:s13], [sflag:$0x5] =	stream.indirect.gather [hbm4b:s28+s6], $0x80, s3, s6, $0xb8;
	[tilespmem:$0x1C400] =	vst v63  }
0x147: {  	_ =	swait.ge [sflag:s18], $0x4000  }
0x148: {  	[sflag:s18] =	ssyncset.done $0x0  }
0x149: {  	[sflag:s18] =	ssyncadd.s32 $0xFFFFC000  }
0x14a: {  	[spmem:s1] =	stream.indirect.scatter.add.f32 [tilespmem:s15], [sflag:$0x7], $0x80, s11, s6, $0xb8;
	[tilespmem:$0x1C400] =	vst v63  }
0x14b: {  	_ =	swait.ge [sflag:s4], $0x4000  }
0x14c: {  	[sflag:s4] =	ssyncset.done $0x0  }
0x14d: {  	[sflag:s4] =	ssyncadd.s32 $0xFFFFC000  }
0x14e: {  	_ =	swait.ge [sflag:s14], $0x80  }
0x14f: {  	[sflag:s14] =	ssyncset.done $0x0  }
0x150: {  	[sflag:s14] =	ssyncadd.s32 $0xFFFFFF80  }
0x151: {  	_ =	swait.ge [sflag:s14], $0x80  }
0x152: {  	[sflag:s14] =	ssyncset.done $0x0  }
0x153: {  	[sflag:s14] =	ssyncadd.s32 $0xFFFFFF80  }
0x154: {  	[tilespmem:s15], [sflag:$0x6] =	stream.indirect.gather [hbm4b:s28+s6], $0x80, s6, s6, $0xb8;
	[tilespmem:$0x1C400] =	vst v63  }
0x155: {  	_ =	swait.ge [sflag:s16], $0x4000  }
0x156: {  	[sflag:s16] =	ssyncset.done $0x0  }
0x157: {  	[sflag:s16] =	ssyncadd.s32 $0xFFFFC000  }
0x158: {  	[spmem:s1] =	stream.indirect.scatter.add.f32 [tilespmem:s13], [sflag:$0x7], $0x80, s5, s6, $0xb8;
	[tilespmem:$0x1C400] =	vst v63  }
0x159: {  	_ =	swait.ge [sflag:s4], $0x4000  }
0x15a: {  	[sflag:s4] =	ssyncset.done $0x0  }
0x15b: {  	[sflag:s4] =	ssyncadd.s32 $0xFFFFC000  }
0x15c: {  	_ =	swait.ge [sflag:s18], $0x4000  }
0x15d: {  	[sflag:s18] =	ssyncset.done $0x0  }
0x15e: {  	[sflag:s18] =	ssyncadd.s32 $0xFFFFC000  }
0x15f: {  	[spmem:s1] =	stream.indirect.scatter.add.f32 [tilespmem:s15], [sflag:$0x7], $0x80, s7, s6, $0xb8;
	[tilespmem:$0x1C400] =	vst v63  }
0x160: {  	_ =	swait.ge [sflag:s4], $0x4000  }
0x161: {  	[sflag:s4] =	ssyncset.done $0x0  }
0x162: {  	s22 =	simm.s32 @!p0 $0x0;
	s23 =	rddreg [dreg:$0x1a];
	[sflag:s4] =	ssyncadd.s32 $0xFFFFC000  }
0x163: {  	[tilespmem:s22], [sflag:$0x7] =	stream.linear.gather @!p0 [hbm4b:s23+s22], $0x80, $0x38;
	[tilespmem:$0x1C400] =	vst v63  }
0x164: {  	s23 =	simm.s32 @!p0 $0x7  }
0x165: {  	_ =	swait.ge @!p0 [sflag:s23], $0x80  }
0x166: {  	[sflag:s23] =	ssyncset.done @!p0 $0x0  }
0x167: {  	s24 =	simm.s32 @!p0 $0x200;
	s25 =	rddreg [dreg:$0x19];
	[sflag:s23] =	ssyncadd.s32 @!p0 $0xFFFFFF80  }
0x168: {  	[tilespmem:s24], [sflag:$0x7] =	stream.linear.gather @!p0 [hbm4b:s25+s22], $0x80, $0x38;
	[tilespmem:$0x1C400] =	vst v63  }
0x169: {  	_ =	swait.ge @!p0 [sflag:s23], $0x80  }
0x16a: {  	[sflag:s23] =	ssyncset.done @!p0 $0x0  }
0x16b: {  	s29 =	simm.s32 @!p0 $0x400;
	s25 =	simm.s32 @!p0 $0x80;
	[sflag:s23] =	ssyncadd.s32 @!p0 $0xFFFFFF80  }
0x16c: {  	[tilespmem:s29], [sflag:$0x5] =	stream.indirect.gather @!p0 [hbm4b:s28+s25], $0x80, s22, s25, $0xb8;
	[tilespmem:$0x1C400] =	vst v63  }
0x16d: {  	s22 =	simm.s32 @!p0 $0x5  }
0x16e: {  	_ =	swait.ge @!p0 [sflag:s22], $0x4000  }
0x16f: {  	[sflag:s22] =	ssyncset.done @!p0 $0x0  }
0x170: {  	[sflag:s22] =	ssyncadd.s32 @!p0 $0xFFFFC000  }
0x171: {  	[spmem:s1] =	stream.indirect.scatter.add.f32 @!p0 [tilespmem:s29], [sflag:$0x7], $0x80, s24, s25, $0xb8;
	[tilespmem:$0x1C400] =	vst v63  }
0x172: {  	_ =	swait.ge @!p0 [sflag:s23], $0x4000  }
0x173: {  	s20 =	sadd.s32 $0x1, s20;
	[sflag:s23] =	ssyncset.done @!p0 $0x0  }
0x174: {  	p1 =	sne.s32 s20, s2;
	[sflag:s23] =	ssyncadd.s32 @!p0 $0xFFFFC000  }
.Ltmp1:
0x175: {  	[bflag:$0x0] =	sbarrier.arrive $0xFFFF;
	(pc) =	sbr.rel @p1 .LBB2_1-.Ltmp1, $4  }
0x176: {  	[hbm:s0], [sflag:s31] =	dma.local [spmem:s21], $0x2800  }
0x177: {  	_ =	swait.ge [sflag:s4], $0x2800  }
0x178: {  	[sflag:s4] =	ssyncset.done $0x0  }
0x179: {  	[sflag:s4] =	ssyncadd.s32 $0xFFFFD800  }
0x17a: {  	_ =	sfence.sel $0x180000  }
0x17b: {  	[bflag:$0x0] =	sbarrier.arrive $0xFFFF  }
0x17c: {  	_ =	strace $0x9000004A  }
0x17d: {  	s0 =	stileid.u32;
	[bflag:$0x2] =	sbarrier.arrive $0xFFFF  }
0x17e: {  	p0 =	sne.s32 s0, $0x0;
	s0 =	rddreg [dreg:$0x3]  }
0x17f: {  	s0 =	sadd.s32 @!p0 $0x100000, s0  }
0x180: {  	[sflag:s0] =	ssyncadd.tile.s32 @!p0 $0x1;
	_ =	shalt  }
.Lfunc_end2:
_tile_overlayer_lowered:
.L_overlay_start_2:
0x181: {  	(tag) =	ssettag $0x2  }
0x182: {  	s0 =	rddreg [dreg:$0x0];
	s2 =	stileid.u32  }
0x183: {  	s1 =	rddreg [dreg:$0x1];
	p0 =	sne.s32 s2, $0x0  }
0x184: {  	s3 =	rddreg [dreg:$0x2];
	[bflag:$0x3] =	sbarrier.arrive $0xFFFF;
	s2 =	simm.s32 @!p0 $0x1C07  }
0x185: {  	[timem:s3], [sflag:s2] =	dma.local @!p0 [hbm:s0], s1  }
0x186: {  	s0 =	simm.s32 @!p0 $0x7  }
0x187: {  	_ =	swait.ge @!p0 [sflag:s0], s1  }
0x188: {  	s1 =	ssub.s32 @!p0 $0x0, s1;
	[sflag:s0] =	ssyncset.done @!p0 $0x0  }
0x189: {  	[sflag:s0] =	ssyncadd.s32 @!p0 s1  }
0x18a: {  	[bflag:$0x3] =	sbarrier.arrive $0xFFFF  }
0x18b: {  	_ =	shalt  }

// kernel: kernel.16.cloned.1.call-start
scs
__scs_entry_jumppad:
0x0: {  	(pc) =	sbr.rel $0x88, $3  }
0x1: {  	(tag) =	ssettag $0x0;
	lr =	simm.s32 $0x1  }
0x2: {  	[smem:$0x3F98] =	sst lr;
	_ =	strace $0xD0000000  }
0x3: {  	_ = 	snop  }
0x4: {  	_ = 	snop  }
0x5: {  	_ = 	snop  }
0x6: {  	_ = 	snop  }
0x7: {  	_ = 	snop  }
__scs_overlays_trampoline_lowered:
0x8: {  	[smem:$0x3FA7] =	sst s0  }
0x9: {  	[smem:$0x3FA8] =	sst s1  }
0xa: {  	[smem:$0x3FA9] =	sst s2  }
0xb: {  	[smem:$0x3FAA] =	sst s3  }
0xc: {  	[smem:$0x3FAB] =	sst s4  }
0xd: {  	[smem:$0x3FAC] =	sst s5  }
0xe: {  	[smem:$0x3FAD] =	sst s6  }
0xf: {  	[smem:$0x3FAE] =	sst s7  }
0x10: {  	[smem:$0x3FAF] =	sst s8  }
0x11: {  	[smem:$0x3FB0] =	sst s9;
	s0 =	simm.s32 @!p0 $0x0  }
0x12: {  	s1 =	sld [smem:$0x3F96];
	s0 =	simm.s32 @p0 $0x1  }
0x13: {  	[smem:$0x3FB1] =	sst s0;
	s0 =	simm.s32 @!p1 $0x0  }
0x14: {  	s2 =	sld [smem:$0x3F95];
	s0 =	simm.s32 @p1 $0x1  }
0x15: {  	[smem:$0x3FB2] =	sst s0;
	s0 =	simm.s32 @!p2 $0x0  }
0x16: {  	s3 =	sld [smem:$0x3FDB];
	s0 =	simm.s32 @p2 $0x1  }
0x17: {  	s4 =	simm.s32 $0x1BF5;
	[smem:$0x3FB4] =	sst s0  }
0x18: {  	s0 =	sld [smem:$0x3F97];
	_ =	swait.ge [sflag:s4], $0x0  }
0x19: {  	s7 =	sld [smem:$0x3F98]  }
0x1a: {  	s8 =	sadd.s32 $0xFFFFE003, lr  }
0x1b: {  	s9 =	sadd.s32 $0xFFFFFEF7, lr;
	s5 =	simm.s32 $0xFFFFFFFF;
	p2 =	slt.u32 s8, $0xFFFFF086  }
0x1c: {  	p1 =	slt.u32 s9, $0xF7A;
	s5 =	simm.s32 @!p2 $0x0  }
0x1d: {  	s5 =	simm.s32 @p1 $0x1;
	p0 =	seq.s32 s7, s2  }
0x1e: {  	s7 =	smul.u32 @!p0 $0xF7A, s2;
	p2 =	seq.s32 @!p0 s5, $0x0  }
0x1f: {  	s9 =	smul.u32 $0xF7A, s1;
	s8 =	simm.s32 @!p0 $0x1BF5;
	p2 =	por !p2, p0  }
0x20: {  	[sflag:s8] =	ssyncset.s32 @!p0 $0xFFFFF086;
	s6 =	sadd.s32 @!p0 s3, s7;
	s7 =	simm.s32 @!p0 $0x108  }
0x21: {  	s3 =	sadd.s32 s3, s9;
	s6 =	sadd.s32 @!p0 $0x88, s6;
	s7 =	simm.s32 @p2 $0x1082  }
0x22: {  	[simem:s7], [sflag:s8] =	dma.local @!p0 [hbm:s6], $0xF7A  }
0x23: {  	s9 =	sor.u32 $0xD0000000, s2;
	s6 =	simm.s32 $0x108;
	_ =	swait.ge @!p0 [sflag:s8], $0x0  }
0x24: {  	s3 =	sadd.s32 $0x88, s3;
	s6 =	simm.s32 @!p1 $0x1082;
	[sflag:s4] =	ssyncset.s32 $0xFFFFF086  }
0x25: {  	[simem:s6], [sflag:s4] =	dma.local [hbm:s3], $0xF7A  }
0x26: {  	[smem:$0x3F98] =	sst s1;
	(tag) =	ssettag s2;
	_ =	strace s9  }
0x27: {  	s1 =	sld [smem:$0x3FA8]  }
0x28: {  	s2 =	sld [smem:$0x3FA9]  }
0x29: {  	s4 =	sld [smem:$0x3FAB]  }
0x2a: {  	p0 =	seq.s32 s5, $0x0;
	s5 =	sld [smem:$0x3FAC]  }
0x2b: {  	s6 =	sld [smem:$0x3FAD]  }
0x2c: {  	s7 =	sld [smem:$0x3FAE]  }
0x2d: {  	s3 =	simm.s32 $0x108;
	s8 =	sld [smem:$0x3FAF]  }
0x2e: {  	s3 =	simm.s32 @!p0 $0x1082;
	s9 =	sld [smem:$0x3FB0]  }
0x2f: {  	lr =	sadd.s32 s0, s3;
	s0 =	sld [smem:$0x3FA7]  }
0x30: {  	s3 =	sld [smem:$0x3FAA]  }
0x31: {  	[smem:$0x3FB3] =	sst s10  }
0x32: {  	s10 =	sld [smem:$0x3FB1];
	_ =	sdelay $0x3  }
0x33: {  	p0 =	seq.s32 s10, $0x1;
	s10 =	sld [smem:$0x3FB3];
	_ =	sdelay $0x3  }
0x34: {  	[smem:$0x3FB3] =	sst s10  }
0x35: {  	s10 =	sld [smem:$0x3FB2];
	_ =	sdelay $0x3  }
0x36: {  	p1 =	seq.s32 s10, $0x1;
	s10 =	sld [smem:$0x3FB3];
	_ =	sdelay $0x3  }
0x37: {  	[smem:$0x3FB3] =	sst s10  }
0x38: {  	s10 =	sld [smem:$0x3FB4]  }
0x39: {  	_ = 	snop;
	(pc) =	sbr.ind lr, $3  }
0x3a: {  	_ = 	snop  }
0x3b: {  	_ = 	snop  }
0x3c: {  	p2 =	seq.s32 s10, $0x1;
	s10 =	sld [smem:$0x3FB3]  }
0x3d: {  	_ =	shalt  }
0x3e: {  	_ =	shalt  }
0x3f: {  	_ =	shalt  }
0x40: {  	_ =	shalt  }
0x41: {  	_ =	shalt  }
0x42: {  	_ =	shalt  }
0x43: {  	_ =	shalt  }
0x44: {  	_ =	shalt  }
0x45: {  	_ =	shalt  }
0x46: {  	_ =	shalt  }
0x47: {  	_ =	shalt  }
0x48: {  	_ =	shalt  }
0x49: {  	_ =	shalt  }
0x4a: {  	_ =	shalt  }
0x4b: {  	_ =	shalt  }
0x4c: {  	_ =	shalt  }
0x4d: {  	_ =	shalt  }
0x4e: {  	_ =	shalt  }
0x4f: {  	_ =	shalt  }
0x50: {  	_ =	shalt  }
0x51: {  	_ =	shalt  }
0x52: {  	_ =	shalt  }
0x53: {  	_ =	shalt  }
0x54: {  	_ =	shalt  }
0x55: {  	_ =	shalt  }
0x56: {  	_ =	shalt  }
0x57: {  	_ =	shalt  }
0x58: {  	_ =	shalt  }
0x59: {  	_ =	shalt  }
0x5a: {  	_ =	shalt  }
0x5b: {  	_ =	shalt  }
0x5c: {  	_ =	shalt  }
0x5d: {  	_ =	shalt  }
0x5e: {  	_ =	shalt  }
0x5f: {  	_ =	shalt  }
0x60: {  	_ =	shalt  }
0x61: {  	_ =	shalt  }
0x62: {  	_ =	shalt  }
0x63: {  	_ =	shalt  }
0x64: {  	_ =	shalt  }
0x65: {  	_ =	shalt  }
0x66: {  	_ =	shalt  }
0x67: {  	_ =	shalt  }
0x68: {  	_ =	shalt  }
0x69: {  	_ =	shalt  }
0x6a: {  	_ =	shalt  }
0x6b: {  	_ =	shalt  }
0x6c: {  	_ =	shalt  }
0x6d: {  	_ =	shalt  }
0x6e: {  	_ =	shalt  }
0x6f: {  	_ =	shalt  }
0x70: {  	_ =	shalt  }
0x71: {  	_ =	shalt  }
0x72: {  	_ =	shalt  }
0x73: {  	_ =	shalt  }
0x74: {  	_ =	shalt  }
0x75: {  	_ =	shalt  }
0x76: {  	_ =	shalt  }
0x77: {  	_ =	shalt  }
0x78: {  	_ =	shalt  }
0x79: {  	_ =	shalt  }
0x7a: {  	_ =	shalt  }
0x7b: {  	_ =	shalt  }
0x7c: {  	_ =	shalt  }
0x7d: {  	_ =	shalt  }
0x7e: {  	_ =	shalt  }
0x7f: {  	_ =	shalt  }
0x80: {  	_ =	shalt  }
0x81: {  	_ =	shalt  }
0x82: {  	_ =	shalt  }
0x83: {  	_ =	shalt  }
0x84: {  	_ =	shalt  }
0x85: {  	_ =	shalt  }
0x86: {  	_ =	shalt  }
0x87: {  	_ =	shalt  }
.Lfunc_end0:
.L_simem_size_0:
called_computation.2_lowered:
.L_overlay_start_0:
0x88: {  	s2 =	sld [smem:$0x3FD9]  }
0x89: {  	s3 =	sld [smem:$0x3FFE];
	_ =	sdelay $0x1  }
0x8a: {  	s1 =	srdreg.scid  }
0x8b: {  	s0 =	sand.u32 $0x1, s1  }
0x8c: {  	s17 =	sshll.u32 s0, $0xA;
	s2 =	sadd.s32 s3, s2  }
0x8d: {  	s2 =	sadd.s32 s2, s17  }
0x8e: {  	[smem:$0x3FBF] =	sst s2  }
0x8f: {  	_ = 	snop  }
0x90: {  	s2 =	sld [smem:$0x3FD0];
	(tm) =	ssettm $0x1  }
0x91: {  	s18 =	sld [smem:$0x3FFB];
	_ =	sdelay $0x3  }
0x92: {  	_ =	strace s18  }
0x93: {  	s3 =	sld [smem:$0x3FFC];
	_ =	sdelay $0x3  }
0x94: {  	_ =	strace s3  }
0x95: {  	s3 =	sld [smem:$0x3FFD];
	_ =	sdelay $0x3  }
0x96: {  	_ =	strace s3  }
0x97: {  	_ =	strace $0x8FFFFFFF  }
0x98: {  	s19 =	sld [smem:$0x3FDB];
	_ =	sdelay $0x1  }
0x99: {  	s4 =	simm.s32 $_scs_section_size  }
0x9a: {  	s5 =	simm.s32 $_size__tile_overlayer_lowered;
	s6 =	simm.s32 $_tile_overlayer_lowered  }
0x9b: {  	s22 =	simm.s32 $0x1BFF;
	s21 =	sshll.u32 s6, $0x1;
	s3 =	sadd.s32 s4, s19  }
0x9c: {  	s7 =	simm.s32 $0x0;
	s20 =	sshll.u32 s5, $0x1;
	s5 =	sadd.s32 s21, s3  }
0x9d: {  	[timem:s7], [sflag:s22] =	dma.local [hbm:s5], s20  }
0x9e: {  	_ =	swait.ge [sflag:s22], s20  }
0x9f: {  	s4 =	ssub.s32 $0x0, s20;
	[sflag:s22] =	ssyncset.done $0x0  }
0xa0: {  	[sflag:s22] =	ssyncadd.s32 s4;
	_ =	sdelay $0x1  }
0xa1: {  	s23 =	simm.s32 $0x1B8B  }
0xa2: {  	_ =	swait.ge [sflag:s23], $0x1  }
0xa3: {  	[sflag:s23] =	ssyncset.done $0x0  }
0xa4: {  	s25 =	simm.s32 $0x1B8E;
	s24 =	sld [smem:$0x3FFE];
	[sflag:s23] =	ssyncadd.s32 $0xFFFFFFFF  }
0xa5: {  	s26 =	simm.s32 $execute0_lowered;
	[smem:$0x3FD2] =	sst s25  }
0xa6: {  	s5 =	sshll.u32 s26, $0x1;
	_ =	strace $0x8000004C;
	[dreg:$0x1] =	wrdreg $0xFFFFFFFF  }
0xa7: {  	s28 =	simm.s32 $_size_execute0_lowered;
	s3 =	sadd.s32 s3, s5;
	[dreg:$0x0] =	wrdreg $0x0  }
0xa8: {  	s5 =	sshll.u32 s28, $0x1;
	[dreg:$0x2] =	wrdreg s3  }
0xa9: {  	[dreg:$0x3] =	wrdreg s5  }
0xaa: {  	[dreg:$0x4] =	wrdreg $0xC0  }
0xab: {  	_ =	task [dreg:s7], $0x5FFFF  }
0xac: {  	[dreg:$0x1] =	wrdreg $0xFFFFFFFF  }
0xad: {  	[dreg:$0x0] =	wrdreg $0x60  }
0xae: {  	[dreg:$0x2] =	wrdreg s24  }
0xaf: {  	[dreg:$0x3] =	wrdreg s2  }
0xb0: {  	[dreg:$0x4] =	wrdreg $0x84000  }
0xb1: {  	[dreg:$0x5] =	wrdreg $0x9  }
0xb2: {  	_ =	task.clear_ibuf [dreg:s7], $0x6FFFF;
	_ =	strace $0x9000004C  }
0xb3: {  	s29 =	simm.s32 $0x9;
	_ =	strace $0x8000004E  }
0xb4: {  	_ =	swait.ge [sflag:s29], $0x1  }
0xb5: {  	[sflag:s29] =	ssyncadd.s32 $0xFFFFFFFF  }
0xb6: {  	_ =	strace $0x9000004E  }
0xb7: {  	_ =	sfence  }
0xb8: {  	s30 =	sld [smem:$0x0];
	_ =	sdelay $0x2  }
0xb9: {  	s31 =	sshll.u32 s1, $0xD;
	s1 =	sshrl.u32 s1, $0x2  }
0xba: {  	s3 =	sand.u32 $0x4000, s31;
	s1 =	sadd.s32 s1, s30  }
0xbb: {  	s0 =	sor.u32 s3, s0;
	s1 =	sshll.u32 s1, $0x11  }
0xbc: {  	s0 =	sor.u32 s1, s0  }
0xbd: {  	s0 =	sadd.s32 $0x8F2B, s0  }
0xbe: {  	[sflag:s0] =	ssyncadd.remote.s32 $0x1  }
0xbf: {  	_ =	sfence.sel $0xFFFF  }
0xc0: {  	[dreg:$0x0] =	wrdreg $0xFFFFFFFF;
	(pc) =	sbr.abs _section_cstart, $3  }
0xc1: {  	[dreg:$0x1] =	wrdreg $0xFFFFFFFF  }
0xc2: {  	_ =	task.clear_ibuf [dreg:s7], $0x2FFFF;
	_ =	strace $0x9FFFFFFF  }
0xc3: {  	(tm) =	ssettm $0x7FFFFFFF  }
tec
execute0_lowered:
.L_overlay_start_1:
0x0: {  	(tag) =	ssettag $0x1  }
0x1: {  	s0 =	rddreg [dreg:$0x0]  }
0x2: {  	s2 =	rddreg [dreg:$0x1]  }
0x3: {  	s1 =	rddreg [dreg:$0x2];
	s3 =	simm.s32 $0x0;
	s4 =	srdreg.scid  }
0x4: {  	s13 =	stileid.u32;
	[smem:$0x7FF] =	sst s3;
	s4 =	sand.u32 $0x1, s4  }
0x5: {  	s6 =	smul.u32 $0x14000, s13;
	s8 =	sadd.s32 $0x3600, s0;
	s28 =	sadd.s32 $0x60400, s0  }
0x6: {  	s5 =	smul.u32 $0x140000, s4;
	_ =	strace $0x8000004D;
	s7 =	sshll.u32 s4, $0x4  }
0x7: {  	s9 =	ssub.s32 $0x2, s4;
	s4 =	sshll.u32 s4, $0x8;
	s7 =	sor.u32 s13, s7  }
0x8: {  	s16 =	sshrl.u32 s9, $0x1;
	s25 =	sadd.s32 s4, s8;
	s5 =	sadd.s32 s6, s5  }
0x9: {  	s10 =	sshll.u32 s7, $0x4;
	s6 =	ssub.s32 s9, s16;
	s9 =	sshll.u32 s13, $0x4  }
0xa: {  	p0 =	sgt.u32 s7, $0x3;
	s7 =	simm.s32 $0x280;
	s11 =	sor.u32 $0x200, s10  }
0xb: {  	s17 =	sor.u32 $0x400, s10;
	s19 =	sor.u32 $0x600, s10;
	s12 =	sadd.s32 s2, s11  }
0xc: {  	s21 =	sor.u32 $0x9000, s10;
	s11 =	sadd.s32 s8, s11;
	[dreg:$0x5] =	wrdreg s12  }
0xd: {  	s23 =	sor.u32 $0x9200, s10;
	s18 =	sadd.s32 s2, s17;
	[dreg:$0x6] =	wrdreg s11  }
0xe: {  	s26 =	sor.u32 $0x9400, s10;
	s20 =	sadd.s32 s2, s19;
	[dreg:$0x7] =	wrdreg s18  }
0xf: {  	s29 =	sor.u32 $0x9600, s10;
	s22 =	sadd.s32 s2, s21;
	[dreg:$0x9] =	wrdreg s20  }
0x10: {  	s15 =	sor.u32 $0x9800, s10;
	s24 =	sadd.s32 s2, s23;
	[dreg:$0xb] =	wrdreg s22  }
0x11: {  	s14 =	sadd.s32 s2, s26;
	s16 =	sadd.s32 s2, s15;
	[dreg:$0xd] =	wrdreg s24  }
0x12: {  	s11 =	sadd.s32 s8, s17;
	s12 =	sadd.s32 s8, s23;
	[dreg:$0xf] =	wrdreg s14  }
0x13: {  	s14 =	sadd.s32 s2, s29;
	[dreg:$0x13] =	wrdreg s16;
	s17 =	sadd.s32 s8, s15  }
0x14: {  	s18 =	sadd.s32 s2, s10;
	s23 =	sshrl.u32 s5, $0x3;
	[dreg:$0x8] =	wrdreg s11  }
0x15: {  	s24 =	smul.u32 $0x50000, s13;
	s5 =	simm.s32 $0x200;
	[dreg:$0xe] =	wrdreg s12  }
0x16: {  	s15 =	simm.s32 $0x4400;
	s16 =	simm.s32 $0x5;
	[dreg:$0x11] =	wrdreg s14  }
0x17: {  	s11 =	sadd.s32 s8, s19;
	s12 =	sadd.s32 s8, s26;
	[dreg:$0x14] =	wrdreg s17  }
0x18: {  	[dreg:$0x15] =	wrdreg s18;
	s19 =	sadd.s32 s8, s10;
	s10 =	sor.u32 $0x9A00, s10  }
0x19: {  	s14 =	simm.s32 $0x2;
	s17 =	simm.s32 $0x3;
	[dreg:$0xa] =	wrdreg s11  }
0x1a: {  	s18 =	simm.s32 $0x6;
	s11 =	sadd.s32 s8, s21;
	[dreg:$0x10] =	wrdreg s12  }
0x1b: {  	[dreg:$0x16] =	wrdreg s19;
	s20 =	sadd.s32 s2, s10;
	s10 =	sadd.s32 s8, s10  }
0x1c: {  	s21 =	sor.u32 $0x9C00, s9;
	s12 =	simm.s32 $0x1;
	[dreg:$0xc] =	wrdreg s11  }
0x1d: {  	s19 =	simm.s32 $0x4;
	s11 =	sadd.s32 s9, s25;
	[dreg:$0x17] =	wrdreg s20  }
0x1e: {  	[dreg:$0x18] =	wrdreg s10;
	s22 =	sadd.s32 s2, s21;
	s2 =	sadd.s32 s4, s2  }
0x1f: {  	s25 =	sshrl.u32 s24, $0x2;
	s4 =	simm.s32 $0x7;
	s10 =	simm.s32 $0x180  }
0x20: {  	s20 =	simm.s32 $0x0;
	[dreg:$0x4] =	wrdreg s11;
	s11 =	sadd.s32 s8, s29  }
0x21: {  	s8 =	sadd.s32 s8, s21;
	[dreg:$0x1a] =	wrdreg s22;
	s26 =	sadd.s32 s9, s2  }
0x22: {  	s2 =	sadd.s32 s23, s0;
	s0 =	sadd.s32 $0xDC00, s0;
	[dreg:$0x12] =	wrdreg s11  }
0x23: {  	s29 =	sshll.u32 s13, $0x6;
	s30 =	sadd.s32 s25, s1;
	[dreg:$0x19] =	wrdreg s8  }
0x24: {  	s9 =	simm.s32 $0x300;
	s13 =	simm.s32 $0x400;
	[dreg:$0x1b] =	wrdreg s0  }
0x25: {  	s31 =	sor.u32 $0x1C07, s29;
	s0 =	sadd.s32 $0x88400, s2;
	s2 =	smax.u32 s6, $0x1  }
0x26: {  	s6 =	simm.s32 $0x80;
	s8 =	simm.s32 $0x100;
	s11 =	simm.s32 $0x380  }
.LBB2_1:
0x27: {  	s21 =	sshrl.u32 s30, $0x3;
	s22 =	rddreg [dreg:$0x1b]  }
0x28: {  	[spmem:s21], [sflag:s31] =	dma.local [hbm:s22], $0x2800  }
0x29: {  	_ =	swait.ge [sflag:s4], $0x2800  }
0x2a: {  	[sflag:s4] =	ssyncset.done $0x0  }
0x2b: {  	[sflag:s4] =	ssyncadd.s32 $0xFFFFD800  }
0x2c: {  	[bflag:$0x0] =	sbarrier.arrive $0xFFFF  }
0x2d: {  	s29 =	rddreg [dreg:$0x15]  }
0x2e: {  	[tilespmem:s3], [sflag:$0x1] =	stream.linear.gather [hbm4b:s29+s3], $0x80, $0x38;
	[tilespmem:$0x1C400] =	vst v63  }
0x2f: {  	s23 =	rddreg [dreg:$0x16]  }
0x30: {  	[tilespmem:s5], [sflag:$0x1] =	stream.linear.gather [hbm4b:s23+s3], $0x80, $0x38;
	[tilespmem:$0x1C400] =	vst v63  }
0x31: {  	s24 =	rddreg [dreg:$0x5]  }
0x32: {  	[tilespmem:s6], [sflag:$0x2] =	stream.linear.gather [hbm4b:s24+s3], $0x80, $0x38;
	[tilespmem:$0x1C400] =	vst v63  }
0x33: {  	s25 =	rddreg [dreg:$0x6]  }
0x34: {  	[tilespmem:s7], [sflag:$0x2] =	stream.linear.gather [hbm4b:s25+s3], $0x80, $0x38;
	[tilespmem:$0x1C400] =	vst v63  }
0x35: {  	s29 =	rddreg [dreg:$0x7]  }
0x36: {  	[tilespmem:s8], [sflag:$0x3] =	stream.linear.gather [hbm4b:s29+s3], $0x80, $0x38;
	[tilespmem:$0x1C400] =	vst v63  }
0x37: {  	s23 =	rddreg [dreg:$0x8]  }
0x38: {  	[tilespmem:s9], [sflag:$0x3] =	stream.linear.gather [hbm4b:s23+s3], $0x80, $0x38;
	[tilespmem:$0x1C400] =	vst v63  }
0x39: {  	s24 =	rddreg [dreg:$0x9]  }
0x3a: {  	[tilespmem:s10], [sflag:$0x4] =	stream.linear.gather [hbm4b:s24+s3], $0x80, $0x38;
	[tilespmem:$0x1C400] =	vst v63  }
0x3b: {  	s25 =	rddreg [dreg:$0xa]  }
0x3c: {  	[tilespmem:s11], [sflag:$0x4] =	stream.linear.gather [hbm4b:s25+s3], $0x80, $0x38;
	[tilespmem:$0x1C400] =	vst v63  }
0x3d: {  	_ =	swait.ge [sflag:s12], $0x80  }
0x3e: {  	[sflag:s12] =	ssyncset.done $0x0  }
0x3f: {  	[sflag:s12] =	ssyncadd.s32 $0xFFFFFF80  }
0x40: {  	_ =	swait.ge [sflag:s12], $0x80  }
0x41: {  	[sflag:s12] =	ssyncset.done $0x0  }
0x42: {  	[sflag:s12] =	ssyncadd.s32 $0xFFFFFF80  }
0x43: {  	[tilespmem:s13], [sflag:$0x5] =	stream.indirect.gather [hbm4b:s28+s6], $0x80, s3, s6, $0xb8;
	[tilespmem:$0x1C400] =	vst v63  }
0x44: {  	_ =	swait.ge [sflag:s14], $0x80  }
0x45: {  	[sflag:s14] =	ssyncset.done $0x0  }
0x46: {  	[sflag:s14] =	ssyncadd.s32 $0xFFFFFF80  }
0x47: {  	_ =	swait.ge [sflag:s14], $0x80  }
0x48: {  	[sflag:s14] =	ssyncset.done $0x0  }
0x49: {  	[sflag:s14] =	ssyncadd.s32 $0xFFFFFF80  }
0x4a: {  	[tilespmem:s15], [sflag:$0x6] =	stream.indirect.gather [hbm4b:s28+s6], $0x80, s6, s6, $0xb8;
	[tilespmem:$0x1C400] =	vst v63  }
0x4b: {  	_ =	swait.ge [sflag:s16], $0x4000  }
0x4c: {  	[sflag:s16] =	ssyncset.done $0x0  }
0x4d: {  	[sflag:s16] =	ssyncadd.s32 $0xFFFFC000  }
0x4e: {  	[spmem:s1] =	stream.indirect.scatter.add.f32 [tilespmem:s13], [sflag:$0x7], $0x80, s5, s6, $0xb8;
	[tilespmem:$0x1C400] =	vst v63  }
0x4f: {  	_ =	swait.ge [sflag:s4], $0x4000  }
0x50: {  	s22 =	sadd.s32 $0x0, s26;
	[sflag:s4] =	ssyncset.done $0x0;
	s23 =	rddreg [dreg:$0x4]  }
0x51: {  	s24 =	sadd.s32 $0x800, s22;
	[sflag:s4] =	ssyncadd.s32 $0xFFFFC000;
	s23 =	sadd.s32 $0x0, s23  }
0x52: {  	[tilespmem:s3], [sflag:$0x1] =	stream.linear.gather [hbm4b:s24+s3], $0x80, $0x38;
	[tilespmem:$0x1C400] =	vst v63  }
0x53: {  	s29 =	sadd.s32 $0x800, s23  }
0x54: {  	[tilespmem:s5], [sflag:$0x1] =	stream.linear.gather [hbm4b:s29+s3], $0x80, $0x38;
	[tilespmem:$0x1C400] =	vst v63  }
0x55: {  	_ =	swait.ge [sflag:s17], $0x80  }
0x56: {  	[sflag:s17] =	ssyncset.done $0x0  }
0x57: {  	[sflag:s17] =	ssyncadd.s32 $0xFFFFFF80  }
0x58: {  	_ =	swait.ge [sflag:s17], $0x80  }
0x59: {  	[sflag:s17] =	ssyncset.done $0x0  }
0x5a: {  	[sflag:s17] =	ssyncadd.s32 $0xFFFFFF80  }
0x5b: {  	[tilespmem:s13], [sflag:$0x5] =	stream.indirect.gather [hbm4b:s28+s6], $0x80, s8, s6, $0xb8;
	[tilespmem:$0x1C400] =	vst v63  }
0x5c: {  	_ =	swait.ge [sflag:s18], $0x4000  }
0x5d: {  	[sflag:s18] =	ssyncset.done $0x0  }
0x5e: {  	[sflag:s18] =	ssyncadd.s32 $0xFFFFC000  }
0x5f: {  	[spmem:s1] =	stream.indirect.scatter.add.f32 [tilespmem:s15], [sflag:$0x7], $0x80, s7, s6, $0xb8;
	[tilespmem:$0x1C400] =	vst v63  }
0x60: {  	_ =	swait.ge [sflag:s4], $0x4000  }
0x61: {  	[sflag:s4] =	ssyncset.done $0x0  }
0x62: {  	s25 =	sadd.s32 $0xA00, s22;
	[sflag:s4] =	ssyncadd.s32 $0xFFFFC000  }
0x63: {  	[tilespmem:s6], [sflag:$0x2] =	stream.linear.gather [hbm4b:s25+s3], $0x80, $0x38;
	[tilespmem:$0x1C400] =	vst v63  }
0x64: {  	s29 =	sadd.s32 $0xA00, s23  }
0x65: {  	[tilespmem:s7], [sflag:$0x2] =	stream.linear.gather [hbm4b:s29+s3], $0x80, $0x38;
	[tilespmem:$0x1C400] =	vst v63  }
0x66: {  	_ =	swait.ge [sflag:s19], $0x80  }
0x67: {  	[sflag:s19] =	ssyncset.done $0x0  }
0x68: {  	[sflag:s19] =	ssyncadd.s32 $0xFFFFFF80  }
0x69: {  	_ =	swait.ge [sflag:s19], $0x80  }
0x6a: {  	[sflag:s19] =	ssyncset.done $0x0  }
0x6b: {  	[sflag:s19] =	ssyncadd.s32 $0xFFFFFF80  }
0x6c: {  	[tilespmem:s15], [sflag:$0x6] =	stream.indirect.gather [hbm4b:s28+s6], $0x80, s10, s6, $0xb8;
	[tilespmem:$0x1C400] =	vst v63  }
0x6d: {  	_ =	swait.ge [sflag:s16], $0x4000  }
0x6e: {  	[sflag:s16] =	ssyncset.done $0x0  }
0x6f: {  	[sflag:s16] =	ssyncadd.s32 $0xFFFFC000  }
0x70: {  	[spmem:s1] =	stream.indirect.scatter.add.f32 [tilespmem:s13], [sflag:$0x7], $0x80, s9, s6, $0xb8;
	[tilespmem:$0x1C400] =	vst v63  }
0x71: {  	_ =	swait.ge [sflag:s4], $0x4000  }
0x72: {  	[sflag:s4] =	ssyncset.done $0x0  }
0x73: {  	s25 =	sadd.s32 $0xC00, s22;
	[sflag:s4] =	ssyncadd.s32 $0xFFFFC000  }
0x74: {  	[tilespmem:s8], [sflag:$0x3] =	stream.linear.gather [hbm4b:s25+s3], $0x80, $0x38;
	[tilespmem:$0x1C400] =	vst v63  }
0x75: {  	s29 =	sadd.s32 $0xC00, s23  }
0x76: {  	[tilespmem:s9], [sflag:$0x3] =	stream.linear.gather [hbm4b:s29+s3], $0x80, $0x38;
	[tilespmem:$0x1C400] =	vst v63  }
0x77: {  	_ =	swait.ge [sflag:s12], $0x80  }
0x78: {  	[sflag:s12] =	ssyncset.done $0x0  }
0x79: {  	[sflag:s12] =	ssyncadd.s32 $0xFFFFFF80  }
0x7a: {  	_ =	swait.ge [sflag:s12], $0x80  }
0x7b: {  	[sflag:s12] =	ssyncset.done $0x0  }
0x7c: {  	[sflag:s12] =	ssyncadd.s32 $0xFFFFFF80  }
0x7d: {  	[tilespmem:s13], [sflag:$0x5] =	stream.indirect.gather [hbm4b:s28+s6], $0x80, s3, s6, $0xb8;
	[tilespmem:$0x1C400] =	vst v63  }
0x7e: {  	_ =	swait.ge [sflag:s18], $0x4000  }
0x7f: {  	[sflag:s18] =	ssyncset.done $0x0  }
0x80: {  	[sflag:s18] =	ssyncadd.s32 $0xFFFFC000  }
0x81: {  	[spmem:s1] =	stream.indirect.scatter.add.f32 [tilespmem:s15], [sflag:$0x7], $0x80, s11, s6, $0xb8;
	[tilespmem:$0x1C400] =	vst v63  }
0x82: {  	_ =	swait.ge [sflag:s4], $0x4000  }
0x83: {  	[sflag:s4] =	ssyncset.done $0x0  }
0x84: {  	s22 =	sadd.s32 $0xE00, s22;
	[sflag:s4] =	ssyncadd.s32 $0xFFFFC000  }
0x85: {  	[tilespmem:s10], [sflag:$0x4] =	stream.linear.gather [hbm4b:s22+s3], $0x80, $0x38;
	[tilespmem:$0x1C400] =	vst v63  }
0x86: {  	s23 =	sadd.s32 $0xE00, s23;
	s22 =	simm.s32 $0x800  }
.LBB2_2:
0x87: {  	[tilespmem:s11], [sflag:$0x4] =	stream.linear.gather [hbm4b:s23+s3], $0x80, $0x38;
	[tilespmem:$0x1C400] =	vst v63  }
0x88: {  	_ =	swait.ge [sflag:s14], $0x80  }
0x89: {  	[sflag:s14] =	ssyncset.done $0x0  }
0x8a: {  	[sflag:s14] =	ssyncadd.s32 $0xFFFFFF80  }
0x8b: {  	_ =	swait.ge [sflag:s14], $0x80  }
0x8c: {  	[sflag:s14] =	ssyncset.done $0x0  }
0x8d: {  	[sflag:s14] =	ssyncadd.s32 $0xFFFFFF80  }
0x8e: {  	[tilespmem:s15], [sflag:$0x6] =	stream.indirect.gather [hbm4b:s28+s6], $0x80, s6, s6, $0xb8;
	[tilespmem:$0x1C400] =	vst v63  }
0x8f: {  	_ =	swait.ge [sflag:s16], $0x4000  }
0x90: {  	[sflag:s16] =	ssyncset.done $0x0  }
0x91: {  	[sflag:s16] =	ssyncadd.s32 $0xFFFFC000  }
0x92: {  	[spmem:s1] =	stream.indirect.scatter.add.f32 [tilespmem:s13], [sflag:$0x7], $0x80, s5, s6, $0xb8;
	[tilespmem:$0x1C400] =	vst v63  }
0x93: {  	s24 =	smov.u32 s22;
	_ =	swait.ge [sflag:s4], $0x4000  }
0x94: {  	s23 =	sadd.s32 s24, s26;
	[sflag:s4] =	ssyncset.done $0x0;
	s25 =	rddreg [dreg:$0x4]  }
0x95: {  	s29 =	sadd.s32 $0x800, s23;
	[sflag:s4] =	ssyncadd.s32 $0xFFFFC000;
	s24 =	sadd.s32 s24, s25  }
0x96: {  	[tilespmem:s3], [sflag:$0x1] =	stream.linear.gather [hbm4b:s29+s3], $0x80, $0x38;
	[tilespmem:$0x1C400] =	vst v63  }
0x97: {  	s25 =	sadd.s32 $0x800, s24  }
0x98: {  	[tilespmem:s5], [sflag:$0x1] =	stream.linear.gather [hbm4b:s25+s3], $0x80, $0x38;
	[tilespmem:$0x1C400] =	vst v63  }
0x99: {  	_ =	swait.ge [sflag:s17], $0x80  }
0x9a: {  	[sflag:s17] =	ssyncset.done $0x0  }
0x9b: {  	[sflag:s17] =	ssyncadd.s32 $0xFFFFFF80  }
0x9c: {  	_ =	swait.ge [sflag:s17], $0x80  }
0x9d: {  	[sflag:s17] =	ssyncset.done $0x0  }
0x9e: {  	[sflag:s17] =	ssyncadd.s32 $0xFFFFFF80  }
0x9f: {  	[tilespmem:s13], [sflag:$0x5] =	stream.indirect.gather [hbm4b:s28+s6], $0x80, s8, s6, $0xb8;
	[tilespmem:$0x1C400] =	vst v63  }
0xa0: {  	_ =	swait.ge [sflag:s18], $0x4000  }
0xa1: {  	[sflag:s18] =	ssyncset.done $0x0  }
0xa2: {  	[sflag:s18] =	ssyncadd.s32 $0xFFFFC000  }
0xa3: {  	[spmem:s1] =	stream.indirect.scatter.add.f32 [tilespmem:s15], [sflag:$0x7], $0x80, s7, s6, $0xb8;
	[tilespmem:$0x1C400] =	vst v63  }
0xa4: {  	_ =	swait.ge [sflag:s4], $0x4000  }
0xa5: {  	[sflag:s4] =	ssyncset.done $0x0  }
0xa6: {  	s29 =	sadd.s32 $0xA00, s23;
	[sflag:s4] =	ssyncadd.s32 $0xFFFFC000  }
0xa7: {  	[tilespmem:s6], [sflag:$0x2] =	stream.linear.gather [hbm4b:s29+s3], $0x80, $0x38;
	[tilespmem:$0x1C400] =	vst v63  }
0xa8: {  	s29 =	sadd.s32 $0xA00, s24  }
0xa9: {  	[tilespmem:s7], [sflag:$0x2] =	stream.linear.gather [hbm4b:s29+s3], $0x80, $0x38;
	[tilespmem:$0x1C400] =	vst v63  }
0xaa: {  	_ =	swait.ge [sflag:s19], $0x80  }
0xab: {  	[sflag:s19] =	ssyncset.done $0x0  }
0xac: {  	[sflag:s19] =	ssyncadd.s32 $0xFFFFFF80  }
0xad: {  	_ =	swait.ge [sflag:s19], $0x80  }
0xae: {  	[sflag:s19] =	ssyncset.done $0x0  }
0xaf: {  	[sflag:s19] =	ssyncadd.s32 $0xFFFFFF80  }
0xb0: {  	[tilespmem:s15], [sflag:$0x6] =	stream.indirect.gather [hbm4b:s28+s6], $0x80, s10, s6, $0xb8;
	[tilespmem:$0x1C400] =	vst v63  }
0xb1: {  	_ =	swait.ge [sflag:s16], $0x4000  }
0xb2: {  	[sflag:s16] =	ssyncset.done $0x0  }
0xb3: {  	[sflag:s16] =	ssyncadd.s32 $0xFFFFC000  }
0xb4: {  	[spmem:s1] =	stream.indirect.scatter.add.f32 [tilespmem:s13], [sflag:$0x7], $0x80, s9, s6, $0xb8;
	[tilespmem:$0x1C400] =	vst v63  }
0xb5: {  	_ =	swait.ge [sflag:s4], $0x4000  }
0xb6: {  	[sflag:s4] =	ssyncset.done $0x0  }
0xb7: {  	s29 =	sadd.s32 $0xC00, s23;
	[sflag:s4] =	ssyncadd.s32 $0xFFFFC000  }
0xb8: {  	[tilespmem:s8], [sflag:$0x3] =	stream.linear.gather [hbm4b:s29+s3], $0x80, $0x38;
	[tilespmem:$0x1C400] =	vst v63  }
0xb9: {  	s29 =	sadd.s32 $0xC00, s24  }
0xba: {  	[tilespmem:s9], [sflag:$0x3] =	stream.linear.gather [hbm4b:s29+s3], $0x80, $0x38;
	[tilespmem:$0x1C400] =	vst v63  }
0xbb: {  	_ =	swait.ge [sflag:s12], $0x80  }
0xbc: {  	[sflag:s12] =	ssyncset.done $0x0  }
0xbd: {  	[sflag:s12] =	ssyncadd.s32 $0xFFFFFF80  }
0xbe: {  	_ =	swait.ge [sflag:s12], $0x80  }
0xbf: {  	[sflag:s12] =	ssyncset.done $0x0  }
0xc0: {  	[sflag:s12] =	ssyncadd.s32 $0xFFFFFF80  }
0xc1: {  	[tilespmem:s13], [sflag:$0x5] =	stream.indirect.gather [hbm4b:s28+s6], $0x80, s3, s6, $0xb8;
	[tilespmem:$0x1C400] =	vst v63  }
0xc2: {  	_ =	swait.ge [sflag:s18], $0x4000  }
0xc3: {  	[sflag:s18] =	ssyncset.done $0x0  }
0xc4: {  	p1 =	sne.s32 s22, $0x8000;
	[sflag:s18] =	ssyncadd.s32 $0xFFFFC000  }
0xc5: {  	[spmem:s1] =	stream.indirect.scatter.add.f32 [tilespmem:s15], [sflag:$0x7], $0x80, s11, s6, $0xb8;
	[tilespmem:$0x1C400] =	vst v63  }
.Ltmp0:
0xc6: {  	_ =	swait.ge [sflag:s4], $0x4000;
	(pc) =	sbr.rel @p1 .LBB2_2-.Ltmp0, $4  }
0xc7: {  	[sflag:s4] =	ssyncset.done $0x0  }
0xc8: {  	s23 =	sadd.s32 $0xE00, s23;
	[sflag:s4] =	ssyncadd.s32 $0xFFFFC000  }
0xc9: {  	[tilespmem:s10], [sflag:$0x4] =	stream.linear.gather [hbm4b:s23+s3], $0x80, $0x38;
	[tilespmem:$0x1C400] =	vst v63  }
0xca: {  	s22 =	sadd.s32 $0x800, s22;
	s23 =	sadd.s32 $0xE00, s24  }
0xcb: {  	[tilespmem:s11], [sflag:$0x4] =	stream.linear.gather [hbm4b:s23+s3], $0x80, $0x38;
	[tilespmem:$0x1C400] =	vst v63  }
0xcc: {  	_ =	swait.ge [sflag:s14], $0x80  }
0xcd: {  	[sflag:s14] =	ssyncset.done $0x0  }
0xce: {  	[sflag:s14] =	ssyncadd.s32 $0xFFFFFF80  }
0xcf: {  	_ =	swait.ge [sflag:s14], $0x80  }
0xd0: {  	[sflag:s14] =	ssyncset.done $0x0  }
0xd1: {  	[sflag:s14] =	ssyncadd.s32 $0xFFFFFF80  }
0xd2: {  	[tilespmem:s15], [sflag:$0x6] =	stream.indirect.gather [hbm4b:s28+s6], $0x80, s6, s6, $0xb8;
	[tilespmem:$0x1C400] =	vst v63  }
0xd3: {  	_ =	swait.ge [sflag:s16], $0x4000  }
0xd4: {  	[sflag:s16] =	ssyncset.done $0x0  }
0xd5: {  	[sflag:s16] =	ssyncadd.s32 $0xFFFFC000  }
0xd6: {  	[spmem:s1] =	stream.indirect.scatter.add.f32 [tilespmem:s13], [sflag:$0x7], $0x80, s5, s6, $0xb8;
	[tilespmem:$0x1C400] =	vst v63  }
0xd7: {  	_ =	swait.ge [sflag:s4], $0x4000  }
0xd8: {  	[sflag:s4] =	ssyncset.done $0x0  }
0xd9: {  	s22 =	rddreg [dreg:$0xb];
	[sflag:s4] =	ssyncadd.s32 $0xFFFFC000  }
0xda: {  	[tilespmem:s3], [sflag:$0x1] =	stream.linear.gather [hbm4b:s22+s3], $0x80, $0x38;
	[tilespmem:$0x1C400] =	vst v63  }
0xdb: {  	s24 =	rddreg [dreg:$0xc]  }
0xdc: {  	[tilespmem:s5], [sflag:$0x1] =	stream.linear.gather [hbm4b:s24+s3], $0x80, $0x38;
	[tilespmem:$0x1C400] =	vst v63  }
0xdd: {  	_ =	swait.ge [sflag:s17], $0x80  }
0xde: {  	[sflag:s17] =	ssyncset.done $0x0  }
0xdf: {  	[sflag:s17] =	ssyncadd.s32 $0xFFFFFF80  }
0xe0: {  	_ =	swait.ge [sflag:s17], $0x80  }
0xe1: {  	[sflag:s17] =	ssyncset.done $0x0  }
0xe2: {  	[sflag:s17] =	ssyncadd.s32 $0xFFFFFF80  }
0xe3: {  	[tilespmem:s13], [sflag:$0x5] =	stream.indirect.gather [hbm4b:s28+s6], $0x80, s8, s6, $0xb8;
	[tilespmem:$0x1C400] =	vst v63  }
0xe4: {  	_ =	swait.ge [sflag:s18], $0x4000  }
0xe5: {  	[sflag:s18] =	ssyncset.done $0x0  }
0xe6: {  	[sflag:s18] =	ssyncadd.s32 $0xFFFFC000  }
0xe7: {  	[spmem:s1] =	stream.indirect.scatter.add.f32 [tilespmem:s15], [sflag:$0x7], $0x80, s7, s6, $0xb8;
	[tilespmem:$0x1C400] =	vst v63  }
0xe8: {  	_ =	swait.ge [sflag:s4], $0x4000  }
0xe9: {  	[sflag:s4] =	ssyncset.done $0x0  }
0xea: {  	s25 =	rddreg [dreg:$0xd];
	[sflag:s4] =	ssyncadd.s32 $0xFFFFC000  }
0xeb: {  	[tilespmem:s6], [sflag:$0x2] =	stream.linear.gather [hbm4b:s25+s3], $0x80, $0x38;
	[tilespmem:$0x1C400] =	vst v63  }
0xec: {  	s29 =	rddreg [dreg:$0xe]  }
0xed: {  	[tilespmem:s7], [sflag:$0x2] =	stream.linear.gather [hbm4b:s29+s3], $0x80, $0x38;
	[tilespmem:$0x1C400] =	vst v63  }
0xee: {  	_ =	swait.ge [sflag:s19], $0x80  }
0xef: {  	[sflag:s19] =	ssyncset.done $0x0  }
0xf0: {  	[sflag:s19] =	ssyncadd.s32 $0xFFFFFF80  }
0xf1: {  	_ =	swait.ge [sflag:s19], $0x80  }
0xf2: {  	[sflag:s19] =	ssyncset.done $0x0  }
0xf3: {  	[sflag:s19] =	ssyncadd.s32 $0xFFFFFF80  }
0xf4: {  	[tilespmem:s15], [sflag:$0x6] =	stream.indirect.gather [hbm4b:s28+s6], $0x80, s10, s6, $0xb8;
	[tilespmem:$0x1C400] =	vst v63  }
0xf5: {  	_ =	swait.ge [sflag:s16], $0x4000  }
0xf6: {  	[sflag:s16] =	ssyncset.done $0x0  }
0xf7: {  	[sflag:s16] =	ssyncadd.s32 $0xFFFFC000  }
0xf8: {  	[spmem:s1] =	stream.indirect.scatter.add.f32 [tilespmem:s13], [sflag:$0x7], $0x80, s9, s6, $0xb8;
	[tilespmem:$0x1C400] =	vst v63  }
0xf9: {  	_ =	swait.ge [sflag:s4], $0x4000  }
0xfa: {  	[sflag:s4] =	ssyncset.done $0x0  }
0xfb: {  	s23 =	rddreg [dreg:$0xf];
	[sflag:s4] =	ssyncadd.s32 $0xFFFFC000  }
0xfc: {  	[tilespmem:s8], [sflag:$0x3] =	stream.linear.gather [hbm4b:s23+s3], $0x80, $0x38;
	[tilespmem:$0x1C400] =	vst v63  }
0xfd: {  	s24 =	rddreg [dreg:$0x10]  }
0xfe: {  	[tilespmem:s9], [sflag:$0x3] =	stream.linear.gather [hbm4b:s24+s3], $0x80, $0x38;
	[tilespmem:$0x1C400] =	vst v63  }
0xff: {  	_ =	swait.ge [sflag:s12], $0x80  }
0x100: {  	[sflag:s12] =	ssyncset.done $0x0  }
0x101: {  	[sflag:s12] =	ssyncadd.s32 $0xFFFFFF80  }
0x102: {  	_ =	swait.ge [sflag:s12], $0x80  }
0x103: {  	[sflag:s12] =	ssyncset.done $0x0  }
0x104: {  	[sflag:s12] =	ssyncadd.s32 $0xFFFFFF80  }
0x105: {  	[tilespmem:s13], [sflag:$0x5] =	stream.indirect.gather [hbm4b:s28+s6], $0x80, s3, s6, $0xb8;
	[tilespmem:$0x1C400] =	vst v63  }
0x106: {  	_ =	swait.ge [sflag:s18], $0x4000  }
0x107: {  	[sflag:s18] =	ssyncset.done $0x0  }
0x108: {  	[sflag:s18] =	ssyncadd.s32 $0xFFFFC000  }
0x109: {  	[spmem:s1] =	stream.indirect.scatter.add.f32 [tilespmem:s15], [sflag:$0x7], $0x80, s11, s6, $0xb8;
	[tilespmem:$0x1C400] =	vst v63  }
0x10a: {  	_ =	swait.ge [sflag:s4], $0x4000  }
0x10b: {  	[sflag:s4] =	ssyncset.done $0x0  }
0x10c: {  	s25 =	rddreg [dreg:$0x11];
	[sflag:s4] =	ssyncadd.s32 $0xFFFFC000  }
0x10d: {  	[tilespmem:s10], [sflag:$0x4] =	stream.linear.gather [hbm4b:s25+s3], $0x80, $0x38;
	[tilespmem:$0x1C400] =	vst v63  }
0x10e: {  	s29 =	rddreg [dreg:$0x12]  }
0x10f: {  	[tilespmem:s11], [sflag:$0x4] =	stream.linear.gather [hbm4b:s29+s3], $0x80, $0x38;
	[tilespmem:$0x1C400] =	vst v63  }
0x110: {  	_ =	swait.ge [sflag:s14], $0x80  }
0x111: {  	[sflag:s14] =	ssyncset.done $0x0  }
0x112: {  	[sflag:s14] =	ssyncadd.s32 $0xFFFFFF80  }
0x113: {  	_ =	swait.ge [sflag:s14], $0x80  }
0x114: {  	[sflag:s14] =	ssyncset.done $0x0  }
0x115: {  	[sflag:s14] =	ssyncadd.s32 $0xFFFFFF80  }
0x116: {  	[tilespmem:s15], [sflag:$0x6] =	stream.indirect.gather [hbm4b:s28+s6], $0x80, s6, s6, $0xb8;
	[tilespmem:$0x1C400] =	vst v63  }
0x117: {  	_ =	swait.ge [sflag:s16], $0x4000  }
0x118: {  	[sflag:s16] =	ssyncset.done $0x0  }
0x119: {  	[sflag:s16] =	ssyncadd.s32 $0xFFFFC000  }
0x11a: {  	[spmem:s1] =	stream.indirect.scatter.add.f32 [tilespmem:s13], [sflag:$0x7], $0x80, s5, s6, $0xb8;
	[tilespmem:$0x1C400] =	vst v63  }
0x11b: {  	_ =	swait.ge [sflag:s4], $0x4000  }
0x11c: {  	[sflag:s4] =	ssyncset.done $0x0  }
0x11d: {  	s23 =	rddreg [dreg:$0x13];
	[sflag:s4] =	ssyncadd.s32 $0xFFFFC000  }
0x11e: {  	[tilespmem:s3], [sflag:$0x1] =	stream.linear.gather [hbm4b:s23+s3], $0x80, $0x38;
	[tilespmem:$0x1C400] =	vst v63  }
0x11f: {  	s24 =	rddreg [dreg:$0x14]  }
0x120: {  	[tilespmem:s5], [sflag:$0x1] =	stream.linear.gather [hbm4b:s24+s3], $0x80, $0x38;
	[tilespmem:$0x1C400] =	vst v63  }
0x121: {  	_ =	swait.ge [sflag:s17], $0x80  }
0x122: {  	[sflag:s17] =	ssyncset.done $0x0  }
0x123: {  	[sflag:s17] =	ssyncadd.s32 $0xFFFFFF80  }
0x124: {  	_ =	swait.ge [sflag:s17], $0x80  }
0x125: {  	[sflag:s17] =	ssyncset.done $0x0  }
0x126: {  	[sflag:s17] =	ssyncadd.s32 $0xFFFFFF80  }
0x127: {  	[tilespmem:s13], [sflag:$0x5] =	stream.indirect.gather [hbm4b:s28+s6], $0x80, s8, s6, $0xb8;
	[tilespmem:$0x1C400] =	vst v63  }
0x128: {  	_ =	swait.ge [sflag:s18], $0x4000  }
0x129: {  	[sflag:s18] =	ssyncset.done $0x0  }
0x12a: {  	[sflag:s18] =	ssyncadd.s32 $0xFFFFC000  }
0x12b: {  	[spmem:s1] =	stream.indirect.scatter.add.f32 [tilespmem:s15], [sflag:$0x7], $0x80, s7, s6, $0xb8;
	[tilespmem:$0x1C400] =	vst v63  }
0x12c: {  	_ =	swait.ge [sflag:s4], $0x4000  }
0x12d: {  	[sflag:s4] =	ssyncset.done $0x0  }
0x12e: {  	s25 =	rddreg [dreg:$0x17];
	[sflag:s4] =	ssyncadd.s32 $0xFFFFC000  }
0x12f: {  	[tilespmem:s6], [sflag:$0x2] =	stream.linear.gather [hbm4b:s25+s3], $0x80, $0x38;
	[tilespmem:$0x1C400] =	vst v63  }
0x130: {  	s29 =	rddreg [dreg:$0x18]  }
0x131: {  	[tilespmem:s7], [sflag:$0x2] =	stream.linear.gather [hbm4b:s29+s3], $0x80, $0x38;
	[tilespmem:$0x1C400] =	vst v63  }
0x132: {  	_ =	swait.ge [sflag:s19], $0x80  }
0x133: {  	[sflag:s19] =	ssyncset.done $0x0  }
0x134: {  	[sflag:s19] =	ssyncadd.s32 $0xFFFFFF80  }
0x135: {  	_ =	swait.ge [sflag:s19], $0x80  }
0x136: {  	[sflag:s19] =	ssyncset.done $0x0  }
0x137: {  	[sflag:s19] =	ssyncadd.s32 $0xFFFFFF80  }
0x138: {  	[tilespmem:s15], [sflag:$0x6] =	stream.indirect.gather [hbm4b:s28+s6], $0x80, s10, s6, $0xb8;
	[tilespmem:$0x1C400] =	vst v63  }
0x139: {  	_ =	swait.ge [sflag:s16], $0x4000  }
0x13a: {  	[sflag:s16] =	ssyncset.done $0x0  }
0x13b: {  	[sflag:s16] =	ssyncadd.s32 $0xFFFFC000  }
0x13c: {  	[spmem:s1] =	stream.indirect.scatter.add.f32 [tilespmem:s13], [sflag:$0x7], $0x80, s9, s6, $0xb8;
	[tilespmem:$0x1C400] =	vst v63  }
0x13d: {  	_ =	swait.ge [sflag:s4], $0x4000  }
0x13e: {  	[sflag:s4] =	ssyncset.done $0x0  }
0x13f: {  	[sflag:s4] =	ssyncadd.s32 $0xFFFFC000  }
0x140: {  	_ =	swait.ge [sflag:s12], $0x80  }
0x141: {  	[sflag:s12] =	ssyncset.done $0x0  }
0x142: {  	[sflag:s12] =	ssyncadd.s32 $0xFFFFFF80  }
0x143: {  	_ =	swait.ge [sflag:s12], $0x80  }
0x144: {  	[sflag:s12] =	ssyncset.done $0x0  }
0x145: {  	[sflag:s12] =	ssyncadd.s32 $0xFFFFFF80  }
0x146: {  	[tilespmem:s13], [sflag:$0x5] =	stream.indirect.gather [hbm4b:s28+s6], $0x80, s3, s6, $0xb8;
	[tilespmem:$0x1C400] =	vst v63  }
0x147: {  	_ =	swait.ge [sflag:s18], $0x4000  }
0x148: {  	[sflag:s18] =	ssyncset.done $0x0  }
0x149: {  	[sflag:s18] =	ssyncadd.s32 $0xFFFFC000  }
0x14a: {  	[spmem:s1] =	stream.indirect.scatter.add.f32 [tilespmem:s15], [sflag:$0x7], $0x80, s11, s6, $0xb8;
	[tilespmem:$0x1C400] =	vst v63  }
0x14b: {  	_ =	swait.ge [sflag:s4], $0x4000  }
0x14c: {  	[sflag:s4] =	ssyncset.done $0x0  }
0x14d: {  	[sflag:s4] =	ssyncadd.s32 $0xFFFFC000  }
0x14e: {  	_ =	swait.ge [sflag:s14], $0x80  }
0x14f: {  	[sflag:s14] =	ssyncset.done $0x0  }
0x150: {  	[sflag:s14] =	ssyncadd.s32 $0xFFFFFF80  }
0x151: {  	_ =	swait.ge [sflag:s14], $0x80  }
0x152: {  	[sflag:s14] =	ssyncset.done $0x0  }
0x153: {  	[sflag:s14] =	ssyncadd.s32 $0xFFFFFF80  }
0x154: {  	[tilespmem:s15], [sflag:$0x6] =	stream.indirect.gather [hbm4b:s28+s6], $0x80, s6, s6, $0xb8;
	[tilespmem:$0x1C400] =	vst v63  }
0x155: {  	_ =	swait.ge [sflag:s16], $0x4000  }
0x156: {  	[sflag:s16] =	ssyncset.done $0x0  }
0x157: {  	[sflag:s16] =	ssyncadd.s32 $0xFFFFC000  }
0x158: {  	[spmem:s1] =	stream.indirect.scatter.add.f32 [tilespmem:s13], [sflag:$0x7], $0x80, s5, s6, $0xb8;
	[tilespmem:$0x1C400] =	vst v63  }
0x159: {  	_ =	swait.ge [sflag:s4], $0x4000  }
0x15a: {  	[sflag:s4] =	ssyncset.done $0x0  }
0x15b: {  	[sflag:s4] =	ssyncadd.s32 $0xFFFFC000  }
0x15c: {  	_ =	swait.ge [sflag:s18], $0x4000  }
0x15d: {  	[sflag:s18] =	ssyncset.done $0x0  }
0x15e: {  	[sflag:s18] =	ssyncadd.s32 $0xFFFFC000  }
0x15f: {  	[spmem:s1] =	stream.indirect.scatter.add.f32 [tilespmem:s15], [sflag:$0x7], $0x80, s7, s6, $0xb8;
	[tilespmem:$0x1C400] =	vst v63  }
0x160: {  	_ =	swait.ge [sflag:s4], $0x4000  }
0x161: {  	[sflag:s4] =	ssyncset.done $0x0  }
0x162: {  	s22 =	simm.s32 @!p0 $0x0;
	s23 =	rddreg [dreg:$0x1a];
	[sflag:s4] =	ssyncadd.s32 $0xFFFFC000  }
0x163: {  	[tilespmem:s22], [sflag:$0x7] =	stream.linear.gather @!p0 [hbm4b:s23+s22], $0x80, $0x38;
	[tilespmem:$0x1C400] =	vst v63  }
0x164: {  	s23 =	simm.s32 @!p0 $0x7  }
0x165: {  	_ =	swait.ge @!p0 [sflag:s23], $0x80  }
0x166: {  	[sflag:s23] =	ssyncset.done @!p0 $0x0  }
0x167: {  	s24 =	simm.s32 @!p0 $0x200;
	s25 =	rddreg [dreg:$0x19];
	[sflag:s23] =	ssyncadd.s32 @!p0 $0xFFFFFF80  }
0x168: {  	[tilespmem:s24], [sflag:$0x7] =	stream.linear.gather @!p0 [hbm4b:s25+s22], $0x80, $0x38;
	[tilespmem:$0x1C400] =	vst v63  }
0x169: {  	_ =	swait.ge @!p0 [sflag:s23], $0x80  }
0x16a: {  	[sflag:s23] =	ssyncset.done @!p0 $0x0  }
0x16b: {  	s29 =	simm.s32 @!p0 $0x400;
	s25 =	simm.s32 @!p0 $0x80;
	[sflag:s23] =	ssyncadd.s32 @!p0 $0xFFFFFF80  }
0x16c: {  	[tilespmem:s29], [sflag:$0x5] =	stream.indirect.gather @!p0 [hbm4b:s28+s25], $0x80, s22, s25, $0xb8;
	[tilespmem:$0x1C400] =	vst v63  }
0x16d: {  	s22 =	simm.s32 @!p0 $0x5  }
0x16e: {  	_ =	swait.ge @!p0 [sflag:s22], $0x4000  }
0x16f: {  	[sflag:s22] =	ssyncset.done @!p0 $0x0  }
0x170: {  	[sflag:s22] =	ssyncadd.s32 @!p0 $0xFFFFC000  }
0x171: {  	[spmem:s1] =	stream.indirect.scatter.add.f32 @!p0 [tilespmem:s29], [sflag:$0x7], $0x80, s24, s25, $0xb8;
	[tilespmem:$0x1C400] =	vst v63  }
0x172: {  	_ =	swait.ge @!p0 [sflag:s23], $0x4000  }
0x173: {  	s20 =	sadd.s32 $0x1, s20;
	[sflag:s23] =	ssyncset.done @!p0 $0x0  }
0x174: {  	p1 =	sne.s32 s20, s2;
	[sflag:s23] =	ssyncadd.s32 @!p0 $0xFFFFC000  }
.Ltmp1:
0x175: {  	[bflag:$0x0] =	sbarrier.arrive $0xFFFF;
	(pc) =	sbr.rel @p1 .LBB2_1-.Ltmp1, $4  }
0x176: {  	[hbm:s0], [sflag:s31] =	dma.local [spmem:s21], $0x2800  }
0x177: {  	_ =	swait.ge [sflag:s4], $0x2800  }
0x178: {  	[sflag:s4] =	ssyncset.done $0x0  }
0x179: {  	[sflag:s4] =	ssyncadd.s32 $0xFFFFD800  }
0x17a: {  	_ =	sfence.sel $0x180000  }
0x17b: {  	[bflag:$0x0] =	sbarrier.arrive $0xFFFF  }
0x17c: {  	_ =	strace $0x9000004D  }
0x17d: {  	s0 =	stileid.u32;
	[bflag:$0x2] =	sbarrier.arrive $0xFFFF  }
0x17e: {  	p0 =	sne.s32 s0, $0x0;
	s0 =	rddreg [dreg:$0x3]  }
0x17f: {  	s0 =	sadd.s32 @!p0 $0x100000, s0  }
0x180: {  	[sflag:s0] =	ssyncadd.tile.s32 @!p0 $0x1;
	_ =	shalt  }
.Lfunc_end2:
_tile_overlayer_lowered:
.L_overlay_start_2:
0x181: {  	(tag) =	ssettag $0x2  }
0x182: {  	s0 =	rddreg [dreg:$0x0];
	s2 =	stileid.u32  }
0x183: {  	s1 =	rddreg [dreg:$0x1];
	p0 =	sne.s32 s2, $0x0  }
0x184: {  	s3 =	rddreg [dreg:$0x2];
	[bflag:$0x3] =	sbarrier.arrive $0xFFFF;
	s2 =	simm.s32 @!p0 $0x1C07  }
0x185: {  	[timem:s3], [sflag:s2] =	dma.local @!p0 [hbm:s0], s1  }
0x186: {  	s0 =	simm.s32 @!p0 $0x7  }
0x187: {  	_ =	swait.ge @!p0 [sflag:s0], s1  }
0x188: {  	s1 =	ssub.s32 @!p0 $0x0, s1;
	[sflag:s0] =	ssyncset.done @!p0 $0x0  }
0x189: {  	[sflag:s0] =	ssyncadd.s32 @!p0 s1  }
0x18a: {  	[bflag:$0x3] =	sbarrier.arrive $0xFFFF  }
0x18b: {  	_ =	shalt  }

// kernel: kernel.19.cloned.1.call-start
scs
__scs_entry_jumppad:
0x0: {  	(pc) =	sbr.rel $0x88, $3  }
0x1: {  	(tag) =	ssettag $0x0;
	lr =	simm.s32 $0x1  }
0x2: {  	[smem:$0x3F98] =	sst lr;
	_ =	strace $0xD0000000  }
0x3: {  	_ = 	snop  }
0x4: {  	_ = 	snop  }
0x5: {  	_ = 	snop  }
0x6: {  	_ = 	snop  }
0x7: {  	_ = 	snop  }
__scs_overlays_trampoline_lowered:
0x8: {  	[smem:$0x3FA7] =	sst s0  }
0x9: {  	[smem:$0x3FA8] =	sst s1  }
0xa: {  	[smem:$0x3FA9] =	sst s2  }
0xb: {  	[smem:$0x3FAA] =	sst s3  }
0xc: {  	[smem:$0x3FAB] =	sst s4  }
0xd: {  	[smem:$0x3FAC] =	sst s5  }
0xe: {  	[smem:$0x3FAD] =	sst s6  }
0xf: {  	[smem:$0x3FAE] =	sst s7  }
0x10: {  	[smem:$0x3FAF] =	sst s8  }
0x11: {  	[smem:$0x3FB0] =	sst s9;
	s0 =	simm.s32 @!p0 $0x0  }
0x12: {  	s1 =	sld [smem:$0x3F96];
	s0 =	simm.s32 @p0 $0x1  }
0x13: {  	[smem:$0x3FB1] =	sst s0;
	s0 =	simm.s32 @!p1 $0x0  }
0x14: {  	s2 =	sld [smem:$0x3F95];
	s0 =	simm.s32 @p1 $0x1  }
0x15: {  	[smem:$0x3FB2] =	sst s0;
	s0 =	simm.s32 @!p2 $0x0  }
0x16: {  	s3 =	sld [smem:$0x3FDB];
	s0 =	simm.s32 @p2 $0x1  }
0x17: {  	s4 =	simm.s32 $0x1BF5;
	[smem:$0x3FB4] =	sst s0  }
0x18: {  	s0 =	sld [smem:$0x3F97];
	_ =	swait.ge [sflag:s4], $0x0  }
0x19: {  	s7 =	sld [smem:$0x3F98]  }
0x1a: {  	s8 =	sadd.s32 $0xFFFFE003, lr  }
0x1b: {  	s9 =	sadd.s32 $0xFFFFFEF7, lr;
	s5 =	simm.s32 $0xFFFFFFFF;
	p2 =	slt.u32 s8, $0xFFFFF086  }
0x1c: {  	p1 =	slt.u32 s9, $0xF7A;
	s5 =	simm.s32 @!p2 $0x0  }
0x1d: {  	s5 =	simm.s32 @p1 $0x1;
	p0 =	seq.s32 s7, s2  }
0x1e: {  	s7 =	smul.u32 @!p0 $0xF7A, s2;
	p2 =	seq.s32 @!p0 s5, $0x0  }
0x1f: {  	s9 =	smul.u32 $0xF7A, s1;
	s8 =	simm.s32 @!p0 $0x1BF5;
	p2 =	por !p2, p0  }
0x20: {  	[sflag:s8] =	ssyncset.s32 @!p0 $0xFFFFF086;
	s6 =	sadd.s32 @!p0 s3, s7;
	s7 =	simm.s32 @!p0 $0x108  }
0x21: {  	s3 =	sadd.s32 s3, s9;
	s6 =	sadd.s32 @!p0 $0x88, s6;
	s7 =	simm.s32 @p2 $0x1082  }
0x22: {  	[simem:s7], [sflag:s8] =	dma.local @!p0 [hbm:s6], $0xF7A  }
0x23: {  	s9 =	sor.u32 $0xD0000000, s2;
	s6 =	simm.s32 $0x108;
	_ =	swait.ge @!p0 [sflag:s8], $0x0  }
0x24: {  	s3 =	sadd.s32 $0x88, s3;
	s6 =	simm.s32 @!p1 $0x1082;
	[sflag:s4] =	ssyncset.s32 $0xFFFFF086  }
0x25: {  	[simem:s6], [sflag:s4] =	dma.local [hbm:s3], $0xF7A  }
0x26: {  	[smem:$0x3F98] =	sst s1;
	(tag) =	ssettag s2;
	_ =	strace s9  }
0x27: {  	s1 =	sld [smem:$0x3FA8]  }
0x28: {  	s2 =	sld [smem:$0x3FA9]  }
0x29: {  	s4 =	sld [smem:$0x3FAB]  }
0x2a: {  	p0 =	seq.s32 s5, $0x0;
	s5 =	sld [smem:$0x3FAC]  }
0x2b: {  	s6 =	sld [smem:$0x3FAD]  }
0x2c: {  	s7 =	sld [smem:$0x3FAE]  }
0x2d: {  	s3 =	simm.s32 $0x108;
	s8 =	sld [smem:$0x3FAF]  }
0x2e: {  	s3 =	simm.s32 @!p0 $0x1082;
	s9 =	sld [smem:$0x3FB0]  }
0x2f: {  	lr =	sadd.s32 s0, s3;
	s0 =	sld [smem:$0x3FA7]  }
0x30: {  	s3 =	sld [smem:$0x3FAA]  }
0x31: {  	[smem:$0x3FB3] =	sst s10  }
0x32: {  	s10 =	sld [smem:$0x3FB1];
	_ =	sdelay $0x3  }
0x33: {  	p0 =	seq.s32 s10, $0x1;
	s10 =	sld [smem:$0x3FB3];
	_ =	sdelay $0x3  }
0x34: {  	[smem:$0x3FB3] =	sst s10  }
0x35: {  	s10 =	sld [smem:$0x3FB2];
	_ =	sdelay $0x3  }
0x36: {  	p1 =	seq.s32 s10, $0x1;
	s10 =	sld [smem:$0x3FB3];
	_ =	sdelay $0x3  }
0x37: {  	[smem:$0x3FB3] =	sst s10  }
0x38: {  	s10 =	sld [smem:$0x3FB4]  }
0x39: {  	_ = 	snop;
	(pc) =	sbr.ind lr, $3  }
0x3a: {  	_ = 	snop  }
0x3b: {  	_ = 	snop  }
0x3c: {  	p2 =	seq.s32 s10, $0x1;
	s10 =	sld [smem:$0x3FB3]  }
0x3d: {  	_ =	shalt  }
0x3e: {  	_ =	shalt  }
0x3f: {  	_ =	shalt  }
0x40: {  	_ =	shalt  }
0x41: {  	_ =	shalt  }
0x42: {  	_ =	shalt  }
0x43: {  	_ =	shalt  }
0x44: {  	_ =	shalt  }
0x45: {  	_ =	shalt  }
0x46: {  	_ =	shalt  }
0x47: {  	_ =	shalt  }
0x48: {  	_ =	shalt  }
0x49: {  	_ =	shalt  }
0x4a: {  	_ =	shalt  }
0x4b: {  	_ =	shalt  }
0x4c: {  	_ =	shalt  }
0x4d: {  	_ =	shalt  }
0x4e: {  	_ =	shalt  }
0x4f: {  	_ =	shalt  }
0x50: {  	_ =	shalt  }
0x51: {  	_ =	shalt  }
0x52: {  	_ =	shalt  }
0x53: {  	_ =	shalt  }
0x54: {  	_ =	shalt  }
0x55: {  	_ =	shalt  }
0x56: {  	_ =	shalt  }
0x57: {  	_ =	shalt  }
0x58: {  	_ =	shalt  }
0x59: {  	_ =	shalt  }
0x5a: {  	_ =	shalt  }
0x5b: {  	_ =	shalt  }
0x5c: {  	_ =	shalt  }
0x5d: {  	_ =	shalt  }
0x5e: {  	_ =	shalt  }
0x5f: {  	_ =	shalt  }
0x60: {  	_ =	shalt  }
0x61: {  	_ =	shalt  }
0x62: {  	_ =	shalt  }
0x63: {  	_ =	shalt  }
0x64: {  	_ =	shalt  }
0x65: {  	_ =	shalt  }
0x66: {  	_ =	shalt  }
0x67: {  	_ =	shalt  }
0x68: {  	_ =	shalt  }
0x69: {  	_ =	shalt  }
0x6a: {  	_ =	shalt  }
0x6b: {  	_ =	shalt  }
0x6c: {  	_ =	shalt  }
0x6d: {  	_ =	shalt  }
0x6e: {  	_ =	shalt  }
0x6f: {  	_ =	shalt  }
0x70: {  	_ =	shalt  }
0x71: {  	_ =	shalt  }
0x72: {  	_ =	shalt  }
0x73: {  	_ =	shalt  }
0x74: {  	_ =	shalt  }
0x75: {  	_ =	shalt  }
0x76: {  	_ =	shalt  }
0x77: {  	_ =	shalt  }
0x78: {  	_ =	shalt  }
0x79: {  	_ =	shalt  }
0x7a: {  	_ =	shalt  }
0x7b: {  	_ =	shalt  }
0x7c: {  	_ =	shalt  }
0x7d: {  	_ =	shalt  }
0x7e: {  	_ =	shalt  }
0x7f: {  	_ =	shalt  }
0x80: {  	_ =	shalt  }
0x81: {  	_ =	shalt  }
0x82: {  	_ =	shalt  }
0x83: {  	_ =	shalt  }
0x84: {  	_ =	shalt  }
0x85: {  	_ =	shalt  }
0x86: {  	_ =	shalt  }
0x87: {  	_ =	shalt  }
.Lfunc_end0:
.L_simem_size_0:
called_computation.3_lowered:
.L_overlay_start_0:
0x88: {  	s2 =	sld [smem:$0x3FD9]  }
0x89: {  	s3 =	sld [smem:$0x3FFE];
	_ =	sdelay $0x1  }
0x8a: {  	s1 =	srdreg.scid  }
0x8b: {  	s0 =	sand.u32 $0x1, s1  }
0x8c: {  	s17 =	sshll.u32 s0, $0xA;
	s2 =	sadd.s32 s3, s2  }
0x8d: {  	s2 =	sadd.s32 s2, s17  }
0x8e: {  	[smem:$0x3FBF] =	sst s2  }
0x8f: {  	_ = 	snop  }
0x90: {  	s2 =	sld [smem:$0x3FD0];
	(tm) =	ssettm $0x1  }
0x91: {  	s18 =	sld [smem:$0x3FFB];
	_ =	sdelay $0x3  }
0x92: {  	_ =	strace s18  }
0x93: {  	s3 =	sld [smem:$0x3FFC];
	_ =	sdelay $0x3  }
0x94: {  	_ =	strace s3  }
0x95: {  	s3 =	sld [smem:$0x3FFD];
	_ =	sdelay $0x3  }
0x96: {  	_ =	strace s3  }
0x97: {  	_ =	strace $0x8FFFFFFF  }
0x98: {  	s19 =	sld [smem:$0x3FDB];
	_ =	sdelay $0x1  }
0x99: {  	s4 =	simm.s32 $_scs_section_size  }
0x9a: {  	s5 =	simm.s32 $_size__tile_overlayer_lowered;
	s6 =	simm.s32 $_tile_overlayer_lowered  }
0x9b: {  	s22 =	simm.s32 $0x1BFF;
	s21 =	sshll.u32 s6, $0x1;
	s3 =	sadd.s32 s4, s19  }
0x9c: {  	s7 =	simm.s32 $0x0;
	s20 =	sshll.u32 s5, $0x1;
	s5 =	sadd.s32 s21, s3  }
0x9d: {  	[timem:s7], [sflag:s22] =	dma.local [hbm:s5], s20  }
0x9e: {  	_ =	swait.ge [sflag:s22], s20  }
0x9f: {  	s4 =	ssub.s32 $0x0, s20;
	[sflag:s22] =	ssyncset.done $0x0  }
0xa0: {  	[sflag:s22] =	ssyncadd.s32 s4;
	_ =	sdelay $0x1  }
0xa1: {  	s23 =	simm.s32 $0x1B8B  }
0xa2: {  	_ =	swait.ge [sflag:s23], $0x1  }
0xa3: {  	[sflag:s23] =	ssyncset.done $0x0  }
0xa4: {  	s25 =	simm.s32 $0x1B8E;
	s24 =	sld [smem:$0x3FFE];
	[sflag:s23] =	ssyncadd.s32 $0xFFFFFFFF  }
0xa5: {  	s26 =	simm.s32 $execute0_lowered;
	[smem:$0x3FD2] =	sst s25  }
0xa6: {  	s5 =	sshll.u32 s26, $0x1;
	_ =	strace $0x8000004F;
	[dreg:$0x1] =	wrdreg $0xFFFFFFFF  }
0xa7: {  	s28 =	simm.s32 $_size_execute0_lowered;
	s3 =	sadd.s32 s3, s5;
	[dreg:$0x0] =	wrdreg $0x0  }
0xa8: {  	s5 =	sshll.u32 s28, $0x1;
	[dreg:$0x2] =	wrdreg s3  }
0xa9: {  	[dreg:$0x3] =	wrdreg s5  }
0xaa: {  	[dreg:$0x4] =	wrdreg $0xC0  }
0xab: {  	_ =	task [dreg:s7], $0x5FFFF  }
0xac: {  	[dreg:$0x1] =	wrdreg $0xFFFFFFFF  }
0xad: {  	[dreg:$0x0] =	wrdreg $0x60  }
0xae: {  	[dreg:$0x2] =	wrdreg s24  }
0xaf: {  	[dreg:$0x3] =	wrdreg s2  }
0xb0: {  	[dreg:$0x4] =	wrdreg $0x84000  }
0xb1: {  	[dreg:$0x5] =	wrdreg $0x9  }
0xb2: {  	_ =	task.clear_ibuf [dreg:s7], $0x6FFFF;
	_ =	strace $0x9000004F  }
0xb3: {  	s29 =	simm.s32 $0x9;
	_ =	strace $0x80000051  }
0xb4: {  	_ =	swait.ge [sflag:s29], $0x1  }
0xb5: {  	[sflag:s29] =	ssyncadd.s32 $0xFFFFFFFF  }
0xb6: {  	_ =	strace $0x90000051  }
0xb7: {  	_ =	sfence  }
0xb8: {  	s30 =	sld [smem:$0x0];
	_ =	sdelay $0x2  }
0xb9: {  	s31 =	sshll.u32 s1, $0xD;
	s1 =	sshrl.u32 s1, $0x2  }
0xba: {  	s3 =	sand.u32 $0x4000, s31;
	s1 =	sadd.s32 s1, s30  }
0xbb: {  	s0 =	sor.u32 s3, s0;
	s1 =	sshll.u32 s1, $0x11  }
0xbc: {  	s0 =	sor.u32 s1, s0  }
0xbd: {  	s0 =	sadd.s32 $0x8F2B, s0  }
0xbe: {  	[sflag:s0] =	ssyncadd.remote.s32 $0x1  }
0xbf: {  	_ =	sfence.sel $0xFFFF  }
0xc0: {  	[dreg:$0x0] =	wrdreg $0xFFFFFFFF;
	(pc) =	sbr.abs _section_cstart, $3  }
0xc1: {  	[dreg:$0x1] =	wrdreg $0xFFFFFFFF  }
0xc2: {  	_ =	task.clear_ibuf [dreg:s7], $0x2FFFF;
	_ =	strace $0x9FFFFFFF  }
0xc3: {  	(tm) =	ssettm $0x7FFFFFFF  }
tec
execute0_lowered:
.L_overlay_start_1:
0x0: {  	(tag) =	ssettag $0x1  }
0x1: {  	s0 =	rddreg [dreg:$0x0]  }
0x2: {  	s2 =	rddreg [dreg:$0x1]  }
0x3: {  	s1 =	rddreg [dreg:$0x2];
	s3 =	simm.s32 $0x0;
	s4 =	srdreg.scid  }
0x4: {  	s13 =	stileid.u32;
	[smem:$0x7FF] =	sst s3;
	s4 =	sand.u32 $0x1, s4  }
0x5: {  	s6 =	smul.u32 $0x14000, s13;
	s8 =	sadd.s32 $0x3600, s0;
	s28 =	sadd.s32 $0x60400, s0  }
0x6: {  	s5 =	smul.u32 $0x140000, s4;
	_ =	strace $0x80000050;
	s7 =	sshll.u32 s4, $0x4  }
0x7: {  	s9 =	ssub.s32 $0x2, s4;
	s4 =	sshll.u32 s4, $0x8;
	s7 =	sor.u32 s13, s7  }
0x8: {  	s16 =	sshrl.u32 s9, $0x1;
	s25 =	sadd.s32 s4, s8;
	s5 =	sadd.s32 s6, s5  }
0x9: {  	s10 =	sshll.u32 s7, $0x4;
	s6 =	ssub.s32 s9, s16;
	s9 =	sshll.u32 s13, $0x4  }
0xa: {  	p0 =	sgt.u32 s7, $0x3;
	s7 =	simm.s32 $0x280;
	s11 =	sor.u32 $0x200, s10  }
0xb: {  	s17 =	sor.u32 $0x400, s10;
	s19 =	sor.u32 $0x600, s10;
	s12 =	sadd.s32 s2, s11  }
0xc: {  	s21 =	sor.u32 $0x9000, s10;
	s11 =	sadd.s32 s8, s11;
	[dreg:$0x5] =	wrdreg s12  }
0xd: {  	s23 =	sor.u32 $0x9200, s10;
	s18 =	sadd.s32 s2, s17;
	[dreg:$0x6] =	wrdreg s11  }
0xe: {  	s26 =	sor.u32 $0x9400, s10;
	s20 =	sadd.s32 s2, s19;
	[dreg:$0x7] =	wrdreg s18  }
0xf: {  	s29 =	sor.u32 $0x9600, s10;
	s22 =	sadd.s32 s2, s21;
	[dreg:$0x9] =	wrdreg s20  }
0x10: {  	s15 =	sor.u32 $0x9800, s10;
	s24 =	sadd.s32 s2, s23;
	[dreg:$0xb] =	wrdreg s22  }
0x11: {  	s14 =	sadd.s32 s2, s26;
	s16 =	sadd.s32 s2, s15;
	[dreg:$0xd] =	wrdreg s24  }
0x12: {  	s11 =	sadd.s32 s8, s17;
	s12 =	sadd.s32 s8, s23;
	[dreg:$0xf] =	wrdreg s14  }
0x13: {  	s14 =	sadd.s32 s2, s29;
	[dreg:$0x13] =	wrdreg s16;
	s17 =	sadd.s32 s8, s15  }
0x14: {  	s18 =	sadd.s32 s2, s10;
	s23 =	sshrl.u32 s5, $0x3;
	[dreg:$0x8] =	wrdreg s11  }
0x15: {  	s24 =	smul.u32 $0x50000, s13;
	s5 =	simm.s32 $0x200;
	[dreg:$0xe] =	wrdreg s12  }
0x16: {  	s15 =	simm.s32 $0x4400;
	s16 =	simm.s32 $0x5;
	[dreg:$0x11] =	wrdreg s14  }
0x17: {  	s11 =	sadd.s32 s8, s19;
	s12 =	sadd.s32 s8, s26;
	[dreg:$0x14] =	wrdreg s17  }
0x18: {  	[dreg:$0x15] =	wrdreg s18;
	s19 =	sadd.s32 s8, s10;
	s10 =	sor.u32 $0x9A00, s10  }
0x19: {  	s14 =	simm.s32 $0x2;
	s17 =	simm.s32 $0x3;
	[dreg:$0xa] =	wrdreg s11  }
0x1a: {  	s18 =	simm.s32 $0x6;
	s11 =	sadd.s32 s8, s21;
	[dreg:$0x10] =	wrdreg s12  }
0x1b: {  	[dreg:$0x16] =	wrdreg s19;
	s20 =	sadd.s32 s2, s10;
	s10 =	sadd.s32 s8, s10  }
0x1c: {  	s21 =	sor.u32 $0x9C00, s9;
	s12 =	simm.s32 $0x1;
	[dreg:$0xc] =	wrdreg s11  }
0x1d: {  	s19 =	simm.s32 $0x4;
	s11 =	sadd.s32 s9, s25;
	[dreg:$0x17] =	wrdreg s20  }
0x1e: {  	[dreg:$0x18] =	wrdreg s10;
	s22 =	sadd.s32 s2, s21;
	s2 =	sadd.s32 s4, s2  }
0x1f: {  	s25 =	sshrl.u32 s24, $0x2;
	s4 =	simm.s32 $0x7;
	s10 =	simm.s32 $0x180  }
0x20: {  	s20 =	simm.s32 $0x0;
	[dreg:$0x4] =	wrdreg s11;
	s11 =	sadd.s32 s8, s29  }
0x21: {  	s8 =	sadd.s32 s8, s21;
	[dreg:$0x1a] =	wrdreg s22;
	s26 =	sadd.s32 s9, s2  }
0x22: {  	s2 =	sadd.s32 s23, s0;
	s0 =	sadd.s32 $0xDC00, s0;
	[dreg:$0x12] =	wrdreg s11  }
0x23: {  	s29 =	sshll.u32 s13, $0x6;
	s30 =	sadd.s32 s25, s1;
	[dreg:$0x19] =	wrdreg s8  }
0x24: {  	s9 =	simm.s32 $0x300;
	s13 =	simm.s32 $0x400;
	[dreg:$0x1b] =	wrdreg s0  }
0x25: {  	s31 =	sor.u32 $0x1C07, s29;
	s0 =	sadd.s32 $0x88400, s2;
	s2 =	smax.u32 s6, $0x1  }
0x26: {  	s6 =	simm.s32 $0x80;
	s8 =	simm.s32 $0x100;
	s11 =	simm.s32 $0x380  }
.LBB2_1:
0x27: {  	s21 =	sshrl.u32 s30, $0x3;
	s22 =	rddreg [dreg:$0x1b]  }
0x28: {  	[spmem:s21], [sflag:s31] =	dma.local [hbm:s22], $0x2800  }
0x29: {  	_ =	swait.ge [sflag:s4], $0x2800  }
0x2a: {  	[sflag:s4] =	ssyncset.done $0x0  }
0x2b: {  	[sflag:s4] =	ssyncadd.s32 $0xFFFFD800  }
0x2c: {  	[bflag:$0x0] =	sbarrier.arrive $0xFFFF  }
0x2d: {  	s29 =	rddreg [dreg:$0x15]  }
0x2e: {  	[tilespmem:s3], [sflag:$0x1] =	stream.linear.gather [hbm4b:s29+s3], $0x80, $0x38;
	[tilespmem:$0x1C400] =	vst v63  }
0x2f: {  	s23 =	rddreg [dreg:$0x16]  }
0x30: {  	[tilespmem:s5], [sflag:$0x1] =	stream.linear.gather [hbm4b:s23+s3], $0x80, $0x38;
	[tilespmem:$0x1C400] =	vst v63  }
0x31: {  	s24 =	rddreg [dreg:$0x5]  }
0x32: {  	[tilespmem:s6], [sflag:$0x2] =	stream.linear.gather [hbm4b:s24+s3], $0x80, $0x38;
	[tilespmem:$0x1C400] =	vst v63  }
0x33: {  	s25 =	rddreg [dreg:$0x6]  }
0x34: {  	[tilespmem:s7], [sflag:$0x2] =	stream.linear.gather [hbm4b:s25+s3], $0x80, $0x38;
	[tilespmem:$0x1C400] =	vst v63  }
0x35: {  	s29 =	rddreg [dreg:$0x7]  }
0x36: {  	[tilespmem:s8], [sflag:$0x3] =	stream.linear.gather [hbm4b:s29+s3], $0x80, $0x38;
	[tilespmem:$0x1C400] =	vst v63  }
0x37: {  	s23 =	rddreg [dreg:$0x8]  }
0x38: {  	[tilespmem:s9], [sflag:$0x3] =	stream.linear.gather [hbm4b:s23+s3], $0x80, $0x38;
	[tilespmem:$0x1C400] =	vst v63  }
0x39: {  	s24 =	rddreg [dreg:$0x9]  }
0x3a: {  	[tilespmem:s10], [sflag:$0x4] =	stream.linear.gather [hbm4b:s24+s3], $0x80, $0x38;
	[tilespmem:$0x1C400] =	vst v63  }
0x3b: {  	s25 =	rddreg [dreg:$0xa]  }
0x3c: {  	[tilespmem:s11], [sflag:$0x4] =	stream.linear.gather [hbm4b:s25+s3], $0x80, $0x38;
	[tilespmem:$0x1C400] =	vst v63  }
0x3d: {  	_ =	swait.ge [sflag:s12], $0x80  }
0x3e: {  	[sflag:s12] =	ssyncset.done $0x0  }
0x3f: {  	[sflag:s12] =	ssyncadd.s32 $0xFFFFFF80  }
0x40: {  	_ =	swait.ge [sflag:s12], $0x80  }
0x41: {  	[sflag:s12] =	ssyncset.done $0x0  }
0x42: {  	[sflag:s12] =	ssyncadd.s32 $0xFFFFFF80  }
0x43: {  	[tilespmem:s13], [sflag:$0x5] =	stream.indirect.gather [hbm4b:s28+s6], $0x80, s3, s6, $0xb8;
	[tilespmem:$0x1C400] =	vst v63  }
0x44: {  	_ =	swait.ge [sflag:s14], $0x80  }
0x45: {  	[sflag:s14] =	ssyncset.done $0x0  }
0x46: {  	[sflag:s14] =	ssyncadd.s32 $0xFFFFFF80  }
0x47: {  	_ =	swait.ge [sflag:s14], $0x80  }
0x48: {  	[sflag:s14] =	ssyncset.done $0x0  }
0x49: {  	[sflag:s14] =	ssyncadd.s32 $0xFFFFFF80  }
0x4a: {  	[tilespmem:s15], [sflag:$0x6] =	stream.indirect.gather [hbm4b:s28+s6], $0x80, s6, s6, $0xb8;
	[tilespmem:$0x1C400] =	vst v63  }
0x4b: {  	_ =	swait.ge [sflag:s16], $0x4000  }
0x4c: {  	[sflag:s16] =	ssyncset.done $0x0  }
0x4d: {  	[sflag:s16] =	ssyncadd.s32 $0xFFFFC000  }
0x4e: {  	[spmem:s1] =	stream.indirect.scatter.add.f32 [tilespmem:s13], [sflag:$0x7], $0x80, s5, s6, $0xb8;
	[tilespmem:$0x1C400] =	vst v63  }
0x4f: {  	_ =	swait.ge [sflag:s4], $0x4000  }
0x50: {  	s22 =	sadd.s32 $0x0, s26;
	[sflag:s4] =	ssyncset.done $0x0;
	s23 =	rddreg [dreg:$0x4]  }
0x51: {  	s24 =	sadd.s32 $0x800, s22;
	[sflag:s4] =	ssyncadd.s32 $0xFFFFC000;
	s23 =	sadd.s32 $0x0, s23  }
0x52: {  	[tilespmem:s3], [sflag:$0x1] =	stream.linear.gather [hbm4b:s24+s3], $0x80, $0x38;
	[tilespmem:$0x1C400] =	vst v63  }
0x53: {  	s29 =	sadd.s32 $0x800, s23  }
0x54: {  	[tilespmem:s5], [sflag:$0x1] =	stream.linear.gather [hbm4b:s29+s3], $0x80, $0x38;
	[tilespmem:$0x1C400] =	vst v63  }
0x55: {  	_ =	swait.ge [sflag:s17], $0x80  }
0x56: {  	[sflag:s17] =	ssyncset.done $0x0  }
0x57: {  	[sflag:s17] =	ssyncadd.s32 $0xFFFFFF80  }
0x58: {  	_ =	swait.ge [sflag:s17], $0x80  }
0x59: {  	[sflag:s17] =	ssyncset.done $0x0  }
0x5a: {  	[sflag:s17] =	ssyncadd.s32 $0xFFFFFF80  }
0x5b: {  	[tilespmem:s13], [sflag:$0x5] =	stream.indirect.gather [hbm4b:s28+s6], $0x80, s8, s6, $0xb8;
	[tilespmem:$0x1C400] =	vst v63  }
0x5c: {  	_ =	swait.ge [sflag:s18], $0x4000  }
0x5d: {  	[sflag:s18] =	ssyncset.done $0x0  }
0x5e: {  	[sflag:s18] =	ssyncadd.s32 $0xFFFFC000  }
0x5f: {  	[spmem:s1] =	stream.indirect.scatter.add.f32 [tilespmem:s15], [sflag:$0x7], $0x80, s7, s6, $0xb8;
	[tilespmem:$0x1C400] =	vst v63  }
0x60: {  	_ =	swait.ge [sflag:s4], $0x4000  }
0x61: {  	[sflag:s4] =	ssyncset.done $0x0  }
0x62: {  	s25 =	sadd.s32 $0xA00, s22;
	[sflag:s4] =	ssyncadd.s32 $0xFFFFC000  }
0x63: {  	[tilespmem:s6], [sflag:$0x2] =	stream.linear.gather [hbm4b:s25+s3], $0x80, $0x38;
	[tilespmem:$0x1C400] =	vst v63  }
0x64: {  	s29 =	sadd.s32 $0xA00, s23  }
0x65: {  	[tilespmem:s7], [sflag:$0x2] =	stream.linear.gather [hbm4b:s29+s3], $0x80, $0x38;
	[tilespmem:$0x1C400] =	vst v63  }
0x66: {  	_ =	swait.ge [sflag:s19], $0x80  }
0x67: {  	[sflag:s19] =	ssyncset.done $0x0  }
0x68: {  	[sflag:s19] =	ssyncadd.s32 $0xFFFFFF80  }
0x69: {  	_ =	swait.ge [sflag:s19], $0x80  }
0x6a: {  	[sflag:s19] =	ssyncset.done $0x0  }
0x6b: {  	[sflag:s19] =	ssyncadd.s32 $0xFFFFFF80  }
0x6c: {  	[tilespmem:s15], [sflag:$0x6] =	stream.indirect.gather [hbm4b:s28+s6], $0x80, s10, s6, $0xb8;
	[tilespmem:$0x1C400] =	vst v63  }
0x6d: {  	_ =	swait.ge [sflag:s16], $0x4000  }
0x6e: {  	[sflag:s16] =	ssyncset.done $0x0  }
0x6f: {  	[sflag:s16] =	ssyncadd.s32 $0xFFFFC000  }
0x70: {  	[spmem:s1] =	stream.indirect.scatter.add.f32 [tilespmem:s13], [sflag:$0x7], $0x80, s9, s6, $0xb8;
	[tilespmem:$0x1C400] =	vst v63  }
0x71: {  	_ =	swait.ge [sflag:s4], $0x4000  }
0x72: {  	[sflag:s4] =	ssyncset.done $0x0  }
0x73: {  	s25 =	sadd.s32 $0xC00, s22;
	[sflag:s4] =	ssyncadd.s32 $0xFFFFC000  }
0x74: {  	[tilespmem:s8], [sflag:$0x3] =	stream.linear.gather [hbm4b:s25+s3], $0x80, $0x38;
	[tilespmem:$0x1C400] =	vst v63  }
0x75: {  	s29 =	sadd.s32 $0xC00, s23  }
0x76: {  	[tilespmem:s9], [sflag:$0x3] =	stream.linear.gather [hbm4b:s29+s3], $0x80, $0x38;
	[tilespmem:$0x1C400] =	vst v63  }
0x77: {  	_ =	swait.ge [sflag:s12], $0x80  }
0x78: {  	[sflag:s12] =	ssyncset.done $0x0  }
0x79: {  	[sflag:s12] =	ssyncadd.s32 $0xFFFFFF80  }
0x7a: {  	_ =	swait.ge [sflag:s12], $0x80  }
0x7b: {  	[sflag:s12] =	ssyncset.done $0x0  }
0x7c: {  	[sflag:s12] =	ssyncadd.s32 $0xFFFFFF80  }
0x7d: {  	[tilespmem:s13], [sflag:$0x5] =	stream.indirect.gather [hbm4b:s28+s6], $0x80, s3, s6, $0xb8;
	[tilespmem:$0x1C400] =	vst v63  }
0x7e: {  	_ =	swait.ge [sflag:s18], $0x4000  }
0x7f: {  	[sflag:s18] =	ssyncset.done $0x0  }
0x80: {  	[sflag:s18] =	ssyncadd.s32 $0xFFFFC000  }
0x81: {  	[spmem:s1] =	stream.indirect.scatter.add.f32 [tilespmem:s15], [sflag:$0x7], $0x80, s11, s6, $0xb8;
	[tilespmem:$0x1C400] =	vst v63  }
0x82: {  	_ =	swait.ge [sflag:s4], $0x4000  }
0x83: {  	[sflag:s4] =	ssyncset.done $0x0  }
0x84: {  	s22 =	sadd.s32 $0xE00, s22;
	[sflag:s4] =	ssyncadd.s32 $0xFFFFC000  }
0x85: {  	[tilespmem:s10], [sflag:$0x4] =	stream.linear.gather [hbm4b:s22+s3], $0x80, $0x38;
	[tilespmem:$0x1C400] =	vst v63  }
0x86: {  	s23 =	sadd.s32 $0xE00, s23;
	s22 =	simm.s32 $0x800  }
.LBB2_2:
0x87: {  	[tilespmem:s11], [sflag:$0x4] =	stream.linear.gather [hbm4b:s23+s3], $0x80, $0x38;
	[tilespmem:$0x1C400] =	vst v63  }
0x88: {  	_ =	swait.ge [sflag:s14], $0x80  }
0x89: {  	[sflag:s14] =	ssyncset.done $0x0  }
0x8a: {  	[sflag:s14] =	ssyncadd.s32 $0xFFFFFF80  }
0x8b: {  	_ =	swait.ge [sflag:s14], $0x80  }
0x8c: {  	[sflag:s14] =	ssyncset.done $0x0  }
0x8d: {  	[sflag:s14] =	ssyncadd.s32 $0xFFFFFF80  }
0x8e: {  	[tilespmem:s15], [sflag:$0x6] =	stream.indirect.gather [hbm4b:s28+s6], $0x80, s6, s6, $0xb8;
	[tilespmem:$0x1C400] =	vst v63  }
0x8f: {  	_ =	swait.ge [sflag:s16], $0x4000  }
0x90: {  	[sflag:s16] =	ssyncset.done $0x0  }
0x91: {  	[sflag:s16] =	ssyncadd.s32 $0xFFFFC000  }
0x92: {  	[spmem:s1] =	stream.indirect.scatter.add.f32 [tilespmem:s13], [sflag:$0x7], $0x80, s5, s6, $0xb8;
	[tilespmem:$0x1C400] =	vst v63  }
0x93: {  	s24 =	smov.u32 s22;
	_ =	swait.ge [sflag:s4], $0x4000  }
0x94: {  	s23 =	sadd.s32 s24, s26;
	[sflag:s4] =	ssyncset.done $0x0;
	s25 =	rddreg [dreg:$0x4]  }
0x95: {  	s29 =	sadd.s32 $0x800, s23;
	[sflag:s4] =	ssyncadd.s32 $0xFFFFC000;
	s24 =	sadd.s32 s24, s25  }
0x96: {  	[tilespmem:s3], [sflag:$0x1] =	stream.linear.gather [hbm4b:s29+s3], $0x80, $0x38;
	[tilespmem:$0x1C400] =	vst v63  }
0x97: {  	s25 =	sadd.s32 $0x800, s24  }
0x98: {  	[tilespmem:s5], [sflag:$0x1] =	stream.linear.gather [hbm4b:s25+s3], $0x80, $0x38;
	[tilespmem:$0x1C400] =	vst v63  }
0x99: {  	_ =	swait.ge [sflag:s17], $0x80  }
0x9a: {  	[sflag:s17] =	ssyncset.done $0x0  }
0x9b: {  	[sflag:s17] =	ssyncadd.s32 $0xFFFFFF80  }
0x9c: {  	_ =	swait.ge [sflag:s17], $0x80  }
0x9d: {  	[sflag:s17] =	ssyncset.done $0x0  }
0x9e: {  	[sflag:s17] =	ssyncadd.s32 $0xFFFFFF80  }
0x9f: {  	[tilespmem:s13], [sflag:$0x5] =	stream.indirect.gather [hbm4b:s28+s6], $0x80, s8, s6, $0xb8;
	[tilespmem:$0x1C400] =	vst v63  }
0xa0: {  	_ =	swait.ge [sflag:s18], $0x4000  }
0xa1: {  	[sflag:s18] =	ssyncset.done $0x0  }
0xa2: {  	[sflag:s18] =	ssyncadd.s32 $0xFFFFC000  }
0xa3: {  	[spmem:s1] =	stream.indirect.scatter.add.f32 [tilespmem:s15], [sflag:$0x7], $0x80, s7, s6, $0xb8;
	[tilespmem:$0x1C400] =	vst v63  }
0xa4: {  	_ =	swait.ge [sflag:s4], $0x4000  }
0xa5: {  	[sflag:s4] =	ssyncset.done $0x0  }
0xa6: {  	s29 =	sadd.s32 $0xA00, s23;
	[sflag:s4] =	ssyncadd.s32 $0xFFFFC000  }
0xa7: {  	[tilespmem:s6], [sflag:$0x2] =	stream.linear.gather [hbm4b:s29+s3], $0x80, $0x38;
	[tilespmem:$0x1C400] =	vst v63  }
0xa8: {  	s29 =	sadd.s32 $0xA00, s24  }
0xa9: {  	[tilespmem:s7], [sflag:$0x2] =	stream.linear.gather [hbm4b:s29+s3], $0x80, $0x38;
	[tilespmem:$0x1C400] =	vst v63  }
0xaa: {  	_ =	swait.ge [sflag:s19], $0x80  }
0xab: {  	[sflag:s19] =	ssyncset.done $0x0  }
0xac: {  	[sflag:s19] =	ssyncadd.s32 $0xFFFFFF80  }
0xad: {  	_ =	swait.ge [sflag:s19], $0x80  }
0xae: {  	[sflag:s19] =	ssyncset.done $0x0  }
0xaf: {  	[sflag:s19] =	ssyncadd.s32 $0xFFFFFF80  }
0xb0: {  	[tilespmem:s15], [sflag:$0x6] =	stream.indirect.gather [hbm4b:s28+s6], $0x80, s10, s6, $0xb8;
	[tilespmem:$0x1C400] =	vst v63  }
0xb1: {  	_ =	swait.ge [sflag:s16], $0x4000  }
0xb2: {  	[sflag:s16] =	ssyncset.done $0x0  }
0xb3: {  	[sflag:s16] =	ssyncadd.s32 $0xFFFFC000  }
0xb4: {  	[spmem:s1] =	stream.indirect.scatter.add.f32 [tilespmem:s13], [sflag:$0x7], $0x80, s9, s6, $0xb8;
	[tilespmem:$0x1C400] =	vst v63  }
0xb5: {  	_ =	swait.ge [sflag:s4], $0x4000  }
0xb6: {  	[sflag:s4] =	ssyncset.done $0x0  }
0xb7: {  	s29 =	sadd.s32 $0xC00, s23;
	[sflag:s4] =	ssyncadd.s32 $0xFFFFC000  }
0xb8: {  	[tilespmem:s8], [sflag:$0x3] =	stream.linear.gather [hbm4b:s29+s3], $0x80, $0x38;
	[tilespmem:$0x1C400] =	vst v63  }
0xb9: {  	s29 =	sadd.s32 $0xC00, s24  }
0xba: {  	[tilespmem:s9], [sflag:$0x3] =	stream.linear.gather [hbm4b:s29+s3], $0x80, $0x38;
	[tilespmem:$0x1C400] =	vst v63  }
0xbb: {  	_ =	swait.ge [sflag:s12], $0x80  }
0xbc: {  	[sflag:s12] =	ssyncset.done $0x0  }
0xbd: {  	[sflag:s12] =	ssyncadd.s32 $0xFFFFFF80  }
0xbe: {  	_ =	swait.ge [sflag:s12], $0x80  }
0xbf: {  	[sflag:s12] =	ssyncset.done $0x0  }
0xc0: {  	[sflag:s12] =	ssyncadd.s32 $0xFFFFFF80  }
0xc1: {  	[tilespmem:s13], [sflag:$0x5] =	stream.indirect.gather [hbm4b:s28+s6], $0x80, s3, s6, $0xb8;
	[tilespmem:$0x1C400] =	vst v63  }
0xc2: {  	_ =	swait.ge [sflag:s18], $0x4000  }
0xc3: {  	[sflag:s18] =	ssyncset.done $0x0  }
0xc4: {  	p1 =	sne.s32 s22, $0x8000;
	[sflag:s18] =	ssyncadd.s32 $0xFFFFC000  }
0xc5: {  	[spmem:s1] =	stream.indirect.scatter.add.f32 [tilespmem:s15], [sflag:$0x7], $0x80, s11, s6, $0xb8;
	[tilespmem:$0x1C400] =	vst v63  }
.Ltmp0:
0xc6: {  	_ =	swait.ge [sflag:s4], $0x4000;
	(pc) =	sbr.rel @p1 .LBB2_2-.Ltmp0, $4  }
0xc7: {  	[sflag:s4] =	ssyncset.done $0x0  }
0xc8: {  	s23 =	sadd.s32 $0xE00, s23;
	[sflag:s4] =	ssyncadd.s32 $0xFFFFC000  }
0xc9: {  	[tilespmem:s10], [sflag:$0x4] =	stream.linear.gather [hbm4b:s23+s3], $0x80, $0x38;
	[tilespmem:$0x1C400] =	vst v63  }
0xca: {  	s22 =	sadd.s32 $0x800, s22;
	s23 =	sadd.s32 $0xE00, s24  }
0xcb: {  	[tilespmem:s11], [sflag:$0x4] =	stream.linear.gather [hbm4b:s23+s3], $0x80, $0x38;
	[tilespmem:$0x1C400] =	vst v63  }
0xcc: {  	_ =	swait.ge [sflag:s14], $0x80  }
0xcd: {  	[sflag:s14] =	ssyncset.done $0x0  }
0xce: {  	[sflag:s14] =	ssyncadd.s32 $0xFFFFFF80  }
0xcf: {  	_ =	swait.ge [sflag:s14], $0x80  }
0xd0: {  	[sflag:s14] =	ssyncset.done $0x0  }
0xd1: {  	[sflag:s14] =	ssyncadd.s32 $0xFFFFFF80  }
0xd2: {  	[tilespmem:s15], [sflag:$0x6] =	stream.indirect.gather [hbm4b:s28+s6], $0x80, s6, s6, $0xb8;
	[tilespmem:$0x1C400] =	vst v63  }
0xd3: {  	_ =	swait.ge [sflag:s16], $0x4000  }
0xd4: {  	[sflag:s16] =	ssyncset.done $0x0  }
0xd5: {  	[sflag:s16] =	ssyncadd.s32 $0xFFFFC000  }
0xd6: {  	[spmem:s1] =	stream.indirect.scatter.add.f32 [tilespmem:s13], [sflag:$0x7], $0x80, s5, s6, $0xb8;
	[tilespmem:$0x1C400] =	vst v63  }
0xd7: {  	_ =	swait.ge [sflag:s4], $0x4000  }
0xd8: {  	[sflag:s4] =	ssyncset.done $0x0  }
0xd9: {  	s22 =	rddreg [dreg:$0xb];
	[sflag:s4] =	ssyncadd.s32 $0xFFFFC000  }
0xda: {  	[tilespmem:s3], [sflag:$0x1] =	stream.linear.gather [hbm4b:s22+s3], $0x80, $0x38;
	[tilespmem:$0x1C400] =	vst v63  }
0xdb: {  	s24 =	rddreg [dreg:$0xc]  }
0xdc: {  	[tilespmem:s5], [sflag:$0x1] =	stream.linear.gather [hbm4b:s24+s3], $0x80, $0x38;
	[tilespmem:$0x1C400] =	vst v63  }
0xdd: {  	_ =	swait.ge [sflag:s17], $0x80  }
0xde: {  	[sflag:s17] =	ssyncset.done $0x0  }
0xdf: {  	[sflag:s17] =	ssyncadd.s32 $0xFFFFFF80  }
0xe0: {  	_ =	swait.ge [sflag:s17], $0x80  }
0xe1: {  	[sflag:s17] =	ssyncset.done $0x0  }
0xe2: {  	[sflag:s17] =	ssyncadd.s32 $0xFFFFFF80  }
0xe3: {  	[tilespmem:s13], [sflag:$0x5] =	stream.indirect.gather [hbm4b:s28+s6], $0x80, s8, s6, $0xb8;
	[tilespmem:$0x1C400] =	vst v63  }
0xe4: {  	_ =	swait.ge [sflag:s18], $0x4000  }
0xe5: {  	[sflag:s18] =	ssyncset.done $0x0  }
0xe6: {  	[sflag:s18] =	ssyncadd.s32 $0xFFFFC000  }
0xe7: {  	[spmem:s1] =	stream.indirect.scatter.add.f32 [tilespmem:s15], [sflag:$0x7], $0x80, s7, s6, $0xb8;
	[tilespmem:$0x1C400] =	vst v63  }
0xe8: {  	_ =	swait.ge [sflag:s4], $0x4000  }
0xe9: {  	[sflag:s4] =	ssyncset.done $0x0  }
0xea: {  	s25 =	rddreg [dreg:$0xd];
	[sflag:s4] =	ssyncadd.s32 $0xFFFFC000  }
0xeb: {  	[tilespmem:s6], [sflag:$0x2] =	stream.linear.gather [hbm4b:s25+s3], $0x80, $0x38;
	[tilespmem:$0x1C400] =	vst v63  }
0xec: {  	s29 =	rddreg [dreg:$0xe]  }
0xed: {  	[tilespmem:s7], [sflag:$0x2] =	stream.linear.gather [hbm4b:s29+s3], $0x80, $0x38;
	[tilespmem:$0x1C400] =	vst v63  }
0xee: {  	_ =	swait.ge [sflag:s19], $0x80  }
0xef: {  	[sflag:s19] =	ssyncset.done $0x0  }
0xf0: {  	[sflag:s19] =	ssyncadd.s32 $0xFFFFFF80  }
0xf1: {  	_ =	swait.ge [sflag:s19], $0x80  }
0xf2: {  	[sflag:s19] =	ssyncset.done $0x0  }
0xf3: {  	[sflag:s19] =	ssyncadd.s32 $0xFFFFFF80  }
0xf4: {  	[tilespmem:s15], [sflag:$0x6] =	stream.indirect.gather [hbm4b:s28+s6], $0x80, s10, s6, $0xb8;
	[tilespmem:$0x1C400] =	vst v63  }
0xf5: {  	_ =	swait.ge [sflag:s16], $0x4000  }
0xf6: {  	[sflag:s16] =	ssyncset.done $0x0  }
0xf7: {  	[sflag:s16] =	ssyncadd.s32 $0xFFFFC000  }
0xf8: {  	[spmem:s1] =	stream.indirect.scatter.add.f32 [tilespmem:s13], [sflag:$0x7], $0x80, s9, s6, $0xb8;
	[tilespmem:$0x1C400] =	vst v63  }
0xf9: {  	_ =	swait.ge [sflag:s4], $0x4000  }
0xfa: {  	[sflag:s4] =	ssyncset.done $0x0  }
0xfb: {  	s23 =	rddreg [dreg:$0xf];
	[sflag:s4] =	ssyncadd.s32 $0xFFFFC000  }
0xfc: {  	[tilespmem:s8], [sflag:$0x3] =	stream.linear.gather [hbm4b:s23+s3], $0x80, $0x38;
	[tilespmem:$0x1C400] =	vst v63  }
0xfd: {  	s24 =	rddreg [dreg:$0x10]  }
0xfe: {  	[tilespmem:s9], [sflag:$0x3] =	stream.linear.gather [hbm4b:s24+s3], $0x80, $0x38;
	[tilespmem:$0x1C400] =	vst v63  }
0xff: {  	_ =	swait.ge [sflag:s12], $0x80  }
0x100: {  	[sflag:s12] =	ssyncset.done $0x0  }
0x101: {  	[sflag:s12] =	ssyncadd.s32 $0xFFFFFF80  }
0x102: {  	_ =	swait.ge [sflag:s12], $0x80  }
0x103: {  	[sflag:s12] =	ssyncset.done $0x0  }
0x104: {  	[sflag:s12] =	ssyncadd.s32 $0xFFFFFF80  }
0x105: {  	[tilespmem:s13], [sflag:$0x5] =	stream.indirect.gather [hbm4b:s28+s6], $0x80, s3, s6, $0xb8;
	[tilespmem:$0x1C400] =	vst v63  }
0x106: {  	_ =	swait.ge [sflag:s18], $0x4000  }
0x107: {  	[sflag:s18] =	ssyncset.done $0x0  }
0x108: {  	[sflag:s18] =	ssyncadd.s32 $0xFFFFC000  }
0x109: {  	[spmem:s1] =	stream.indirect.scatter.add.f32 [tilespmem:s15], [sflag:$0x7], $0x80, s11, s6, $0xb8;
	[tilespmem:$0x1C400] =	vst v63  }
0x10a: {  	_ =	swait.ge [sflag:s4], $0x4000  }
0x10b: {  	[sflag:s4] =	ssyncset.done $0x0  }
0x10c: {  	s25 =	rddreg [dreg:$0x11];
	[sflag:s4] =	ssyncadd.s32 $0xFFFFC000  }
0x10d: {  	[tilespmem:s10], [sflag:$0x4] =	stream.linear.gather [hbm4b:s25+s3], $0x80, $0x38;
	[tilespmem:$0x1C400] =	vst v63  }
0x10e: {  	s29 =	rddreg [dreg:$0x12]  }
0x10f: {  	[tilespmem:s11], [sflag:$0x4] =	stream.linear.gather [hbm4b:s29+s3], $0x80, $0x38;
	[tilespmem:$0x1C400] =	vst v63  }
0x110: {  	_ =	swait.ge [sflag:s14], $0x80  }
0x111: {  	[sflag:s14] =	ssyncset.done $0x0  }
0x112: {  	[sflag:s14] =	ssyncadd.s32 $0xFFFFFF80  }
0x113: {  	_ =	swait.ge [sflag:s14], $0x80  }
0x114: {  	[sflag:s14] =	ssyncset.done $0x0  }
0x115: {  	[sflag:s14] =	ssyncadd.s32 $0xFFFFFF80  }
0x116: {  	[tilespmem:s15], [sflag:$0x6] =	stream.indirect.gather [hbm4b:s28+s6], $0x80, s6, s6, $0xb8;
	[tilespmem:$0x1C400] =	vst v63  }
0x117: {  	_ =	swait.ge [sflag:s16], $0x4000  }
0x118: {  	[sflag:s16] =	ssyncset.done $0x0  }
0x119: {  	[sflag:s16] =	ssyncadd.s32 $0xFFFFC000  }
0x11a: {  	[spmem:s1] =	stream.indirect.scatter.add.f32 [tilespmem:s13], [sflag:$0x7], $0x80, s5, s6, $0xb8;
	[tilespmem:$0x1C400] =	vst v63  }
0x11b: {  	_ =	swait.ge [sflag:s4], $0x4000  }
0x11c: {  	[sflag:s4] =	ssyncset.done $0x0  }
0x11d: {  	s23 =	rddreg [dreg:$0x13];
	[sflag:s4] =	ssyncadd.s32 $0xFFFFC000  }
0x11e: {  	[tilespmem:s3], [sflag:$0x1] =	stream.linear.gather [hbm4b:s23+s3], $0x80, $0x38;
	[tilespmem:$0x1C400] =	vst v63  }
0x11f: {  	s24 =	rddreg [dreg:$0x14]  }
0x120: {  	[tilespmem:s5], [sflag:$0x1] =	stream.linear.gather [hbm4b:s24+s3], $0x80, $0x38;
	[tilespmem:$0x1C400] =	vst v63  }
0x121: {  	_ =	swait.ge [sflag:s17], $0x80  }
0x122: {  	[sflag:s17] =	ssyncset.done $0x0  }
0x123: {  	[sflag:s17] =	ssyncadd.s32 $0xFFFFFF80  }
0x124: {  	_ =	swait.ge [sflag:s17], $0x80  }
0x125: {  	[sflag:s17] =	ssyncset.done $0x0  }
0x126: {  	[sflag:s17] =	ssyncadd.s32 $0xFFFFFF80  }
0x127: {  	[tilespmem:s13], [sflag:$0x5] =	stream.indirect.gather [hbm4b:s28+s6], $0x80, s8, s6, $0xb8;
	[tilespmem:$0x1C400] =	vst v63  }
0x128: {  	_ =	swait.ge [sflag:s18], $0x4000  }
0x129: {  	[sflag:s18] =	ssyncset.done $0x0  }
0x12a: {  	[sflag:s18] =	ssyncadd.s32 $0xFFFFC000  }
0x12b: {  	[spmem:s1] =	stream.indirect.scatter.add.f32 [tilespmem:s15], [sflag:$0x7], $0x80, s7, s6, $0xb8;
	[tilespmem:$0x1C400] =	vst v63  }
0x12c: {  	_ =	swait.ge [sflag:s4], $0x4000  }
0x12d: {  	[sflag:s4] =	ssyncset.done $0x0  }
0x12e: {  	s25 =	rddreg [dreg:$0x17];
	[sflag:s4] =	ssyncadd.s32 $0xFFFFC000  }
0x12f: {  	[tilespmem:s6], [sflag:$0x2] =	stream.linear.gather [hbm4b:s25+s3], $0x80, $0x38;
	[tilespmem:$0x1C400] =	vst v63  }
0x130: {  	s29 =	rddreg [dreg:$0x18]  }
0x131: {  	[tilespmem:s7], [sflag:$0x2] =	stream.linear.gather [hbm4b:s29+s3], $0x80, $0x38;
	[tilespmem:$0x1C400] =	vst v63  }
0x132: {  	_ =	swait.ge [sflag:s19], $0x80  }
0x133: {  	[sflag:s19] =	ssyncset.done $0x0  }
0x134: {  	[sflag:s19] =	ssyncadd.s32 $0xFFFFFF80  }
0x135: {  	_ =	swait.ge [sflag:s19], $0x80  }
0x136: {  	[sflag:s19] =	ssyncset.done $0x0  }
0x137: {  	[sflag:s19] =	ssyncadd.s32 $0xFFFFFF80  }
0x138: {  	[tilespmem:s15], [sflag:$0x6] =	stream.indirect.gather [hbm4b:s28+s6], $0x80, s10, s6, $0xb8;
	[tilespmem:$0x1C400] =	vst v63  }
0x139: {  	_ =	swait.ge [sflag:s16], $0x4000  }
0x13a: {  	[sflag:s16] =	ssyncset.done $0x0  }
0x13b: {  	[sflag:s16] =	ssyncadd.s32 $0xFFFFC000  }
0x13c: {  	[spmem:s1] =	stream.indirect.scatter.add.f32 [tilespmem:s13], [sflag:$0x7], $0x80, s9, s6, $0xb8;
	[tilespmem:$0x1C400] =	vst v63  }
0x13d: {  	_ =	swait.ge [sflag:s4], $0x4000  }
0x13e: {  	[sflag:s4] =	ssyncset.done $0x0  }
0x13f: {  	[sflag:s4] =	ssyncadd.s32 $0xFFFFC000  }
0x140: {  	_ =	swait.ge [sflag:s12], $0x80  }
0x141: {  	[sflag:s12] =	ssyncset.done $0x0  }
0x142: {  	[sflag:s12] =	ssyncadd.s32 $0xFFFFFF80  }
0x143: {  	_ =	swait.ge [sflag:s12], $0x80  }
0x144: {  	[sflag:s12] =	ssyncset.done $0x0  }
0x145: {  	[sflag:s12] =	ssyncadd.s32 $0xFFFFFF80  }
0x146: {  	[tilespmem:s13], [sflag:$0x5] =	stream.indirect.gather [hbm4b:s28+s6], $0x80, s3, s6, $0xb8;
	[tilespmem:$0x1C400] =	vst v63  }
0x147: {  	_ =	swait.ge [sflag:s18], $0x4000  }
0x148: {  	[sflag:s18] =	ssyncset.done $0x0  }
0x149: {  	[sflag:s18] =	ssyncadd.s32 $0xFFFFC000  }
0x14a: {  	[spmem:s1] =	stream.indirect.scatter.add.f32 [tilespmem:s15], [sflag:$0x7], $0x80, s11, s6, $0xb8;
	[tilespmem:$0x1C400] =	vst v63  }
0x14b: {  	_ =	swait.ge [sflag:s4], $0x4000  }
0x14c: {  	[sflag:s4] =	ssyncset.done $0x0  }
0x14d: {  	[sflag:s4] =	ssyncadd.s32 $0xFFFFC000  }
0x14e: {  	_ =	swait.ge [sflag:s14], $0x80  }
0x14f: {  	[sflag:s14] =	ssyncset.done $0x0  }
0x150: {  	[sflag:s14] =	ssyncadd.s32 $0xFFFFFF80  }
0x151: {  	_ =	swait.ge [sflag:s14], $0x80  }
0x152: {  	[sflag:s14] =	ssyncset.done $0x0  }
0x153: {  	[sflag:s14] =	ssyncadd.s32 $0xFFFFFF80  }
0x154: {  	[tilespmem:s15], [sflag:$0x6] =	stream.indirect.gather [hbm4b:s28+s6], $0x80, s6, s6, $0xb8;
	[tilespmem:$0x1C400] =	vst v63  }
0x155: {  	_ =	swait.ge [sflag:s16], $0x4000  }
0x156: {  	[sflag:s16] =	ssyncset.done $0x0  }
0x157: {  	[sflag:s16] =	ssyncadd.s32 $0xFFFFC000  }
0x158: {  	[spmem:s1] =	stream.indirect.scatter.add.f32 [tilespmem:s13], [sflag:$0x7], $0x80, s5, s6, $0xb8;
	[tilespmem:$0x1C400] =	vst v63  }
0x159: {  	_ =	swait.ge [sflag:s4], $0x4000  }
0x15a: {  	[sflag:s4] =	ssyncset.done $0x0  }
0x15b: {  	[sflag:s4] =	ssyncadd.s32 $0xFFFFC000  }
0x15c: {  	_ =	swait.ge [sflag:s18], $0x4000  }
0x15d: {  	[sflag:s18] =	ssyncset.done $0x0  }
0x15e: {  	[sflag:s18] =	ssyncadd.s32 $0xFFFFC000  }
0x15f: {  	[spmem:s1] =	stream.indirect.scatter.add.f32 [tilespmem:s15], [sflag:$0x7], $0x80, s7, s6, $0xb8;
	[tilespmem:$0x1C400] =	vst v63  }
0x160: {  	_ =	swait.ge [sflag:s4], $0x4000  }
0x161: {  	[sflag:s4] =	ssyncset.done $0x0  }
0x162: {  	s22 =	simm.s32 @!p0 $0x0;
	s23 =	rddreg [dreg:$0x1a];
	[sflag:s4] =	ssyncadd.s32 $0xFFFFC000  }
0x163: {  	[tilespmem:s22], [sflag:$0x7] =	stream.linear.gather @!p0 [hbm4b:s23+s22], $0x80, $0x38;
	[tilespmem:$0x1C400] =	vst v63  }
0x164: {  	s23 =	simm.s32 @!p0 $0x7  }
0x165: {  	_ =	swait.ge @!p0 [sflag:s23], $0x80  }
0x166: {  	[sflag:s23] =	ssyncset.done @!p0 $0x0  }
0x167: {  	s24 =	simm.s32 @!p0 $0x200;
	s25 =	rddreg [dreg:$0x19];
	[sflag:s23] =	ssyncadd.s32 @!p0 $0xFFFFFF80  }
0x168: {  	[tilespmem:s24], [sflag:$0x7] =	stream.linear.gather @!p0 [hbm4b:s25+s22], $0x80, $0x38;
	[tilespmem:$0x1C400] =	vst v63  }
0x169: {  	_ =	swait.ge @!p0 [sflag:s23], $0x80  }
0x16a: {  	[sflag:s23] =	ssyncset.done @!p0 $0x0  }
0x16b: {  	s29 =	simm.s32 @!p0 $0x400;
	s25 =	simm.s32 @!p0 $0x80;
	[sflag:s23] =	ssyncadd.s32 @!p0 $0xFFFFFF80  }
0x16c: {  	[tilespmem:s29], [sflag:$0x5] =	stream.indirect.gather @!p0 [hbm4b:s28+s25], $0x80, s22, s25, $0xb8;
	[tilespmem:$0x1C400] =	vst v63  }
0x16d: {  	s22 =	simm.s32 @!p0 $0x5  }
0x16e: {  	_ =	swait.ge @!p0 [sflag:s22], $0x4000  }
0x16f: {  	[sflag:s22] =	ssyncset.done @!p0 $0x0  }
0x170: {  	[sflag:s22] =	ssyncadd.s32 @!p0 $0xFFFFC000  }
0x171: {  	[spmem:s1] =	stream.indirect.scatter.add.f32 @!p0 [tilespmem:s29], [sflag:$0x7], $0x80, s24, s25, $0xb8;
	[tilespmem:$0x1C400] =	vst v63  }
0x172: {  	_ =	swait.ge @!p0 [sflag:s23], $0x4000  }
0x173: {  	s20 =	sadd.s32 $0x1, s20;
	[sflag:s23] =	ssyncset.done @!p0 $0x0  }
0x174: {  	p1 =	sne.s32 s20, s2;
	[sflag:s23] =	ssyncadd.s32 @!p0 $0xFFFFC000  }
.Ltmp1:
0x175: {  	[bflag:$0x0] =	sbarrier.arrive $0xFFFF;
	(pc) =	sbr.rel @p1 .LBB2_1-.Ltmp1, $4  }
0x176: {  	[hbm:s0], [sflag:s31] =	dma.local [spmem:s21], $0x2800  }
0x177: {  	_ =	swait.ge [sflag:s4], $0x2800  }
0x178: {  	[sflag:s4] =	ssyncset.done $0x0  }
0x179: {  	[sflag:s4] =	ssyncadd.s32 $0xFFFFD800  }
0x17a: {  	_ =	sfence.sel $0x180000  }
0x17b: {  	[bflag:$0x0] =	sbarrier.arrive $0xFFFF  }
0x17c: {  	_ =	strace $0x90000050  }
0x17d: {  	s0 =	stileid.u32;
	[bflag:$0x2] =	sbarrier.arrive $0xFFFF  }
0x17e: {  	p0 =	sne.s32 s0, $0x0;
	s0 =	rddreg [dreg:$0x3]  }
0x17f: {  	s0 =	sadd.s32 @!p0 $0x100000, s0  }
0x180: {  	[sflag:s0] =	ssyncadd.tile.s32 @!p0 $0x1;
	_ =	shalt  }
.Lfunc_end2:
_tile_overlayer_lowered:
.L_overlay_start_2:
0x181: {  	(tag) =	ssettag $0x2  }
0x182: {  	s0 =	rddreg [dreg:$0x0];
	s2 =	stileid.u32  }
0x183: {  	s1 =	rddreg [dreg:$0x1];
	p0 =	sne.s32 s2, $0x0  }
0x184: {  	s3 =	rddreg [dreg:$0x2];
	[bflag:$0x3] =	sbarrier.arrive $0xFFFF;
	s2 =	simm.s32 @!p0 $0x1C07  }
0x185: {  	[timem:s3], [sflag:s2] =	dma.local @!p0 [hbm:s0], s1  }
0x186: {  	s0 =	simm.s32 @!p0 $0x7  }
0x187: {  	_ =	swait.ge @!p0 [sflag:s0], s1  }
0x188: {  	s1 =	ssub.s32 @!p0 $0x0, s1;
	[sflag:s0] =	ssyncset.done @!p0 $0x0  }
0x189: {  	[sflag:s0] =	ssyncadd.s32 @!p0 s1  }
0x18a: {  	[bflag:$0x3] =	sbarrier.arrive $0xFFFF  }
0x18b: {  	_ =	shalt  }

</sc_bundles>
